<compile_context>
chip_gen: v7x
topology: tpu7x:2x2x1
jax: 0.10.2.dev20260603
libtpu: 0.0.44.dev20260713+nightly
codegen_flags: <defaults>
</compile_context>

<pallas_src>
import functools

import jax
import jax.numpy as jnp
from jax import lax
from jax.experimental import pallas as pl
from jax.experimental.pallas import tpu as pltpu
from jax.experimental.pallas import tpu_sc as plsc

_IB = 80
_RPC = 4


def _gather_rows(B, L, D, NC, NS):
    NW = NC * NS
    b_per_w = B // NW
    per_w = b_per_w * L
    chunk = _RPC * L
    n_sub = chunk // _IB
    n_chunks = per_w // chunk
    assert n_sub * _IB == chunk and n_chunks * chunk == per_w
    assert n_chunks % 2 == 0 and n_chunks >= 4
    mesh = plsc.VectorSubcoreMesh(core_axis_name="c", subcore_axis_name="s")

    @functools.partial(
        pl.kernel,
        mesh=mesh,
        out_type=jax.ShapeDtypeStruct((B, L, 2 * D), jnp.float32),
        scratch_types=[
            pltpu.VMEM((per_w // _IB, _IB), jnp.int32),
            pltpu.VMEM((2, chunk, D), jnp.float32),
            pltpu.SemaphoreType.DMA,
            pltpu.SemaphoreType.DMA,
            pltpu.SemaphoreType.DMA,
            pltpu.SemaphoreType.DMA,
        ],
        compiler_params=pltpu.CompilerParams(use_tc_tiling_on_sc=False),
    )
    def k(idx_hbm, table_hbm, out_hbm, idx_v, rows_v, g0, g1, w0, w1):
        wid = lax.axis_index("s") * NC + lax.axis_index("c")
        b_base = wid * b_per_w
        gsem = (g0, g1)
        wsem = (w0, w1)
        pltpu.sync_copy(idx_hbm.at[wid], idx_v)

        def gather_descs(i, b):
            for j in range(n_sub):
                yield (
                    table_hbm.at[idx_v.at[i * n_sub + j]],
                    rows_v.at[b].at[pl.ds(j * _IB, _IB)],
                    gsem[b],
                )

        def start_gather(i, b):
            for args in gather_descs(i, b):
                pltpu.async_copy(*args)

        def wait_gather(i, b):
            for args in gather_descs(i, b):
                pltpu.make_async_copy(*args).wait()

        def write_descs(i, b):
            for r in range(_RPC):
                yield (
                    rows_v.at[b].at[pl.ds(r * L, L)],
                    out_hbm.at[b_base + i * _RPC + r].at[:, pl.ds(0, D)],
                    wsem[b],
                )

        def start_write(i, b):
            for args in write_descs(i, b):
                pltpu.async_copy(*args)

        def wait_write(i, b):
            for args in write_descs(i, b):
                pltpu.make_async_copy(*args).wait()

        start_gather(0, 0)
        wait_gather(0, 0)
        start_write(0, 0)
        start_gather(1, 1)

        def body(g, carry):
            i1 = 2 * g + 1
            wait_gather(i1, 1)
            start_write(i1, 1)
            wait_write(i1 - 1, 0)
            start_gather(i1 + 1, 0)
            i2 = 2 * g + 2
            wait_gather(i2, 0)
            start_write(i2, 0)
            wait_write(i2 - 1, 1)
            start_gather(i2 + 1, 1)
            return carry

        lax.fori_loop(0, n_chunks // 2 - 1, body, 0)

        last = n_chunks - 1
        wait_gather(last, 1)
        start_write(last, 1)
        wait_write(last - 1, 0)
        wait_write(last, 1)

    return k


def kernel(src, mask, emb_table):
    B, L = src.shape
    D = emb_table.shape[1]
    info = plsc.get_sparse_core_info()
    NW = info.num_cores * info.num_subcores
    idx = src.reshape(NW, (B * L // NW) // _IB, _IB)
    out = _gather_rows(B, L, D, info.num_cores, info.num_subcores)(idx, emb_table)
    return out[:, :, :D]

# --- scband reference (transcript-rebuilt; emitter-appended) ---
"""Pipeline reference for scband-simple-encoder-4011499454501 (READ-ONLY COPY).

The authoritative reference and input builder live on the scoring server;
editing this copy changes nothing except your own understanding.
"""

import jax, jax.numpy as jnp
import numpy as np

VOCAB = 1000000
EMB = 64
B = 4096
L = 200

def setup_inputs(seed: int = 0) -> dict:
    key = jax.random.key(seed)
    k_src, k_emb = jax.random.split(key, 2)
    src = jax.random.randint(k_src, (B, L), 0, VOCAB, dtype=jnp.int64 if jax.config.jax_enable_x64 else jnp.int32).astype(jnp.int32)
    mask = jnp.ones((B, L), dtype=jnp.bool_)
    emb_table = jax.random.normal(k_emb, (VOCAB, EMB), dtype=jnp.float32)
    return {"src": src, "mask": mask, "emb_table": emb_table}

def reference(src, mask, emb_table):
    # nn.Embedding lookup: gather rows of the table by index
    return jnp.take(emb_table, src, axis=0)

if __name__ == "__main__":
    import jax
    _d = setup_inputs()
    print(jax.jit(kernel)(*tuple(_d.values())))

</pallas_src>

<mosaic_0001>
#map = affine_map<(d0, d1) -> (0, 0, 0)>
#map1 = affine_map<(d0, d1) -> (0, 0)>
module attributes {stable_mosaic.version = 14 : i64} {
  func.func @k(%arg0: i32, %arg1: i32, %arg2: memref<32x320x80xi32, #tpu.memory_space<hbm>>, %arg3: memref<1000000x64xf32, #tpu.memory_space<hbm>>, %arg4: memref<4096x200x128xf32, #tpu.memory_space<hbm>>, %arg5: memref<320x80xi32, #tpu.memory_space<vmem>>, %arg6: memref<2x800x64xf32, #tpu.memory_space<vmem>>, %arg7: memref<!tpu.dma_semaphore, #tpu.memory_space<semaphore_mem>>, %arg8: memref<!tpu.dma_semaphore, #tpu.memory_space<semaphore_mem>>, %arg9: memref<!tpu.dma_semaphore, #tpu.memory_space<semaphore_mem>>, %arg10: memref<!tpu.dma_semaphore, #tpu.memory_space<semaphore_mem>>) attributes {dimension_semantics = [#tpu.dimension_semantics<core_parallel>, #tpu.dimension_semantics<subcore_parallel>], iteration_bounds = array<i64: 2, 16>, scalar_prefetch = 0 : i64, scratch_operands = 6 : i64, tpu.core_type = #tpu.core_type<sc_vector_subcore>, window_params = [{transform_indices = #map}, {transform_indices = #map1}, {transform_indices = #map}]} {
    %mul3A = arith.constant 2 : i32
    %mul3A_0 = arith.muli %arg1, %mul3A : i32
    %add3A = arith.addi %mul3A_0, %arg0 : i32
    %mul3A_1 = arith.constant 128 : i32
    %mul3A_2 = arith.muli %add3A, %mul3A_1 : i32
    "tpu.region"() ({
      %run_scoped3A = tpu.sem_alloc : memref<!tpu.dma_semaphore, #tpu.memory_space<semaphore_mem>>
      %dma_start3A_1134 = arith.constant 0 : i32
      %dma_start3A_1135 = arith.constant 0 : i32
      %dma_start3A_1136 = tpu.memref_slice %arg2[%add3A, %dma_start3A_1134, %dma_start3A_1135] : memref<32x320x80xi32, #tpu.memory_space<hbm>> -> memref<1x320x80xi32, #tpu.memory_space<hbm>>
      %dma_start3A_1137 = tpu.memref_squeeze %dma_start3A_1136 : memref<1x320x80xi32, #tpu.memory_space<hbm>> -> memref<320x80xi32, #tpu.memory_space<hbm>>
      %dma_start3A_1138 = arith.constant 0 : i32
      %dma_start3A_1139 = arith.constant 0 : i32
      %dma_start3A_1140 = tpu.memref_slice %arg2[%add3A, %dma_start3A_1138, %dma_start3A_1139] : memref<32x320x80xi32, #tpu.memory_space<hbm>> -> memref<1x320x80xi32, #tpu.memory_space<hbm>>
      %dma_start3A_1141 = tpu.memref_squeeze %dma_start3A_1140 : memref<1x320x80xi32, #tpu.memory_space<hbm>> -> memref<320x80xi32, #tpu.memory_space<hbm>>
      tpu.enqueue_dma source(%dma_start3A_1141 : memref<320x80xi32, #tpu.memory_space<hbm>>) target(%arg5 : memref<320x80xi32, #tpu.memory_space<vmem>>) target_semaphore(%run_scoped3A : memref<!tpu.dma_semaphore, #tpu.memory_space<semaphore_mem>>)
      %dma_wait3A_1142 = arith.constant 0 : i32
      %dma_wait3A_1143 = arith.constant 0 : i32
      %dma_wait3A_1144 = tpu.memref_slice %arg2[%add3A, %dma_wait3A_1142, %dma_wait3A_1143] : memref<32x320x80xi32, #tpu.memory_space<hbm>> -> memref<1x320x80xi32, #tpu.memory_space<hbm>>
      %dma_wait3A_1145 = tpu.memref_squeeze %dma_wait3A_1144 : memref<1x320x80xi32, #tpu.memory_space<hbm>> -> memref<320x80xi32, #tpu.memory_space<hbm>>
      %dma_wait3A_1146 = arith.constant 0 : i32
      %dma_wait3A_1147 = arith.constant 0 : i32
      %dma_wait3A_1148 = tpu.memref_slice %arg2[%add3A, %dma_wait3A_1146, %dma_wait3A_1147] : memref<32x320x80xi32, #tpu.memory_space<hbm>> -> memref<1x320x80xi32, #tpu.memory_space<hbm>>
      %dma_wait3A_1149 = tpu.memref_squeeze %dma_wait3A_1148 : memref<1x320x80xi32, #tpu.memory_space<hbm>> -> memref<320x80xi32, #tpu.memory_space<hbm>>
      tpu.wait_dma2 semaphore(%run_scoped3A : memref<!tpu.dma_semaphore, #tpu.memory_space<semaphore_mem>>) src(%dma_wait3A_1149 : memref<320x80xi32, #tpu.memory_space<hbm>>) dst(%arg5 : memref<320x80xi32, #tpu.memory_space<vmem>>)
      tpu.yield
    }) : () -> ()
    %dma_start3A = arith.constant 0 : i32
    %dma_start3A_3 = arith.constant 0 : i32
    %dma_start3A_4 = arith.constant 0 : i32
    %dma_start3A_5 = arith.constant 0 : i32
    %dma_start3A_6 = tpu.memref_slice %arg6[%dma_start3A_3, %dma_start3A_4, %dma_start3A_5] : memref<2x800x64xf32, #tpu.memory_space<vmem>> -> memref<1x800x64xf32, #tpu.memory_space<vmem>>
    %dma_start3A_7 = tpu.memref_squeeze %dma_start3A_6 : memref<1x800x64xf32, #tpu.memory_space<vmem>> -> memref<800x64xf32, #tpu.memory_space<vmem>>
    %dma_start3A_8 = arith.constant 0 : i32
    %dma_start3A_9 = arith.constant 0 : i32
    %dma_start3A_10 = tpu.memref_slice %dma_start3A_7[%dma_start3A_8, %dma_start3A_9] : memref<800x64xf32, #tpu.memory_space<vmem>> -> memref<80x64xf32, #tpu.memory_space<vmem>>
    %dma_start3A_11 = arith.constant 0 : i32
    %dma_start3A_12 = tpu.memref_slice %arg5[%dma_start3A, %dma_start3A_11] : memref<320x80xi32, #tpu.memory_space<vmem>> -> memref<1x80xi32, #tpu.memory_space<vmem>>
    %dma_start3A_13 = tpu.memref_squeeze %dma_start3A_12 : memref<1x80xi32, #tpu.memory_space<vmem>> -> memref<80xi32, #tpu.memory_space<vmem>>
    %dma_start3A_14 = arith.constant 0 : i32
    %dma_start3A_15 = arith.constant 0 : i32
    %dma_start3A_16 = tpu.memref_slice %arg3[%dma_start3A_14, %dma_start3A_15] : memref<1000000x64xf32, #tpu.memory_space<hbm>> -> memref<1000000x64xf32, #tpu.memory_space<hbm>>
    tpu.enqueue_indirect_dma source(%dma_start3A_16 : memref<1000000x64xf32, #tpu.memory_space<hbm>>) target(%dma_start3A_10 : memref<80x64xf32, #tpu.memory_space<vmem>>) offsets(%dma_start3A_13 : memref<80xi32, #tpu.memory_space<vmem>>) semaphore(%arg7 : memref<!tpu.dma_semaphore, #tpu.memory_space<semaphore_mem>>)
    %dma_start3A_17 = arith.constant 1 : i32
    %dma_start3A_18 = arith.constant 0 : i32
    %dma_start3A_19 = arith.constant 0 : i32
    %dma_start3A_20 = arith.constant 0 : i32
    %dma_start3A_21 = tpu.memref_slice %arg6[%dma_start3A_18, %dma_start3A_19, %dma_start3A_20] : memref<2x800x64xf32, #tpu.memory_space<vmem>> -> memref<1x800x64xf32, #tpu.memory_space<vmem>>
    %dma_start3A_22 = tpu.memref_squeeze %dma_start3A_21 : memref<1x800x64xf32, #tpu.memory_space<vmem>> -> memref<800x64xf32, #tpu.memory_space<vmem>>
    %dma_start3A_23 = arith.constant 80 : i32
    %dma_start3A_24 = arith.constant 0 : i32
    %dma_start3A_25 = tpu.memref_slice %dma_start3A_22[%dma_start3A_23, %dma_start3A_24] : memref<800x64xf32, #tpu.memory_space<vmem>> -> memref<80x64xf32, #tpu.memory_space<vmem>>
    %dma_start3A_26 = arith.constant 0 : i32
    %dma_start3A_27 = tpu.memref_slice %arg5[%dma_start3A_17, %dma_start3A_26] : memref<320x80xi32, #tpu.memory_space<vmem>> -> memref<1x80xi32, #tpu.memory_space<vmem>>
    %dma_start3A_28 = tpu.memref_squeeze %dma_start3A_27 : memref<1x80xi32, #tpu.memory_space<vmem>> -> memref<80xi32, #tpu.memory_space<vmem>>
    %dma_start3A_29 = arith.constant 0 : i32
    %dma_start3A_30 = arith.constant 0 : i32
    %dma_start3A_31 = tpu.memref_slice %arg3[%dma_start3A_29, %dma_start3A_30] : memref<1000000x64xf32, #tpu.memory_space<hbm>> -> memref<1000000x64xf32, #tpu.memory_space<hbm>>
    tpu.enqueue_indirect_dma source(%dma_start3A_31 : memref<1000000x64xf32, #tpu.memory_space<hbm>>) target(%dma_start3A_25 : memref<80x64xf32, #tpu.memory_space<vmem>>) offsets(%dma_start3A_28 : memref<80xi32, #tpu.memory_space<vmem>>) semaphore(%arg7 : memref<!tpu.dma_semaphore, #tpu.memory_space<semaphore_mem>>)
    %dma_start3A_32 = arith.constant 2 : i32
    %dma_start3A_33 = arith.constant 0 : i32
    %dma_start3A_34 = arith.constant 0 : i32
    %dma_start3A_35 = arith.constant 0 : i32
    %dma_start3A_36 = tpu.memref_slice %arg6[%dma_start3A_33, %dma_start3A_34, %dma_start3A_35] : memref<2x800x64xf32, #tpu.memory_space<vmem>> -> memref<1x800x64xf32, #tpu.memory_space<vmem>>
    %dma_start3A_37 = tpu.memref_squeeze %dma_start3A_36 : memref<1x800x64xf32, #tpu.memory_space<vmem>> -> memref<800x64xf32, #tpu.memory_space<vmem>>
    %dma_start3A_38 = arith.constant 160 : i32
    %dma_start3A_39 = arith.constant 0 : i32
    %dma_start3A_40 = tpu.memref_slice %dma_start3A_37[%dma_start3A_38, %dma_start3A_39] : memref<800x64xf32, #tpu.memory_space<vmem>> -> memref<80x64xf32, #tpu.memory_space<vmem>>
    %dma_start3A_41 = arith.constant 0 : i32
    %dma_start3A_42 = tpu.memref_slice %arg5[%dma_start3A_32, %dma_start3A_41] : memref<320x80xi32, #tpu.memory_space<vmem>> -> memref<1x80xi32, #tpu.memory_space<vmem>>
    %dma_start3A_43 = tpu.memref_squeeze %dma_start3A_42 : memref<1x80xi32, #tpu.memory_space<vmem>> -> memref<80xi32, #tpu.memory_space<vmem>>
    %dma_start3A_44 = arith.constant 0 : i32
    %dma_start3A_45 = arith.constant 0 : i32
    %dma_start3A_46 = tpu.memref_slice %arg3[%dma_start3A_44, %dma_start3A_45] : memref<1000000x64xf32, #tpu.memory_space<hbm>> -> memref<1000000x64xf32, #tpu.memory_space<hbm>>
    tpu.enqueue_indirect_dma source(%dma_start3A_46 : memref<1000000x64xf32, #tpu.memory_space<hbm>>) target(%dma_start3A_40 : memref<80x64xf32, #tpu.memory_space<vmem>>) offsets(%dma_start3A_43 : memref<80xi32, #tpu.memory_space<vmem>>) semaphore(%arg7 : memref<!tpu.dma_semaphore, #tpu.memory_space<semaphore_mem>>)
    %dma_start3A_47 = arith.constant 3 : i32
    %dma_start3A_48 = arith.constant 0 : i32
    %dma_start3A_49 = arith.constant 0 : i32
    %dma_start3A_50 = arith.constant 0 : i32
    %dma_start3A_51 = tpu.memref_slice %arg6[%dma_start3A_48, %dma_start3A_49, %dma_start3A_50] : memref<2x800x64xf32, #tpu.memory_space<vmem>> -> memref<1x800x64xf32, #tpu.memory_space<vmem>>
    %dma_start3A_52 = tpu.memref_squeeze %dma_start3A_51 : memref<1x800x64xf32, #tpu.memory_space<vmem>> -> memref<800x64xf32, #tpu.memory_space<vmem>>
    %dma_start3A_53 = arith.constant 240 : i32
    %dma_start3A_54 = arith.constant 0 : i32
    %dma_start3A_55 = tpu.memref_slice %dma_start3A_52[%dma_start3A_53, %dma_start3A_54] : memref<800x64xf32, #tpu.memory_space<vmem>> -> memref<80x64xf32, #tpu.memory_space<vmem>>
    %dma_start3A_56 = arith.constant 0 : i32
    %dma_start3A_57 = tpu.memref_slice %arg5[%dma_start3A_47, %dma_start3A_56] : memref<320x80xi32, #tpu.memory_space<vmem>> -> memref<1x80xi32, #tpu.memory_space<vmem>>
    %dma_start3A_58 = tpu.memref_squeeze %dma_start3A_57 : memref<1x80xi32, #tpu.memory_space<vmem>> -> memref<80xi32, #tpu.memory_space<vmem>>
    %dma_start3A_59 = arith.constant 0 : i32
    %dma_start3A_60 = arith.constant 0 : i32
    %dma_start3A_61 = tpu.memref_slice %arg3[%dma_start3A_59, %dma_start3A_60] : memref<1000000x64xf32, #tpu.memory_space<hbm>> -> memref<1000000x64xf32, #tpu.memory_space<hbm>>
    tpu.enqueue_indirect_dma source(%dma_start3A_61 : memref<1000000x64xf32, #tpu.memory_space<hbm>>) target(%dma_start3A_55 : memref<80x64xf32, #tpu.memory_space<vmem>>) offsets(%dma_start3A_58 : memref<80xi32, #tpu.memory_space<vmem>>) semaphore(%arg7 : memref<!tpu.dma_semaphore, #tpu.memory_space<semaphore_mem>>)
    %dma_start3A_62 = arith.constant 4 : i32
    %dma_start3A_63 = arith.constant 0 : i32
    %dma_start3A_64 = arith.constant 0 : i32
    %dma_start3A_65 = arith.constant 0 : i32
    %dma_start3A_66 = tpu.memref_slice %arg6[%dma_start3A_63, %dma_start3A_64, %dma_start3A_65] : memref<2x800x64xf32, #tpu.memory_space<vmem>> -> memref<1x800x64xf32, #tpu.memory_space<vmem>>
    %dma_start3A_67 = tpu.memref_squeeze %dma_start3A_66 : memref<1x800x64xf32, #tpu.memory_space<vmem>> -> memref<800x64xf32, #tpu.memory_space<vmem>>
    %dma_start3A_68 = arith.constant 320 : i32
    %dma_start3A_69 = arith.constant 0 : i32
    %dma_start3A_70 = tpu.memref_slice %dma_start3A_67[%dma_start3A_68, %dma_start3A_69] : memref<800x64xf32, #tpu.memory_space<vmem>> -> memref<80x64xf32, #tpu.memory_space<vmem>>
    %dma_start3A_71 = arith.constant 0 : i32
    %dma_start3A_72 = tpu.memref_slice %arg5[%dma_start3A_62, %dma_start3A_71] : memref<320x80xi32, #tpu.memory_space<vmem>> -> memref<1x80xi32, #tpu.memory_space<vmem>>
    %dma_start3A_73 = tpu.memref_squeeze %dma_start3A_72 : memref<1x80xi32, #tpu.memory_space<vmem>> -> memref<80xi32, #tpu.memory_space<vmem>>
    %dma_start3A_74 = arith.constant 0 : i32
    %dma_start3A_75 = arith.constant 0 : i32
    %dma_start3A_76 = tpu.memref_slice %arg3[%dma_start3A_74, %dma_start3A_75] : memref<1000000x64xf32, #tpu.memory_space<hbm>> -> memref<1000000x64xf32, #tpu.memory_space<hbm>>
    tpu.enqueue_indirect_dma source(%dma_start3A_76 : memref<1000000x64xf32, #tpu.memory_space<hbm>>) target(%dma_start3A_70 : memref<80x64xf32, #tpu.memory_space<vmem>>) offsets(%dma_start3A_73 : memref<80xi32, #tpu.memory_space<vmem>>) semaphore(%arg7 : memref<!tpu.dma_semaphore, #tpu.memory_space<semaphore_mem>>)
    %dma_start3A_77 = arith.constant 5 : i32
    %dma_start3A_78 = arith.constant 0 : i32
    %dma_start3A_79 = arith.constant 0 : i32
    %dma_start3A_80 = arith.constant 0 : i32
    %dma_start3A_81 = tpu.memref_slice %arg6[%dma_start3A_78, %dma_start3A_79, %dma_start3A_80] : memref<2x800x64xf32, #tpu.memory_space<vmem>> -> memref<1x800x64xf32, #tpu.memory_space<vmem>>
    %dma_start3A_82 = tpu.memref_squeeze %dma_start3A_81 : memref<1x800x64xf32, #tpu.memory_space<vmem>> -> memref<800x64xf32, #tpu.memory_space<vmem>>
    %dma_start3A_83 = arith.constant 400 : i32
    %dma_start3A_84 = arith.constant 0 : i32
    %dma_start3A_85 = tpu.memref_slice %dma_start3A_82[%dma_start3A_83, %dma_start3A_84] : memref<800x64xf32, #tpu.memory_space<vmem>> -> memref<80x64xf32, #tpu.memory_space<vmem>>
    %dma_start3A_86 = arith.constant 0 : i32
    %dma_start3A_87 = tpu.memref_slice %arg5[%dma_start3A_77, %dma_start3A_86] : memref<320x80xi32, #tpu.memory_space<vmem>> -> memref<1x80xi32, #tpu.memory_space<vmem>>
    %dma_start3A_88 = tpu.memref_squeeze %dma_start3A_87 : memref<1x80xi32, #tpu.memory_space<vmem>> -> memref<80xi32, #tpu.memory_space<vmem>>
    %dma_start3A_89 = arith.constant 0 : i32
    %dma_start3A_90 = arith.constant 0 : i32
    %dma_start3A_91 = tpu.memref_slice %arg3[%dma_start3A_89, %dma_start3A_90] : memref<1000000x64xf32, #tpu.memory_space<hbm>> -> memref<1000000x64xf32, #tpu.memory_space<hbm>>
    tpu.enqueue_indirect_dma source(%dma_start3A_91 : memref<1000000x64xf32, #tpu.memory_space<hbm>>) target(%dma_start3A_85 : memref<80x64xf32, #tpu.memory_space<vmem>>) offsets(%dma_start3A_88 : memref<80xi32, #tpu.memory_space<vmem>>) semaphore(%arg7 : memref<!tpu.dma_semaphore, #tpu.memory_space<semaphore_mem>>)
    %dma_start3A_92 = arith.constant 6 : i32
    %dma_start3A_93 = arith.constant 0 : i32
    %dma_start3A_94 = arith.constant 0 : i32
    %dma_start3A_95 = arith.constant 0 : i32
    %dma_start3A_96 = tpu.memref_slice %arg6[%dma_start3A_93, %dma_start3A_94, %dma_start3A_95] : memref<2x800x64xf32, #tpu.memory_space<vmem>> -> memref<1x800x64xf32, #tpu.memory_space<vmem>>
    %dma_start3A_97 = tpu.memref_squeeze %dma_start3A_96 : memref<1x800x64xf32, #tpu.memory_space<vmem>> -> memref<800x64xf32, #tpu.memory_space<vmem>>
    %dma_start3A_98 = arith.constant 480 : i32
    %dma_start3A_99 = arith.constant 0 : i32
    %dma_start3A_100 = tpu.memref_slice %dma_start3A_97[%dma_start3A_98, %dma_start3A_99] : memref<800x64xf32, #tpu.memory_space<vmem>> -> memref<80x64xf32, #tpu.memory_space<vmem>>
    %dma_start3A_101 = arith.constant 0 : i32
    %dma_start3A_102 = tpu.memref_slice %arg5[%dma_start3A_92, %dma_start3A_101] : memref<320x80xi32, #tpu.memory_space<vmem>> -> memref<1x80xi32, #tpu.memory_space<vmem>>
    %dma_start3A_103 = tpu.memref_squeeze %dma_start3A_102 : memref<1x80xi32, #tpu.memory_space<vmem>> -> memref<80xi32, #tpu.memory_space<vmem>>
    %dma_start3A_104 = arith.constant 0 : i32
    %dma_start3A_105 = arith.constant 0 : i32
    %dma_start3A_106 = tpu.memref_slice %arg3[%dma_start3A_104, %dma_start3A_105] : memref<1000000x64xf32, #tpu.memory_space<hbm>> -> memref<1000000x64xf32, #tpu.memory_space<hbm>>
    tpu.enqueue_indirect_dma source(%dma_start3A_106 : memref<1000000x64xf32, #tpu.memory_space<hbm>>) target(%dma_start3A_100 : memref<80x64xf32, #tpu.memory_space<vmem>>) offsets(%dma_start3A_103 : memref<80xi32, #tpu.memory_space<vmem>>) semaphore(%arg7 : memref<!tpu.dma_semaphore, #tpu.memory_space<semaphore_mem>>)
    %dma_start3A_107 = arith.constant 7 : i32
    %dma_start3A_108 = arith.constant 0 : i32
    %dma_start3A_109 = arith.constant 0 : i32
    %dma_start3A_110 = arith.constant 0 : i32
    %dma_start3A_111 = tpu.memref_slice %arg6[%dma_start3A_108, %dma_start3A_109, %dma_start3A_110] : memref<2x800x64xf32, #tpu.memory_space<vmem>> -> memref<1x800x64xf32, #tpu.memory_space<vmem>>
    %dma_start3A_112 = tpu.memref_squeeze %dma_start3A_111 : memref<1x800x64xf32, #tpu.memory_space<vmem>> -> memref<800x64xf32, #tpu.memory_space<vmem>>
    %dma_start3A_113 = arith.constant 560 : i32
    %dma_start3A_114 = arith.constant 0 : i32
    %dma_start3A_115 = tpu.memref_slice %dma_start3A_112[%dma_start3A_113, %dma_start3A_114] : memref<800x64xf32, #tpu.memory_space<vmem>> -> memref<80x64xf32, #tpu.memory_space<vmem>>
    %dma_start3A_116 = arith.constant 0 : i32
    %dma_start3A_117 = tpu.memref_slice %arg5[%dma_start3A_107, %dma_start3A_116] : memref<320x80xi32, #tpu.memory_space<vmem>> -> memref<1x80xi32, #tpu.memory_space<vmem>>
    %dma_start3A_118 = tpu.memref_squeeze %dma_start3A_117 : memref<1x80xi32, #tpu.memory_space<vmem>> -> memref<80xi32, #tpu.memory_space<vmem>>
    %dma_start3A_119 = arith.constant 0 : i32
    %dma_start3A_120 = arith.constant 0 : i32
    %dma_start3A_121 = tpu.memref_slice %arg3[%dma_start3A_119, %dma_start3A_120] : memref<1000000x64xf32, #tpu.memory_space<hbm>> -> memref<1000000x64xf32, #tpu.memory_space<hbm>>
    tpu.enqueue_indirect_dma source(%dma_start3A_121 : memref<1000000x64xf32, #tpu.memory_space<hbm>>) target(%dma_start3A_115 : memref<80x64xf32, #tpu.memory_space<vmem>>) offsets(%dma_start3A_118 : memref<80xi32, #tpu.memory_space<vmem>>) semaphore(%arg7 : memref<!tpu.dma_semaphore, #tpu.memory_space<semaphore_mem>>)
    %dma_start3A_122 = arith.constant 8 : i32
    %dma_start3A_123 = arith.constant 0 : i32
    %dma_start3A_124 = arith.constant 0 : i32
    %dma_start3A_125 = arith.constant 0 : i32
    %dma_start3A_126 = tpu.memref_slice %arg6[%dma_start3A_123, %dma_start3A_124, %dma_start3A_125] : memref<2x800x64xf32, #tpu.memory_space<vmem>> -> memref<1x800x64xf32, #tpu.memory_space<vmem>>
    %dma_start3A_127 = tpu.memref_squeeze %dma_start3A_126 : memref<1x800x64xf32, #tpu.memory_space<vmem>> -> memref<800x64xf32, #tpu.memory_space<vmem>>
    %dma_start3A_128 = arith.constant 640 : i32
    %dma_start3A_129 = arith.constant 0 : i32
    %dma_start3A_130 = tpu.memref_slice %dma_start3A_127[%dma_start3A_128, %dma_start3A_129] : memref<800x64xf32, #tpu.memory_space<vmem>> -> memref<80x64xf32, #tpu.memory_space<vmem>>
    %dma_start3A_131 = arith.constant 0 : i32
    %dma_start3A_132 = tpu.memref_slice %arg5[%dma_start3A_122, %dma_start3A_131] : memref<320x80xi32, #tpu.memory_space<vmem>> -> memref<1x80xi32, #tpu.memory_space<vmem>>
    %dma_start3A_133 = tpu.memref_squeeze %dma_start3A_132 : memref<1x80xi32, #tpu.memory_space<vmem>> -> memref<80xi32, #tpu.memory_space<vmem>>
    %dma_start3A_134 = arith.constant 0 : i32
    %dma_start3A_135 = arith.constant 0 : i32
    %dma_start3A_136 = tpu.memref_slice %arg3[%dma_start3A_134, %dma_start3A_135] : memref<1000000x64xf32, #tpu.memory_space<hbm>> -> memref<1000000x64xf32, #tpu.memory_space<hbm>>
    tpu.enqueue_indirect_dma source(%dma_start3A_136 : memref<1000000x64xf32, #tpu.memory_space<hbm>>) target(%dma_start3A_130 : memref<80x64xf32, #tpu.memory_space<vmem>>) offsets(%dma_start3A_133 : memref<80xi32, #tpu.memory_space<vmem>>) semaphore(%arg7 : memref<!tpu.dma_semaphore, #tpu.memory_space<semaphore_mem>>)
    %dma_start3A_137 = arith.constant 9 : i32
    %dma_start3A_138 = arith.constant 0 : i32
    %dma_start3A_139 = arith.constant 0 : i32
    %dma_start3A_140 = arith.constant 0 : i32
    %dma_start3A_141 = tpu.memref_slice %arg6[%dma_start3A_138, %dma_start3A_139, %dma_start3A_140] : memref<2x800x64xf32, #tpu.memory_space<vmem>> -> memref<1x800x64xf32, #tpu.memory_space<vmem>>
    %dma_start3A_142 = tpu.memref_squeeze %dma_start3A_141 : memref<1x800x64xf32, #tpu.memory_space<vmem>> -> memref<800x64xf32, #tpu.memory_space<vmem>>
    %dma_start3A_143 = arith.constant 720 : i32
    %dma_start3A_144 = arith.constant 0 : i32
    %dma_start3A_145 = tpu.memref_slice %dma_start3A_142[%dma_start3A_143, %dma_start3A_144] : memref<800x64xf32, #tpu.memory_space<vmem>> -> memref<80x64xf32, #tpu.memory_space<vmem>>
    %dma_start3A_146 = arith.constant 0 : i32
    %dma_start3A_147 = tpu.memref_slice %arg5[%dma_start3A_137, %dma_start3A_146] : memref<320x80xi32, #tpu.memory_space<vmem>> -> memref<1x80xi32, #tpu.memory_space<vmem>>
    %dma_start3A_148 = tpu.memref_squeeze %dma_start3A_147 : memref<1x80xi32, #tpu.memory_space<vmem>> -> memref<80xi32, #tpu.memory_space<vmem>>
    %dma_start3A_149 = arith.constant 0 : i32
    %dma_start3A_150 = arith.constant 0 : i32
    %dma_start3A_151 = tpu.memref_slice %arg3[%dma_start3A_149, %dma_start3A_150] : memref<1000000x64xf32, #tpu.memory_space<hbm>> -> memref<1000000x64xf32, #tpu.memory_space<hbm>>
    tpu.enqueue_indirect_dma source(%dma_start3A_151 : memref<1000000x64xf32, #tpu.memory_space<hbm>>) target(%dma_start3A_145 : memref<80x64xf32, #tpu.memory_space<vmem>>) offsets(%dma_start3A_148 : memref<80xi32, #tpu.memory_space<vmem>>) semaphore(%arg7 : memref<!tpu.dma_semaphore, #tpu.memory_space<semaphore_mem>>)
    %dma_wait3A = arith.constant 0 : i32
    %dma_wait3A_152 = arith.constant 0 : i32
    %dma_wait3A_153 = arith.constant 0 : i32
    %dma_wait3A_154 = arith.constant 0 : i32
    %dma_wait3A_155 = tpu.memref_slice %arg6[%dma_wait3A_152, %dma_wait3A_153, %dma_wait3A_154] : memref<2x800x64xf32, #tpu.memory_space<vmem>> -> memref<1x800x64xf32, #tpu.memory_space<vmem>>
    %dma_wait3A_156 = tpu.memref_squeeze %dma_wait3A_155 : memref<1x800x64xf32, #tpu.memory_space<vmem>> -> memref<800x64xf32, #tpu.memory_space<vmem>>
    %dma_wait3A_157 = arith.constant 0 : i32
    %dma_wait3A_158 = arith.constant 0 : i32
    %dma_wait3A_159 = tpu.memref_slice %dma_wait3A_156[%dma_wait3A_157, %dma_wait3A_158] : memref<800x64xf32, #tpu.memory_space<vmem>> -> memref<80x64xf32, #tpu.memory_space<vmem>>
    %dma_wait3A_160 = arith.constant 0 : i32
    %dma_wait3A_161 = tpu.memref_slice %arg5[%dma_wait3A, %dma_wait3A_160] : memref<320x80xi32, #tpu.memory_space<vmem>> -> memref<1x80xi32, #tpu.memory_space<vmem>>
    %dma_wait3A_162 = tpu.memref_squeeze %dma_wait3A_161 : memref<1x80xi32, #tpu.memory_space<vmem>> -> memref<80xi32, #tpu.memory_space<vmem>>
    %dma_wait3A_163 = arith.constant 0 : i32
    %dma_wait3A_164 = arith.constant 0 : i32
    %dma_wait3A_165 = tpu.memref_slice %arg3[%dma_wait3A_163, %dma_wait3A_164] : memref<1000000x64xf32, #tpu.memory_space<hbm>> -> memref<1000000x64xf32, #tpu.memory_space<hbm>>
    tpu.wait_indirect_dma semaphore(%arg7 : memref<!tpu.dma_semaphore, #tpu.memory_space<semaphore_mem>>) src(%dma_wait3A_165 : memref<1000000x64xf32, #tpu.memory_space<hbm>>) dst(%dma_wait3A_159 : memref<80x64xf32, #tpu.memory_space<vmem>>)
    %dma_wait3A_166 = arith.constant 1 : i32
    %dma_wait3A_167 = arith.constant 0 : i32
    %dma_wait3A_168 = arith.constant 0 : i32
    %dma_wait3A_169 = arith.constant 0 : i32
    %dma_wait3A_170 = tpu.memref_slice %arg6[%dma_wait3A_167, %dma_wait3A_168, %dma_wait3A_169] : memref<2x800x64xf32, #tpu.memory_space<vmem>> -> memref<1x800x64xf32, #tpu.memory_space<vmem>>
    %dma_wait3A_171 = tpu.memref_squeeze %dma_wait3A_170 : memref<1x800x64xf32, #tpu.memory_space<vmem>> -> memref<800x64xf32, #tpu.memory_space<vmem>>
    %dma_wait3A_172 = arith.constant 80 : i32
    %dma_wait3A_173 = arith.constant 0 : i32
    %dma_wait3A_174 = tpu.memref_slice %dma_wait3A_171[%dma_wait3A_172, %dma_wait3A_173] : memref<800x64xf32, #tpu.memory_space<vmem>> -> memref<80x64xf32, #tpu.memory_space<vmem>>
    %dma_wait3A_175 = arith.constant 0 : i32
    %dma_wait3A_176 = tpu.memref_slice %arg5[%dma_wait3A_166, %dma_wait3A_175] : memref<320x80xi32, #tpu.memory_space<vmem>> -> memref<1x80xi32, #tpu.memory_space<vmem>>
    %dma_wait3A_177 = tpu.memref_squeeze %dma_wait3A_176 : memref<1x80xi32, #tpu.memory_space<vmem>> -> memref<80xi32, #tpu.memory_space<vmem>>
    %dma_wait3A_178 = arith.constant 0 : i32
    %dma_wait3A_179 = arith.constant 0 : i32
    %dma_wait3A_180 = tpu.memref_slice %arg3[%dma_wait3A_178, %dma_wait3A_179] : memref<1000000x64xf32, #tpu.memory_space<hbm>> -> memref<1000000x64xf32, #tpu.memory_space<hbm>>
    tpu.wait_indirect_dma semaphore(%arg7 : memref<!tpu.dma_semaphore, #tpu.memory_space<semaphore_mem>>) src(%dma_wait3A_180 : memref<1000000x64xf32, #tpu.memory_space<hbm>>) dst(%dma_wait3A_174 : memref<80x64xf32, #tpu.memory_space<vmem>>)
    %dma_wait3A_181 = arith.constant 2 : i32
    %dma_wait3A_182 = arith.constant 0 : i32
    %dma_wait3A_183 = arith.constant 0 : i32
    %dma_wait3A_184 = arith.constant 0 : i32
    %dma_wait3A_185 = tpu.memref_slice %arg6[%dma_wait3A_182, %dma_wait3A_183, %dma_wait3A_184] : memref<2x800x64xf32, #tpu.memory_space<vmem>> -> memref<1x800x64xf32, #tpu.memory_space<vmem>>
    %dma_wait3A_186 = tpu.memref_squeeze %dma_wait3A_185 : memref<1x800x64xf32, #tpu.memory_space<vmem>> -> memref<800x64xf32, #tpu.memory_space<vmem>>
    %dma_wait3A_187 = arith.constant 160 : i32
    %dma_wait3A_188 = arith.constant 0 : i32
    %dma_wait3A_189 = tpu.memref_slice %dma_wait3A_186[%dma_wait3A_187, %dma_wait3A_188] : memref<800x64xf32, #tpu.memory_space<vmem>> -> memref<80x64xf32, #tpu.memory_space<vmem>>
    %dma_wait3A_190 = arith.constant 0 : i32
    %dma_wait3A_191 = tpu.memref_slice %arg5[%dma_wait3A_181, %dma_wait3A_190] : memref<320x80xi32, #tpu.memory_space<vmem>> -> memref<1x80xi32, #tpu.memory_space<vmem>>
    %dma_wait3A_192 = tpu.memref_squeeze %dma_wait3A_191 : memref<1x80xi32, #tpu.memory_space<vmem>> -> memref<80xi32, #tpu.memory_space<vmem>>
    %dma_wait3A_193 = arith.constant 0 : i32
    %dma_wait3A_194 = arith.constant 0 : i32
    %dma_wait3A_195 = tpu.memref_slice %arg3[%dma_wait3A_193, %dma_wait3A_194] : memref<1000000x64xf32, #tpu.memory_space<hbm>> -> memref<1000000x64xf32, #tpu.memory_space<hbm>>
    tpu.wait_indirect_dma semaphore(%arg7 : memref<!tpu.dma_semaphore, #tpu.memory_space<semaphore_mem>>) src(%dma_wait3A_195 : memref<1000000x64xf32, #tpu.memory_space<hbm>>) dst(%dma_wait3A_189 : memref<80x64xf32, #tpu.memory_space<vmem>>)
    %dma_wait3A_196 = arith.constant 3 : i32
    %dma_wait3A_197 = arith.constant 0 : i32
    %dma_wait3A_198 = arith.constant 0 : i32
    %dma_wait3A_199 = arith.constant 0 : i32
    %dma_wait3A_200 = tpu.memref_slice %arg6[%dma_wait3A_197, %dma_wait3A_198, %dma_wait3A_199] : memref<2x800x64xf32, #tpu.memory_space<vmem>> -> memref<1x800x64xf32, #tpu.memory_space<vmem>>
    %dma_wait3A_201 = tpu.memref_squeeze %dma_wait3A_200 : memref<1x800x64xf32, #tpu.memory_space<vmem>> -> memref<800x64xf32, #tpu.memory_space<vmem>>
    %dma_wait3A_202 = arith.constant 240 : i32
    %dma_wait3A_203 = arith.constant 0 : i32
    %dma_wait3A_204 = tpu.memref_slice %dma_wait3A_201[%dma_wait3A_202, %dma_wait3A_203] : memref<800x64xf32, #tpu.memory_space<vmem>> -> memref<80x64xf32, #tpu.memory_space<vmem>>
    %dma_wait3A_205 = arith.constant 0 : i32
    %dma_wait3A_206 = tpu.memref_slice %arg5[%dma_wait3A_196, %dma_wait3A_205] : memref<320x80xi32, #tpu.memory_space<vmem>> -> memref<1x80xi32, #tpu.memory_space<vmem>>
    %dma_wait3A_207 = tpu.memref_squeeze %dma_wait3A_206 : memref<1x80xi32, #tpu.memory_space<vmem>> -> memref<80xi32, #tpu.memory_space<vmem>>
    %dma_wait3A_208 = arith.constant 0 : i32
    %dma_wait3A_209 = arith.constant 0 : i32
    %dma_wait3A_210 = tpu.memref_slice %arg3[%dma_wait3A_208, %dma_wait3A_209] : memref<1000000x64xf32, #tpu.memory_space<hbm>> -> memref<1000000x64xf32, #tpu.memory_space<hbm>>
    tpu.wait_indirect_dma semaphore(%arg7 : memref<!tpu.dma_semaphore, #tpu.memory_space<semaphore_mem>>) src(%dma_wait3A_210 : memref<1000000x64xf32, #tpu.memory_space<hbm>>) dst(%dma_wait3A_204 : memref<80x64xf32, #tpu.memory_space<vmem>>)
    %dma_wait3A_211 = arith.constant 4 : i32
    %dma_wait3A_212 = arith.constant 0 : i32
    %dma_wait3A_213 = arith.constant 0 : i32
    %dma_wait3A_214 = arith.constant 0 : i32
    %dma_wait3A_215 = tpu.memref_slice %arg6[%dma_wait3A_212, %dma_wait3A_213, %dma_wait3A_214] : memref<2x800x64xf32, #tpu.memory_space<vmem>> -> memref<1x800x64xf32, #tpu.memory_space<vmem>>
    %dma_wait3A_216 = tpu.memref_squeeze %dma_wait3A_215 : memref<1x800x64xf32, #tpu.memory_space<vmem>> -> memref<800x64xf32, #tpu.memory_space<vmem>>
    %dma_wait3A_217 = arith.constant 320 : i32
    %dma_wait3A_218 = arith.constant 0 : i32
    %dma_wait3A_219 = tpu.memref_slice %dma_wait3A_216[%dma_wait3A_217, %dma_wait3A_218] : memref<800x64xf32, #tpu.memory_space<vmem>> -> memref<80x64xf32, #tpu.memory_space<vmem>>
    %dma_wait3A_220 = arith.constant 0 : i32
    %dma_wait3A_221 = tpu.memref_slice %arg5[%dma_wait3A_211, %dma_wait3A_220] : memref<320x80xi32, #tpu.memory_space<vmem>> -> memref<1x80xi32, #tpu.memory_space<vmem>>
    %dma_wait3A_222 = tpu.memref_squeeze %dma_wait3A_221 : memref<1x80xi32, #tpu.memory_space<vmem>> -> memref<80xi32, #tpu.memory_space<vmem>>
    %dma_wait3A_223 = arith.constant 0 : i32
    %dma_wait3A_224 = arith.constant 0 : i32
    %dma_wait3A_225 = tpu.memref_slice %arg3[%dma_wait3A_223, %dma_wait3A_224] : memref<1000000x64xf32, #tpu.memory_space<hbm>> -> memref<1000000x64xf32, #tpu.memory_space<hbm>>
    tpu.wait_indirect_dma semaphore(%arg7 : memref<!tpu.dma_semaphore, #tpu.memory_space<semaphore_mem>>) src(%dma_wait3A_225 : memref<1000000x64xf32, #tpu.memory_space<hbm>>) dst(%dma_wait3A_219 : memref<80x64xf32, #tpu.memory_space<vmem>>)
    %dma_wait3A_226 = arith.constant 5 : i32
    %dma_wait3A_227 = arith.constant 0 : i32
    %dma_wait3A_228 = arith.constant 0 : i32
    %dma_wait3A_229 = arith.constant 0 : i32
    %dma_wait3A_230 = tpu.memref_slice %arg6[%dma_wait3A_227, %dma_wait3A_228, %dma_wait3A_229] : memref<2x800x64xf32, #tpu.memory_space<vmem>> -> memref<1x800x64xf32, #tpu.memory_space<vmem>>
    %dma_wait3A_231 = tpu.memref_squeeze %dma_wait3A_230 : memref<1x800x64xf32, #tpu.memory_space<vmem>> -> memref<800x64xf32, #tpu.memory_space<vmem>>
    %dma_wait3A_232 = arith.constant 400 : i32
    %dma_wait3A_233 = arith.constant 0 : i32
    %dma_wait3A_234 = tpu.memref_slice %dma_wait3A_231[%dma_wait3A_232, %dma_wait3A_233] : memref<800x64xf32, #tpu.memory_space<vmem>> -> memref<80x64xf32, #tpu.memory_space<vmem>>
    %dma_wait3A_235 = arith.constant 0 : i32
    %dma_wait3A_236 = tpu.memref_slice %arg5[%dma_wait3A_226, %dma_wait3A_235] : memref<320x80xi32, #tpu.memory_space<vmem>> -> memref<1x80xi32, #tpu.memory_space<vmem>>
    %dma_wait3A_237 = tpu.memref_squeeze %dma_wait3A_236 : memref<1x80xi32, #tpu.memory_space<vmem>> -> memref<80xi32, #tpu.memory_space<vmem>>
    %dma_wait3A_238 = arith.constant 0 : i32
    %dma_wait3A_239 = arith.constant 0 : i32
    %dma_wait3A_240 = tpu.memref_slice %arg3[%dma_wait3A_238, %dma_wait3A_239] : memref<1000000x64xf32, #tpu.memory_space<hbm>> -> memref<1000000x64xf32, #tpu.memory_space<hbm>>
    tpu.wait_indirect_dma semaphore(%arg7 : memref<!tpu.dma_semaphore, #tpu.memory_space<semaphore_mem>>) src(%dma_wait3A_240 : memref<1000000x64xf32, #tpu.memory_space<hbm>>) dst(%dma_wait3A_234 : memref<80x64xf32, #tpu.memory_space<vmem>>)
    %dma_wait3A_241 = arith.constant 6 : i32
    %dma_wait3A_242 = arith.constant 0 : i32
    %dma_wait3A_243 = arith.constant 0 : i32
    %dma_wait3A_244 = arith.constant 0 : i32
    %dma_wait3A_245 = tpu.memref_slice %arg6[%dma_wait3A_242, %dma_wait3A_243, %dma_wait3A_244] : memref<2x800x64xf32, #tpu.memory_space<vmem>> -> memref<1x800x64xf32, #tpu.memory_space<vmem>>
    %dma_wait3A_246 = tpu.memref_squeeze %dma_wait3A_245 : memref<1x800x64xf32, #tpu.memory_space<vmem>> -> memref<800x64xf32, #tpu.memory_space<vmem>>
    %dma_wait3A_247 = arith.constant 480 : i32
    %dma_wait3A_248 = arith.constant 0 : i32
    %dma_wait3A_249 = tpu.memref_slice %dma_wait3A_246[%dma_wait3A_247, %dma_wait3A_248] : memref<800x64xf32, #tpu.memory_space<vmem>> -> memref<80x64xf32, #tpu.memory_space<vmem>>
    %dma_wait3A_250 = arith.constant 0 : i32
    %dma_wait3A_251 = tpu.memref_slice %arg5[%dma_wait3A_241, %dma_wait3A_250] : memref<320x80xi32, #tpu.memory_space<vmem>> -> memref<1x80xi32, #tpu.memory_space<vmem>>
    %dma_wait3A_252 = tpu.memref_squeeze %dma_wait3A_251 : memref<1x80xi32, #tpu.memory_space<vmem>> -> memref<80xi32, #tpu.memory_space<vmem>>
    %dma_wait3A_253 = arith.constant 0 : i32
    %dma_wait3A_254 = arith.constant 0 : i32
    %dma_wait3A_255 = tpu.memref_slice %arg3[%dma_wait3A_253, %dma_wait3A_254] : memref<1000000x64xf32, #tpu.memory_space<hbm>> -> memref<1000000x64xf32, #tpu.memory_space<hbm>>
    tpu.wait_indirect_dma semaphore(%arg7 : memref<!tpu.dma_semaphore, #tpu.memory_space<semaphore_mem>>) src(%dma_wait3A_255 : memref<1000000x64xf32, #tpu.memory_space<hbm>>) dst(%dma_wait3A_249 : memref<80x64xf32, #tpu.memory_space<vmem>>)
    %dma_wait3A_256 = arith.constant 7 : i32
    %dma_wait3A_257 = arith.constant 0 : i32
    %dma_wait3A_258 = arith.constant 0 : i32
    %dma_wait3A_259 = arith.constant 0 : i32
    %dma_wait3A_260 = tpu.memref_slice %arg6[%dma_wait3A_257, %dma_wait3A_258, %dma_wait3A_259] : memref<2x800x64xf32, #tpu.memory_space<vmem>> -> memref<1x800x64xf32, #tpu.memory_space<vmem>>
    %dma_wait3A_261 = tpu.memref_squeeze %dma_wait3A_260 : memref<1x800x64xf32, #tpu.memory_space<vmem>> -> memref<800x64xf32, #tpu.memory_space<vmem>>
    %dma_wait3A_262 = arith.constant 560 : i32
    %dma_wait3A_263 = arith.constant 0 : i32
    %dma_wait3A_264 = tpu.memref_slice %dma_wait3A_261[%dma_wait3A_262, %dma_wait3A_263] : memref<800x64xf32, #tpu.memory_space<vmem>> -> memref<80x64xf32, #tpu.memory_space<vmem>>
    %dma_wait3A_265 = arith.constant 0 : i32
    %dma_wait3A_266 = tpu.memref_slice %arg5[%dma_wait3A_256, %dma_wait3A_265] : memref<320x80xi32, #tpu.memory_space<vmem>> -> memref<1x80xi32, #tpu.memory_space<vmem>>
    %dma_wait3A_267 = tpu.memref_squeeze %dma_wait3A_266 : memref<1x80xi32, #tpu.memory_space<vmem>> -> memref<80xi32, #tpu.memory_space<vmem>>
    %dma_wait3A_268 = arith.constant 0 : i32
    %dma_wait3A_269 = arith.constant 0 : i32
    %dma_wait3A_270 = tpu.memref_slice %arg3[%dma_wait3A_268, %dma_wait3A_269] : memref<1000000x64xf32, #tpu.memory_space<hbm>> -> memref<1000000x64xf32, #tpu.memory_space<hbm>>
    tpu.wait_indirect_dma semaphore(%arg7 : memref<!tpu.dma_semaphore, #tpu.memory_space<semaphore_mem>>) src(%dma_wait3A_270 : memref<1000000x64xf32, #tpu.memory_space<hbm>>) dst(%dma_wait3A_264 : memref<80x64xf32, #tpu.memory_space<vmem>>)
    %dma_wait3A_271 = arith.constant 8 : i32
    %dma_wait3A_272 = arith.constant 0 : i32
    %dma_wait3A_273 = arith.constant 0 : i32
    %dma_wait3A_274 = arith.constant 0 : i32
    %dma_wait3A_275 = tpu.memref_slice %arg6[%dma_wait3A_272, %dma_wait3A_273, %dma_wait3A_274] : memref<2x800x64xf32, #tpu.memory_space<vmem>> -> memref<1x800x64xf32, #tpu.memory_space<vmem>>
    %dma_wait3A_276 = tpu.memref_squeeze %dma_wait3A_275 : memref<1x800x64xf32, #tpu.memory_space<vmem>> -> memref<800x64xf32, #tpu.memory_space<vmem>>
    %dma_wait3A_277 = arith.constant 640 : i32
    %dma_wait3A_278 = arith.constant 0 : i32
    %dma_wait3A_279 = tpu.memref_slice %dma_wait3A_276[%dma_wait3A_277, %dma_wait3A_278] : memref<800x64xf32, #tpu.memory_space<vmem>> -> memref<80x64xf32, #tpu.memory_space<vmem>>
    %dma_wait3A_280 = arith.constant 0 : i32
    %dma_wait3A_281 = tpu.memref_slice %arg5[%dma_wait3A_271, %dma_wait3A_280] : memref<320x80xi32, #tpu.memory_space<vmem>> -> memref<1x80xi32, #tpu.memory_space<vmem>>
    %dma_wait3A_282 = tpu.memref_squeeze %dma_wait3A_281 : memref<1x80xi32, #tpu.memory_space<vmem>> -> memref<80xi32, #tpu.memory_space<vmem>>
    %dma_wait3A_283 = arith.constant 0 : i32
    %dma_wait3A_284 = arith.constant 0 : i32
    %dma_wait3A_285 = tpu.memref_slice %arg3[%dma_wait3A_283, %dma_wait3A_284] : memref<1000000x64xf32, #tpu.memory_space<hbm>> -> memref<1000000x64xf32, #tpu.memory_space<hbm>>
    tpu.wait_indirect_dma semaphore(%arg7 : memref<!tpu.dma_semaphore, #tpu.memory_space<semaphore_mem>>) src(%dma_wait3A_285 : memref<1000000x64xf32, #tpu.memory_space<hbm>>) dst(%dma_wait3A_279 : memref<80x64xf32, #tpu.memory_space<vmem>>)
    %dma_wait3A_286 = arith.constant 9 : i32
    %dma_wait3A_287 = arith.constant 0 : i32
    %dma_wait3A_288 = arith.constant 0 : i32
    %dma_wait3A_289 = arith.constant 0 : i32
    %dma_wait3A_290 = tpu.memref_slice %arg6[%dma_wait3A_287, %dma_wait3A_288, %dma_wait3A_289] : memref<2x800x64xf32, #tpu.memory_space<vmem>> -> memref<1x800x64xf32, #tpu.memory_space<vmem>>
    %dma_wait3A_291 = tpu.memref_squeeze %dma_wait3A_290 : memref<1x800x64xf32, #tpu.memory_space<vmem>> -> memref<800x64xf32, #tpu.memory_space<vmem>>
    %dma_wait3A_292 = arith.constant 720 : i32
    %dma_wait3A_293 = arith.constant 0 : i32
    %dma_wait3A_294 = tpu.memref_slice %dma_wait3A_291[%dma_wait3A_292, %dma_wait3A_293] : memref<800x64xf32, #tpu.memory_space<vmem>> -> memref<80x64xf32, #tpu.memory_space<vmem>>
    %dma_wait3A_295 = arith.constant 0 : i32
    %dma_wait3A_296 = tpu.memref_slice %arg5[%dma_wait3A_286, %dma_wait3A_295] : memref<320x80xi32, #tpu.memory_space<vmem>> -> memref<1x80xi32, #tpu.memory_space<vmem>>
    %dma_wait3A_297 = tpu.memref_squeeze %dma_wait3A_296 : memref<1x80xi32, #tpu.memory_space<vmem>> -> memref<80xi32, #tpu.memory_space<vmem>>
    %dma_wait3A_298 = arith.constant 0 : i32
    %dma_wait3A_299 = arith.constant 0 : i32
    %dma_wait3A_300 = tpu.memref_slice %arg3[%dma_wait3A_298, %dma_wait3A_299] : memref<1000000x64xf32, #tpu.memory_space<hbm>> -> memref<1000000x64xf32, #tpu.memory_space<hbm>>
    tpu.wait_indirect_dma semaphore(%arg7 : memref<!tpu.dma_semaphore, #tpu.memory_space<semaphore_mem>>) src(%dma_wait3A_300 : memref<1000000x64xf32, #tpu.memory_space<hbm>>) dst(%dma_wait3A_294 : memref<80x64xf32, #tpu.memory_space<vmem>>)
    %add3A_301 = arith.constant 0 : i32
    %add3A_302 = arith.addi %mul3A_2, %add3A_301 : i32
    %add3A_303 = arith.constant 0 : i32
    %add3A_304 = arith.addi %add3A_302, %add3A_303 : i32
    %dma_start3A_305 = arith.constant 0 : i32
    %dma_start3A_306 = arith.constant 0 : i32
    %dma_start3A_307 = arith.constant 0 : i32
    %dma_start3A_308 = tpu.memref_slice %arg6[%dma_start3A_305, %dma_start3A_306, %dma_start3A_307] : memref<2x800x64xf32, #tpu.memory_space<vmem>> -> memref<1x800x64xf32, #tpu.memory_space<vmem>>
    %dma_start3A_309 = tpu.memref_squeeze %dma_start3A_308 : memref<1x800x64xf32, #tpu.memory_space<vmem>> -> memref<800x64xf32, #tpu.memory_space<vmem>>
    %dma_start3A_310 = arith.constant 0 : i32
    %dma_start3A_311 = arith.constant 0 : i32
    %dma_start3A_312 = tpu.memref_slice %dma_start3A_309[%dma_start3A_310, %dma_start3A_311] : memref<800x64xf32, #tpu.memory_space<vmem>> -> memref<200x64xf32, #tpu.memory_space<vmem>>
    %dma_start3A_313 = arith.constant 0 : i32
    %dma_start3A_314 = arith.constant 0 : i32
    %dma_start3A_315 = tpu.memref_slice %arg4[%add3A_304, %dma_start3A_313, %dma_start3A_314] : memref<4096x200x128xf32, #tpu.memory_space<hbm>> -> memref<1x200x128xf32, #tpu.memory_space<hbm>>
    %dma_start3A_316 = tpu.memref_squeeze %dma_start3A_315 : memref<1x200x128xf32, #tpu.memory_space<hbm>> -> memref<200x128xf32, #tpu.memory_space<hbm>>
    %dma_start3A_317 = arith.constant 0 : i32
    %dma_start3A_318 = arith.constant 0 : i32
    %dma_start3A_319 = tpu.memref_slice %dma_start3A_316[%dma_start3A_317, %dma_start3A_318] : memref<200x128xf32, #tpu.memory_space<hbm>> -> memref<200x64xf32, #tpu.memory_space<hbm>>
    %dma_start3A_320 = arith.constant 0 : i32
    %dma_start3A_321 = arith.constant 0 : i32
    %dma_start3A_322 = tpu.memref_slice %arg4[%add3A_304, %dma_start3A_320, %dma_start3A_321] : memref<4096x200x128xf32, #tpu.memory_space<hbm>> -> memref<1x200x128xf32, #tpu.memory_space<hbm>>
    %dma_start3A_323 = tpu.memref_squeeze %dma_start3A_322 : memref<1x200x128xf32, #tpu.memory_space<hbm>> -> memref<200x128xf32, #tpu.memory_space<hbm>>
    %dma_start3A_324 = arith.constant 0 : i32
    %dma_start3A_325 = arith.constant 0 : i32
    %dma_start3A_326 = tpu.memref_slice %dma_start3A_323[%dma_start3A_324, %dma_start3A_325] : memref<200x128xf32, #tpu.memory_space<hbm>> -> memref<200x64xf32, #tpu.memory_space<hbm>>
    %dma_start3A_327 = arith.constant 0 : i32
    %dma_start3A_328 = arith.constant 0 : i32
    %dma_start3A_329 = tpu.memref_slice %arg6[%dma_start3A_305, %dma_start3A_327, %dma_start3A_328] : memref<2x800x64xf32, #tpu.memory_space<vmem>> -> memref<1x800x64xf32, #tpu.memory_space<vmem>>
    %dma_start3A_330 = tpu.memref_squeeze %dma_start3A_329 : memref<1x800x64xf32, #tpu.memory_space<vmem>> -> memref<800x64xf32, #tpu.memory_space<vmem>>
    %dma_start3A_331 = arith.constant 0 : i32
    %dma_start3A_332 = arith.constant 0 : i32
    %dma_start3A_333 = tpu.memref_slice %dma_start3A_330[%dma_start3A_331, %dma_start3A_332] : memref<800x64xf32, #tpu.memory_space<vmem>> -> memref<200x64xf32, #tpu.memory_space<vmem>>
    tpu.enqueue_dma source(%dma_start3A_333 : memref<200x64xf32, #tpu.memory_space<vmem>>) target(%dma_start3A_326 : memref<200x64xf32, #tpu.memory_space<hbm>>) target_semaphore(%arg9 : memref<!tpu.dma_semaphore, #tpu.memory_space<semaphore_mem>>)
    %add3A_334 = arith.constant 0 : i32
    %add3A_335 = arith.addi %mul3A_2, %add3A_334 : i32
    %add3A_336 = arith.constant 1 : i32
    %add3A_337 = arith.addi %add3A_335, %add3A_336 : i32
    %dma_start3A_338 = arith.constant 0 : i32
    %dma_start3A_339 = arith.constant 0 : i32
    %dma_start3A_340 = arith.constant 0 : i32
    %dma_start3A_341 = tpu.memref_slice %arg6[%dma_start3A_338, %dma_start3A_339, %dma_start3A_340] : memref<2x800x64xf32, #tpu.memory_space<vmem>> -> memref<1x800x64xf32, #tpu.memory_space<vmem>>
    %dma_start3A_342 = tpu.memref_squeeze %dma_start3A_341 : memref<1x800x64xf32, #tpu.memory_space<vmem>> -> memref<800x64xf32, #tpu.memory_space<vmem>>
    %dma_start3A_343 = arith.constant 200 : i32
    %dma_start3A_344 = arith.constant 0 : i32
    %dma_start3A_345 = tpu.memref_slice %dma_start3A_342[%dma_start3A_343, %dma_start3A_344] : memref<800x64xf32, #tpu.memory_space<vmem>> -> memref<200x64xf32, #tpu.memory_space<vmem>>
    %dma_start3A_346 = arith.constant 0 : i32
    %dma_start3A_347 = arith.constant 0 : i32
    %dma_start3A_348 = tpu.memref_slice %arg4[%add3A_337, %dma_start3A_346, %dma_start3A_347] : memref<4096x200x128xf32, #tpu.memory_space<hbm>> -> memref<1x200x128xf32, #tpu.memory_space<hbm>>
    %dma_start3A_349 = tpu.memref_squeeze %dma_start3A_348 : memref<1x200x128xf32, #tpu.memory_space<hbm>> -> memref<200x128xf32, #tpu.memory_space<hbm>>
    %dma_start3A_350 = arith.constant 0 : i32
    %dma_start3A_351 = arith.constant 0 : i32
    %dma_start3A_352 = tpu.memref_slice %dma_start3A_349[%dma_start3A_350, %dma_start3A_351] : memref<200x128xf32, #tpu.memory_space<hbm>> -> memref<200x64xf32, #tpu.memory_space<hbm>>
    %dma_start3A_353 = arith.constant 0 : i32
    %dma_start3A_354 = arith.constant 0 : i32
    %dma_start3A_355 = tpu.memref_slice %arg4[%add3A_337, %dma_start3A_353, %dma_start3A_354] : memref<4096x200x128xf32, #tpu.memory_space<hbm>> -> memref<1x200x128xf32, #tpu.memory_space<hbm>>
    %dma_start3A_356 = tpu.memref_squeeze %dma_start3A_355 : memref<1x200x128xf32, #tpu.memory_space<hbm>> -> memref<200x128xf32, #tpu.memory_space<hbm>>
    %dma_start3A_357 = arith.constant 0 : i32
    %dma_start3A_358 = arith.constant 0 : i32
    %dma_start3A_359 = tpu.memref_slice %dma_start3A_356[%dma_start3A_357, %dma_start3A_358] : memref<200x128xf32, #tpu.memory_space<hbm>> -> memref<200x64xf32, #tpu.memory_space<hbm>>
    %dma_start3A_360 = arith.constant 0 : i32
    %dma_start3A_361 = arith.constant 0 : i32
    %dma_start3A_362 = tpu.memref_slice %arg6[%dma_start3A_338, %dma_start3A_360, %dma_start3A_361] : memref<2x800x64xf32, #tpu.memory_space<vmem>> -> memref<1x800x64xf32, #tpu.memory_space<vmem>>
    %dma_start3A_363 = tpu.memref_squeeze %dma_start3A_362 : memref<1x800x64xf32, #tpu.memory_space<vmem>> -> memref<800x64xf32, #tpu.memory_space<vmem>>
    %dma_start3A_364 = arith.constant 200 : i32
    %dma_start3A_365 = arith.constant 0 : i32
    %dma_start3A_366 = tpu.memref_slice %dma_start3A_363[%dma_start3A_364, %dma_start3A_365] : memref<800x64xf32, #tpu.memory_space<vmem>> -> memref<200x64xf32, #tpu.memory_space<vmem>>
    tpu.enqueue_dma source(%dma_start3A_366 : memref<200x64xf32, #tpu.memory_space<vmem>>) target(%dma_start3A_359 : memref<200x64xf32, #tpu.memory_space<hbm>>) target_semaphore(%arg9 : memref<!tpu.dma_semaphore, #tpu.memory_space<semaphore_mem>>)
    %add3A_367 = arith.constant 0 : i32
    %add3A_368 = arith.addi %mul3A_2, %add3A_367 : i32
    %add3A_369 = arith.constant 2 : i32
    %add3A_370 = arith.addi %add3A_368, %add3A_369 : i32
    %dma_start3A_371 = arith.constant 0 : i32
    %dma_start3A_372 = arith.constant 0 : i32
    %dma_start3A_373 = arith.constant 0 : i32
    %dma_start3A_374 = tpu.memref_slice %arg6[%dma_start3A_371, %dma_start3A_372, %dma_start3A_373] : memref<2x800x64xf32, #tpu.memory_space<vmem>> -> memref<1x800x64xf32, #tpu.memory_space<vmem>>
    %dma_start3A_375 = tpu.memref_squeeze %dma_start3A_374 : memref<1x800x64xf32, #tpu.memory_space<vmem>> -> memref<800x64xf32, #tpu.memory_space<vmem>>
    %dma_start3A_376 = arith.constant 400 : i32
    %dma_start3A_377 = arith.constant 0 : i32
    %dma_start3A_378 = tpu.memref_slice %dma_start3A_375[%dma_start3A_376, %dma_start3A_377] : memref<800x64xf32, #tpu.memory_space<vmem>> -> memref<200x64xf32, #tpu.memory_space<vmem>>
    %dma_start3A_379 = arith.constant 0 : i32
    %dma_start3A_380 = arith.constant 0 : i32
    %dma_start3A_381 = tpu.memref_slice %arg4[%add3A_370, %dma_start3A_379, %dma_start3A_380] : memref<4096x200x128xf32, #tpu.memory_space<hbm>> -> memref<1x200x128xf32, #tpu.memory_space<hbm>>
    %dma_start3A_382 = tpu.memref_squeeze %dma_start3A_381 : memref<1x200x128xf32, #tpu.memory_space<hbm>> -> memref<200x128xf32, #tpu.memory_space<hbm>>
    %dma_start3A_383 = arith.constant 0 : i32
    %dma_start3A_384 = arith.constant 0 : i32
    %dma_start3A_385 = tpu.memref_slice %dma_start3A_382[%dma_start3A_383, %dma_start3A_384] : memref<200x128xf32, #tpu.memory_space<hbm>> -> memref<200x64xf32, #tpu.memory_space<hbm>>
    %dma_start3A_386 = arith.constant 0 : i32
    %dma_start3A_387 = arith.constant 0 : i32
    %dma_start3A_388 = tpu.memref_slice %arg4[%add3A_370, %dma_start3A_386, %dma_start3A_387] : memref<4096x200x128xf32, #tpu.memory_space<hbm>> -> memref<1x200x128xf32, #tpu.memory_space<hbm>>
    %dma_start3A_389 = tpu.memref_squeeze %dma_start3A_388 : memref<1x200x128xf32, #tpu.memory_space<hbm>> -> memref<200x128xf32, #tpu.memory_space<hbm>>
    %dma_start3A_390 = arith.constant 0 : i32
    %dma_start3A_391 = arith.constant 0 : i32
    %dma_start3A_392 = tpu.memref_slice %dma_start3A_389[%dma_start3A_390, %dma_start3A_391] : memref<200x128xf32, #tpu.memory_space<hbm>> -> memref<200x64xf32, #tpu.memory_space<hbm>>
    %dma_start3A_393 = arith.constant 0 : i32
    %dma_start3A_394 = arith.constant 0 : i32
    %dma_start3A_395 = tpu.memref_slice %arg6[%dma_start3A_371, %dma_start3A_393, %dma_start3A_394] : memref<2x800x64xf32, #tpu.memory_space<vmem>> -> memref<1x800x64xf32, #tpu.memory_space<vmem>>
    %dma_start3A_396 = tpu.memref_squeeze %dma_start3A_395 : memref<1x800x64xf32, #tpu.memory_space<vmem>> -> memref<800x64xf32, #tpu.memory_space<vmem>>
    %dma_start3A_397 = arith.constant 400 : i32
    %dma_start3A_398 = arith.constant 0 : i32
    %dma_start3A_399 = tpu.memref_slice %dma_start3A_396[%dma_start3A_397, %dma_start3A_398] : memref<800x64xf32, #tpu.memory_space<vmem>> -> memref<200x64xf32, #tpu.memory_space<vmem>>
    tpu.enqueue_dma source(%dma_start3A_399 : memref<200x64xf32, #tpu.memory_space<vmem>>) target(%dma_start3A_392 : memref<200x64xf32, #tpu.memory_space<hbm>>) target_semaphore(%arg9 : memref<!tpu.dma_semaphore, #tpu.memory_space<semaphore_mem>>)
    %add3A_400 = arith.constant 0 : i32
    %add3A_401 = arith.addi %mul3A_2, %add3A_400 : i32
    %add3A_402 = arith.constant 3 : i32
    %add3A_403 = arith.addi %add3A_401, %add3A_402 : i32
    %dma_start3A_404 = arith.constant 0 : i32
    %dma_start3A_405 = arith.constant 0 : i32
    %dma_start3A_406 = arith.constant 0 : i32
    %dma_start3A_407 = tpu.memref_slice %arg6[%dma_start3A_404, %dma_start3A_405, %dma_start3A_406] : memref<2x800x64xf32, #tpu.memory_space<vmem>> -> memref<1x800x64xf32, #tpu.memory_space<vmem>>
    %dma_start3A_408 = tpu.memref_squeeze %dma_start3A_407 : memref<1x800x64xf32, #tpu.memory_space<vmem>> -> memref<800x64xf32, #tpu.memory_space<vmem>>
    %dma_start3A_409 = arith.constant 600 : i32
    %dma_start3A_410 = arith.constant 0 : i32
    %dma_start3A_411 = tpu.memref_slice %dma_start3A_408[%dma_start3A_409, %dma_start3A_410] : memref<800x64xf32, #tpu.memory_space<vmem>> -> memref<200x64xf32, #tpu.memory_space<vmem>>
    %dma_start3A_412 = arith.constant 0 : i32
    %dma_start3A_413 = arith.constant 0 : i32
    %dma_start3A_414 = tpu.memref_slice %arg4[%add3A_403, %dma_start3A_412, %dma_start3A_413] : memref<4096x200x128xf32, #tpu.memory_space<hbm>> -> memref<1x200x128xf32, #tpu.memory_space<hbm>>
    %dma_start3A_415 = tpu.memref_squeeze %dma_start3A_414 : memref<1x200x128xf32, #tpu.memory_space<hbm>> -> memref<200x128xf32, #tpu.memory_space<hbm>>
    %dma_start3A_416 = arith.constant 0 : i32
    %dma_start3A_417 = arith.constant 0 : i32
    %dma_start3A_418 = tpu.memref_slice %dma_start3A_415[%dma_start3A_416, %dma_start3A_417] : memref<200x128xf32, #tpu.memory_space<hbm>> -> memref<200x64xf32, #tpu.memory_space<hbm>>
    %dma_start3A_419 = arith.constant 0 : i32
    %dma_start3A_420 = arith.constant 0 : i32
    %dma_start3A_421 = tpu.memref_slice %arg4[%add3A_403, %dma_start3A_419, %dma_start3A_420] : memref<4096x200x128xf32, #tpu.memory_space<hbm>> -> memref<1x200x128xf32, #tpu.memory_space<hbm>>
    %dma_start3A_422 = tpu.memref_squeeze %dma_start3A_421 : memref<1x200x128xf32, #tpu.memory_space<hbm>> -> memref<200x128xf32, #tpu.memory_space<hbm>>
    %dma_start3A_423 = arith.constant 0 : i32
    %dma_start3A_424 = arith.constant 0 : i32
    %dma_start3A_425 = tpu.memref_slice %dma_start3A_422[%dma_start3A_423, %dma_start3A_424] : memref<200x128xf32, #tpu.memory_space<hbm>> -> memref<200x64xf32, #tpu.memory_space<hbm>>
    %dma_start3A_426 = arith.constant 0 : i32
    %dma_start3A_427 = arith.constant 0 : i32
    %dma_start3A_428 = tpu.memref_slice %arg6[%dma_start3A_404, %dma_start3A_426, %dma_start3A_427] : memref<2x800x64xf32, #tpu.memory_space<vmem>> -> memref<1x800x64xf32, #tpu.memory_space<vmem>>
    %dma_start3A_429 = tpu.memref_squeeze %dma_start3A_428 : memref<1x800x64xf32, #tpu.memory_space<vmem>> -> memref<800x64xf32, #tpu.memory_space<vmem>>
    %dma_start3A_430 = arith.constant 600 : i32
    %dma_start3A_431 = arith.constant 0 : i32
    %dma_start3A_432 = tpu.memref_slice %dma_start3A_429[%dma_start3A_430, %dma_start3A_431] : memref<800x64xf32, #tpu.memory_space<vmem>> -> memref<200x64xf32, #tpu.memory_space<vmem>>
    tpu.enqueue_dma source(%dma_start3A_432 : memref<200x64xf32, #tpu.memory_space<vmem>>) target(%dma_start3A_425 : memref<200x64xf32, #tpu.memory_space<hbm>>) target_semaphore(%arg9 : memref<!tpu.dma_semaphore, #tpu.memory_space<semaphore_mem>>)
    %dma_start3A_433 = arith.constant 10 : i32
    %dma_start3A_434 = arith.constant 1 : i32
    %dma_start3A_435 = arith.constant 0 : i32
    %dma_start3A_436 = arith.constant 0 : i32
    %dma_start3A_437 = tpu.memref_slice %arg6[%dma_start3A_434, %dma_start3A_435, %dma_start3A_436] : memref<2x800x64xf32, #tpu.memory_space<vmem>> -> memref<1x800x64xf32, #tpu.memory_space<vmem>>
    %dma_start3A_438 = tpu.memref_squeeze %dma_start3A_437 : memref<1x800x64xf32, #tpu.memory_space<vmem>> -> memref<800x64xf32, #tpu.memory_space<vmem>>
    %dma_start3A_439 = arith.constant 0 : i32
    %dma_start3A_440 = arith.constant 0 : i32
    %dma_start3A_441 = tpu.memref_slice %dma_start3A_438[%dma_start3A_439, %dma_start3A_440] : memref<800x64xf32, #tpu.memory_space<vmem>> -> memref<80x64xf32, #tpu.memory_space<vmem>>
    %dma_start3A_442 = arith.constant 0 : i32
    %dma_start3A_443 = tpu.memref_slice %arg5[%dma_start3A_433, %dma_start3A_442] : memref<320x80xi32, #tpu.memory_space<vmem>> -> memref<1x80xi32, #tpu.memory_space<vmem>>
    %dma_start3A_444 = tpu.memref_squeeze %dma_start3A_443 : memref<1x80xi32, #tpu.memory_space<vmem>> -> memref<80xi32, #tpu.memory_space<vmem>>
    %dma_start3A_445 = arith.constant 0 : i32
    %dma_start3A_446 = arith.constant 0 : i32
    %dma_start3A_447 = tpu.memref_slice %arg3[%dma_start3A_445, %dma_start3A_446] : memref<1000000x64xf32, #tpu.memory_space<hbm>> -> memref<1000000x64xf32, #tpu.memory_space<hbm>>
    tpu.enqueue_indirect_dma source(%dma_start3A_447 : memref<1000000x64xf32, #tpu.memory_space<hbm>>) target(%dma_start3A_441 : memref<80x64xf32, #tpu.memory_space<vmem>>) offsets(%dma_start3A_444 : memref<80xi32, #tpu.memory_space<vmem>>) semaphore(%arg8 : memref<!tpu.dma_semaphore, #tpu.memory_space<semaphore_mem>>)
    %dma_start3A_448 = arith.constant 11 : i32
    %dma_start3A_449 = arith.constant 1 : i32
    %dma_start3A_450 = arith.constant 0 : i32
    %dma_start3A_451 = arith.constant 0 : i32
    %dma_start3A_452 = tpu.memref_slice %arg6[%dma_start3A_449, %dma_start3A_450, %dma_start3A_451] : memref<2x800x64xf32, #tpu.memory_space<vmem>> -> memref<1x800x64xf32, #tpu.memory_space<vmem>>
    %dma_start3A_453 = tpu.memref_squeeze %dma_start3A_452 : memref<1x800x64xf32, #tpu.memory_space<vmem>> -> memref<800x64xf32, #tpu.memory_space<vmem>>
    %dma_start3A_454 = arith.constant 80 : i32
    %dma_start3A_455 = arith.constant 0 : i32
    %dma_start3A_456 = tpu.memref_slice %dma_start3A_453[%dma_start3A_454, %dma_start3A_455] : memref<800x64xf32, #tpu.memory_space<vmem>> -> memref<80x64xf32, #tpu.memory_space<vmem>>
    %dma_start3A_457 = arith.constant 0 : i32
    %dma_start3A_458 = tpu.memref_slice %arg5[%dma_start3A_448, %dma_start3A_457] : memref<320x80xi32, #tpu.memory_space<vmem>> -> memref<1x80xi32, #tpu.memory_space<vmem>>
    %dma_start3A_459 = tpu.memref_squeeze %dma_start3A_458 : memref<1x80xi32, #tpu.memory_space<vmem>> -> memref<80xi32, #tpu.memory_space<vmem>>
    %dma_start3A_460 = arith.constant 0 : i32
    %dma_start3A_461 = arith.constant 0 : i32
    %dma_start3A_462 = tpu.memref_slice %arg3[%dma_start3A_460, %dma_start3A_461] : memref<1000000x64xf32, #tpu.memory_space<hbm>> -> memref<1000000x64xf32, #tpu.memory_space<hbm>>
    tpu.enqueue_indirect_dma source(%dma_start3A_462 : memref<1000000x64xf32, #tpu.memory_space<hbm>>) target(%dma_start3A_456 : memref<80x64xf32, #tpu.memory_space<vmem>>) offsets(%dma_start3A_459 : memref<80xi32, #tpu.memory_space<vmem>>) semaphore(%arg8 : memref<!tpu.dma_semaphore, #tpu.memory_space<semaphore_mem>>)
    %dma_start3A_463 = arith.constant 12 : i32
    %dma_start3A_464 = arith.constant 1 : i32
    %dma_start3A_465 = arith.constant 0 : i32
    %dma_start3A_466 = arith.constant 0 : i32
    %dma_start3A_467 = tpu.memref_slice %arg6[%dma_start3A_464, %dma_start3A_465, %dma_start3A_466] : memref<2x800x64xf32, #tpu.memory_space<vmem>> -> memref<1x800x64xf32, #tpu.memory_space<vmem>>
    %dma_start3A_468 = tpu.memref_squeeze %dma_start3A_467 : memref<1x800x64xf32, #tpu.memory_space<vmem>> -> memref<800x64xf32, #tpu.memory_space<vmem>>
    %dma_start3A_469 = arith.constant 160 : i32
    %dma_start3A_470 = arith.constant 0 : i32
    %dma_start3A_471 = tpu.memref_slice %dma_start3A_468[%dma_start3A_469, %dma_start3A_470] : memref<800x64xf32, #tpu.memory_space<vmem>> -> memref<80x64xf32, #tpu.memory_space<vmem>>
    %dma_start3A_472 = arith.constant 0 : i32
    %dma_start3A_473 = tpu.memref_slice %arg5[%dma_start3A_463, %dma_start3A_472] : memref<320x80xi32, #tpu.memory_space<vmem>> -> memref<1x80xi32, #tpu.memory_space<vmem>>
    %dma_start3A_474 = tpu.memref_squeeze %dma_start3A_473 : memref<1x80xi32, #tpu.memory_space<vmem>> -> memref<80xi32, #tpu.memory_space<vmem>>
    %dma_start3A_475 = arith.constant 0 : i32
    %dma_start3A_476 = arith.constant 0 : i32
    %dma_start3A_477 = tpu.memref_slice %arg3[%dma_start3A_475, %dma_start3A_476] : memref<1000000x64xf32, #tpu.memory_space<hbm>> -> memref<1000000x64xf32, #tpu.memory_space<hbm>>
    tpu.enqueue_indirect_dma source(%dma_start3A_477 : memref<1000000x64xf32, #tpu.memory_space<hbm>>) target(%dma_start3A_471 : memref<80x64xf32, #tpu.memory_space<vmem>>) offsets(%dma_start3A_474 : memref<80xi32, #tpu.memory_space<vmem>>) semaphore(%arg8 : memref<!tpu.dma_semaphore, #tpu.memory_space<semaphore_mem>>)
    %dma_start3A_478 = arith.constant 13 : i32
    %dma_start3A_479 = arith.constant 1 : i32
    %dma_start3A_480 = arith.constant 0 : i32
    %dma_start3A_481 = arith.constant 0 : i32
    %dma_start3A_482 = tpu.memref_slice %arg6[%dma_start3A_479, %dma_start3A_480, %dma_start3A_481] : memref<2x800x64xf32, #tpu.memory_space<vmem>> -> memref<1x800x64xf32, #tpu.memory_space<vmem>>
    %dma_start3A_483 = tpu.memref_squeeze %dma_start3A_482 : memref<1x800x64xf32, #tpu.memory_space<vmem>> -> memref<800x64xf32, #tpu.memory_space<vmem>>
    %dma_start3A_484 = arith.constant 240 : i32
    %dma_start3A_485 = arith.constant 0 : i32
    %dma_start3A_486 = tpu.memref_slice %dma_start3A_483[%dma_start3A_484, %dma_start3A_485] : memref<800x64xf32, #tpu.memory_space<vmem>> -> memref<80x64xf32, #tpu.memory_space<vmem>>
    %dma_start3A_487 = arith.constant 0 : i32
    %dma_start3A_488 = tpu.memref_slice %arg5[%dma_start3A_478, %dma_start3A_487] : memref<320x80xi32, #tpu.memory_space<vmem>> -> memref<1x80xi32, #tpu.memory_space<vmem>>
    %dma_start3A_489 = tpu.memref_squeeze %dma_start3A_488 : memref<1x80xi32, #tpu.memory_space<vmem>> -> memref<80xi32, #tpu.memory_space<vmem>>
    %dma_start3A_490 = arith.constant 0 : i32
    %dma_start3A_491 = arith.constant 0 : i32
    %dma_start3A_492 = tpu.memref_slice %arg3[%dma_start3A_490, %dma_start3A_491] : memref<1000000x64xf32, #tpu.memory_space<hbm>> -> memref<1000000x64xf32, #tpu.memory_space<hbm>>
    tpu.enqueue_indirect_dma source(%dma_start3A_492 : memref<1000000x64xf32, #tpu.memory_space<hbm>>) target(%dma_start3A_486 : memref<80x64xf32, #tpu.memory_space<vmem>>) offsets(%dma_start3A_489 : memref<80xi32, #tpu.memory_space<vmem>>) semaphore(%arg8 : memref<!tpu.dma_semaphore, #tpu.memory_space<semaphore_mem>>)
    %dma_start3A_493 = arith.constant 14 : i32
    %dma_start3A_494 = arith.constant 1 : i32
    %dma_start3A_495 = arith.constant 0 : i32
    %dma_start3A_496 = arith.constant 0 : i32
    %dma_start3A_497 = tpu.memref_slice %arg6[%dma_start3A_494, %dma_start3A_495, %dma_start3A_496] : memref<2x800x64xf32, #tpu.memory_space<vmem>> -> memref<1x800x64xf32, #tpu.memory_space<vmem>>
    %dma_start3A_498 = tpu.memref_squeeze %dma_start3A_497 : memref<1x800x64xf32, #tpu.memory_space<vmem>> -> memref<800x64xf32, #tpu.memory_space<vmem>>
    %dma_start3A_499 = arith.constant 320 : i32
    %dma_start3A_500 = arith.constant 0 : i32
    %dma_start3A_501 = tpu.memref_slice %dma_start3A_498[%dma_start3A_499, %dma_start3A_500] : memref<800x64xf32, #tpu.memory_space<vmem>> -> memref<80x64xf32, #tpu.memory_space<vmem>>
    %dma_start3A_502 = arith.constant 0 : i32
    %dma_start3A_503 = tpu.memref_slice %arg5[%dma_start3A_493, %dma_start3A_502] : memref<320x80xi32, #tpu.memory_space<vmem>> -> memref<1x80xi32, #tpu.memory_space<vmem>>
    %dma_start3A_504 = tpu.memref_squeeze %dma_start3A_503 : memref<1x80xi32, #tpu.memory_space<vmem>> -> memref<80xi32, #tpu.memory_space<vmem>>
    %dma_start3A_505 = arith.constant 0 : i32
    %dma_start3A_506 = arith.constant 0 : i32
    %dma_start3A_507 = tpu.memref_slice %arg3[%dma_start3A_505, %dma_start3A_506] : memref<1000000x64xf32, #tpu.memory_space<hbm>> -> memref<1000000x64xf32, #tpu.memory_space<hbm>>
    tpu.enqueue_indirect_dma source(%dma_start3A_507 : memref<1000000x64xf32, #tpu.memory_space<hbm>>) target(%dma_start3A_501 : memref<80x64xf32, #tpu.memory_space<vmem>>) offsets(%dma_start3A_504 : memref<80xi32, #tpu.memory_space<vmem>>) semaphore(%arg8 : memref<!tpu.dma_semaphore, #tpu.memory_space<semaphore_mem>>)
    %dma_start3A_508 = arith.constant 15 : i32
    %dma_start3A_509 = arith.constant 1 : i32
    %dma_start3A_510 = arith.constant 0 : i32
    %dma_start3A_511 = arith.constant 0 : i32
    %dma_start3A_512 = tpu.memref_slice %arg6[%dma_start3A_509, %dma_start3A_510, %dma_start3A_511] : memref<2x800x64xf32, #tpu.memory_space<vmem>> -> memref<1x800x64xf32, #tpu.memory_space<vmem>>
    %dma_start3A_513 = tpu.memref_squeeze %dma_start3A_512 : memref<1x800x64xf32, #tpu.memory_space<vmem>> -> memref<800x64xf32, #tpu.memory_space<vmem>>
    %dma_start3A_514 = arith.constant 400 : i32
    %dma_start3A_515 = arith.constant 0 : i32
    %dma_start3A_516 = tpu.memref_slice %dma_start3A_513[%dma_start3A_514, %dma_start3A_515] : memref<800x64xf32, #tpu.memory_space<vmem>> -> memref<80x64xf32, #tpu.memory_space<vmem>>
    %dma_start3A_517 = arith.constant 0 : i32
    %dma_start3A_518 = tpu.memref_slice %arg5[%dma_start3A_508, %dma_start3A_517] : memref<320x80xi32, #tpu.memory_space<vmem>> -> memref<1x80xi32, #tpu.memory_space<vmem>>
    %dma_start3A_519 = tpu.memref_squeeze %dma_start3A_518 : memref<1x80xi32, #tpu.memory_space<vmem>> -> memref<80xi32, #tpu.memory_space<vmem>>
    %dma_start3A_520 = arith.constant 0 : i32
    %dma_start3A_521 = arith.constant 0 : i32
    %dma_start3A_522 = tpu.memref_slice %arg3[%dma_start3A_520, %dma_start3A_521] : memref<1000000x64xf32, #tpu.memory_space<hbm>> -> memref<1000000x64xf32, #tpu.memory_space<hbm>>
    tpu.enqueue_indirect_dma source(%dma_start3A_522 : memref<1000000x64xf32, #tpu.memory_space<hbm>>) target(%dma_start3A_516 : memref<80x64xf32, #tpu.memory_space<vmem>>) offsets(%dma_start3A_519 : memref<80xi32, #tpu.memory_space<vmem>>) semaphore(%arg8 : memref<!tpu.dma_semaphore, #tpu.memory_space<semaphore_mem>>)
    %dma_start3A_523 = arith.constant 16 : i32
    %dma_start3A_524 = arith.constant 1 : i32
    %dma_start3A_525 = arith.constant 0 : i32
    %dma_start3A_526 = arith.constant 0 : i32
    %dma_start3A_527 = tpu.memref_slice %arg6[%dma_start3A_524, %dma_start3A_525, %dma_start3A_526] : memref<2x800x64xf32, #tpu.memory_space<vmem>> -> memref<1x800x64xf32, #tpu.memory_space<vmem>>
    %dma_start3A_528 = tpu.memref_squeeze %dma_start3A_527 : memref<1x800x64xf32, #tpu.memory_space<vmem>> -> memref<800x64xf32, #tpu.memory_space<vmem>>
    %dma_start3A_529 = arith.constant 480 : i32
    %dma_start3A_530 = arith.constant 0 : i32
    %dma_start3A_531 = tpu.memref_slice %dma_start3A_528[%dma_start3A_529, %dma_start3A_530] : memref<800x64xf32, #tpu.memory_space<vmem>> -> memref<80x64xf32, #tpu.memory_space<vmem>>
    %dma_start3A_532 = arith.constant 0 : i32
    %dma_start3A_533 = tpu.memref_slice %arg5[%dma_start3A_523, %dma_start3A_532] : memref<320x80xi32, #tpu.memory_space<vmem>> -> memref<1x80xi32, #tpu.memory_space<vmem>>
    %dma_start3A_534 = tpu.memref_squeeze %dma_start3A_533 : memref<1x80xi32, #tpu.memory_space<vmem>> -> memref<80xi32, #tpu.memory_space<vmem>>
    %dma_start3A_535 = arith.constant 0 : i32
    %dma_start3A_536 = arith.constant 0 : i32
    %dma_start3A_537 = tpu.memref_slice %arg3[%dma_start3A_535, %dma_start3A_536] : memref<1000000x64xf32, #tpu.memory_space<hbm>> -> memref<1000000x64xf32, #tpu.memory_space<hbm>>
    tpu.enqueue_indirect_dma source(%dma_start3A_537 : memref<1000000x64xf32, #tpu.memory_space<hbm>>) target(%dma_start3A_531 : memref<80x64xf32, #tpu.memory_space<vmem>>) offsets(%dma_start3A_534 : memref<80xi32, #tpu.memory_space<vmem>>) semaphore(%arg8 : memref<!tpu.dma_semaphore, #tpu.memory_space<semaphore_mem>>)
    %dma_start3A_538 = arith.constant 17 : i32
    %dma_start3A_539 = arith.constant 1 : i32
    %dma_start3A_540 = arith.constant 0 : i32
    %dma_start3A_541 = arith.constant 0 : i32
    %dma_start3A_542 = tpu.memref_slice %arg6[%dma_start3A_539, %dma_start3A_540, %dma_start3A_541] : memref<2x800x64xf32, #tpu.memory_space<vmem>> -> memref<1x800x64xf32, #tpu.memory_space<vmem>>
    %dma_start3A_543 = tpu.memref_squeeze %dma_start3A_542 : memref<1x800x64xf32, #tpu.memory_space<vmem>> -> memref<800x64xf32, #tpu.memory_space<vmem>>
    %dma_start3A_544 = arith.constant 560 : i32
    %dma_start3A_545 = arith.constant 0 : i32
    %dma_start3A_546 = tpu.memref_slice %dma_start3A_543[%dma_start3A_544, %dma_start3A_545] : memref<800x64xf32, #tpu.memory_space<vmem>> -> memref<80x64xf32, #tpu.memory_space<vmem>>
    %dma_start3A_547 = arith.constant 0 : i32
    %dma_start3A_548 = tpu.memref_slice %arg5[%dma_start3A_538, %dma_start3A_547] : memref<320x80xi32, #tpu.memory_space<vmem>> -> memref<1x80xi32, #tpu.memory_space<vmem>>
    %dma_start3A_549 = tpu.memref_squeeze %dma_start3A_548 : memref<1x80xi32, #tpu.memory_space<vmem>> -> memref<80xi32, #tpu.memory_space<vmem>>
    %dma_start3A_550 = arith.constant 0 : i32
    %dma_start3A_551 = arith.constant 0 : i32
    %dma_start3A_552 = tpu.memref_slice %arg3[%dma_start3A_550, %dma_start3A_551] : memref<1000000x64xf32, #tpu.memory_space<hbm>> -> memref<1000000x64xf32, #tpu.memory_space<hbm>>
    tpu.enqueue_indirect_dma source(%dma_start3A_552 : memref<1000000x64xf32, #tpu.memory_space<hbm>>) target(%dma_start3A_546 : memref<80x64xf32, #tpu.memory_space<vmem>>) offsets(%dma_start3A_549 : memref<80xi32, #tpu.memory_space<vmem>>) semaphore(%arg8 : memref<!tpu.dma_semaphore, #tpu.memory_space<semaphore_mem>>)
    %dma_start3A_553 = arith.constant 18 : i32
    %dma_start3A_554 = arith.constant 1 : i32
    %dma_start3A_555 = arith.constant 0 : i32
    %dma_start3A_556 = arith.constant 0 : i32
    %dma_start3A_557 = tpu.memref_slice %arg6[%dma_start3A_554, %dma_start3A_555, %dma_start3A_556] : memref<2x800x64xf32, #tpu.memory_space<vmem>> -> memref<1x800x64xf32, #tpu.memory_space<vmem>>
    %dma_start3A_558 = tpu.memref_squeeze %dma_start3A_557 : memref<1x800x64xf32, #tpu.memory_space<vmem>> -> memref<800x64xf32, #tpu.memory_space<vmem>>
    %dma_start3A_559 = arith.constant 640 : i32
    %dma_start3A_560 = arith.constant 0 : i32
    %dma_start3A_561 = tpu.memref_slice %dma_start3A_558[%dma_start3A_559, %dma_start3A_560] : memref<800x64xf32, #tpu.memory_space<vmem>> -> memref<80x64xf32, #tpu.memory_space<vmem>>
    %dma_start3A_562 = arith.constant 0 : i32
    %dma_start3A_563 = tpu.memref_slice %arg5[%dma_start3A_553, %dma_start3A_562] : memref<320x80xi32, #tpu.memory_space<vmem>> -> memref<1x80xi32, #tpu.memory_space<vmem>>
    %dma_start3A_564 = tpu.memref_squeeze %dma_start3A_563 : memref<1x80xi32, #tpu.memory_space<vmem>> -> memref<80xi32, #tpu.memory_space<vmem>>
    %dma_start3A_565 = arith.constant 0 : i32
    %dma_start3A_566 = arith.constant 0 : i32
    %dma_start3A_567 = tpu.memref_slice %arg3[%dma_start3A_565, %dma_start3A_566] : memref<1000000x64xf32, #tpu.memory_space<hbm>> -> memref<1000000x64xf32, #tpu.memory_space<hbm>>
    tpu.enqueue_indirect_dma source(%dma_start3A_567 : memref<1000000x64xf32, #tpu.memory_space<hbm>>) target(%dma_start3A_561 : memref<80x64xf32, #tpu.memory_space<vmem>>) offsets(%dma_start3A_564 : memref<80xi32, #tpu.memory_space<vmem>>) semaphore(%arg8 : memref<!tpu.dma_semaphore, #tpu.memory_space<semaphore_mem>>)
    %dma_start3A_568 = arith.constant 19 : i32
    %dma_start3A_569 = arith.constant 1 : i32
    %dma_start3A_570 = arith.constant 0 : i32
    %dma_start3A_571 = arith.constant 0 : i32
    %dma_start3A_572 = tpu.memref_slice %arg6[%dma_start3A_569, %dma_start3A_570, %dma_start3A_571] : memref<2x800x64xf32, #tpu.memory_space<vmem>> -> memref<1x800x64xf32, #tpu.memory_space<vmem>>
    %dma_start3A_573 = tpu.memref_squeeze %dma_start3A_572 : memref<1x800x64xf32, #tpu.memory_space<vmem>> -> memref<800x64xf32, #tpu.memory_space<vmem>>
    %dma_start3A_574 = arith.constant 720 : i32
    %dma_start3A_575 = arith.constant 0 : i32
    %dma_start3A_576 = tpu.memref_slice %dma_start3A_573[%dma_start3A_574, %dma_start3A_575] : memref<800x64xf32, #tpu.memory_space<vmem>> -> memref<80x64xf32, #tpu.memory_space<vmem>>
    %dma_start3A_577 = arith.constant 0 : i32
    %dma_start3A_578 = tpu.memref_slice %arg5[%dma_start3A_568, %dma_start3A_577] : memref<320x80xi32, #tpu.memory_space<vmem>> -> memref<1x80xi32, #tpu.memory_space<vmem>>
    %dma_start3A_579 = tpu.memref_squeeze %dma_start3A_578 : memref<1x80xi32, #tpu.memory_space<vmem>> -> memref<80xi32, #tpu.memory_space<vmem>>
    %dma_start3A_580 = arith.constant 0 : i32
    %dma_start3A_581 = arith.constant 0 : i32
    %dma_start3A_582 = tpu.memref_slice %arg3[%dma_start3A_580, %dma_start3A_581] : memref<1000000x64xf32, #tpu.memory_space<hbm>> -> memref<1000000x64xf32, #tpu.memory_space<hbm>>
    tpu.enqueue_indirect_dma source(%dma_start3A_582 : memref<1000000x64xf32, #tpu.memory_space<hbm>>) target(%dma_start3A_576 : memref<80x64xf32, #tpu.memory_space<vmem>>) offsets(%dma_start3A_579 : memref<80xi32, #tpu.memory_space<vmem>>) semaphore(%arg8 : memref<!tpu.dma_semaphore, #tpu.memory_space<semaphore_mem>>)
    %scan3A = arith.constant 0 : i32
    %scan3A_583 = arith.constant 0 : i32
    %scan3A_584 = arith.constant 15 : i32
    %scan3A_585 = arith.addi %scan3A_583, %scan3A_584 : i32
    %scan3A_586 = arith.constant 1 : i32
    scf.for %scan3A_1134 = %scan3A_583 to %scan3A_585 step %scan3A_586  : i32 {
      %mul3A_1135 = arith.constant 2 : i32
      %mul3A_1136 = arith.muli %mul3A_1135, %scan3A_1134 : i32
      %add3A_1137 = arith.constant 1 : i32
      %add3A_1138 = arith.addi %mul3A_1136, %add3A_1137 : i32
      %mul3A_1139 = arith.constant 10 : i32
      %mul3A_1140 = arith.muli %add3A_1138, %mul3A_1139 : i32
      %add3A_1141 = arith.constant 0 : i32
      %add3A_1142 = arith.addi %mul3A_1140, %add3A_1141 : i32
      %dma_wait3A_1143 = arith.constant 1 : i32
      %dma_wait3A_1144 = arith.constant 0 : i32
      %dma_wait3A_1145 = arith.constant 0 : i32
      %dma_wait3A_1146 = tpu.memref_slice %arg6[%dma_wait3A_1143, %dma_wait3A_1144, %dma_wait3A_1145] : memref<2x800x64xf32, #tpu.memory_space<vmem>> -> memref<1x800x64xf32, #tpu.memory_space<vmem>>
      %dma_wait3A_1147 = tpu.memref_squeeze %dma_wait3A_1146 : memref<1x800x64xf32, #tpu.memory_space<vmem>> -> memref<800x64xf32, #tpu.memory_space<vmem>>
      %dma_wait3A_1148 = arith.constant 0 : i32
      %dma_wait3A_1149 = arith.constant 0 : i32
      %dma_wait3A_1150 = tpu.memref_slice %dma_wait3A_1147[%dma_wait3A_1148, %dma_wait3A_1149] : memref<800x64xf32, #tpu.memory_space<vmem>> -> memref<80x64xf32, #tpu.memory_space<vmem>>
      %dma_wait3A_1151 = arith.constant 0 : i32
      %dma_wait3A_1152 = tpu.memref_slice %arg5[%add3A_1142, %dma_wait3A_1151] : memref<320x80xi32, #tpu.memory_space<vmem>> -> memref<1x80xi32, #tpu.memory_space<vmem>>
      %dma_wait3A_1153 = tpu.memref_squeeze %dma_wait3A_1152 : memref<1x80xi32, #tpu.memory_space<vmem>> -> memref<80xi32, #tpu.memory_space<vmem>>
      %dma_wait3A_1154 = arith.constant 0 : i32
      %dma_wait3A_1155 = arith.constant 0 : i32
      %dma_wait3A_1156 = tpu.memref_slice %arg3[%dma_wait3A_1154, %dma_wait3A_1155] : memref<1000000x64xf32, #tpu.memory_space<hbm>> -> memref<1000000x64xf32, #tpu.memory_space<hbm>>
      tpu.wait_indirect_dma semaphore(%arg8 : memref<!tpu.dma_semaphore, #tpu.memory_space<semaphore_mem>>) src(%dma_wait3A_1156 : memref<1000000x64xf32, #tpu.memory_space<hbm>>) dst(%dma_wait3A_1150 : memref<80x64xf32, #tpu.memory_space<vmem>>)
      %mul3A_1157 = arith.constant 10 : i32
      %mul3A_1158 = arith.muli %add3A_1138, %mul3A_1157 : i32
      %add3A_1159 = arith.constant 1 : i32
      %add3A_1160 = arith.addi %mul3A_1158, %add3A_1159 : i32
      %dma_wait3A_1161 = arith.constant 1 : i32
      %dma_wait3A_1162 = arith.constant 0 : i32
      %dma_wait3A_1163 = arith.constant 0 : i32
      %dma_wait3A_1164 = tpu.memref_slice %arg6[%dma_wait3A_1161, %dma_wait3A_1162, %dma_wait3A_1163] : memref<2x800x64xf32, #tpu.memory_space<vmem>> -> memref<1x800x64xf32, #tpu.memory_space<vmem>>
      %dma_wait3A_1165 = tpu.memref_squeeze %dma_wait3A_1164 : memref<1x800x64xf32, #tpu.memory_space<vmem>> -> memref<800x64xf32, #tpu.memory_space<vmem>>
      %dma_wait3A_1166 = arith.constant 80 : i32
      %dma_wait3A_1167 = arith.constant 0 : i32
      %dma_wait3A_1168 = tpu.memref_slice %dma_wait3A_1165[%dma_wait3A_1166, %dma_wait3A_1167] : memref<800x64xf32, #tpu.memory_space<vmem>> -> memref<80x64xf32, #tpu.memory_space<vmem>>
      %dma_wait3A_1169 = arith.constant 0 : i32
      %dma_wait3A_1170 = tpu.memref_slice %arg5[%add3A_1160, %dma_wait3A_1169] : memref<320x80xi32, #tpu.memory_space<vmem>> -> memref<1x80xi32, #tpu.memory_space<vmem>>
      %dma_wait3A_1171 = tpu.memref_squeeze %dma_wait3A_1170 : memref<1x80xi32, #tpu.memory_space<vmem>> -> memref<80xi32, #tpu.memory_space<vmem>>
      %dma_wait3A_1172 = arith.constant 0 : i32
      %dma_wait3A_1173 = arith.constant 0 : i32
      %dma_wait3A_1174 = tpu.memref_slice %arg3[%dma_wait3A_1172, %dma_wait3A_1173] : memref<1000000x64xf32, #tpu.memory_space<hbm>> -> memref<1000000x64xf32, #tpu.memory_space<hbm>>
      tpu.wait_indirect_dma semaphore(%arg8 : memref<!tpu.dma_semaphore, #tpu.memory_space<semaphore_mem>>) src(%dma_wait3A_1174 : memref<1000000x64xf32, #tpu.memory_space<hbm>>) dst(%dma_wait3A_1168 : memref<80x64xf32, #tpu.memory_space<vmem>>)
      %mul3A_1175 = arith.constant 10 : i32
      %mul3A_1176 = arith.muli %add3A_1138, %mul3A_1175 : i32
      %add3A_1177 = arith.constant 2 : i32
      %add3A_1178 = arith.addi %mul3A_1176, %add3A_1177 : i32
      %dma_wait3A_1179 = arith.constant 1 : i32
      %dma_wait3A_1180 = arith.constant 0 : i32
      %dma_wait3A_1181 = arith.constant 0 : i32
      %dma_wait3A_1182 = tpu.memref_slice %arg6[%dma_wait3A_1179, %dma_wait3A_1180, %dma_wait3A_1181] : memref<2x800x64xf32, #tpu.memory_space<vmem>> -> memref<1x800x64xf32, #tpu.memory_space<vmem>>
      %dma_wait3A_1183 = tpu.memref_squeeze %dma_wait3A_1182 : memref<1x800x64xf32, #tpu.memory_space<vmem>> -> memref<800x64xf32, #tpu.memory_space<vmem>>
      %dma_wait3A_1184 = arith.constant 160 : i32
      %dma_wait3A_1185 = arith.constant 0 : i32
      %dma_wait3A_1186 = tpu.memref_slice %dma_wait3A_1183[%dma_wait3A_1184, %dma_wait3A_1185] : memref<800x64xf32, #tpu.memory_space<vmem>> -> memref<80x64xf32, #tpu.memory_space<vmem>>
      %dma_wait3A_1187 = arith.constant 0 : i32
      %dma_wait3A_1188 = tpu.memref_slice %arg5[%add3A_1178, %dma_wait3A_1187] : memref<320x80xi32, #tpu.memory_space<vmem>> -> memref<1x80xi32, #tpu.memory_space<vmem>>
      %dma_wait3A_1189 = tpu.memref_squeeze %dma_wait3A_1188 : memref<1x80xi32, #tpu.memory_space<vmem>> -> memref<80xi32, #tpu.memory_space<vmem>>
      %dma_wait3A_1190 = arith.constant 0 : i32
      %dma_wait3A_1191 = arith.constant 0 : i32
      %dma_wait3A_1192 = tpu.memref_slice %arg3[%dma_wait3A_1190, %dma_wait3A_1191] : memref<1000000x64xf32, #tpu.memory_space<hbm>> -> memref<1000000x64xf32, #tpu.memory_space<hbm>>
      tpu.wait_indirect_dma semaphore(%arg8 : memref<!tpu.dma_semaphore, #tpu.memory_space<semaphore_mem>>) src(%dma_wait3A_1192 : memref<1000000x64xf32, #tpu.memory_space<hbm>>) dst(%dma_wait3A_1186 : memref<80x64xf32, #tpu.memory_space<vmem>>)
      %mul3A_1193 = arith.constant 10 : i32
      %mul3A_1194 = arith.muli %add3A_1138, %mul3A_1193 : i32
      %add3A_1195 = arith.constant 3 : i32
      %add3A_1196 = arith.addi %mul3A_1194, %add3A_1195 : i32
      %dma_wait3A_1197 = arith.constant 1 : i32
      %dma_wait3A_1198 = arith.constant 0 : i32
      %dma_wait3A_1199 = arith.constant 0 : i32
      %dma_wait3A_1200 = tpu.memref_slice %arg6[%dma_wait3A_1197, %dma_wait3A_1198, %dma_wait3A_1199] : memref<2x800x64xf32, #tpu.memory_space<vmem>> -> memref<1x800x64xf32, #tpu.memory_space<vmem>>
      %dma_wait3A_1201 = tpu.memref_squeeze %dma_wait3A_1200 : memref<1x800x64xf32, #tpu.memory_space<vmem>> -> memref<800x64xf32, #tpu.memory_space<vmem>>
      %dma_wait3A_1202 = arith.constant 240 : i32
      %dma_wait3A_1203 = arith.constant 0 : i32
      %dma_wait3A_1204 = tpu.memref_slice %dma_wait3A_1201[%dma_wait3A_1202, %dma_wait3A_1203] : memref<800x64xf32, #tpu.memory_space<vmem>> -> memref<80x64xf32, #tpu.memory_space<vmem>>
      %dma_wait3A_1205 = arith.constant 0 : i32
      %dma_wait3A_1206 = tpu.memref_slice %arg5[%add3A_1196, %dma_wait3A_1205] : memref<320x80xi32, #tpu.memory_space<vmem>> -> memref<1x80xi32, #tpu.memory_space<vmem>>
      %dma_wait3A_1207 = tpu.memref_squeeze %dma_wait3A_1206 : memref<1x80xi32, #tpu.memory_space<vmem>> -> memref<80xi32, #tpu.memory_space<vmem>>
      %dma_wait3A_1208 = arith.constant 0 : i32
      %dma_wait3A_1209 = arith.constant 0 : i32
      %dma_wait3A_1210 = tpu.memref_slice %arg3[%dma_wait3A_1208, %dma_wait3A_1209] : memref<1000000x64xf32, #tpu.memory_space<hbm>> -> memref<1000000x64xf32, #tpu.memory_space<hbm>>
      tpu.wait_indirect_dma semaphore(%arg8 : memref<!tpu.dma_semaphore, #tpu.memory_space<semaphore_mem>>) src(%dma_wait3A_1210 : memref<1000000x64xf32, #tpu.memory_space<hbm>>) dst(%dma_wait3A_1204 : memref<80x64xf32, #tpu.memory_space<vmem>>)
      %mul3A_1211 = arith.constant 10 : i32
      %mul3A_1212 = arith.muli %add3A_1138, %mul3A_1211 : i32
      %add3A_1213 = arith.constant 4 : i32
      %add3A_1214 = arith.addi %mul3A_1212, %add3A_1213 : i32
      %dma_wait3A_1215 = arith.constant 1 : i32
      %dma_wait3A_1216 = arith.constant 0 : i32
      %dma_wait3A_1217 = arith.constant 0 : i32
      %dma_wait3A_1218 = tpu.memref_slice %arg6[%dma_wait3A_1215, %dma_wait3A_1216, %dma_wait3A_1217] : memref<2x800x64xf32, #tpu.memory_space<vmem>> -> memref<1x800x64xf32, #tpu.memory_space<vmem>>
      %dma_wait3A_1219 = tpu.memref_squeeze %dma_wait3A_1218 : memref<1x800x64xf32, #tpu.memory_space<vmem>> -> memref<800x64xf32, #tpu.memory_space<vmem>>
      %dma_wait3A_1220 = arith.constant 320 : i32
      %dma_wait3A_1221 = arith.constant 0 : i32
      %dma_wait3A_1222 = tpu.memref_slice %dma_wait3A_1219[%dma_wait3A_1220, %dma_wait3A_1221] : memref<800x64xf32, #tpu.memory_space<vmem>> -> memref<80x64xf32, #tpu.memory_space<vmem>>
      %dma_wait3A_1223 = arith.constant 0 : i32
      %dma_wait3A_1224 = tpu.memref_slice %arg5[%add3A_1214, %dma_wait3A_1223] : memref<320x80xi32, #tpu.memory_space<vmem>> -> memref<1x80xi32, #tpu.memory_space<vmem>>
      %dma_wait3A_1225 = tpu.memref_squeeze %dma_wait3A_1224 : memref<1x80xi32, #tpu.memory_space<vmem>> -> memref<80xi32, #tpu.memory_space<vmem>>
      %dma_wait3A_1226 = arith.constant 0 : i32
      %dma_wait3A_1227 = arith.constant 0 : i32
      %dma_wait3A_1228 = tpu.memref_slice %arg3[%dma_wait3A_1226, %dma_wait3A_1227] : memref<1000000x64xf32, #tpu.memory_space<hbm>> -> memref<1000000x64xf32, #tpu.memory_space<hbm>>
      tpu.wait_indirect_dma semaphore(%arg8 : memref<!tpu.dma_semaphore, #tpu.memory_space<semaphore_mem>>) src(%dma_wait3A_1228 : memref<1000000x64xf32, #tpu.memory_space<hbm>>) dst(%dma_wait3A_1222 : memref<80x64xf32, #tpu.memory_space<vmem>>)
      %mul3A_1229 = arith.constant 10 : i32
      %mul3A_1230 = arith.muli %add3A_1138, %mul3A_1229 : i32
      %add3A_1231 = arith.constant 5 : i32
      %add3A_1232 = arith.addi %mul3A_1230, %add3A_1231 : i32
      %dma_wait3A_1233 = arith.constant 1 : i32
      %dma_wait3A_1234 = arith.constant 0 : i32
      %dma_wait3A_1235 = arith.constant 0 : i32
      %dma_wait3A_1236 = tpu.memref_slice %arg6[%dma_wait3A_1233, %dma_wait3A_1234, %dma_wait3A_1235] : memref<2x800x64xf32, #tpu.memory_space<vmem>> -> memref<1x800x64xf32, #tpu.memory_space<vmem>>
      %dma_wait3A_1237 = tpu.memref_squeeze %dma_wait3A_1236 : memref<1x800x64xf32, #tpu.memory_space<vmem>> -> memref<800x64xf32, #tpu.memory_space<vmem>>
      %dma_wait3A_1238 = arith.constant 400 : i32
      %dma_wait3A_1239 = arith.constant 0 : i32
      %dma_wait3A_1240 = tpu.memref_slice %dma_wait3A_1237[%dma_wait3A_1238, %dma_wait3A_1239] : memref<800x64xf32, #tpu.memory_space<vmem>> -> memref<80x64xf32, #tpu.memory_space<vmem>>
      %dma_wait3A_1241 = arith.constant 0 : i32
      %dma_wait3A_1242 = tpu.memref_slice %arg5[%add3A_1232, %dma_wait3A_1241] : memref<320x80xi32, #tpu.memory_space<vmem>> -> memref<1x80xi32, #tpu.memory_space<vmem>>
      %dma_wait3A_1243 = tpu.memref_squeeze %dma_wait3A_1242 : memref<1x80xi32, #tpu.memory_space<vmem>> -> memref<80xi32, #tpu.memory_space<vmem>>
      %dma_wait3A_1244 = arith.constant 0 : i32
      %dma_wait3A_1245 = arith.constant 0 : i32
      %dma_wait3A_1246 = tpu.memref_slice %arg3[%dma_wait3A_1244, %dma_wait3A_1245] : memref<1000000x64xf32, #tpu.memory_space<hbm>> -> memref<1000000x64xf32, #tpu.memory_space<hbm>>
      tpu.wait_indirect_dma semaphore(%arg8 : memref<!tpu.dma_semaphore, #tpu.memory_space<semaphore_mem>>) src(%dma_wait3A_1246 : memref<1000000x64xf32, #tpu.memory_space<hbm>>) dst(%dma_wait3A_1240 : memref<80x64xf32, #tpu.memory_space<vmem>>)
      %mul3A_1247 = arith.constant 10 : i32
      %mul3A_1248 = arith.muli %add3A_1138, %mul3A_1247 : i32
      %add3A_1249 = arith.constant 6 : i32
      %add3A_1250 = arith.addi %mul3A_1248, %add3A_1249 : i32
      %dma_wait3A_1251 = arith.constant 1 : i32
      %dma_wait3A_1252 = arith.constant 0 : i32
      %dma_wait3A_1253 = arith.constant 0 : i32
      %dma_wait3A_1254 = tpu.memref_slice %arg6[%dma_wait3A_1251, %dma_wait3A_1252, %dma_wait3A_1253] : memref<2x800x64xf32, #tpu.memory_space<vmem>> -> memref<1x800x64xf32, #tpu.memory_space<vmem>>
      %dma_wait3A_1255 = tpu.memref_squeeze %dma_wait3A_1254 : memref<1x800x64xf32, #tpu.memory_space<vmem>> -> memref<800x64xf32, #tpu.memory_space<vmem>>
      %dma_wait3A_1256 = arith.constant 480 : i32
      %dma_wait3A_1257 = arith.constant 0 : i32
      %dma_wait3A_1258 = tpu.memref_slice %dma_wait3A_1255[%dma_wait3A_1256, %dma_wait3A_1257] : memref<800x64xf32, #tpu.memory_space<vmem>> -> memref<80x64xf32, #tpu.memory_space<vmem>>
      %dma_wait3A_1259 = arith.constant 0 : i32
      %dma_wait3A_1260 = tpu.memref_slice %arg5[%add3A_1250, %dma_wait3A_1259] : memref<320x80xi32, #tpu.memory_space<vmem>> -> memref<1x80xi32, #tpu.memory_space<vmem>>
      %dma_wait3A_1261 = tpu.memref_squeeze %dma_wait3A_1260 : memref<1x80xi32, #tpu.memory_space<vmem>> -> memref<80xi32, #tpu.memory_space<vmem>>
      %dma_wait3A_1262 = arith.constant 0 : i32
      %dma_wait3A_1263 = arith.constant 0 : i32
      %dma_wait3A_1264 = tpu.memref_slice %arg3[%dma_wait3A_1262, %dma_wait3A_1263] : memref<1000000x64xf32, #tpu.memory_space<hbm>> -> memref<1000000x64xf32, #tpu.memory_space<hbm>>
      tpu.wait_indirect_dma semaphore(%arg8 : memref<!tpu.dma_semaphore, #tpu.memory_space<semaphore_mem>>) src(%dma_wait3A_1264 : memref<1000000x64xf32, #tpu.memory_space<hbm>>) dst(%dma_wait3A_1258 : memref<80x64xf32, #tpu.memory_space<vmem>>)
      %mul3A_1265 = arith.constant 10 : i32
      %mul3A_1266 = arith.muli %add3A_1138, %mul3A_1265 : i32
      %add3A_1267 = arith.constant 7 : i32
      %add3A_1268 = arith.addi %mul3A_1266, %add3A_1267 : i32
      %dma_wait3A_1269 = arith.constant 1 : i32
      %dma_wait3A_1270 = arith.constant 0 : i32
      %dma_wait3A_1271 = arith.constant 0 : i32
      %dma_wait3A_1272 = tpu.memref_slice %arg6[%dma_wait3A_1269, %dma_wait3A_1270, %dma_wait3A_1271] : memref<2x800x64xf32, #tpu.memory_space<vmem>> -> memref<1x800x64xf32, #tpu.memory_space<vmem>>
      %dma_wait3A_1273 = tpu.memref_squeeze %dma_wait3A_1272 : memref<1x800x64xf32, #tpu.memory_space<vmem>> -> memref<800x64xf32, #tpu.memory_space<vmem>>
      %dma_wait3A_1274 = arith.constant 560 : i32
      %dma_wait3A_1275 = arith.constant 0 : i32
      %dma_wait3A_1276 = tpu.memref_slice %dma_wait3A_1273[%dma_wait3A_1274, %dma_wait3A_1275] : memref<800x64xf32, #tpu.memory_space<vmem>> -> memref<80x64xf32, #tpu.memory_space<vmem>>
      %dma_wait3A_1277 = arith.constant 0 : i32
      %dma_wait3A_1278 = tpu.memref_slice %arg5[%add3A_1268, %dma_wait3A_1277] : memref<320x80xi32, #tpu.memory_space<vmem>> -> memref<1x80xi32, #tpu.memory_space<vmem>>
      %dma_wait3A_1279 = tpu.memref_squeeze %dma_wait3A_1278 : memref<1x80xi32, #tpu.memory_space<vmem>> -> memref<80xi32, #tpu.memory_space<vmem>>
      %dma_wait3A_1280 = arith.constant 0 : i32
      %dma_wait3A_1281 = arith.constant 0 : i32
      %dma_wait3A_1282 = tpu.memref_slice %arg3[%dma_wait3A_1280, %dma_wait3A_1281] : memref<1000000x64xf32, #tpu.memory_space<hbm>> -> memref<1000000x64xf32, #tpu.memory_space<hbm>>
      tpu.wait_indirect_dma semaphore(%arg8 : memref<!tpu.dma_semaphore, #tpu.memory_space<semaphore_mem>>) src(%dma_wait3A_1282 : memref<1000000x64xf32, #tpu.memory_space<hbm>>) dst(%dma_wait3A_1276 : memref<80x64xf32, #tpu.memory_space<vmem>>)
      %mul3A_1283 = arith.constant 10 : i32
      %mul3A_1284 = arith.muli %add3A_1138, %mul3A_1283 : i32
      %add3A_1285 = arith.constant 8 : i32
      %add3A_1286 = arith.addi %mul3A_1284, %add3A_1285 : i32
      %dma_wait3A_1287 = arith.constant 1 : i32
      %dma_wait3A_1288 = arith.constant 0 : i32
      %dma_wait3A_1289 = arith.constant 0 : i32
      %dma_wait3A_1290 = tpu.memref_slice %arg6[%dma_wait3A_1287, %dma_wait3A_1288, %dma_wait3A_1289] : memref<2x800x64xf32, #tpu.memory_space<vmem>> -> memref<1x800x64xf32, #tpu.memory_space<vmem>>
      %dma_wait3A_1291 = tpu.memref_squeeze %dma_wait3A_1290 : memref<1x800x64xf32, #tpu.memory_space<vmem>> -> memref<800x64xf32, #tpu.memory_space<vmem>>
      %dma_wait3A_1292 = arith.constant 640 : i32
      %dma_wait3A_1293 = arith.constant 0 : i32
      %dma_wait3A_1294 = tpu.memref_slice %dma_wait3A_1291[%dma_wait3A_1292, %dma_wait3A_1293] : memref<800x64xf32, #tpu.memory_space<vmem>> -> memref<80x64xf32, #tpu.memory_space<vmem>>
      %dma_wait3A_1295 = arith.constant 0 : i32
      %dma_wait3A_1296 = tpu.memref_slice %arg5[%add3A_1286, %dma_wait3A_1295] : memref<320x80xi32, #tpu.memory_space<vmem>> -> memref<1x80xi32, #tpu.memory_space<vmem>>
      %dma_wait3A_1297 = tpu.memref_squeeze %dma_wait3A_1296 : memref<1x80xi32, #tpu.memory_space<vmem>> -> memref<80xi32, #tpu.memory_space<vmem>>
      %dma_wait3A_1298 = arith.constant 0 : i32
      %dma_wait3A_1299 = arith.constant 0 : i32
      %dma_wait3A_1300 = tpu.memref_slice %arg3[%dma_wait3A_1298, %dma_wait3A_1299] : memref<1000000x64xf32, #tpu.memory_space<hbm>> -> memref<1000000x64xf32, #tpu.memory_space<hbm>>
      tpu.wait_indirect_dma semaphore(%arg8 : memref<!tpu.dma_semaphore, #tpu.memory_space<semaphore_mem>>) src(%dma_wait3A_1300 : memref<1000000x64xf32, #tpu.memory_space<hbm>>) dst(%dma_wait3A_1294 : memref<80x64xf32, #tpu.memory_space<vmem>>)
      %mul3A_1301 = arith.constant 10 : i32
      %mul3A_1302 = arith.muli %add3A_1138, %mul3A_1301 : i32
      %add3A_1303 = arith.constant 9 : i32
      %add3A_1304 = arith.addi %mul3A_1302, %add3A_1303 : i32
      %dma_wait3A_1305 = arith.constant 1 : i32
      %dma_wait3A_1306 = arith.constant 0 : i32
      %dma_wait3A_1307 = arith.constant 0 : i32
      %dma_wait3A_1308 = tpu.memref_slice %arg6[%dma_wait3A_1305, %dma_wait3A_1306, %dma_wait3A_1307] : memref<2x800x64xf32, #tpu.memory_space<vmem>> -> memref<1x800x64xf32, #tpu.memory_space<vmem>>
      %dma_wait3A_1309 = tpu.memref_squeeze %dma_wait3A_1308 : memref<1x800x64xf32, #tpu.memory_space<vmem>> -> memref<800x64xf32, #tpu.memory_space<vmem>>
      %dma_wait3A_1310 = arith.constant 720 : i32
      %dma_wait3A_1311 = arith.constant 0 : i32
      %dma_wait3A_1312 = tpu.memref_slice %dma_wait3A_1309[%dma_wait3A_1310, %dma_wait3A_1311] : memref<800x64xf32, #tpu.memory_space<vmem>> -> memref<80x64xf32, #tpu.memory_space<vmem>>
      %dma_wait3A_1313 = arith.constant 0 : i32
      %dma_wait3A_1314 = tpu.memref_slice %arg5[%add3A_1304, %dma_wait3A_1313] : memref<320x80xi32, #tpu.memory_space<vmem>> -> memref<1x80xi32, #tpu.memory_space<vmem>>
      %dma_wait3A_1315 = tpu.memref_squeeze %dma_wait3A_1314 : memref<1x80xi32, #tpu.memory_space<vmem>> -> memref<80xi32, #tpu.memory_space<vmem>>
      %dma_wait3A_1316 = arith.constant 0 : i32
      %dma_wait3A_1317 = arith.constant 0 : i32
      %dma_wait3A_1318 = tpu.memref_slice %arg3[%dma_wait3A_1316, %dma_wait3A_1317] : memref<1000000x64xf32, #tpu.memory_space<hbm>> -> memref<1000000x64xf32, #tpu.memory_space<hbm>>
      tpu.wait_indirect_dma semaphore(%arg8 : memref<!tpu.dma_semaphore, #tpu.memory_space<semaphore_mem>>) src(%dma_wait3A_1318 : memref<1000000x64xf32, #tpu.memory_space<hbm>>) dst(%dma_wait3A_1312 : memref<80x64xf32, #tpu.memory_space<vmem>>)
      %mul3A_1319 = arith.constant 4 : i32
      %mul3A_1320 = arith.muli %add3A_1138, %mul3A_1319 : i32
      %add3A_1321 = arith.addi %mul3A_2, %mul3A_1320 : i32
      %add3A_1322 = arith.constant 0 : i32
      %add3A_1323 = arith.addi %add3A_1321, %add3A_1322 : i32
      %dma_start3A_1324 = arith.constant 1 : i32
      %dma_start3A_1325 = arith.constant 0 : i32
      %dma_start3A_1326 = arith.constant 0 : i32
      %dma_start3A_1327 = tpu.memref_slice %arg6[%dma_start3A_1324, %dma_start3A_1325, %dma_start3A_1326] : memref<2x800x64xf32, #tpu.memory_space<vmem>> -> memref<1x800x64xf32, #tpu.memory_space<vmem>>
      %dma_start3A_1328 = tpu.memref_squeeze %dma_start3A_1327 : memref<1x800x64xf32, #tpu.memory_space<vmem>> -> memref<800x64xf32, #tpu.memory_space<vmem>>
      %dma_start3A_1329 = arith.constant 0 : i32
      %dma_start3A_1330 = arith.constant 0 : i32
      %dma_start3A_1331 = tpu.memref_slice %dma_start3A_1328[%dma_start3A_1329, %dma_start3A_1330] : memref<800x64xf32, #tpu.memory_space<vmem>> -> memref<200x64xf32, #tpu.memory_space<vmem>>
      %dma_start3A_1332 = arith.constant 0 : i32
      %dma_start3A_1333 = arith.constant 0 : i32
      %dma_start3A_1334 = tpu.memref_slice %arg4[%add3A_1323, %dma_start3A_1332, %dma_start3A_1333] : memref<4096x200x128xf32, #tpu.memory_space<hbm>> -> memref<1x200x128xf32, #tpu.memory_space<hbm>>
      %dma_start3A_1335 = tpu.memref_squeeze %dma_start3A_1334 : memref<1x200x128xf32, #tpu.memory_space<hbm>> -> memref<200x128xf32, #tpu.memory_space<hbm>>
      %dma_start3A_1336 = arith.constant 0 : i32
      %dma_start3A_1337 = arith.constant 0 : i32
      %dma_start3A_1338 = tpu.memref_slice %dma_start3A_1335[%dma_start3A_1336, %dma_start3A_1337] : memref<200x128xf32, #tpu.memory_space<hbm>> -> memref<200x64xf32, #tpu.memory_space<hbm>>
      %dma_start3A_1339 = arith.constant 0 : i32
      %dma_start3A_1340 = arith.constant 0 : i32
      %dma_start3A_1341 = tpu.memref_slice %arg4[%add3A_1323, %dma_start3A_1339, %dma_start3A_1340] : memref<4096x200x128xf32, #tpu.memory_space<hbm>> -> memref<1x200x128xf32, #tpu.memory_space<hbm>>
      %dma_start3A_1342 = tpu.memref_squeeze %dma_start3A_1341 : memref<1x200x128xf32, #tpu.memory_space<hbm>> -> memref<200x128xf32, #tpu.memory_space<hbm>>
      %dma_start3A_1343 = arith.constant 0 : i32
      %dma_start3A_1344 = arith.constant 0 : i32
      %dma_start3A_1345 = tpu.memref_slice %dma_start3A_1342[%dma_start3A_1343, %dma_start3A_1344] : memref<200x128xf32, #tpu.memory_space<hbm>> -> memref<200x64xf32, #tpu.memory_space<hbm>>
      %dma_start3A_1346 = arith.constant 0 : i32
      %dma_start3A_1347 = arith.constant 0 : i32
      %dma_start3A_1348 = tpu.memref_slice %arg6[%dma_start3A_1324, %dma_start3A_1346, %dma_start3A_1347] : memref<2x800x64xf32, #tpu.memory_space<vmem>> -> memref<1x800x64xf32, #tpu.memory_space<vmem>>
      %dma_start3A_1349 = tpu.memref_squeeze %dma_start3A_1348 : memref<1x800x64xf32, #tpu.memory_space<vmem>> -> memref<800x64xf32, #tpu.memory_space<vmem>>
      %dma_start3A_1350 = arith.constant 0 : i32
      %dma_start3A_1351 = arith.constant 0 : i32
      %dma_start3A_1352 = tpu.memref_slice %dma_start3A_1349[%dma_start3A_1350, %dma_start3A_1351] : memref<800x64xf32, #tpu.memory_space<vmem>> -> memref<200x64xf32, #tpu.memory_space<vmem>>
      tpu.enqueue_dma source(%dma_start3A_1352 : memref<200x64xf32, #tpu.memory_space<vmem>>) target(%dma_start3A_1345 : memref<200x64xf32, #tpu.memory_space<hbm>>) target_semaphore(%arg10 : memref<!tpu.dma_semaphore, #tpu.memory_space<semaphore_mem>>)
      %mul3A_1353 = arith.constant 4 : i32
      %mul3A_1354 = arith.muli %add3A_1138, %mul3A_1353 : i32
      %add3A_1355 = arith.addi %mul3A_2, %mul3A_1354 : i32
      %add3A_1356 = arith.constant 1 : i32
      %add3A_1357 = arith.addi %add3A_1355, %add3A_1356 : i32
      %dma_start3A_1358 = arith.constant 1 : i32
      %dma_start3A_1359 = arith.constant 0 : i32
      %dma_start3A_1360 = arith.constant 0 : i32
      %dma_start3A_1361 = tpu.memref_slice %arg6[%dma_start3A_1358, %dma_start3A_1359, %dma_start3A_1360] : memref<2x800x64xf32, #tpu.memory_space<vmem>> -> memref<1x800x64xf32, #tpu.memory_space<vmem>>
      %dma_start3A_1362 = tpu.memref_squeeze %dma_start3A_1361 : memref<1x800x64xf32, #tpu.memory_space<vmem>> -> memref<800x64xf32, #tpu.memory_space<vmem>>
      %dma_start3A_1363 = arith.constant 200 : i32
      %dma_start3A_1364 = arith.constant 0 : i32
      %dma_start3A_1365 = tpu.memref_slice %dma_start3A_1362[%dma_start3A_1363, %dma_start3A_1364] : memref<800x64xf32, #tpu.memory_space<vmem>> -> memref<200x64xf32, #tpu.memory_space<vmem>>
      %dma_start3A_1366 = arith.constant 0 : i32
      %dma_start3A_1367 = arith.constant 0 : i32
      %dma_start3A_1368 = tpu.memref_slice %arg4[%add3A_1357, %dma_start3A_1366, %dma_start3A_1367] : memref<4096x200x128xf32, #tpu.memory_space<hbm>> -> memref<1x200x128xf32, #tpu.memory_space<hbm>>
      %dma_start3A_1369 = tpu.memref_squeeze %dma_start3A_1368 : memref<1x200x128xf32, #tpu.memory_space<hbm>> -> memref<200x128xf32, #tpu.memory_space<hbm>>
      %dma_start3A_1370 = arith.constant 0 : i32
      %dma_start3A_1371 = arith.constant 0 : i32
      %dma_start3A_1372 = tpu.memref_slice %dma_start3A_1369[%dma_start3A_1370, %dma_start3A_1371] : memref<200x128xf32, #tpu.memory_space<hbm>> -> memref<200x64xf32, #tpu.memory_space<hbm>>
      %dma_start3A_1373 = arith.constant 0 : i32
      %dma_start3A_1374 = arith.constant 0 : i32
      %dma_start3A_1375 = tpu.memref_slice %arg4[%add3A_1357, %dma_start3A_1373, %dma_start3A_1374] : memref<4096x200x128xf32, #tpu.memory_space<hbm>> -> memref<1x200x128xf32, #tpu.memory_space<hbm>>
      %dma_start3A_1376 = tpu.memref_squeeze %dma_start3A_1375 : memref<1x200x128xf32, #tpu.memory_space<hbm>> -> memref<200x128xf32, #tpu.memory_space<hbm>>
      %dma_start3A_1377 = arith.constant 0 : i32
      %dma_start3A_1378 = arith.constant 0 : i32
      %dma_start3A_1379 = tpu.memref_slice %dma_start3A_1376[%dma_start3A_1377, %dma_start3A_1378] : memref<200x128xf32, #tpu.memory_space<hbm>> -> memref<200x64xf32, #tpu.memory_space<hbm>>
      %dma_start3A_1380 = arith.constant 0 : i32
      %dma_start3A_1381 = arith.constant 0 : i32
      %dma_start3A_1382 = tpu.memref_slice %arg6[%dma_start3A_1358, %dma_start3A_1380, %dma_start3A_1381] : memref<2x800x64xf32, #tpu.memory_space<vmem>> -> memref<1x800x64xf32, #tpu.memory_space<vmem>>
      %dma_start3A_1383 = tpu.memref_squeeze %dma_start3A_1382 : memref<1x800x64xf32, #tpu.memory_space<vmem>> -> memref<800x64xf32, #tpu.memory_space<vmem>>
      %dma_start3A_1384 = arith.constant 200 : i32
      %dma_start3A_1385 = arith.constant 0 : i32
      %dma_start3A_1386 = tpu.memref_slice %dma_start3A_1383[%dma_start3A_1384, %dma_start3A_1385] : memref<800x64xf32, #tpu.memory_space<vmem>> -> memref<200x64xf32, #tpu.memory_space<vmem>>
      tpu.enqueue_dma source(%dma_start3A_1386 : memref<200x64xf32, #tpu.memory_space<vmem>>) target(%dma_start3A_1379 : memref<200x64xf32, #tpu.memory_space<hbm>>) target_semaphore(%arg10 : memref<!tpu.dma_semaphore, #tpu.memory_space<semaphore_mem>>)
      %mul3A_1387 = arith.constant 4 : i32
      %mul3A_1388 = arith.muli %add3A_1138, %mul3A_1387 : i32
      %add3A_1389 = arith.addi %mul3A_2, %mul3A_1388 : i32
      %add3A_1390 = arith.constant 2 : i32
      %add3A_1391 = arith.addi %add3A_1389, %add3A_1390 : i32
      %dma_start3A_1392 = arith.constant 1 : i32
      %dma_start3A_1393 = arith.constant 0 : i32
      %dma_start3A_1394 = arith.constant 0 : i32
      %dma_start3A_1395 = tpu.memref_slice %arg6[%dma_start3A_1392, %dma_start3A_1393, %dma_start3A_1394] : memref<2x800x64xf32, #tpu.memory_space<vmem>> -> memref<1x800x64xf32, #tpu.memory_space<vmem>>
      %dma_start3A_1396 = tpu.memref_squeeze %dma_start3A_1395 : memref<1x800x64xf32, #tpu.memory_space<vmem>> -> memref<800x64xf32, #tpu.memory_space<vmem>>
      %dma_start3A_1397 = arith.constant 400 : i32
      %dma_start3A_1398 = arith.constant 0 : i32
      %dma_start3A_1399 = tpu.memref_slice %dma_start3A_1396[%dma_start3A_1397, %dma_start3A_1398] : memref<800x64xf32, #tpu.memory_space<vmem>> -> memref<200x64xf32, #tpu.memory_space<vmem>>
      %dma_start3A_1400 = arith.constant 0 : i32
      %dma_start3A_1401 = arith.constant 0 : i32
      %dma_start3A_1402 = tpu.memref_slice %arg4[%add3A_1391, %dma_start3A_1400, %dma_start3A_1401] : memref<4096x200x128xf32, #tpu.memory_space<hbm>> -> memref<1x200x128xf32, #tpu.memory_space<hbm>>
      %dma_start3A_1403 = tpu.memref_squeeze %dma_start3A_1402 : memref<1x200x128xf32, #tpu.memory_space<hbm>> -> memref<200x128xf32, #tpu.memory_space<hbm>>
      %dma_start3A_1404 = arith.constant 0 : i32
      %dma_start3A_1405 = arith.constant 0 : i32
      %dma_start3A_1406 = tpu.memref_slice %dma_start3A_1403[%dma_start3A_1404, %dma_start3A_1405] : memref<200x128xf32, #tpu.memory_space<hbm>> -> memref<200x64xf32, #tpu.memory_space<hbm>>
      %dma_start3A_1407 = arith.constant 0 : i32
      %dma_start3A_1408 = arith.constant 0 : i32
      %dma_start3A_1409 = tpu.memref_slice %arg4[%add3A_1391, %dma_start3A_1407, %dma_start3A_1408] : memref<4096x200x128xf32, #tpu.memory_space<hbm>> -> memref<1x200x128xf32, #tpu.memory_space<hbm>>
      %dma_start3A_1410 = tpu.memref_squeeze %dma_start3A_1409 : memref<1x200x128xf32, #tpu.memory_space<hbm>> -> memref<200x128xf32, #tpu.memory_space<hbm>>
      %dma_start3A_1411 = arith.constant 0 : i32
      %dma_start3A_1412 = arith.constant 0 : i32
      %dma_start3A_1413 = tpu.memref_slice %dma_start3A_1410[%dma_start3A_1411, %dma_start3A_1412] : memref<200x128xf32, #tpu.memory_space<hbm>> -> memref<200x64xf32, #tpu.memory_space<hbm>>
      %dma_start3A_1414 = arith.constant 0 : i32
      %dma_start3A_1415 = arith.constant 0 : i32
      %dma_start3A_1416 = tpu.memref_slice %arg6[%dma_start3A_1392, %dma_start3A_1414, %dma_start3A_1415] : memref<2x800x64xf32, #tpu.memory_space<vmem>> -> memref<1x800x64xf32, #tpu.memory_space<vmem>>
      %dma_start3A_1417 = tpu.memref_squeeze %dma_start3A_1416 : memref<1x800x64xf32, #tpu.memory_space<vmem>> -> memref<800x64xf32, #tpu.memory_space<vmem>>
      %dma_start3A_1418 = arith.constant 400 : i32
      %dma_start3A_1419 = arith.constant 0 : i32
      %dma_start3A_1420 = tpu.memref_slice %dma_start3A_1417[%dma_start3A_1418, %dma_start3A_1419] : memref<800x64xf32, #tpu.memory_space<vmem>> -> memref<200x64xf32, #tpu.memory_space<vmem>>
      tpu.enqueue_dma source(%dma_start3A_1420 : memref<200x64xf32, #tpu.memory_space<vmem>>) target(%dma_start3A_1413 : memref<200x64xf32, #tpu.memory_space<hbm>>) target_semaphore(%arg10 : memref<!tpu.dma_semaphore, #tpu.memory_space<semaphore_mem>>)
      %mul3A_1421 = arith.constant 4 : i32
      %mul3A_1422 = arith.muli %add3A_1138, %mul3A_1421 : i32
      %add3A_1423 = arith.addi %mul3A_2, %mul3A_1422 : i32
      %add3A_1424 = arith.constant 3 : i32
      %add3A_1425 = arith.addi %add3A_1423, %add3A_1424 : i32
      %dma_start3A_1426 = arith.constant 1 : i32
      %dma_start3A_1427 = arith.constant 0 : i32
      %dma_start3A_1428 = arith.constant 0 : i32
      %dma_start3A_1429 = tpu.memref_slice %arg6[%dma_start3A_1426, %dma_start3A_1427, %dma_start3A_1428] : memref<2x800x64xf32, #tpu.memory_space<vmem>> -> memref<1x800x64xf32, #tpu.memory_space<vmem>>
      %dma_start3A_1430 = tpu.memref_squeeze %dma_start3A_1429 : memref<1x800x64xf32, #tpu.memory_space<vmem>> -> memref<800x64xf32, #tpu.memory_space<vmem>>
      %dma_start3A_1431 = arith.constant 600 : i32
      %dma_start3A_1432 = arith.constant 0 : i32
      %dma_start3A_1433 = tpu.memref_slice %dma_start3A_1430[%dma_start3A_1431, %dma_start3A_1432] : memref<800x64xf32, #tpu.memory_space<vmem>> -> memref<200x64xf32, #tpu.memory_space<vmem>>
      %dma_start3A_1434 = arith.constant 0 : i32
      %dma_start3A_1435 = arith.constant 0 : i32
      %dma_start3A_1436 = tpu.memref_slice %arg4[%add3A_1425, %dma_start3A_1434, %dma_start3A_1435] : memref<4096x200x128xf32, #tpu.memory_space<hbm>> -> memref<1x200x128xf32, #tpu.memory_space<hbm>>
      %dma_start3A_1437 = tpu.memref_squeeze %dma_start3A_1436 : memref<1x200x128xf32, #tpu.memory_space<hbm>> -> memref<200x128xf32, #tpu.memory_space<hbm>>
      %dma_start3A_1438 = arith.constant 0 : i32
      %dma_start3A_1439 = arith.constant 0 : i32
      %dma_start3A_1440 = tpu.memref_slice %dma_start3A_1437[%dma_start3A_1438, %dma_start3A_1439] : memref<200x128xf32, #tpu.memory_space<hbm>> -> memref<200x64xf32, #tpu.memory_space<hbm>>
      %dma_start3A_1441 = arith.constant 0 : i32
      %dma_start3A_1442 = arith.constant 0 : i32
      %dma_start3A_1443 = tpu.memref_slice %arg4[%add3A_1425, %dma_start3A_1441, %dma_start3A_1442] : memref<4096x200x128xf32, #tpu.memory_space<hbm>> -> memref<1x200x128xf32, #tpu.memory_space<hbm>>
      %dma_start3A_1444 = tpu.memref_squeeze %dma_start3A_1443 : memref<1x200x128xf32, #tpu.memory_space<hbm>> -> memref<200x128xf32, #tpu.memory_space<hbm>>
      %dma_start3A_1445 = arith.constant 0 : i32
      %dma_start3A_1446 = arith.constant 0 : i32
      %dma_start3A_1447 = tpu.memref_slice %dma_start3A_1444[%dma_start3A_1445, %dma_start3A_1446] : memref<200x128xf32, #tpu.memory_space<hbm>> -> memref<200x64xf32, #tpu.memory_space<hbm>>
      %dma_start3A_1448 = arith.constant 0 : i32
      %dma_start3A_1449 = arith.constant 0 : i32
      %dma_start3A_1450 = tpu.memref_slice %arg6[%dma_start3A_1426, %dma_start3A_1448, %dma_start3A_1449] : memref<2x800x64xf32, #tpu.memory_space<vmem>> -> memref<1x800x64xf32, #tpu.memory_space<vmem>>
      %dma_start3A_1451 = tpu.memref_squeeze %dma_start3A_1450 : memref<1x800x64xf32, #tpu.memory_space<vmem>> -> memref<800x64xf32, #tpu.memory_space<vmem>>
      %dma_start3A_1452 = arith.constant 600 : i32
      %dma_start3A_1453 = arith.constant 0 : i32
      %dma_start3A_1454 = tpu.memref_slice %dma_start3A_1451[%dma_start3A_1452, %dma_start3A_1453] : memref<800x64xf32, #tpu.memory_space<vmem>> -> memref<200x64xf32, #tpu.memory_space<vmem>>
      tpu.enqueue_dma source(%dma_start3A_1454 : memref<200x64xf32, #tpu.memory_space<vmem>>) target(%dma_start3A_1447 : memref<200x64xf32, #tpu.memory_space<hbm>>) target_semaphore(%arg10 : memref<!tpu.dma_semaphore, #tpu.memory_space<semaphore_mem>>)
      %sub3A = arith.constant 1 : i32
      %sub3A_1455 = arith.subi %add3A_1138, %sub3A : i32
      %mul3A_1456 = arith.constant 4 : i32
      %mul3A_1457 = arith.muli %sub3A_1455, %mul3A_1456 : i32
      %add3A_1458 = arith.addi %mul3A_2, %mul3A_1457 : i32
      %add3A_1459 = arith.constant 0 : i32
      %add3A_1460 = arith.addi %add3A_1458, %add3A_1459 : i32
      %dma_wait3A_1461 = arith.constant 0 : i32
      %dma_wait3A_1462 = arith.constant 0 : i32
      %dma_wait3A_1463 = arith.constant 0 : i32
      %dma_wait3A_1464 = tpu.memref_slice %arg6[%dma_wait3A_1461, %dma_wait3A_1462, %dma_wait3A_1463] : memref<2x800x64xf32, #tpu.memory_space<vmem>> -> memref<1x800x64xf32, #tpu.memory_space<vmem>>
      %dma_wait3A_1465 = tpu.memref_squeeze %dma_wait3A_1464 : memref<1x800x64xf32, #tpu.memory_space<vmem>> -> memref<800x64xf32, #tpu.memory_space<vmem>>
      %dma_wait3A_1466 = arith.constant 0 : i32
      %dma_wait3A_1467 = arith.constant 0 : i32
      %dma_wait3A_1468 = tpu.memref_slice %dma_wait3A_1465[%dma_wait3A_1466, %dma_wait3A_1467] : memref<800x64xf32, #tpu.memory_space<vmem>> -> memref<200x64xf32, #tpu.memory_space<vmem>>
      %dma_wait3A_1469 = arith.constant 0 : i32
      %dma_wait3A_1470 = arith.constant 0 : i32
      %dma_wait3A_1471 = tpu.memref_slice %arg4[%add3A_1460, %dma_wait3A_1469, %dma_wait3A_1470] : memref<4096x200x128xf32, #tpu.memory_space<hbm>> -> memref<1x200x128xf32, #tpu.memory_space<hbm>>
      %dma_wait3A_1472 = tpu.memref_squeeze %dma_wait3A_1471 : memref<1x200x128xf32, #tpu.memory_space<hbm>> -> memref<200x128xf32, #tpu.memory_space<hbm>>
      %dma_wait3A_1473 = arith.constant 0 : i32
      %dma_wait3A_1474 = arith.constant 0 : i32
      %dma_wait3A_1475 = tpu.memref_slice %dma_wait3A_1472[%dma_wait3A_1473, %dma_wait3A_1474] : memref<200x128xf32, #tpu.memory_space<hbm>> -> memref<200x64xf32, #tpu.memory_space<hbm>>
      %dma_wait3A_1476 = arith.constant 0 : i32
      %dma_wait3A_1477 = arith.constant 0 : i32
      %dma_wait3A_1478 = tpu.memref_slice %arg4[%add3A_1460, %dma_wait3A_1476, %dma_wait3A_1477] : memref<4096x200x128xf32, #tpu.memory_space<hbm>> -> memref<1x200x128xf32, #tpu.memory_space<hbm>>
      %dma_wait3A_1479 = tpu.memref_squeeze %dma_wait3A_1478 : memref<1x200x128xf32, #tpu.memory_space<hbm>> -> memref<200x128xf32, #tpu.memory_space<hbm>>
      %dma_wait3A_1480 = arith.constant 0 : i32
      %dma_wait3A_1481 = arith.constant 0 : i32
      %dma_wait3A_1482 = tpu.memref_slice %dma_wait3A_1479[%dma_wait3A_1480, %dma_wait3A_1481] : memref<200x128xf32, #tpu.memory_space<hbm>> -> memref<200x64xf32, #tpu.memory_space<hbm>>
      %dma_wait3A_1483 = arith.constant 0 : i32
      %dma_wait3A_1484 = arith.constant 0 : i32
      %dma_wait3A_1485 = tpu.memref_slice %arg6[%dma_wait3A_1461, %dma_wait3A_1483, %dma_wait3A_1484] : memref<2x800x64xf32, #tpu.memory_space<vmem>> -> memref<1x800x64xf32, #tpu.memory_space<vmem>>
      %dma_wait3A_1486 = tpu.memref_squeeze %dma_wait3A_1485 : memref<1x800x64xf32, #tpu.memory_space<vmem>> -> memref<800x64xf32, #tpu.memory_space<vmem>>
      %dma_wait3A_1487 = arith.constant 0 : i32
      %dma_wait3A_1488 = arith.constant 0 : i32
      %dma_wait3A_1489 = tpu.memref_slice %dma_wait3A_1486[%dma_wait3A_1487, %dma_wait3A_1488] : memref<800x64xf32, #tpu.memory_space<vmem>> -> memref<200x64xf32, #tpu.memory_space<vmem>>
      tpu.wait_dma2 semaphore(%arg9 : memref<!tpu.dma_semaphore, #tpu.memory_space<semaphore_mem>>) src(%dma_wait3A_1489 : memref<200x64xf32, #tpu.memory_space<vmem>>) dst(%dma_wait3A_1482 : memref<200x64xf32, #tpu.memory_space<hbm>>)
      %mul3A_1490 = arith.constant 4 : i32
      %mul3A_1491 = arith.muli %sub3A_1455, %mul3A_1490 : i32
      %add3A_1492 = arith.addi %mul3A_2, %mul3A_1491 : i32
      %add3A_1493 = arith.constant 1 : i32
      %add3A_1494 = arith.addi %add3A_1492, %add3A_1493 : i32
      %dma_wait3A_1495 = arith.constant 0 : i32
      %dma_wait3A_1496 = arith.constant 0 : i32
      %dma_wait3A_1497 = arith.constant 0 : i32
      %dma_wait3A_1498 = tpu.memref_slice %arg6[%dma_wait3A_1495, %dma_wait3A_1496, %dma_wait3A_1497] : memref<2x800x64xf32, #tpu.memory_space<vmem>> -> memref<1x800x64xf32, #tpu.memory_space<vmem>>
      %dma_wait3A_1499 = tpu.memref_squeeze %dma_wait3A_1498 : memref<1x800x64xf32, #tpu.memory_space<vmem>> -> memref<800x64xf32, #tpu.memory_space<vmem>>
      %dma_wait3A_1500 = arith.constant 200 : i32
      %dma_wait3A_1501 = arith.constant 0 : i32
      %dma_wait3A_1502 = tpu.memref_slice %dma_wait3A_1499[%dma_wait3A_1500, %dma_wait3A_1501] : memref<800x64xf32, #tpu.memory_space<vmem>> -> memref<200x64xf32, #tpu.memory_space<vmem>>
      %dma_wait3A_1503 = arith.constant 0 : i32
      %dma_wait3A_1504 = arith.constant 0 : i32
      %dma_wait3A_1505 = tpu.memref_slice %arg4[%add3A_1494, %dma_wait3A_1503, %dma_wait3A_1504] : memref<4096x200x128xf32, #tpu.memory_space<hbm>> -> memref<1x200x128xf32, #tpu.memory_space<hbm>>
      %dma_wait3A_1506 = tpu.memref_squeeze %dma_wait3A_1505 : memref<1x200x128xf32, #tpu.memory_space<hbm>> -> memref<200x128xf32, #tpu.memory_space<hbm>>
      %dma_wait3A_1507 = arith.constant 0 : i32
      %dma_wait3A_1508 = arith.constant 0 : i32
      %dma_wait3A_1509 = tpu.memref_slice %dma_wait3A_1506[%dma_wait3A_1507, %dma_wait3A_1508] : memref<200x128xf32, #tpu.memory_space<hbm>> -> memref<200x64xf32, #tpu.memory_space<hbm>>
      %dma_wait3A_1510 = arith.constant 0 : i32
      %dma_wait3A_1511 = arith.constant 0 : i32
      %dma_wait3A_1512 = tpu.memref_slice %arg4[%add3A_1494, %dma_wait3A_1510, %dma_wait3A_1511] : memref<4096x200x128xf32, #tpu.memory_space<hbm>> -> memref<1x200x128xf32, #tpu.memory_space<hbm>>
      %dma_wait3A_1513 = tpu.memref_squeeze %dma_wait3A_1512 : memref<1x200x128xf32, #tpu.memory_space<hbm>> -> memref<200x128xf32, #tpu.memory_space<hbm>>
      %dma_wait3A_1514 = arith.constant 0 : i32
      %dma_wait3A_1515 = arith.constant 0 : i32
      %dma_wait3A_1516 = tpu.memref_slice %dma_wait3A_1513[%dma_wait3A_1514, %dma_wait3A_1515] : memref<200x128xf32, #tpu.memory_space<hbm>> -> memref<200x64xf32, #tpu.memory_space<hbm>>
      %dma_wait3A_1517 = arith.constant 0 : i32
      %dma_wait3A_1518 = arith.constant 0 : i32
      %dma_wait3A_1519 = tpu.memref_slice %arg6[%dma_wait3A_1495, %dma_wait3A_1517, %dma_wait3A_1518] : memref<2x800x64xf32, #tpu.memory_space<vmem>> -> memref<1x800x64xf32, #tpu.memory_space<vmem>>
      %dma_wait3A_1520 = tpu.memref_squeeze %dma_wait3A_1519 : memref<1x800x64xf32, #tpu.memory_space<vmem>> -> memref<800x64xf32, #tpu.memory_space<vmem>>
      %dma_wait3A_1521 = arith.constant 200 : i32
      %dma_wait3A_1522 = arith.constant 0 : i32
      %dma_wait3A_1523 = tpu.memref_slice %dma_wait3A_1520[%dma_wait3A_1521, %dma_wait3A_1522] : memref<800x64xf32, #tpu.memory_space<vmem>> -> memref<200x64xf32, #tpu.memory_space<vmem>>
      tpu.wait_dma2 semaphore(%arg9 : memref<!tpu.dma_semaphore, #tpu.memory_space<semaphore_mem>>) src(%dma_wait3A_1523 : memref<200x64xf32, #tpu.memory_space<vmem>>) dst(%dma_wait3A_1516 : memref<200x64xf32, #tpu.memory_space<hbm>>)
      %mul3A_1524 = arith.constant 4 : i32
      %mul3A_1525 = arith.muli %sub3A_1455, %mul3A_1524 : i32
      %add3A_1526 = arith.addi %mul3A_2, %mul3A_1525 : i32
      %add3A_1527 = arith.constant 2 : i32
      %add3A_1528 = arith.addi %add3A_1526, %add3A_1527 : i32
      %dma_wait3A_1529 = arith.constant 0 : i32
      %dma_wait3A_1530 = arith.constant 0 : i32
      %dma_wait3A_1531 = arith.constant 0 : i32
      %dma_wait3A_1532 = tpu.memref_slice %arg6[%dma_wait3A_1529, %dma_wait3A_1530, %dma_wait3A_1531] : memref<2x800x64xf32, #tpu.memory_space<vmem>> -> memref<1x800x64xf32, #tpu.memory_space<vmem>>
      %dma_wait3A_1533 = tpu.memref_squeeze %dma_wait3A_1532 : memref<1x800x64xf32, #tpu.memory_space<vmem>> -> memref<800x64xf32, #tpu.memory_space<vmem>>
      %dma_wait3A_1534 = arith.constant 400 : i32
      %dma_wait3A_1535 = arith.constant 0 : i32
      %dma_wait3A_1536 = tpu.memref_slice %dma_wait3A_1533[%dma_wait3A_1534, %dma_wait3A_1535] : memref<800x64xf32, #tpu.memory_space<vmem>> -> memref<200x64xf32, #tpu.memory_space<vmem>>
      %dma_wait3A_1537 = arith.constant 0 : i32
      %dma_wait3A_1538 = arith.constant 0 : i32
      %dma_wait3A_1539 = tpu.memref_slice %arg4[%add3A_1528, %dma_wait3A_1537, %dma_wait3A_1538] : memref<4096x200x128xf32, #tpu.memory_space<hbm>> -> memref<1x200x128xf32, #tpu.memory_space<hbm>>
      %dma_wait3A_1540 = tpu.memref_squeeze %dma_wait3A_1539 : memref<1x200x128xf32, #tpu.memory_space<hbm>> -> memref<200x128xf32, #tpu.memory_space<hbm>>
      %dma_wait3A_1541 = arith.constant 0 : i32
      %dma_wait3A_1542 = arith.constant 0 : i32
      %dma_wait3A_1543 = tpu.memref_slice %dma_wait3A_1540[%dma_wait3A_1541, %dma_wait3A_1542] : memref<200x128xf32, #tpu.memory_space<hbm>> -> memref<200x64xf32, #tpu.memory_space<hbm>>
      %dma_wait3A_1544 = arith.constant 0 : i32
      %dma_wait3A_1545 = arith.constant 0 : i32
      %dma_wait3A_1546 = tpu.memref_slice %arg4[%add3A_1528, %dma_wait3A_1544, %dma_wait3A_1545] : memref<4096x200x128xf32, #tpu.memory_space<hbm>> -> memref<1x200x128xf32, #tpu.memory_space<hbm>>
      %dma_wait3A_1547 = tpu.memref_squeeze %dma_wait3A_1546 : memref<1x200x128xf32, #tpu.memory_space<hbm>> -> memref<200x128xf32, #tpu.memory_space<hbm>>
      %dma_wait3A_1548 = arith.constant 0 : i32
      %dma_wait3A_1549 = arith.constant 0 : i32
      %dma_wait3A_1550 = tpu.memref_slice %dma_wait3A_1547[%dma_wait3A_1548, %dma_wait3A_1549] : memref<200x128xf32, #tpu.memory_space<hbm>> -> memref<200x64xf32, #tpu.memory_space<hbm>>
      %dma_wait3A_1551 = arith.constant 0 : i32
      %dma_wait3A_1552 = arith.constant 0 : i32
      %dma_wait3A_1553 = tpu.memref_slice %arg6[%dma_wait3A_1529, %dma_wait3A_1551, %dma_wait3A_1552] : memref<2x800x64xf32, #tpu.memory_space<vmem>> -> memref<1x800x64xf32, #tpu.memory_space<vmem>>
      %dma_wait3A_1554 = tpu.memref_squeeze %dma_wait3A_1553 : memref<1x800x64xf32, #tpu.memory_space<vmem>> -> memref<800x64xf32, #tpu.memory_space<vmem>>
      %dma_wait3A_1555 = arith.constant 400 : i32
      %dma_wait3A_1556 = arith.constant 0 : i32
      %dma_wait3A_1557 = tpu.memref_slice %dma_wait3A_1554[%dma_wait3A_1555, %dma_wait3A_1556] : memref<800x64xf32, #tpu.memory_space<vmem>> -> memref<200x64xf32, #tpu.memory_space<vmem>>
      tpu.wait_dma2 semaphore(%arg9 : memref<!tpu.dma_semaphore, #tpu.memory_space<semaphore_mem>>) src(%dma_wait3A_1557 : memref<200x64xf32, #tpu.memory_space<vmem>>) dst(%dma_wait3A_1550 : memref<200x64xf32, #tpu.memory_space<hbm>>)
      %mul3A_1558 = arith.constant 4 : i32
      %mul3A_1559 = arith.muli %sub3A_1455, %mul3A_1558 : i32
      %add3A_1560 = arith.addi %mul3A_2, %mul3A_1559 : i32
      %add3A_1561 = arith.constant 3 : i32
      %add3A_1562 = arith.addi %add3A_1560, %add3A_1561 : i32
      %dma_wait3A_1563 = arith.constant 0 : i32
      %dma_wait3A_1564 = arith.constant 0 : i32
      %dma_wait3A_1565 = arith.constant 0 : i32
      %dma_wait3A_1566 = tpu.memref_slice %arg6[%dma_wait3A_1563, %dma_wait3A_1564, %dma_wait3A_1565] : memref<2x800x64xf32, #tpu.memory_space<vmem>> -> memref<1x800x64xf32, #tpu.memory_space<vmem>>
      %dma_wait3A_1567 = tpu.memref_squeeze %dma_wait3A_1566 : memref<1x800x64xf32, #tpu.memory_space<vmem>> -> memref<800x64xf32, #tpu.memory_space<vmem>>
      %dma_wait3A_1568 = arith.constant 600 : i32
      %dma_wait3A_1569 = arith.constant 0 : i32
      %dma_wait3A_1570 = tpu.memref_slice %dma_wait3A_1567[%dma_wait3A_1568, %dma_wait3A_1569] : memref<800x64xf32, #tpu.memory_space<vmem>> -> memref<200x64xf32, #tpu.memory_space<vmem>>
      %dma_wait3A_1571 = arith.constant 0 : i32
      %dma_wait3A_1572 = arith.constant 0 : i32
      %dma_wait3A_1573 = tpu.memref_slice %arg4[%add3A_1562, %dma_wait3A_1571, %dma_wait3A_1572] : memref<4096x200x128xf32, #tpu.memory_space<hbm>> -> memref<1x200x128xf32, #tpu.memory_space<hbm>>
      %dma_wait3A_1574 = tpu.memref_squeeze %dma_wait3A_1573 : memref<1x200x128xf32, #tpu.memory_space<hbm>> -> memref<200x128xf32, #tpu.memory_space<hbm>>
      %dma_wait3A_1575 = arith.constant 0 : i32
      %dma_wait3A_1576 = arith.constant 0 : i32
      %dma_wait3A_1577 = tpu.memref_slice %dma_wait3A_1574[%dma_wait3A_1575, %dma_wait3A_1576] : memref<200x128xf32, #tpu.memory_space<hbm>> -> memref<200x64xf32, #tpu.memory_space<hbm>>
      %dma_wait3A_1578 = arith.constant 0 : i32
      %dma_wait3A_1579 = arith.constant 0 : i32
      %dma_wait3A_1580 = tpu.memref_slice %arg4[%add3A_1562, %dma_wait3A_1578, %dma_wait3A_1579] : memref<4096x200x128xf32, #tpu.memory_space<hbm>> -> memref<1x200x128xf32, #tpu.memory_space<hbm>>
      %dma_wait3A_1581 = tpu.memref_squeeze %dma_wait3A_1580 : memref<1x200x128xf32, #tpu.memory_space<hbm>> -> memref<200x128xf32, #tpu.memory_space<hbm>>
      %dma_wait3A_1582 = arith.constant 0 : i32
      %dma_wait3A_1583 = arith.constant 0 : i32
      %dma_wait3A_1584 = tpu.memref_slice %dma_wait3A_1581[%dma_wait3A_1582, %dma_wait3A_1583] : memref<200x128xf32, #tpu.memory_space<hbm>> -> memref<200x64xf32, #tpu.memory_space<hbm>>
      %dma_wait3A_1585 = arith.constant 0 : i32
      %dma_wait3A_1586 = arith.constant 0 : i32
      %dma_wait3A_1587 = tpu.memref_slice %arg6[%dma_wait3A_1563, %dma_wait3A_1585, %dma_wait3A_1586] : memref<2x800x64xf32, #tpu.memory_space<vmem>> -> memref<1x800x64xf32, #tpu.memory_space<vmem>>
      %dma_wait3A_1588 = tpu.memref_squeeze %dma_wait3A_1587 : memref<1x800x64xf32, #tpu.memory_space<vmem>> -> memref<800x64xf32, #tpu.memory_space<vmem>>
      %dma_wait3A_1589 = arith.constant 600 : i32
      %dma_wait3A_1590 = arith.constant 0 : i32
      %dma_wait3A_1591 = tpu.memref_slice %dma_wait3A_1588[%dma_wait3A_1589, %dma_wait3A_1590] : memref<800x64xf32, #tpu.memory_space<vmem>> -> memref<200x64xf32, #tpu.memory_space<vmem>>
      tpu.wait_dma2 semaphore(%arg9 : memref<!tpu.dma_semaphore, #tpu.memory_space<semaphore_mem>>) src(%dma_wait3A_1591 : memref<200x64xf32, #tpu.memory_space<vmem>>) dst(%dma_wait3A_1584 : memref<200x64xf32, #tpu.memory_space<hbm>>)
      %add3A_1592 = arith.constant 1 : i32
      %add3A_1593 = arith.addi %add3A_1138, %add3A_1592 : i32
      %mul3A_1594 = arith.constant 10 : i32
      %mul3A_1595 = arith.muli %add3A_1593, %mul3A_1594 : i32
      %add3A_1596 = arith.constant 0 : i32
      %add3A_1597 = arith.addi %mul3A_1595, %add3A_1596 : i32
      %dma_start3A_1598 = arith.constant 0 : i32
      %dma_start3A_1599 = arith.constant 0 : i32
      %dma_start3A_1600 = arith.constant 0 : i32
      %dma_start3A_1601 = tpu.memref_slice %arg6[%dma_start3A_1598, %dma_start3A_1599, %dma_start3A_1600] : memref<2x800x64xf32, #tpu.memory_space<vmem>> -> memref<1x800x64xf32, #tpu.memory_space<vmem>>
      %dma_start3A_1602 = tpu.memref_squeeze %dma_start3A_1601 : memref<1x800x64xf32, #tpu.memory_space<vmem>> -> memref<800x64xf32, #tpu.memory_space<vmem>>
      %dma_start3A_1603 = arith.constant 0 : i32
      %dma_start3A_1604 = arith.constant 0 : i32
      %dma_start3A_1605 = tpu.memref_slice %dma_start3A_1602[%dma_start3A_1603, %dma_start3A_1604] : memref<800x64xf32, #tpu.memory_space<vmem>> -> memref<80x64xf32, #tpu.memory_space<vmem>>
      %dma_start3A_1606 = arith.constant 0 : i32
      %dma_start3A_1607 = tpu.memref_slice %arg5[%add3A_1597, %dma_start3A_1606] : memref<320x80xi32, #tpu.memory_space<vmem>> -> memref<1x80xi32, #tpu.memory_space<vmem>>
      %dma_start3A_1608 = tpu.memref_squeeze %dma_start3A_1607 : memref<1x80xi32, #tpu.memory_space<vmem>> -> memref<80xi32, #tpu.memory_space<vmem>>
      %dma_start3A_1609 = arith.constant 0 : i32
      %dma_start3A_1610 = arith.constant 0 : i32
      %dma_start3A_1611 = tpu.memref_slice %arg3[%dma_start3A_1609, %dma_start3A_1610] : memref<1000000x64xf32, #tpu.memory_space<hbm>> -> memref<1000000x64xf32, #tpu.memory_space<hbm>>
      tpu.enqueue_indirect_dma source(%dma_start3A_1611 : memref<1000000x64xf32, #tpu.memory_space<hbm>>) target(%dma_start3A_1605 : memref<80x64xf32, #tpu.memory_space<vmem>>) offsets(%dma_start3A_1608 : memref<80xi32, #tpu.memory_space<vmem>>) semaphore(%arg7 : memref<!tpu.dma_semaphore, #tpu.memory_space<semaphore_mem>>)
      %mul3A_1612 = arith.constant 10 : i32
      %mul3A_1613 = arith.muli %add3A_1593, %mul3A_1612 : i32
      %add3A_1614 = arith.constant 1 : i32
      %add3A_1615 = arith.addi %mul3A_1613, %add3A_1614 : i32
      %dma_start3A_1616 = arith.constant 0 : i32
      %dma_start3A_1617 = arith.constant 0 : i32
      %dma_start3A_1618 = arith.constant 0 : i32
      %dma_start3A_1619 = tpu.memref_slice %arg6[%dma_start3A_1616, %dma_start3A_1617, %dma_start3A_1618] : memref<2x800x64xf32, #tpu.memory_space<vmem>> -> memref<1x800x64xf32, #tpu.memory_space<vmem>>
      %dma_start3A_1620 = tpu.memref_squeeze %dma_start3A_1619 : memref<1x800x64xf32, #tpu.memory_space<vmem>> -> memref<800x64xf32, #tpu.memory_space<vmem>>
      %dma_start3A_1621 = arith.constant 80 : i32
      %dma_start3A_1622 = arith.constant 0 : i32
      %dma_start3A_1623 = tpu.memref_slice %dma_start3A_1620[%dma_start3A_1621, %dma_start3A_1622] : memref<800x64xf32, #tpu.memory_space<vmem>> -> memref<80x64xf32, #tpu.memory_space<vmem>>
      %dma_start3A_1624 = arith.constant 0 : i32
      %dma_start3A_1625 = tpu.memref_slice %arg5[%add3A_1615, %dma_start3A_1624] : memref<320x80xi32, #tpu.memory_space<vmem>> -> memref<1x80xi32, #tpu.memory_space<vmem>>
      %dma_start3A_1626 = tpu.memref_squeeze %dma_start3A_1625 : memref<1x80xi32, #tpu.memory_space<vmem>> -> memref<80xi32, #tpu.memory_space<vmem>>
      %dma_start3A_1627 = arith.constant 0 : i32
      %dma_start3A_1628 = arith.constant 0 : i32
      %dma_start3A_1629 = tpu.memref_slice %arg3[%dma_start3A_1627, %dma_start3A_1628] : memref<1000000x64xf32, #tpu.memory_space<hbm>> -> memref<1000000x64xf32, #tpu.memory_space<hbm>>
      tpu.enqueue_indirect_dma source(%dma_start3A_1629 : memref<1000000x64xf32, #tpu.memory_space<hbm>>) target(%dma_start3A_1623 : memref<80x64xf32, #tpu.memory_space<vmem>>) offsets(%dma_start3A_1626 : memref<80xi32, #tpu.memory_space<vmem>>) semaphore(%arg7 : memref<!tpu.dma_semaphore, #tpu.memory_space<semaphore_mem>>)
      %mul3A_1630 = arith.constant 10 : i32
      %mul3A_1631 = arith.muli %add3A_1593, %mul3A_1630 : i32
      %add3A_1632 = arith.constant 2 : i32
      %add3A_1633 = arith.addi %mul3A_1631, %add3A_1632 : i32
      %dma_start3A_1634 = arith.constant 0 : i32
      %dma_start3A_1635 = arith.constant 0 : i32
      %dma_start3A_1636 = arith.constant 0 : i32
      %dma_start3A_1637 = tpu.memref_slice %arg6[%dma_start3A_1634, %dma_start3A_1635, %dma_start3A_1636] : memref<2x800x64xf32, #tpu.memory_space<vmem>> -> memref<1x800x64xf32, #tpu.memory_space<vmem>>
      %dma_start3A_1638 = tpu.memref_squeeze %dma_start3A_1637 : memref<1x800x64xf32, #tpu.memory_space<vmem>> -> memref<800x64xf32, #tpu.memory_space<vmem>>
      %dma_start3A_1639 = arith.constant 160 : i32
      %dma_start3A_1640 = arith.constant 0 : i32
      %dma_start3A_1641 = tpu.memref_slice %dma_start3A_1638[%dma_start3A_1639, %dma_start3A_1640] : memref<800x64xf32, #tpu.memory_space<vmem>> -> memref<80x64xf32, #tpu.memory_space<vmem>>
      %dma_start3A_1642 = arith.constant 0 : i32
      %dma_start3A_1643 = tpu.memref_slice %arg5[%add3A_1633, %dma_start3A_1642] : memref<320x80xi32, #tpu.memory_space<vmem>> -> memref<1x80xi32, #tpu.memory_space<vmem>>
      %dma_start3A_1644 = tpu.memref_squeeze %dma_start3A_1643 : memref<1x80xi32, #tpu.memory_space<vmem>> -> memref<80xi32, #tpu.memory_space<vmem>>
      %dma_start3A_1645 = arith.constant 0 : i32
      %dma_start3A_1646 = arith.constant 0 : i32
      %dma_start3A_1647 = tpu.memref_slice %arg3[%dma_start3A_1645, %dma_start3A_1646] : memref<1000000x64xf32, #tpu.memory_space<hbm>> -> memref<1000000x64xf32, #tpu.memory_space<hbm>>
      tpu.enqueue_indirect_dma source(%dma_start3A_1647 : memref<1000000x64xf32, #tpu.memory_space<hbm>>) target(%dma_start3A_1641 : memref<80x64xf32, #tpu.memory_space<vmem>>) offsets(%dma_start3A_1644 : memref<80xi32, #tpu.memory_space<vmem>>) semaphore(%arg7 : memref<!tpu.dma_semaphore, #tpu.memory_space<semaphore_mem>>)
      %mul3A_1648 = arith.constant 10 : i32
      %mul3A_1649 = arith.muli %add3A_1593, %mul3A_1648 : i32
      %add3A_1650 = arith.constant 3 : i32
      %add3A_1651 = arith.addi %mul3A_1649, %add3A_1650 : i32
      %dma_start3A_1652 = arith.constant 0 : i32
      %dma_start3A_1653 = arith.constant 0 : i32
      %dma_start3A_1654 = arith.constant 0 : i32
      %dma_start3A_1655 = tpu.memref_slice %arg6[%dma_start3A_1652, %dma_start3A_1653, %dma_start3A_1654] : memref<2x800x64xf32, #tpu.memory_space<vmem>> -> memref<1x800x64xf32, #tpu.memory_space<vmem>>
      %dma_start3A_1656 = tpu.memref_squeeze %dma_start3A_1655 : memref<1x800x64xf32, #tpu.memory_space<vmem>> -> memref<800x64xf32, #tpu.memory_space<vmem>>
      %dma_start3A_1657 = arith.constant 240 : i32
      %dma_start3A_1658 = arith.constant 0 : i32
      %dma_start3A_1659 = tpu.memref_slice %dma_start3A_1656[%dma_start3A_1657, %dma_start3A_1658] : memref<800x64xf32, #tpu.memory_space<vmem>> -> memref<80x64xf32, #tpu.memory_space<vmem>>
      %dma_start3A_1660 = arith.constant 0 : i32
      %dma_start3A_1661 = tpu.memref_slice %arg5[%add3A_1651, %dma_start3A_1660] : memref<320x80xi32, #tpu.memory_space<vmem>> -> memref<1x80xi32, #tpu.memory_space<vmem>>
      %dma_start3A_1662 = tpu.memref_squeeze %dma_start3A_1661 : memref<1x80xi32, #tpu.memory_space<vmem>> -> memref<80xi32, #tpu.memory_space<vmem>>
      %dma_start3A_1663 = arith.constant 0 : i32
      %dma_start3A_1664 = arith.constant 0 : i32
      %dma_start3A_1665 = tpu.memref_slice %arg3[%dma_start3A_1663, %dma_start3A_1664] : memref<1000000x64xf32, #tpu.memory_space<hbm>> -> memref<1000000x64xf32, #tpu.memory_space<hbm>>
      tpu.enqueue_indirect_dma source(%dma_start3A_1665 : memref<1000000x64xf32, #tpu.memory_space<hbm>>) target(%dma_start3A_1659 : memref<80x64xf32, #tpu.memory_space<vmem>>) offsets(%dma_start3A_1662 : memref<80xi32, #tpu.memory_space<vmem>>) semaphore(%arg7 : memref<!tpu.dma_semaphore, #tpu.memory_space<semaphore_mem>>)
      %mul3A_1666 = arith.constant 10 : i32
      %mul3A_1667 = arith.muli %add3A_1593, %mul3A_1666 : i32
      %add3A_1668 = arith.constant 4 : i32
      %add3A_1669 = arith.addi %mul3A_1667, %add3A_1668 : i32
      %dma_start3A_1670 = arith.constant 0 : i32
      %dma_start3A_1671 = arith.constant 0 : i32
      %dma_start3A_1672 = arith.constant 0 : i32
      %dma_start3A_1673 = tpu.memref_slice %arg6[%dma_start3A_1670, %dma_start3A_1671, %dma_start3A_1672] : memref<2x800x64xf32, #tpu.memory_space<vmem>> -> memref<1x800x64xf32, #tpu.memory_space<vmem>>
      %dma_start3A_1674 = tpu.memref_squeeze %dma_start3A_1673 : memref<1x800x64xf32, #tpu.memory_space<vmem>> -> memref<800x64xf32, #tpu.memory_space<vmem>>
      %dma_start3A_1675 = arith.constant 320 : i32
      %dma_start3A_1676 = arith.constant 0 : i32
      %dma_start3A_1677 = tpu.memref_slice %dma_start3A_1674[%dma_start3A_1675, %dma_start3A_1676] : memref<800x64xf32, #tpu.memory_space<vmem>> -> memref<80x64xf32, #tpu.memory_space<vmem>>
      %dma_start3A_1678 = arith.constant 0 : i32
      %dma_start3A_1679 = tpu.memref_slice %arg5[%add3A_1669, %dma_start3A_1678] : memref<320x80xi32, #tpu.memory_space<vmem>> -> memref<1x80xi32, #tpu.memory_space<vmem>>
      %dma_start3A_1680 = tpu.memref_squeeze %dma_start3A_1679 : memref<1x80xi32, #tpu.memory_space<vmem>> -> memref<80xi32, #tpu.memory_space<vmem>>
      %dma_start3A_1681 = arith.constant 0 : i32
      %dma_start3A_1682 = arith.constant 0 : i32
      %dma_start3A_1683 = tpu.memref_slice %arg3[%dma_start3A_1681, %dma_start3A_1682] : memref<1000000x64xf32, #tpu.memory_space<hbm>> -> memref<1000000x64xf32, #tpu.memory_space<hbm>>
      tpu.enqueue_indirect_dma source(%dma_start3A_1683 : memref<1000000x64xf32, #tpu.memory_space<hbm>>) target(%dma_start3A_1677 : memref<80x64xf32, #tpu.memory_space<vmem>>) offsets(%dma_start3A_1680 : memref<80xi32, #tpu.memory_space<vmem>>) semaphore(%arg7 : memref<!tpu.dma_semaphore, #tpu.memory_space<semaphore_mem>>)
      %mul3A_1684 = arith.constant 10 : i32
      %mul3A_1685 = arith.muli %add3A_1593, %mul3A_1684 : i32
      %add3A_1686 = arith.constant 5 : i32
      %add3A_1687 = arith.addi %mul3A_1685, %add3A_1686 : i32
      %dma_start3A_1688 = arith.constant 0 : i32
      %dma_start3A_1689 = arith.constant 0 : i32
      %dma_start3A_1690 = arith.constant 0 : i32
      %dma_start3A_1691 = tpu.memref_slice %arg6[%dma_start3A_1688, %dma_start3A_1689, %dma_start3A_1690] : memref<2x800x64xf32, #tpu.memory_space<vmem>> -> memref<1x800x64xf32, #tpu.memory_space<vmem>>
      %dma_start3A_1692 = tpu.memref_squeeze %dma_start3A_1691 : memref<1x800x64xf32, #tpu.memory_space<vmem>> -> memref<800x64xf32, #tpu.memory_space<vmem>>
      %dma_start3A_1693 = arith.constant 400 : i32
      %dma_start3A_1694 = arith.constant 0 : i32
      %dma_start3A_1695 = tpu.memref_slice %dma_start3A_1692[%dma_start3A_1693, %dma_start3A_1694] : memref<800x64xf32, #tpu.memory_space<vmem>> -> memref<80x64xf32, #tpu.memory_space<vmem>>
      %dma_start3A_1696 = arith.constant 0 : i32
      %dma_start3A_1697 = tpu.memref_slice %arg5[%add3A_1687, %dma_start3A_1696] : memref<320x80xi32, #tpu.memory_space<vmem>> -> memref<1x80xi32, #tpu.memory_space<vmem>>
      %dma_start3A_1698 = tpu.memref_squeeze %dma_start3A_1697 : memref<1x80xi32, #tpu.memory_space<vmem>> -> memref<80xi32, #tpu.memory_space<vmem>>
      %dma_start3A_1699 = arith.constant 0 : i32
      %dma_start3A_1700 = arith.constant 0 : i32
      %dma_start3A_1701 = tpu.memref_slice %arg3[%dma_start3A_1699, %dma_start3A_1700] : memref<1000000x64xf32, #tpu.memory_space<hbm>> -> memref<1000000x64xf32, #tpu.memory_space<hbm>>
      tpu.enqueue_indirect_dma source(%dma_start3A_1701 : memref<1000000x64xf32, #tpu.memory_space<hbm>>) target(%dma_start3A_1695 : memref<80x64xf32, #tpu.memory_space<vmem>>) offsets(%dma_start3A_1698 : memref<80xi32, #tpu.memory_space<vmem>>) semaphore(%arg7 : memref<!tpu.dma_semaphore, #tpu.memory_space<semaphore_mem>>)
      %mul3A_1702 = arith.constant 10 : i32
      %mul3A_1703 = arith.muli %add3A_1593, %mul3A_1702 : i32
      %add3A_1704 = arith.constant 6 : i32
      %add3A_1705 = arith.addi %mul3A_1703, %add3A_1704 : i32
      %dma_start3A_1706 = arith.constant 0 : i32
      %dma_start3A_1707 = arith.constant 0 : i32
      %dma_start3A_1708 = arith.constant 0 : i32
      %dma_start3A_1709 = tpu.memref_slice %arg6[%dma_start3A_1706, %dma_start3A_1707, %dma_start3A_1708] : memref<2x800x64xf32, #tpu.memory_space<vmem>> -> memref<1x800x64xf32, #tpu.memory_space<vmem>>
      %dma_start3A_1710 = tpu.memref_squeeze %dma_start3A_1709 : memref<1x800x64xf32, #tpu.memory_space<vmem>> -> memref<800x64xf32, #tpu.memory_space<vmem>>
      %dma_start3A_1711 = arith.constant 480 : i32
      %dma_start3A_1712 = arith.constant 0 : i32
      %dma_start3A_1713 = tpu.memref_slice %dma_start3A_1710[%dma_start3A_1711, %dma_start3A_1712] : memref<800x64xf32, #tpu.memory_space<vmem>> -> memref<80x64xf32, #tpu.memory_space<vmem>>
      %dma_start3A_1714 = arith.constant 0 : i32
      %dma_start3A_1715 = tpu.memref_slice %arg5[%add3A_1705, %dma_start3A_1714] : memref<320x80xi32, #tpu.memory_space<vmem>> -> memref<1x80xi32, #tpu.memory_space<vmem>>
      %dma_start3A_1716 = tpu.memref_squeeze %dma_start3A_1715 : memref<1x80xi32, #tpu.memory_space<vmem>> -> memref<80xi32, #tpu.memory_space<vmem>>
      %dma_start3A_1717 = arith.constant 0 : i32
      %dma_start3A_1718 = arith.constant 0 : i32
      %dma_start3A_1719 = tpu.memref_slice %arg3[%dma_start3A_1717, %dma_start3A_1718] : memref<1000000x64xf32, #tpu.memory_space<hbm>> -> memref<1000000x64xf32, #tpu.memory_space<hbm>>
      tpu.enqueue_indirect_dma source(%dma_start3A_1719 : memref<1000000x64xf32, #tpu.memory_space<hbm>>) target(%dma_start3A_1713 : memref<80x64xf32, #tpu.memory_space<vmem>>) offsets(%dma_start3A_1716 : memref<80xi32, #tpu.memory_space<vmem>>) semaphore(%arg7 : memref<!tpu.dma_semaphore, #tpu.memory_space<semaphore_mem>>)
      %mul3A_1720 = arith.constant 10 : i32
      %mul3A_1721 = arith.muli %add3A_1593, %mul3A_1720 : i32
      %add3A_1722 = arith.constant 7 : i32
      %add3A_1723 = arith.addi %mul3A_1721, %add3A_1722 : i32
      %dma_start3A_1724 = arith.constant 0 : i32
      %dma_start3A_1725 = arith.constant 0 : i32
      %dma_start3A_1726 = arith.constant 0 : i32
      %dma_start3A_1727 = tpu.memref_slice %arg6[%dma_start3A_1724, %dma_start3A_1725, %dma_start3A_1726] : memref<2x800x64xf32, #tpu.memory_space<vmem>> -> memref<1x800x64xf32, #tpu.memory_space<vmem>>
      %dma_start3A_1728 = tpu.memref_squeeze %dma_start3A_1727 : memref<1x800x64xf32, #tpu.memory_space<vmem>> -> memref<800x64xf32, #tpu.memory_space<vmem>>
      %dma_start3A_1729 = arith.constant 560 : i32
      %dma_start3A_1730 = arith.constant 0 : i32
      %dma_start3A_1731 = tpu.memref_slice %dma_start3A_1728[%dma_start3A_1729, %dma_start3A_1730] : memref<800x64xf32, #tpu.memory_space<vmem>> -> memref<80x64xf32, #tpu.memory_space<vmem>>
      %dma_start3A_1732 = arith.constant 0 : i32
      %dma_start3A_1733 = tpu.memref_slice %arg5[%add3A_1723, %dma_start3A_1732] : memref<320x80xi32, #tpu.memory_space<vmem>> -> memref<1x80xi32, #tpu.memory_space<vmem>>
      %dma_start3A_1734 = tpu.memref_squeeze %dma_start3A_1733 : memref<1x80xi32, #tpu.memory_space<vmem>> -> memref<80xi32, #tpu.memory_space<vmem>>
      %dma_start3A_1735 = arith.constant 0 : i32
      %dma_start3A_1736 = arith.constant 0 : i32
      %dma_start3A_1737 = tpu.memref_slice %arg3[%dma_start3A_1735, %dma_start3A_1736] : memref<1000000x64xf32, #tpu.memory_space<hbm>> -> memref<1000000x64xf32, #tpu.memory_space<hbm>>
      tpu.enqueue_indirect_dma source(%dma_start3A_1737 : memref<1000000x64xf32, #tpu.memory_space<hbm>>) target(%dma_start3A_1731 : memref<80x64xf32, #tpu.memory_space<vmem>>) offsets(%dma_start3A_1734 : memref<80xi32, #tpu.memory_space<vmem>>) semaphore(%arg7 : memref<!tpu.dma_semaphore, #tpu.memory_space<semaphore_mem>>)
      %mul3A_1738 = arith.constant 10 : i32
      %mul3A_1739 = arith.muli %add3A_1593, %mul3A_1738 : i32
      %add3A_1740 = arith.constant 8 : i32
      %add3A_1741 = arith.addi %mul3A_1739, %add3A_1740 : i32
      %dma_start3A_1742 = arith.constant 0 : i32
      %dma_start3A_1743 = arith.constant 0 : i32
      %dma_start3A_1744 = arith.constant 0 : i32
      %dma_start3A_1745 = tpu.memref_slice %arg6[%dma_start3A_1742, %dma_start3A_1743, %dma_start3A_1744] : memref<2x800x64xf32, #tpu.memory_space<vmem>> -> memref<1x800x64xf32, #tpu.memory_space<vmem>>
      %dma_start3A_1746 = tpu.memref_squeeze %dma_start3A_1745 : memref<1x800x64xf32, #tpu.memory_space<vmem>> -> memref<800x64xf32, #tpu.memory_space<vmem>>
      %dma_start3A_1747 = arith.constant 640 : i32
      %dma_start3A_1748 = arith.constant 0 : i32
      %dma_start3A_1749 = tpu.memref_slice %dma_start3A_1746[%dma_start3A_1747, %dma_start3A_1748] : memref<800x64xf32, #tpu.memory_space<vmem>> -> memref<80x64xf32, #tpu.memory_space<vmem>>
      %dma_start3A_1750 = arith.constant 0 : i32
      %dma_start3A_1751 = tpu.memref_slice %arg5[%add3A_1741, %dma_start3A_1750] : memref<320x80xi32, #tpu.memory_space<vmem>> -> memref<1x80xi32, #tpu.memory_space<vmem>>
      %dma_start3A_1752 = tpu.memref_squeeze %dma_start3A_1751 : memref<1x80xi32, #tpu.memory_space<vmem>> -> memref<80xi32, #tpu.memory_space<vmem>>
      %dma_start3A_1753 = arith.constant 0 : i32
      %dma_start3A_1754 = arith.constant 0 : i32
      %dma_start3A_1755 = tpu.memref_slice %arg3[%dma_start3A_1753, %dma_start3A_1754] : memref<1000000x64xf32, #tpu.memory_space<hbm>> -> memref<1000000x64xf32, #tpu.memory_space<hbm>>
      tpu.enqueue_indirect_dma source(%dma_start3A_1755 : memref<1000000x64xf32, #tpu.memory_space<hbm>>) target(%dma_start3A_1749 : memref<80x64xf32, #tpu.memory_space<vmem>>) offsets(%dma_start3A_1752 : memref<80xi32, #tpu.memory_space<vmem>>) semaphore(%arg7 : memref<!tpu.dma_semaphore, #tpu.memory_space<semaphore_mem>>)
      %mul3A_1756 = arith.constant 10 : i32
      %mul3A_1757 = arith.muli %add3A_1593, %mul3A_1756 : i32
      %add3A_1758 = arith.constant 9 : i32
      %add3A_1759 = arith.addi %mul3A_1757, %add3A_1758 : i32
      %dma_start3A_1760 = arith.constant 0 : i32
      %dma_start3A_1761 = arith.constant 0 : i32
      %dma_start3A_1762 = arith.constant 0 : i32
      %dma_start3A_1763 = tpu.memref_slice %arg6[%dma_start3A_1760, %dma_start3A_1761, %dma_start3A_1762] : memref<2x800x64xf32, #tpu.memory_space<vmem>> -> memref<1x800x64xf32, #tpu.memory_space<vmem>>
      %dma_start3A_1764 = tpu.memref_squeeze %dma_start3A_1763 : memref<1x800x64xf32, #tpu.memory_space<vmem>> -> memref<800x64xf32, #tpu.memory_space<vmem>>
      %dma_start3A_1765 = arith.constant 720 : i32
      %dma_start3A_1766 = arith.constant 0 : i32
      %dma_start3A_1767 = tpu.memref_slice %dma_start3A_1764[%dma_start3A_1765, %dma_start3A_1766] : memref<800x64xf32, #tpu.memory_space<vmem>> -> memref<80x64xf32, #tpu.memory_space<vmem>>
      %dma_start3A_1768 = arith.constant 0 : i32
      %dma_start3A_1769 = tpu.memref_slice %arg5[%add3A_1759, %dma_start3A_1768] : memref<320x80xi32, #tpu.memory_space<vmem>> -> memref<1x80xi32, #tpu.memory_space<vmem>>
      %dma_start3A_1770 = tpu.memref_squeeze %dma_start3A_1769 : memref<1x80xi32, #tpu.memory_space<vmem>> -> memref<80xi32, #tpu.memory_space<vmem>>
      %dma_start3A_1771 = arith.constant 0 : i32
      %dma_start3A_1772 = arith.constant 0 : i32
      %dma_start3A_1773 = tpu.memref_slice %arg3[%dma_start3A_1771, %dma_start3A_1772] : memref<1000000x64xf32, #tpu.memory_space<hbm>> -> memref<1000000x64xf32, #tpu.memory_space<hbm>>
      tpu.enqueue_indirect_dma source(%dma_start3A_1773 : memref<1000000x64xf32, #tpu.memory_space<hbm>>) target(%dma_start3A_1767 : memref<80x64xf32, #tpu.memory_space<vmem>>) offsets(%dma_start3A_1770 : memref<80xi32, #tpu.memory_space<vmem>>) semaphore(%arg7 : memref<!tpu.dma_semaphore, #tpu.memory_space<semaphore_mem>>)
      %mul3A_1774 = arith.constant 2 : i32
      %mul3A_1775 = arith.muli %mul3A_1774, %scan3A_1134 : i32
      %add3A_1776 = arith.constant 2 : i32
      %add3A_1777 = arith.addi %mul3A_1775, %add3A_1776 : i32
      %mul3A_1778 = arith.constant 10 : i32
      %mul3A_1779 = arith.muli %add3A_1777, %mul3A_1778 : i32
      %add3A_1780 = arith.constant 0 : i32
      %add3A_1781 = arith.addi %mul3A_1779, %add3A_1780 : i32
      %dma_wait3A_1782 = arith.constant 0 : i32
      %dma_wait3A_1783 = arith.constant 0 : i32
      %dma_wait3A_1784 = arith.constant 0 : i32
      %dma_wait3A_1785 = tpu.memref_slice %arg6[%dma_wait3A_1782, %dma_wait3A_1783, %dma_wait3A_1784] : memref<2x800x64xf32, #tpu.memory_space<vmem>> -> memref<1x800x64xf32, #tpu.memory_space<vmem>>
      %dma_wait3A_1786 = tpu.memref_squeeze %dma_wait3A_1785 : memref<1x800x64xf32, #tpu.memory_space<vmem>> -> memref<800x64xf32, #tpu.memory_space<vmem>>
      %dma_wait3A_1787 = arith.constant 0 : i32
      %dma_wait3A_1788 = arith.constant 0 : i32
      %dma_wait3A_1789 = tpu.memref_slice %dma_wait3A_1786[%dma_wait3A_1787, %dma_wait3A_1788] : memref<800x64xf32, #tpu.memory_space<vmem>> -> memref<80x64xf32, #tpu.memory_space<vmem>>
      %dma_wait3A_1790 = arith.constant 0 : i32
      %dma_wait3A_1791 = tpu.memref_slice %arg5[%add3A_1781, %dma_wait3A_1790] : memref<320x80xi32, #tpu.memory_space<vmem>> -> memref<1x80xi32, #tpu.memory_space<vmem>>
      %dma_wait3A_1792 = tpu.memref_squeeze %dma_wait3A_1791 : memref<1x80xi32, #tpu.memory_space<vmem>> -> memref<80xi32, #tpu.memory_space<vmem>>
      %dma_wait3A_1793 = arith.constant 0 : i32
      %dma_wait3A_1794 = arith.constant 0 : i32
      %dma_wait3A_1795 = tpu.memref_slice %arg3[%dma_wait3A_1793, %dma_wait3A_1794] : memref<1000000x64xf32, #tpu.memory_space<hbm>> -> memref<1000000x64xf32, #tpu.memory_space<hbm>>
      tpu.wait_indirect_dma semaphore(%arg7 : memref<!tpu.dma_semaphore, #tpu.memory_space<semaphore_mem>>) src(%dma_wait3A_1795 : memref<1000000x64xf32, #tpu.memory_space<hbm>>) dst(%dma_wait3A_1789 : memref<80x64xf32, #tpu.memory_space<vmem>>)
      %mul3A_1796 = arith.constant 10 : i32
      %mul3A_1797 = arith.muli %add3A_1777, %mul3A_1796 : i32
      %add3A_1798 = arith.constant 1 : i32
      %add3A_1799 = arith.addi %mul3A_1797, %add3A_1798 : i32
      %dma_wait3A_1800 = arith.constant 0 : i32
      %dma_wait3A_1801 = arith.constant 0 : i32
      %dma_wait3A_1802 = arith.constant 0 : i32
      %dma_wait3A_1803 = tpu.memref_slice %arg6[%dma_wait3A_1800, %dma_wait3A_1801, %dma_wait3A_1802] : memref<2x800x64xf32, #tpu.memory_space<vmem>> -> memref<1x800x64xf32, #tpu.memory_space<vmem>>
      %dma_wait3A_1804 = tpu.memref_squeeze %dma_wait3A_1803 : memref<1x800x64xf32, #tpu.memory_space<vmem>> -> memref<800x64xf32, #tpu.memory_space<vmem>>
      %dma_wait3A_1805 = arith.constant 80 : i32
      %dma_wait3A_1806 = arith.constant 0 : i32
      %dma_wait3A_1807 = tpu.memref_slice %dma_wait3A_1804[%dma_wait3A_1805, %dma_wait3A_1806] : memref<800x64xf32, #tpu.memory_space<vmem>> -> memref<80x64xf32, #tpu.memory_space<vmem>>
      %dma_wait3A_1808 = arith.constant 0 : i32
      %dma_wait3A_1809 = tpu.memref_slice %arg5[%add3A_1799, %dma_wait3A_1808] : memref<320x80xi32, #tpu.memory_space<vmem>> -> memref<1x80xi32, #tpu.memory_space<vmem>>
      %dma_wait3A_1810 = tpu.memref_squeeze %dma_wait3A_1809 : memref<1x80xi32, #tpu.memory_space<vmem>> -> memref<80xi32, #tpu.memory_space<vmem>>
      %dma_wait3A_1811 = arith.constant 0 : i32
      %dma_wait3A_1812 = arith.constant 0 : i32
      %dma_wait3A_1813 = tpu.memref_slice %arg3[%dma_wait3A_1811, %dma_wait3A_1812] : memref<1000000x64xf32, #tpu.memory_space<hbm>> -> memref<1000000x64xf32, #tpu.memory_space<hbm>>
      tpu.wait_indirect_dma semaphore(%arg7 : memref<!tpu.dma_semaphore, #tpu.memory_space<semaphore_mem>>) src(%dma_wait3A_1813 : memref<1000000x64xf32, #tpu.memory_space<hbm>>) dst(%dma_wait3A_1807 : memref<80x64xf32, #tpu.memory_space<vmem>>)
      %mul3A_1814 = arith.constant 10 : i32
      %mul3A_1815 = arith.muli %add3A_1777, %mul3A_1814 : i32
      %add3A_1816 = arith.constant 2 : i32
      %add3A_1817 = arith.addi %mul3A_1815, %add3A_1816 : i32
      %dma_wait3A_1818 = arith.constant 0 : i32
      %dma_wait3A_1819 = arith.constant 0 : i32
      %dma_wait3A_1820 = arith.constant 0 : i32
      %dma_wait3A_1821 = tpu.memref_slice %arg6[%dma_wait3A_1818, %dma_wait3A_1819, %dma_wait3A_1820] : memref<2x800x64xf32, #tpu.memory_space<vmem>> -> memref<1x800x64xf32, #tpu.memory_space<vmem>>
      %dma_wait3A_1822 = tpu.memref_squeeze %dma_wait3A_1821 : memref<1x800x64xf32, #tpu.memory_space<vmem>> -> memref<800x64xf32, #tpu.memory_space<vmem>>
      %dma_wait3A_1823 = arith.constant 160 : i32
      %dma_wait3A_1824 = arith.constant 0 : i32
      %dma_wait3A_1825 = tpu.memref_slice %dma_wait3A_1822[%dma_wait3A_1823, %dma_wait3A_1824] : memref<800x64xf32, #tpu.memory_space<vmem>> -> memref<80x64xf32, #tpu.memory_space<vmem>>
      %dma_wait3A_1826 = arith.constant 0 : i32
      %dma_wait3A_1827 = tpu.memref_slice %arg5[%add3A_1817, %dma_wait3A_1826] : memref<320x80xi32, #tpu.memory_space<vmem>> -> memref<1x80xi32, #tpu.memory_space<vmem>>
      %dma_wait3A_1828 = tpu.memref_squeeze %dma_wait3A_1827 : memref<1x80xi32, #tpu.memory_space<vmem>> -> memref<80xi32, #tpu.memory_space<vmem>>
      %dma_wait3A_1829 = arith.constant 0 : i32
      %dma_wait3A_1830 = arith.constant 0 : i32
      %dma_wait3A_1831 = tpu.memref_slice %arg3[%dma_wait3A_1829, %dma_wait3A_1830] : memref<1000000x64xf32, #tpu.memory_space<hbm>> -> memref<1000000x64xf32, #tpu.memory_space<hbm>>
      tpu.wait_indirect_dma semaphore(%arg7 : memref<!tpu.dma_semaphore, #tpu.memory_space<semaphore_mem>>) src(%dma_wait3A_1831 : memref<1000000x64xf32, #tpu.memory_space<hbm>>) dst(%dma_wait3A_1825 : memref<80x64xf32, #tpu.memory_space<vmem>>)
      %mul3A_1832 = arith.constant 10 : i32
      %mul3A_1833 = arith.muli %add3A_1777, %mul3A_1832 : i32
      %add3A_1834 = arith.constant 3 : i32
      %add3A_1835 = arith.addi %mul3A_1833, %add3A_1834 : i32
      %dma_wait3A_1836 = arith.constant 0 : i32
      %dma_wait3A_1837 = arith.constant 0 : i32
      %dma_wait3A_1838 = arith.constant 0 : i32
      %dma_wait3A_1839 = tpu.memref_slice %arg6[%dma_wait3A_1836, %dma_wait3A_1837, %dma_wait3A_1838] : memref<2x800x64xf32, #tpu.memory_space<vmem>> -> memref<1x800x64xf32, #tpu.memory_space<vmem>>
      %dma_wait3A_1840 = tpu.memref_squeeze %dma_wait3A_1839 : memref<1x800x64xf32, #tpu.memory_space<vmem>> -> memref<800x64xf32, #tpu.memory_space<vmem>>
      %dma_wait3A_1841 = arith.constant 240 : i32
      %dma_wait3A_1842 = arith.constant 0 : i32
      %dma_wait3A_1843 = tpu.memref_slice %dma_wait3A_1840[%dma_wait3A_1841, %dma_wait3A_1842] : memref<800x64xf32, #tpu.memory_space<vmem>> -> memref<80x64xf32, #tpu.memory_space<vmem>>
      %dma_wait3A_1844 = arith.constant 0 : i32
      %dma_wait3A_1845 = tpu.memref_slice %arg5[%add3A_1835, %dma_wait3A_1844] : memref<320x80xi32, #tpu.memory_space<vmem>> -> memref<1x80xi32, #tpu.memory_space<vmem>>
      %dma_wait3A_1846 = tpu.memref_squeeze %dma_wait3A_1845 : memref<1x80xi32, #tpu.memory_space<vmem>> -> memref<80xi32, #tpu.memory_space<vmem>>
      %dma_wait3A_1847 = arith.constant 0 : i32
      %dma_wait3A_1848 = arith.constant 0 : i32
      %dma_wait3A_1849 = tpu.memref_slice %arg3[%dma_wait3A_1847, %dma_wait3A_1848] : memref<1000000x64xf32, #tpu.memory_space<hbm>> -> memref<1000000x64xf32, #tpu.memory_space<hbm>>
      tpu.wait_indirect_dma semaphore(%arg7 : memref<!tpu.dma_semaphore, #tpu.memory_space<semaphore_mem>>) src(%dma_wait3A_1849 : memref<1000000x64xf32, #tpu.memory_space<hbm>>) dst(%dma_wait3A_1843 : memref<80x64xf32, #tpu.memory_space<vmem>>)
      %mul3A_1850 = arith.constant 10 : i32
      %mul3A_1851 = arith.muli %add3A_1777, %mul3A_1850 : i32
      %add3A_1852 = arith.constant 4 : i32
      %add3A_1853 = arith.addi %mul3A_1851, %add3A_1852 : i32
      %dma_wait3A_1854 = arith.constant 0 : i32
      %dma_wait3A_1855 = arith.constant 0 : i32
      %dma_wait3A_1856 = arith.constant 0 : i32
      %dma_wait3A_1857 = tpu.memref_slice %arg6[%dma_wait3A_1854, %dma_wait3A_1855, %dma_wait3A_1856] : memref<2x800x64xf32, #tpu.memory_space<vmem>> -> memref<1x800x64xf32, #tpu.memory_space<vmem>>
      %dma_wait3A_1858 = tpu.memref_squeeze %dma_wait3A_1857 : memref<1x800x64xf32, #tpu.memory_space<vmem>> -> memref<800x64xf32, #tpu.memory_space<vmem>>
      %dma_wait3A_1859 = arith.constant 320 : i32
      %dma_wait3A_1860 = arith.constant 0 : i32
      %dma_wait3A_1861 = tpu.memref_slice %dma_wait3A_1858[%dma_wait3A_1859, %dma_wait3A_1860] : memref<800x64xf32, #tpu.memory_space<vmem>> -> memref<80x64xf32, #tpu.memory_space<vmem>>
      %dma_wait3A_1862 = arith.constant 0 : i32
      %dma_wait3A_1863 = tpu.memref_slice %arg5[%add3A_1853, %dma_wait3A_1862] : memref<320x80xi32, #tpu.memory_space<vmem>> -> memref<1x80xi32, #tpu.memory_space<vmem>>
      %dma_wait3A_1864 = tpu.memref_squeeze %dma_wait3A_1863 : memref<1x80xi32, #tpu.memory_space<vmem>> -> memref<80xi32, #tpu.memory_space<vmem>>
      %dma_wait3A_1865 = arith.constant 0 : i32
      %dma_wait3A_1866 = arith.constant 0 : i32
      %dma_wait3A_1867 = tpu.memref_slice %arg3[%dma_wait3A_1865, %dma_wait3A_1866] : memref<1000000x64xf32, #tpu.memory_space<hbm>> -> memref<1000000x64xf32, #tpu.memory_space<hbm>>
      tpu.wait_indirect_dma semaphore(%arg7 : memref<!tpu.dma_semaphore, #tpu.memory_space<semaphore_mem>>) src(%dma_wait3A_1867 : memref<1000000x64xf32, #tpu.memory_space<hbm>>) dst(%dma_wait3A_1861 : memref<80x64xf32, #tpu.memory_space<vmem>>)
      %mul3A_1868 = arith.constant 10 : i32
      %mul3A_1869 = arith.muli %add3A_1777, %mul3A_1868 : i32
      %add3A_1870 = arith.constant 5 : i32
      %add3A_1871 = arith.addi %mul3A_1869, %add3A_1870 : i32
      %dma_wait3A_1872 = arith.constant 0 : i32
      %dma_wait3A_1873 = arith.constant 0 : i32
      %dma_wait3A_1874 = arith.constant 0 : i32
      %dma_wait3A_1875 = tpu.memref_slice %arg6[%dma_wait3A_1872, %dma_wait3A_1873, %dma_wait3A_1874] : memref<2x800x64xf32, #tpu.memory_space<vmem>> -> memref<1x800x64xf32, #tpu.memory_space<vmem>>
      %dma_wait3A_1876 = tpu.memref_squeeze %dma_wait3A_1875 : memref<1x800x64xf32, #tpu.memory_space<vmem>> -> memref<800x64xf32, #tpu.memory_space<vmem>>
      %dma_wait3A_1877 = arith.constant 400 : i32
      %dma_wait3A_1878 = arith.constant 0 : i32
      %dma_wait3A_1879 = tpu.memref_slice %dma_wait3A_1876[%dma_wait3A_1877, %dma_wait3A_1878] : memref<800x64xf32, #tpu.memory_space<vmem>> -> memref<80x64xf32, #tpu.memory_space<vmem>>
      %dma_wait3A_1880 = arith.constant 0 : i32
      %dma_wait3A_1881 = tpu.memref_slice %arg5[%add3A_1871, %dma_wait3A_1880] : memref<320x80xi32, #tpu.memory_space<vmem>> -> memref<1x80xi32, #tpu.memory_space<vmem>>
      %dma_wait3A_1882 = tpu.memref_squeeze %dma_wait3A_1881 : memref<1x80xi32, #tpu.memory_space<vmem>> -> memref<80xi32, #tpu.memory_space<vmem>>
      %dma_wait3A_1883 = arith.constant 0 : i32
      %dma_wait3A_1884 = arith.constant 0 : i32
      %dma_wait3A_1885 = tpu.memref_slice %arg3[%dma_wait3A_1883, %dma_wait3A_1884] : memref<1000000x64xf32, #tpu.memory_space<hbm>> -> memref<1000000x64xf32, #tpu.memory_space<hbm>>
      tpu.wait_indirect_dma semaphore(%arg7 : memref<!tpu.dma_semaphore, #tpu.memory_space<semaphore_mem>>) src(%dma_wait3A_1885 : memref<1000000x64xf32, #tpu.memory_space<hbm>>) dst(%dma_wait3A_1879 : memref<80x64xf32, #tpu.memory_space<vmem>>)
      %mul3A_1886 = arith.constant 10 : i32
      %mul3A_1887 = arith.muli %add3A_1777, %mul3A_1886 : i32
      %add3A_1888 = arith.constant 6 : i32
      %add3A_1889 = arith.addi %mul3A_1887, %add3A_1888 : i32
      %dma_wait3A_1890 = arith.constant 0 : i32
      %dma_wait3A_1891 = arith.constant 0 : i32
      %dma_wait3A_1892 = arith.constant 0 : i32
      %dma_wait3A_1893 = tpu.memref_slice %arg6[%dma_wait3A_1890, %dma_wait3A_1891, %dma_wait3A_1892] : memref<2x800x64xf32, #tpu.memory_space<vmem>> -> memref<1x800x64xf32, #tpu.memory_space<vmem>>
      %dma_wait3A_1894 = tpu.memref_squeeze %dma_wait3A_1893 : memref<1x800x64xf32, #tpu.memory_space<vmem>> -> memref<800x64xf32, #tpu.memory_space<vmem>>
      %dma_wait3A_1895 = arith.constant 480 : i32
      %dma_wait3A_1896 = arith.constant 0 : i32
      %dma_wait3A_1897 = tpu.memref_slice %dma_wait3A_1894[%dma_wait3A_1895, %dma_wait3A_1896] : memref<800x64xf32, #tpu.memory_space<vmem>> -> memref<80x64xf32, #tpu.memory_space<vmem>>
      %dma_wait3A_1898 = arith.constant 0 : i32
      %dma_wait3A_1899 = tpu.memref_slice %arg5[%add3A_1889, %dma_wait3A_1898] : memref<320x80xi32, #tpu.memory_space<vmem>> -> memref<1x80xi32, #tpu.memory_space<vmem>>
      %dma_wait3A_1900 = tpu.memref_squeeze %dma_wait3A_1899 : memref<1x80xi32, #tpu.memory_space<vmem>> -> memref<80xi32, #tpu.memory_space<vmem>>
      %dma_wait3A_1901 = arith.constant 0 : i32
      %dma_wait3A_1902 = arith.constant 0 : i32
      %dma_wait3A_1903 = tpu.memref_slice %arg3[%dma_wait3A_1901, %dma_wait3A_1902] : memref<1000000x64xf32, #tpu.memory_space<hbm>> -> memref<1000000x64xf32, #tpu.memory_space<hbm>>
      tpu.wait_indirect_dma semaphore(%arg7 : memref<!tpu.dma_semaphore, #tpu.memory_space<semaphore_mem>>) src(%dma_wait3A_1903 : memref<1000000x64xf32, #tpu.memory_space<hbm>>) dst(%dma_wait3A_1897 : memref<80x64xf32, #tpu.memory_space<vmem>>)
      %mul3A_1904 = arith.constant 10 : i32
      %mul3A_1905 = arith.muli %add3A_1777, %mul3A_1904 : i32
      %add3A_1906 = arith.constant 7 : i32
      %add3A_1907 = arith.addi %mul3A_1905, %add3A_1906 : i32
      %dma_wait3A_1908 = arith.constant 0 : i32
      %dma_wait3A_1909 = arith.constant 0 : i32
      %dma_wait3A_1910 = arith.constant 0 : i32
      %dma_wait3A_1911 = tpu.memref_slice %arg6[%dma_wait3A_1908, %dma_wait3A_1909, %dma_wait3A_1910] : memref<2x800x64xf32, #tpu.memory_space<vmem>> -> memref<1x800x64xf32, #tpu.memory_space<vmem>>
      %dma_wait3A_1912 = tpu.memref_squeeze %dma_wait3A_1911 : memref<1x800x64xf32, #tpu.memory_space<vmem>> -> memref<800x64xf32, #tpu.memory_space<vmem>>
      %dma_wait3A_1913 = arith.constant 560 : i32
      %dma_wait3A_1914 = arith.constant 0 : i32
      %dma_wait3A_1915 = tpu.memref_slice %dma_wait3A_1912[%dma_wait3A_1913, %dma_wait3A_1914] : memref<800x64xf32, #tpu.memory_space<vmem>> -> memref<80x64xf32, #tpu.memory_space<vmem>>
      %dma_wait3A_1916 = arith.constant 0 : i32
      %dma_wait3A_1917 = tpu.memref_slice %arg5[%add3A_1907, %dma_wait3A_1916] : memref<320x80xi32, #tpu.memory_space<vmem>> -> memref<1x80xi32, #tpu.memory_space<vmem>>
      %dma_wait3A_1918 = tpu.memref_squeeze %dma_wait3A_1917 : memref<1x80xi32, #tpu.memory_space<vmem>> -> memref<80xi32, #tpu.memory_space<vmem>>
      %dma_wait3A_1919 = arith.constant 0 : i32
      %dma_wait3A_1920 = arith.constant 0 : i32
      %dma_wait3A_1921 = tpu.memref_slice %arg3[%dma_wait3A_1919, %dma_wait3A_1920] : memref<1000000x64xf32, #tpu.memory_space<hbm>> -> memref<1000000x64xf32, #tpu.memory_space<hbm>>
      tpu.wait_indirect_dma semaphore(%arg7 : memref<!tpu.dma_semaphore, #tpu.memory_space<semaphore_mem>>) src(%dma_wait3A_1921 : memref<1000000x64xf32, #tpu.memory_space<hbm>>) dst(%dma_wait3A_1915 : memref<80x64xf32, #tpu.memory_space<vmem>>)
      %mul3A_1922 = arith.constant 10 : i32
      %mul3A_1923 = arith.muli %add3A_1777, %mul3A_1922 : i32
      %add3A_1924 = arith.constant 8 : i32
      %add3A_1925 = arith.addi %mul3A_1923, %add3A_1924 : i32
      %dma_wait3A_1926 = arith.constant 0 : i32
      %dma_wait3A_1927 = arith.constant 0 : i32
      %dma_wait3A_1928 = arith.constant 0 : i32
      %dma_wait3A_1929 = tpu.memref_slice %arg6[%dma_wait3A_1926, %dma_wait3A_1927, %dma_wait3A_1928] : memref<2x800x64xf32, #tpu.memory_space<vmem>> -> memref<1x800x64xf32, #tpu.memory_space<vmem>>
      %dma_wait3A_1930 = tpu.memref_squeeze %dma_wait3A_1929 : memref<1x800x64xf32, #tpu.memory_space<vmem>> -> memref<800x64xf32, #tpu.memory_space<vmem>>
      %dma_wait3A_1931 = arith.constant 640 : i32
      %dma_wait3A_1932 = arith.constant 0 : i32
      %dma_wait3A_1933 = tpu.memref_slice %dma_wait3A_1930[%dma_wait3A_1931, %dma_wait3A_1932] : memref<800x64xf32, #tpu.memory_space<vmem>> -> memref<80x64xf32, #tpu.memory_space<vmem>>
      %dma_wait3A_1934 = arith.constant 0 : i32
      %dma_wait3A_1935 = tpu.memref_slice %arg5[%add3A_1925, %dma_wait3A_1934] : memref<320x80xi32, #tpu.memory_space<vmem>> -> memref<1x80xi32, #tpu.memory_space<vmem>>
      %dma_wait3A_1936 = tpu.memref_squeeze %dma_wait3A_1935 : memref<1x80xi32, #tpu.memory_space<vmem>> -> memref<80xi32, #tpu.memory_space<vmem>>
      %dma_wait3A_1937 = arith.constant 0 : i32
      %dma_wait3A_1938 = arith.constant 0 : i32
      %dma_wait3A_1939 = tpu.memref_slice %arg3[%dma_wait3A_1937, %dma_wait3A_1938] : memref<1000000x64xf32, #tpu.memory_space<hbm>> -> memref<1000000x64xf32, #tpu.memory_space<hbm>>
      tpu.wait_indirect_dma semaphore(%arg7 : memref<!tpu.dma_semaphore, #tpu.memory_space<semaphore_mem>>) src(%dma_wait3A_1939 : memref<1000000x64xf32, #tpu.memory_space<hbm>>) dst(%dma_wait3A_1933 : memref<80x64xf32, #tpu.memory_space<vmem>>)
      %mul3A_1940 = arith.constant 10 : i32
      %mul3A_1941 = arith.muli %add3A_1777, %mul3A_1940 : i32
      %add3A_1942 = arith.constant 9 : i32
      %add3A_1943 = arith.addi %mul3A_1941, %add3A_1942 : i32
      %dma_wait3A_1944 = arith.constant 0 : i32
      %dma_wait3A_1945 = arith.constant 0 : i32
      %dma_wait3A_1946 = arith.constant 0 : i32
      %dma_wait3A_1947 = tpu.memref_slice %arg6[%dma_wait3A_1944, %dma_wait3A_1945, %dma_wait3A_1946] : memref<2x800x64xf32, #tpu.memory_space<vmem>> -> memref<1x800x64xf32, #tpu.memory_space<vmem>>
      %dma_wait3A_1948 = tpu.memref_squeeze %dma_wait3A_1947 : memref<1x800x64xf32, #tpu.memory_space<vmem>> -> memref<800x64xf32, #tpu.memory_space<vmem>>
      %dma_wait3A_1949 = arith.constant 720 : i32
      %dma_wait3A_1950 = arith.constant 0 : i32
      %dma_wait3A_1951 = tpu.memref_slice %dma_wait3A_1948[%dma_wait3A_1949, %dma_wait3A_1950] : memref<800x64xf32, #tpu.memory_space<vmem>> -> memref<80x64xf32, #tpu.memory_space<vmem>>
      %dma_wait3A_1952 = arith.constant 0 : i32
      %dma_wait3A_1953 = tpu.memref_slice %arg5[%add3A_1943, %dma_wait3A_1952] : memref<320x80xi32, #tpu.memory_space<vmem>> -> memref<1x80xi32, #tpu.memory_space<vmem>>
      %dma_wait3A_1954 = tpu.memref_squeeze %dma_wait3A_1953 : memref<1x80xi32, #tpu.memory_space<vmem>> -> memref<80xi32, #tpu.memory_space<vmem>>
      %dma_wait3A_1955 = arith.constant 0 : i32
      %dma_wait3A_1956 = arith.constant 0 : i32
      %dma_wait3A_1957 = tpu.memref_slice %arg3[%dma_wait3A_1955, %dma_wait3A_1956] : memref<1000000x64xf32, #tpu.memory_space<hbm>> -> memref<1000000x64xf32, #tpu.memory_space<hbm>>
      tpu.wait_indirect_dma semaphore(%arg7 : memref<!tpu.dma_semaphore, #tpu.memory_space<semaphore_mem>>) src(%dma_wait3A_1957 : memref<1000000x64xf32, #tpu.memory_space<hbm>>) dst(%dma_wait3A_1951 : memref<80x64xf32, #tpu.memory_space<vmem>>)
      %mul3A_1958 = arith.constant 4 : i32
      %mul3A_1959 = arith.muli %add3A_1777, %mul3A_1958 : i32
      %add3A_1960 = arith.addi %mul3A_2, %mul3A_1959 : i32
      %add3A_1961 = arith.constant 0 : i32
      %add3A_1962 = arith.addi %add3A_1960, %add3A_1961 : i32
      %dma_start3A_1963 = arith.constant 0 : i32
      %dma_start3A_1964 = arith.constant 0 : i32
      %dma_start3A_1965 = arith.constant 0 : i32
      %dma_start3A_1966 = tpu.memref_slice %arg6[%dma_start3A_1963, %dma_start3A_1964, %dma_start3A_1965] : memref<2x800x64xf32, #tpu.memory_space<vmem>> -> memref<1x800x64xf32, #tpu.memory_space<vmem>>
      %dma_start3A_1967 = tpu.memref_squeeze %dma_start3A_1966 : memref<1x800x64xf32, #tpu.memory_space<vmem>> -> memref<800x64xf32, #tpu.memory_space<vmem>>
      %dma_start3A_1968 = arith.constant 0 : i32
      %dma_start3A_1969 = arith.constant 0 : i32
      %dma_start3A_1970 = tpu.memref_slice %dma_start3A_1967[%dma_start3A_1968, %dma_start3A_1969] : memref<800x64xf32, #tpu.memory_space<vmem>> -> memref<200x64xf32, #tpu.memory_space<vmem>>
      %dma_start3A_1971 = arith.constant 0 : i32
      %dma_start3A_1972 = arith.constant 0 : i32
      %dma_start3A_1973 = tpu.memref_slice %arg4[%add3A_1962, %dma_start3A_1971, %dma_start3A_1972] : memref<4096x200x128xf32, #tpu.memory_space<hbm>> -> memref<1x200x128xf32, #tpu.memory_space<hbm>>
      %dma_start3A_1974 = tpu.memref_squeeze %dma_start3A_1973 : memref<1x200x128xf32, #tpu.memory_space<hbm>> -> memref<200x128xf32, #tpu.memory_space<hbm>>
      %dma_start3A_1975 = arith.constant 0 : i32
      %dma_start3A_1976 = arith.constant 0 : i32
      %dma_start3A_1977 = tpu.memref_slice %dma_start3A_1974[%dma_start3A_1975, %dma_start3A_1976] : memref<200x128xf32, #tpu.memory_space<hbm>> -> memref<200x64xf32, #tpu.memory_space<hbm>>
      %dma_start3A_1978 = arith.constant 0 : i32
      %dma_start3A_1979 = arith.constant 0 : i32
      %dma_start3A_1980 = tpu.memref_slice %arg4[%add3A_1962, %dma_start3A_1978, %dma_start3A_1979] : memref<4096x200x128xf32, #tpu.memory_space<hbm>> -> memref<1x200x128xf32, #tpu.memory_space<hbm>>
      %dma_start3A_1981 = tpu.memref_squeeze %dma_start3A_1980 : memref<1x200x128xf32, #tpu.memory_space<hbm>> -> memref<200x128xf32, #tpu.memory_space<hbm>>
      %dma_start3A_1982 = arith.constant 0 : i32
      %dma_start3A_1983 = arith.constant 0 : i32
      %dma_start3A_1984 = tpu.memref_slice %dma_start3A_1981[%dma_start3A_1982, %dma_start3A_1983] : memref<200x128xf32, #tpu.memory_space<hbm>> -> memref<200x64xf32, #tpu.memory_space<hbm>>
      %dma_start3A_1985 = arith.constant 0 : i32
      %dma_start3A_1986 = arith.constant 0 : i32
      %dma_start3A_1987 = tpu.memref_slice %arg6[%dma_start3A_1963, %dma_start3A_1985, %dma_start3A_1986] : memref<2x800x64xf32, #tpu.memory_space<vmem>> -> memref<1x800x64xf32, #tpu.memory_space<vmem>>
      %dma_start3A_1988 = tpu.memref_squeeze %dma_start3A_1987 : memref<1x800x64xf32, #tpu.memory_space<vmem>> -> memref<800x64xf32, #tpu.memory_space<vmem>>
      %dma_start3A_1989 = arith.constant 0 : i32
      %dma_start3A_1990 = arith.constant 0 : i32
      %dma_start3A_1991 = tpu.memref_slice %dma_start3A_1988[%dma_start3A_1989, %dma_start3A_1990] : memref<800x64xf32, #tpu.memory_space<vmem>> -> memref<200x64xf32, #tpu.memory_space<vmem>>
      tpu.enqueue_dma source(%dma_start3A_1991 : memref<200x64xf32, #tpu.memory_space<vmem>>) target(%dma_start3A_1984 : memref<200x64xf32, #tpu.memory_space<hbm>>) target_semaphore(%arg9 : memref<!tpu.dma_semaphore, #tpu.memory_space<semaphore_mem>>)
      %mul3A_1992 = arith.constant 4 : i32
      %mul3A_1993 = arith.muli %add3A_1777, %mul3A_1992 : i32
      %add3A_1994 = arith.addi %mul3A_2, %mul3A_1993 : i32
      %add3A_1995 = arith.constant 1 : i32
      %add3A_1996 = arith.addi %add3A_1994, %add3A_1995 : i32
      %dma_start3A_1997 = arith.constant 0 : i32
      %dma_start3A_1998 = arith.constant 0 : i32
      %dma_start3A_1999 = arith.constant 0 : i32
      %dma_start3A_2000 = tpu.memref_slice %arg6[%dma_start3A_1997, %dma_start3A_1998, %dma_start3A_1999] : memref<2x800x64xf32, #tpu.memory_space<vmem>> -> memref<1x800x64xf32, #tpu.memory_space<vmem>>
      %dma_start3A_2001 = tpu.memref_squeeze %dma_start3A_2000 : memref<1x800x64xf32, #tpu.memory_space<vmem>> -> memref<800x64xf32, #tpu.memory_space<vmem>>
      %dma_start3A_2002 = arith.constant 200 : i32
      %dma_start3A_2003 = arith.constant 0 : i32
      %dma_start3A_2004 = tpu.memref_slice %dma_start3A_2001[%dma_start3A_2002, %dma_start3A_2003] : memref<800x64xf32, #tpu.memory_space<vmem>> -> memref<200x64xf32, #tpu.memory_space<vmem>>
      %dma_start3A_2005 = arith.constant 0 : i32
      %dma_start3A_2006 = arith.constant 0 : i32
      %dma_start3A_2007 = tpu.memref_slice %arg4[%add3A_1996, %dma_start3A_2005, %dma_start3A_2006] : memref<4096x200x128xf32, #tpu.memory_space<hbm>> -> memref<1x200x128xf32, #tpu.memory_space<hbm>>
      %dma_start3A_2008 = tpu.memref_squeeze %dma_start3A_2007 : memref<1x200x128xf32, #tpu.memory_space<hbm>> -> memref<200x128xf32, #tpu.memory_space<hbm>>
      %dma_start3A_2009 = arith.constant 0 : i32
      %dma_start3A_2010 = arith.constant 0 : i32
      %dma_start3A_2011 = tpu.memref_slice %dma_start3A_2008[%dma_start3A_2009, %dma_start3A_2010] : memref<200x128xf32, #tpu.memory_space<hbm>> -> memref<200x64xf32, #tpu.memory_space<hbm>>
      %dma_start3A_2012 = arith.constant 0 : i32
      %dma_start3A_2013 = arith.constant 0 : i32
      %dma_start3A_2014 = tpu.memref_slice %arg4[%add3A_1996, %dma_start3A_2012, %dma_start3A_2013] : memref<4096x200x128xf32, #tpu.memory_space<hbm>> -> memref<1x200x128xf32, #tpu.memory_space<hbm>>
      %dma_start3A_2015 = tpu.memref_squeeze %dma_start3A_2014 : memref<1x200x128xf32, #tpu.memory_space<hbm>> -> memref<200x128xf32, #tpu.memory_space<hbm>>
      %dma_start3A_2016 = arith.constant 0 : i32
      %dma_start3A_2017 = arith.constant 0 : i32
      %dma_start3A_2018 = tpu.memref_slice %dma_start3A_2015[%dma_start3A_2016, %dma_start3A_2017] : memref<200x128xf32, #tpu.memory_space<hbm>> -> memref<200x64xf32, #tpu.memory_space<hbm>>
      %dma_start3A_2019 = arith.constant 0 : i32
      %dma_start3A_2020 = arith.constant 0 : i32
      %dma_start3A_2021 = tpu.memref_slice %arg6[%dma_start3A_1997, %dma_start3A_2019, %dma_start3A_2020] : memref<2x800x64xf32, #tpu.memory_space<vmem>> -> memref<1x800x64xf32, #tpu.memory_space<vmem>>
      %dma_start3A_2022 = tpu.memref_squeeze %dma_start3A_2021 : memref<1x800x64xf32, #tpu.memory_space<vmem>> -> memref<800x64xf32, #tpu.memory_space<vmem>>
      %dma_start3A_2023 = arith.constant 200 : i32
      %dma_start3A_2024 = arith.constant 0 : i32
      %dma_start3A_2025 = tpu.memref_slice %dma_start3A_2022[%dma_start3A_2023, %dma_start3A_2024] : memref<800x64xf32, #tpu.memory_space<vmem>> -> memref<200x64xf32, #tpu.memory_space<vmem>>
      tpu.enqueue_dma source(%dma_start3A_2025 : memref<200x64xf32, #tpu.memory_space<vmem>>) target(%dma_start3A_2018 : memref<200x64xf32, #tpu.memory_space<hbm>>) target_semaphore(%arg9 : memref<!tpu.dma_semaphore, #tpu.memory_space<semaphore_mem>>)
      %mul3A_2026 = arith.constant 4 : i32
      %mul3A_2027 = arith.muli %add3A_1777, %mul3A_2026 : i32
      %add3A_2028 = arith.addi %mul3A_2, %mul3A_2027 : i32
      %add3A_2029 = arith.constant 2 : i32
      %add3A_2030 = arith.addi %add3A_2028, %add3A_2029 : i32
      %dma_start3A_2031 = arith.constant 0 : i32
      %dma_start3A_2032 = arith.constant 0 : i32
      %dma_start3A_2033 = arith.constant 0 : i32
      %dma_start3A_2034 = tpu.memref_slice %arg6[%dma_start3A_2031, %dma_start3A_2032, %dma_start3A_2033] : memref<2x800x64xf32, #tpu.memory_space<vmem>> -> memref<1x800x64xf32, #tpu.memory_space<vmem>>
      %dma_start3A_2035 = tpu.memref_squeeze %dma_start3A_2034 : memref<1x800x64xf32, #tpu.memory_space<vmem>> -> memref<800x64xf32, #tpu.memory_space<vmem>>
      %dma_start3A_2036 = arith.constant 400 : i32
      %dma_start3A_2037 = arith.constant 0 : i32
      %dma_start3A_2038 = tpu.memref_slice %dma_start3A_2035[%dma_start3A_2036, %dma_start3A_2037] : memref<800x64xf32, #tpu.memory_space<vmem>> -> memref<200x64xf32, #tpu.memory_space<vmem>>
      %dma_start3A_2039 = arith.constant 0 : i32
      %dma_start3A_2040 = arith.constant 0 : i32
      %dma_start3A_2041 = tpu.memref_slice %arg4[%add3A_2030, %dma_start3A_2039, %dma_start3A_2040] : memref<4096x200x128xf32, #tpu.memory_space<hbm>> -> memref<1x200x128xf32, #tpu.memory_space<hbm>>
      %dma_start3A_2042 = tpu.memref_squeeze %dma_start3A_2041 : memref<1x200x128xf32, #tpu.memory_space<hbm>> -> memref<200x128xf32, #tpu.memory_space<hbm>>
      %dma_start3A_2043 = arith.constant 0 : i32
      %dma_start3A_2044 = arith.constant 0 : i32
      %dma_start3A_2045 = tpu.memref_slice %dma_start3A_2042[%dma_start3A_2043, %dma_start3A_2044] : memref<200x128xf32, #tpu.memory_space<hbm>> -> memref<200x64xf32, #tpu.memory_space<hbm>>
      %dma_start3A_2046 = arith.constant 0 : i32
      %dma_start3A_2047 = arith.constant 0 : i32
      %dma_start3A_2048 = tpu.memref_slice %arg4[%add3A_2030, %dma_start3A_2046, %dma_start3A_2047] : memref<4096x200x128xf32, #tpu.memory_space<hbm>> -> memref<1x200x128xf32, #tpu.memory_space<hbm>>
      %dma_start3A_2049 = tpu.memref_squeeze %dma_start3A_2048 : memref<1x200x128xf32, #tpu.memory_space<hbm>> -> memref<200x128xf32, #tpu.memory_space<hbm>>
      %dma_start3A_2050 = arith.constant 0 : i32
      %dma_start3A_2051 = arith.constant 0 : i32
      %dma_start3A_2052 = tpu.memref_slice %dma_start3A_2049[%dma_start3A_2050, %dma_start3A_2051] : memref<200x128xf32, #tpu.memory_space<hbm>> -> memref<200x64xf32, #tpu.memory_space<hbm>>
      %dma_start3A_2053 = arith.constant 0 : i32
      %dma_start3A_2054 = arith.constant 0 : i32
      %dma_start3A_2055 = tpu.memref_slice %arg6[%dma_start3A_2031, %dma_start3A_2053, %dma_start3A_2054] : memref<2x800x64xf32, #tpu.memory_space<vmem>> -> memref<1x800x64xf32, #tpu.memory_space<vmem>>
      %dma_start3A_2056 = tpu.memref_squeeze %dma_start3A_2055 : memref<1x800x64xf32, #tpu.memory_space<vmem>> -> memref<800x64xf32, #tpu.memory_space<vmem>>
      %dma_start3A_2057 = arith.constant 400 : i32
      %dma_start3A_2058 = arith.constant 0 : i32
      %dma_start3A_2059 = tpu.memref_slice %dma_start3A_2056[%dma_start3A_2057, %dma_start3A_2058] : memref<800x64xf32, #tpu.memory_space<vmem>> -> memref<200x64xf32, #tpu.memory_space<vmem>>
      tpu.enqueue_dma source(%dma_start3A_2059 : memref<200x64xf32, #tpu.memory_space<vmem>>) target(%dma_start3A_2052 : memref<200x64xf32, #tpu.memory_space<hbm>>) target_semaphore(%arg9 : memref<!tpu.dma_semaphore, #tpu.memory_space<semaphore_mem>>)
      %mul3A_2060 = arith.constant 4 : i32
      %mul3A_2061 = arith.muli %add3A_1777, %mul3A_2060 : i32
      %add3A_2062 = arith.addi %mul3A_2, %mul3A_2061 : i32
      %add3A_2063 = arith.constant 3 : i32
      %add3A_2064 = arith.addi %add3A_2062, %add3A_2063 : i32
      %dma_start3A_2065 = arith.constant 0 : i32
      %dma_start3A_2066 = arith.constant 0 : i32
      %dma_start3A_2067 = arith.constant 0 : i32
      %dma_start3A_2068 = tpu.memref_slice %arg6[%dma_start3A_2065, %dma_start3A_2066, %dma_start3A_2067] : memref<2x800x64xf32, #tpu.memory_space<vmem>> -> memref<1x800x64xf32, #tpu.memory_space<vmem>>
      %dma_start3A_2069 = tpu.memref_squeeze %dma_start3A_2068 : memref<1x800x64xf32, #tpu.memory_space<vmem>> -> memref<800x64xf32, #tpu.memory_space<vmem>>
      %dma_start3A_2070 = arith.constant 600 : i32
      %dma_start3A_2071 = arith.constant 0 : i32
      %dma_start3A_2072 = tpu.memref_slice %dma_start3A_2069[%dma_start3A_2070, %dma_start3A_2071] : memref<800x64xf32, #tpu.memory_space<vmem>> -> memref<200x64xf32, #tpu.memory_space<vmem>>
      %dma_start3A_2073 = arith.constant 0 : i32
      %dma_start3A_2074 = arith.constant 0 : i32
      %dma_start3A_2075 = tpu.memref_slice %arg4[%add3A_2064, %dma_start3A_2073, %dma_start3A_2074] : memref<4096x200x128xf32, #tpu.memory_space<hbm>> -> memref<1x200x128xf32, #tpu.memory_space<hbm>>
      %dma_start3A_2076 = tpu.memref_squeeze %dma_start3A_2075 : memref<1x200x128xf32, #tpu.memory_space<hbm>> -> memref<200x128xf32, #tpu.memory_space<hbm>>
      %dma_start3A_2077 = arith.constant 0 : i32
      %dma_start3A_2078 = arith.constant 0 : i32
      %dma_start3A_2079 = tpu.memref_slice %dma_start3A_2076[%dma_start3A_2077, %dma_start3A_2078] : memref<200x128xf32, #tpu.memory_space<hbm>> -> memref<200x64xf32, #tpu.memory_space<hbm>>
      %dma_start3A_2080 = arith.constant 0 : i32
      %dma_start3A_2081 = arith.constant 0 : i32
      %dma_start3A_2082 = tpu.memref_slice %arg4[%add3A_2064, %dma_start3A_2080, %dma_start3A_2081] : memref<4096x200x128xf32, #tpu.memory_space<hbm>> -> memref<1x200x128xf32, #tpu.memory_space<hbm>>
      %dma_start3A_2083 = tpu.memref_squeeze %dma_start3A_2082 : memref<1x200x128xf32, #tpu.memory_space<hbm>> -> memref<200x128xf32, #tpu.memory_space<hbm>>
      %dma_start3A_2084 = arith.constant 0 : i32
      %dma_start3A_2085 = arith.constant 0 : i32
      %dma_start3A_2086 = tpu.memref_slice %dma_start3A_2083[%dma_start3A_2084, %dma_start3A_2085] : memref<200x128xf32, #tpu.memory_space<hbm>> -> memref<200x64xf32, #tpu.memory_space<hbm>>
      %dma_start3A_2087 = arith.constant 0 : i32
      %dma_start3A_2088 = arith.constant 0 : i32
      %dma_start3A_2089 = tpu.memref_slice %arg6[%dma_start3A_2065, %dma_start3A_2087, %dma_start3A_2088] : memref<2x800x64xf32, #tpu.memory_space<vmem>> -> memref<1x800x64xf32, #tpu.memory_space<vmem>>
      %dma_start3A_2090 = tpu.memref_squeeze %dma_start3A_2089 : memref<1x800x64xf32, #tpu.memory_space<vmem>> -> memref<800x64xf32, #tpu.memory_space<vmem>>
      %dma_start3A_2091 = arith.constant 600 : i32
      %dma_start3A_2092 = arith.constant 0 : i32
      %dma_start3A_2093 = tpu.memref_slice %dma_start3A_2090[%dma_start3A_2091, %dma_start3A_2092] : memref<800x64xf32, #tpu.memory_space<vmem>> -> memref<200x64xf32, #tpu.memory_space<vmem>>
      tpu.enqueue_dma source(%dma_start3A_2093 : memref<200x64xf32, #tpu.memory_space<vmem>>) target(%dma_start3A_2086 : memref<200x64xf32, #tpu.memory_space<hbm>>) target_semaphore(%arg9 : memref<!tpu.dma_semaphore, #tpu.memory_space<semaphore_mem>>)
      %sub3A_2094 = arith.constant 1 : i32
      %sub3A_2095 = arith.subi %add3A_1777, %sub3A_2094 : i32
      %mul3A_2096 = arith.constant 4 : i32
      %mul3A_2097 = arith.muli %sub3A_2095, %mul3A_2096 : i32
      %add3A_2098 = arith.addi %mul3A_2, %mul3A_2097 : i32
      %add3A_2099 = arith.constant 0 : i32
      %add3A_2100 = arith.addi %add3A_2098, %add3A_2099 : i32
      %dma_wait3A_2101 = arith.constant 1 : i32
      %dma_wait3A_2102 = arith.constant 0 : i32
      %dma_wait3A_2103 = arith.constant 0 : i32
      %dma_wait3A_2104 = tpu.memref_slice %arg6[%dma_wait3A_2101, %dma_wait3A_2102, %dma_wait3A_2103] : memref<2x800x64xf32, #tpu.memory_space<vmem>> -> memref<1x800x64xf32, #tpu.memory_space<vmem>>
      %dma_wait3A_2105 = tpu.memref_squeeze %dma_wait3A_2104 : memref<1x800x64xf32, #tpu.memory_space<vmem>> -> memref<800x64xf32, #tpu.memory_space<vmem>>
      %dma_wait3A_2106 = arith.constant 0 : i32
      %dma_wait3A_2107 = arith.constant 0 : i32
      %dma_wait3A_2108 = tpu.memref_slice %dma_wait3A_2105[%dma_wait3A_2106, %dma_wait3A_2107] : memref<800x64xf32, #tpu.memory_space<vmem>> -> memref<200x64xf32, #tpu.memory_space<vmem>>
      %dma_wait3A_2109 = arith.constant 0 : i32
      %dma_wait3A_2110 = arith.constant 0 : i32
      %dma_wait3A_2111 = tpu.memref_slice %arg4[%add3A_2100, %dma_wait3A_2109, %dma_wait3A_2110] : memref<4096x200x128xf32, #tpu.memory_space<hbm>> -> memref<1x200x128xf32, #tpu.memory_space<hbm>>
      %dma_wait3A_2112 = tpu.memref_squeeze %dma_wait3A_2111 : memref<1x200x128xf32, #tpu.memory_space<hbm>> -> memref<200x128xf32, #tpu.memory_space<hbm>>
      %dma_wait3A_2113 = arith.constant 0 : i32
      %dma_wait3A_2114 = arith.constant 0 : i32
      %dma_wait3A_2115 = tpu.memref_slice %dma_wait3A_2112[%dma_wait3A_2113, %dma_wait3A_2114] : memref<200x128xf32, #tpu.memory_space<hbm>> -> memref<200x64xf32, #tpu.memory_space<hbm>>
      %dma_wait3A_2116 = arith.constant 0 : i32
      %dma_wait3A_2117 = arith.constant 0 : i32
      %dma_wait3A_2118 = tpu.memref_slice %arg4[%add3A_2100, %dma_wait3A_2116, %dma_wait3A_2117] : memref<4096x200x128xf32, #tpu.memory_space<hbm>> -> memref<1x200x128xf32, #tpu.memory_space<hbm>>
      %dma_wait3A_2119 = tpu.memref_squeeze %dma_wait3A_2118 : memref<1x200x128xf32, #tpu.memory_space<hbm>> -> memref<200x128xf32, #tpu.memory_space<hbm>>
      %dma_wait3A_2120 = arith.constant 0 : i32
      %dma_wait3A_2121 = arith.constant 0 : i32
      %dma_wait3A_2122 = tpu.memref_slice %dma_wait3A_2119[%dma_wait3A_2120, %dma_wait3A_2121] : memref<200x128xf32, #tpu.memory_space<hbm>> -> memref<200x64xf32, #tpu.memory_space<hbm>>
      %dma_wait3A_2123 = arith.constant 0 : i32
      %dma_wait3A_2124 = arith.constant 0 : i32
      %dma_wait3A_2125 = tpu.memref_slice %arg6[%dma_wait3A_2101, %dma_wait3A_2123, %dma_wait3A_2124] : memref<2x800x64xf32, #tpu.memory_space<vmem>> -> memref<1x800x64xf32, #tpu.memory_space<vmem>>
      %dma_wait3A_2126 = tpu.memref_squeeze %dma_wait3A_2125 : memref<1x800x64xf32, #tpu.memory_space<vmem>> -> memref<800x64xf32, #tpu.memory_space<vmem>>
      %dma_wait3A_2127 = arith.constant 0 : i32
      %dma_wait3A_2128 = arith.constant 0 : i32
      %dma_wait3A_2129 = tpu.memref_slice %dma_wait3A_2126[%dma_wait3A_2127, %dma_wait3A_2128] : memref<800x64xf32, #tpu.memory_space<vmem>> -> memref<200x64xf32, #tpu.memory_space<vmem>>
      tpu.wait_dma2 semaphore(%arg10 : memref<!tpu.dma_semaphore, #tpu.memory_space<semaphore_mem>>) src(%dma_wait3A_2129 : memref<200x64xf32, #tpu.memory_space<vmem>>) dst(%dma_wait3A_2122 : memref<200x64xf32, #tpu.memory_space<hbm>>)
      %mul3A_2130 = arith.constant 4 : i32
      %mul3A_2131 = arith.muli %sub3A_2095, %mul3A_2130 : i32
      %add3A_2132 = arith.addi %mul3A_2, %mul3A_2131 : i32
      %add3A_2133 = arith.constant 1 : i32
      %add3A_2134 = arith.addi %add3A_2132, %add3A_2133 : i32
      %dma_wait3A_2135 = arith.constant 1 : i32
      %dma_wait3A_2136 = arith.constant 0 : i32
      %dma_wait3A_2137 = arith.constant 0 : i32
      %dma_wait3A_2138 = tpu.memref_slice %arg6[%dma_wait3A_2135, %dma_wait3A_2136, %dma_wait3A_2137] : memref<2x800x64xf32, #tpu.memory_space<vmem>> -> memref<1x800x64xf32, #tpu.memory_space<vmem>>
      %dma_wait3A_2139 = tpu.memref_squeeze %dma_wait3A_2138 : memref<1x800x64xf32, #tpu.memory_space<vmem>> -> memref<800x64xf32, #tpu.memory_space<vmem>>
      %dma_wait3A_2140 = arith.constant 200 : i32
      %dma_wait3A_2141 = arith.constant 0 : i32
      %dma_wait3A_2142 = tpu.memref_slice %dma_wait3A_2139[%dma_wait3A_2140, %dma_wait3A_2141] : memref<800x64xf32, #tpu.memory_space<vmem>> -> memref<200x64xf32, #tpu.memory_space<vmem>>
      %dma_wait3A_2143 = arith.constant 0 : i32
      %dma_wait3A_2144 = arith.constant 0 : i32
      %dma_wait3A_2145 = tpu.memref_slice %arg4[%add3A_2134, %dma_wait3A_2143, %dma_wait3A_2144] : memref<4096x200x128xf32, #tpu.memory_space<hbm>> -> memref<1x200x128xf32, #tpu.memory_space<hbm>>
      %dma_wait3A_2146 = tpu.memref_squeeze %dma_wait3A_2145 : memref<1x200x128xf32, #tpu.memory_space<hbm>> -> memref<200x128xf32, #tpu.memory_space<hbm>>
      %dma_wait3A_2147 = arith.constant 0 : i32
      %dma_wait3A_2148 = arith.constant 0 : i32
      %dma_wait3A_2149 = tpu.memref_slice %dma_wait3A_2146[%dma_wait3A_2147, %dma_wait3A_2148] : memref<200x128xf32, #tpu.memory_space<hbm>> -> memref<200x64xf32, #tpu.memory_space<hbm>>
      %dma_wait3A_2150 = arith.constant 0 : i32
      %dma_wait3A_2151 = arith.constant 0 : i32
      %dma_wait3A_2152 = tpu.memref_slice %arg4[%add3A_2134, %dma_wait3A_2150, %dma_wait3A_2151] : memref<4096x200x128xf32, #tpu.memory_space<hbm>> -> memref<1x200x128xf32, #tpu.memory_space<hbm>>
      %dma_wait3A_2153 = tpu.memref_squeeze %dma_wait3A_2152 : memref<1x200x128xf32, #tpu.memory_space<hbm>> -> memref<200x128xf32, #tpu.memory_space<hbm>>
      %dma_wait3A_2154 = arith.constant 0 : i32
      %dma_wait3A_2155 = arith.constant 0 : i32
      %dma_wait3A_2156 = tpu.memref_slice %dma_wait3A_2153[%dma_wait3A_2154, %dma_wait3A_2155] : memref<200x128xf32, #tpu.memory_space<hbm>> -> memref<200x64xf32, #tpu.memory_space<hbm>>
      %dma_wait3A_2157 = arith.constant 0 : i32
      %dma_wait3A_2158 = arith.constant 0 : i32
      %dma_wait3A_2159 = tpu.memref_slice %arg6[%dma_wait3A_2135, %dma_wait3A_2157, %dma_wait3A_2158] : memref<2x800x64xf32, #tpu.memory_space<vmem>> -> memref<1x800x64xf32, #tpu.memory_space<vmem>>
      %dma_wait3A_2160 = tpu.memref_squeeze %dma_wait3A_2159 : memref<1x800x64xf32, #tpu.memory_space<vmem>> -> memref<800x64xf32, #tpu.memory_space<vmem>>
      %dma_wait3A_2161 = arith.constant 200 : i32
      %dma_wait3A_2162 = arith.constant 0 : i32
      %dma_wait3A_2163 = tpu.memref_slice %dma_wait3A_2160[%dma_wait3A_2161, %dma_wait3A_2162] : memref<800x64xf32, #tpu.memory_space<vmem>> -> memref<200x64xf32, #tpu.memory_space<vmem>>
      tpu.wait_dma2 semaphore(%arg10 : memref<!tpu.dma_semaphore, #tpu.memory_space<semaphore_mem>>) src(%dma_wait3A_2163 : memref<200x64xf32, #tpu.memory_space<vmem>>) dst(%dma_wait3A_2156 : memref<200x64xf32, #tpu.memory_space<hbm>>)
      %mul3A_2164 = arith.constant 4 : i32
      %mul3A_2165 = arith.muli %sub3A_2095, %mul3A_2164 : i32
      %add3A_2166 = arith.addi %mul3A_2, %mul3A_2165 : i32
      %add3A_2167 = arith.constant 2 : i32
      %add3A_2168 = arith.addi %add3A_2166, %add3A_2167 : i32
      %dma_wait3A_2169 = arith.constant 1 : i32
      %dma_wait3A_2170 = arith.constant 0 : i32
      %dma_wait3A_2171 = arith.constant 0 : i32
      %dma_wait3A_2172 = tpu.memref_slice %arg6[%dma_wait3A_2169, %dma_wait3A_2170, %dma_wait3A_2171] : memref<2x800x64xf32, #tpu.memory_space<vmem>> -> memref<1x800x64xf32, #tpu.memory_space<vmem>>
      %dma_wait3A_2173 = tpu.memref_squeeze %dma_wait3A_2172 : memref<1x800x64xf32, #tpu.memory_space<vmem>> -> memref<800x64xf32, #tpu.memory_space<vmem>>
      %dma_wait3A_2174 = arith.constant 400 : i32
      %dma_wait3A_2175 = arith.constant 0 : i32
      %dma_wait3A_2176 = tpu.memref_slice %dma_wait3A_2173[%dma_wait3A_2174, %dma_wait3A_2175] : memref<800x64xf32, #tpu.memory_space<vmem>> -> memref<200x64xf32, #tpu.memory_space<vmem>>
      %dma_wait3A_2177 = arith.constant 0 : i32
      %dma_wait3A_2178 = arith.constant 0 : i32
      %dma_wait3A_2179 = tpu.memref_slice %arg4[%add3A_2168, %dma_wait3A_2177, %dma_wait3A_2178] : memref<4096x200x128xf32, #tpu.memory_space<hbm>> -> memref<1x200x128xf32, #tpu.memory_space<hbm>>
      %dma_wait3A_2180 = tpu.memref_squeeze %dma_wait3A_2179 : memref<1x200x128xf32, #tpu.memory_space<hbm>> -> memref<200x128xf32, #tpu.memory_space<hbm>>
      %dma_wait3A_2181 = arith.constant 0 : i32
      %dma_wait3A_2182 = arith.constant 0 : i32
      %dma_wait3A_2183 = tpu.memref_slice %dma_wait3A_2180[%dma_wait3A_2181, %dma_wait3A_2182] : memref<200x128xf32, #tpu.memory_space<hbm>> -> memref<200x64xf32, #tpu.memory_space<hbm>>
      %dma_wait3A_2184 = arith.constant 0 : i32
      %dma_wait3A_2185 = arith.constant 0 : i32
      %dma_wait3A_2186 = tpu.memref_slice %arg4[%add3A_2168, %dma_wait3A_2184, %dma_wait3A_2185] : memref<4096x200x128xf32, #tpu.memory_space<hbm>> -> memref<1x200x128xf32, #tpu.memory_space<hbm>>
      %dma_wait3A_2187 = tpu.memref_squeeze %dma_wait3A_2186 : memref<1x200x128xf32, #tpu.memory_space<hbm>> -> memref<200x128xf32, #tpu.memory_space<hbm>>
      %dma_wait3A_2188 = arith.constant 0 : i32
      %dma_wait3A_2189 = arith.constant 0 : i32
      %dma_wait3A_2190 = tpu.memref_slice %dma_wait3A_2187[%dma_wait3A_2188, %dma_wait3A_2189] : memref<200x128xf32, #tpu.memory_space<hbm>> -> memref<200x64xf32, #tpu.memory_space<hbm>>
      %dma_wait3A_2191 = arith.constant 0 : i32
      %dma_wait3A_2192 = arith.constant 0 : i32
      %dma_wait3A_2193 = tpu.memref_slice %arg6[%dma_wait3A_2169, %dma_wait3A_2191, %dma_wait3A_2192] : memref<2x800x64xf32, #tpu.memory_space<vmem>> -> memref<1x800x64xf32, #tpu.memory_space<vmem>>
      %dma_wait3A_2194 = tpu.memref_squeeze %dma_wait3A_2193 : memref<1x800x64xf32, #tpu.memory_space<vmem>> -> memref<800x64xf32, #tpu.memory_space<vmem>>
      %dma_wait3A_2195 = arith.constant 400 : i32
      %dma_wait3A_2196 = arith.constant 0 : i32
      %dma_wait3A_2197 = tpu.memref_slice %dma_wait3A_2194[%dma_wait3A_2195, %dma_wait3A_2196] : memref<800x64xf32, #tpu.memory_space<vmem>> -> memref<200x64xf32, #tpu.memory_space<vmem>>
      tpu.wait_dma2 semaphore(%arg10 : memref<!tpu.dma_semaphore, #tpu.memory_space<semaphore_mem>>) src(%dma_wait3A_2197 : memref<200x64xf32, #tpu.memory_space<vmem>>) dst(%dma_wait3A_2190 : memref<200x64xf32, #tpu.memory_space<hbm>>)
      %mul3A_2198 = arith.constant 4 : i32
      %mul3A_2199 = arith.muli %sub3A_2095, %mul3A_2198 : i32
      %add3A_2200 = arith.addi %mul3A_2, %mul3A_2199 : i32
      %add3A_2201 = arith.constant 3 : i32
      %add3A_2202 = arith.addi %add3A_2200, %add3A_2201 : i32
      %dma_wait3A_2203 = arith.constant 1 : i32
      %dma_wait3A_2204 = arith.constant 0 : i32
      %dma_wait3A_2205 = arith.constant 0 : i32
      %dma_wait3A_2206 = tpu.memref_slice %arg6[%dma_wait3A_2203, %dma_wait3A_2204, %dma_wait3A_2205] : memref<2x800x64xf32, #tpu.memory_space<vmem>> -> memref<1x800x64xf32, #tpu.memory_space<vmem>>
      %dma_wait3A_2207 = tpu.memref_squeeze %dma_wait3A_2206 : memref<1x800x64xf32, #tpu.memory_space<vmem>> -> memref<800x64xf32, #tpu.memory_space<vmem>>
      %dma_wait3A_2208 = arith.constant 600 : i32
      %dma_wait3A_2209 = arith.constant 0 : i32
      %dma_wait3A_2210 = tpu.memref_slice %dma_wait3A_2207[%dma_wait3A_2208, %dma_wait3A_2209] : memref<800x64xf32, #tpu.memory_space<vmem>> -> memref<200x64xf32, #tpu.memory_space<vmem>>
      %dma_wait3A_2211 = arith.constant 0 : i32
      %dma_wait3A_2212 = arith.constant 0 : i32
      %dma_wait3A_2213 = tpu.memref_slice %arg4[%add3A_2202, %dma_wait3A_2211, %dma_wait3A_2212] : memref<4096x200x128xf32, #tpu.memory_space<hbm>> -> memref<1x200x128xf32, #tpu.memory_space<hbm>>
      %dma_wait3A_2214 = tpu.memref_squeeze %dma_wait3A_2213 : memref<1x200x128xf32, #tpu.memory_space<hbm>> -> memref<200x128xf32, #tpu.memory_space<hbm>>
      %dma_wait3A_2215 = arith.constant 0 : i32
      %dma_wait3A_2216 = arith.constant 0 : i32
      %dma_wait3A_2217 = tpu.memref_slice %dma_wait3A_2214[%dma_wait3A_2215, %dma_wait3A_2216] : memref<200x128xf32, #tpu.memory_space<hbm>> -> memref<200x64xf32, #tpu.memory_space<hbm>>
      %dma_wait3A_2218 = arith.constant 0 : i32
      %dma_wait3A_2219 = arith.constant 0 : i32
      %dma_wait3A_2220 = tpu.memref_slice %arg4[%add3A_2202, %dma_wait3A_2218, %dma_wait3A_2219] : memref<4096x200x128xf32, #tpu.memory_space<hbm>> -> memref<1x200x128xf32, #tpu.memory_space<hbm>>
      %dma_wait3A_2221 = tpu.memref_squeeze %dma_wait3A_2220 : memref<1x200x128xf32, #tpu.memory_space<hbm>> -> memref<200x128xf32, #tpu.memory_space<hbm>>
      %dma_wait3A_2222 = arith.constant 0 : i32
      %dma_wait3A_2223 = arith.constant 0 : i32
      %dma_wait3A_2224 = tpu.memref_slice %dma_wait3A_2221[%dma_wait3A_2222, %dma_wait3A_2223] : memref<200x128xf32, #tpu.memory_space<hbm>> -> memref<200x64xf32, #tpu.memory_space<hbm>>
      %dma_wait3A_2225 = arith.constant 0 : i32
      %dma_wait3A_2226 = arith.constant 0 : i32
      %dma_wait3A_2227 = tpu.memref_slice %arg6[%dma_wait3A_2203, %dma_wait3A_2225, %dma_wait3A_2226] : memref<2x800x64xf32, #tpu.memory_space<vmem>> -> memref<1x800x64xf32, #tpu.memory_space<vmem>>
      %dma_wait3A_2228 = tpu.memref_squeeze %dma_wait3A_2227 : memref<1x800x64xf32, #tpu.memory_space<vmem>> -> memref<800x64xf32, #tpu.memory_space<vmem>>
      %dma_wait3A_2229 = arith.constant 600 : i32
      %dma_wait3A_2230 = arith.constant 0 : i32
      %dma_wait3A_2231 = tpu.memref_slice %dma_wait3A_2228[%dma_wait3A_2229, %dma_wait3A_2230] : memref<800x64xf32, #tpu.memory_space<vmem>> -> memref<200x64xf32, #tpu.memory_space<vmem>>
      tpu.wait_dma2 semaphore(%arg10 : memref<!tpu.dma_semaphore, #tpu.memory_space<semaphore_mem>>) src(%dma_wait3A_2231 : memref<200x64xf32, #tpu.memory_space<vmem>>) dst(%dma_wait3A_2224 : memref<200x64xf32, #tpu.memory_space<hbm>>)
      %add3A_2232 = arith.constant 1 : i32
      %add3A_2233 = arith.addi %add3A_1777, %add3A_2232 : i32
      %mul3A_2234 = arith.constant 10 : i32
      %mul3A_2235 = arith.muli %add3A_2233, %mul3A_2234 : i32
      %add3A_2236 = arith.constant 0 : i32
      %add3A_2237 = arith.addi %mul3A_2235, %add3A_2236 : i32
      %dma_start3A_2238 = arith.constant 1 : i32
      %dma_start3A_2239 = arith.constant 0 : i32
      %dma_start3A_2240 = arith.constant 0 : i32
      %dma_start3A_2241 = tpu.memref_slice %arg6[%dma_start3A_2238, %dma_start3A_2239, %dma_start3A_2240] : memref<2x800x64xf32, #tpu.memory_space<vmem>> -> memref<1x800x64xf32, #tpu.memory_space<vmem>>
      %dma_start3A_2242 = tpu.memref_squeeze %dma_start3A_2241 : memref<1x800x64xf32, #tpu.memory_space<vmem>> -> memref<800x64xf32, #tpu.memory_space<vmem>>
      %dma_start3A_2243 = arith.constant 0 : i32
      %dma_start3A_2244 = arith.constant 0 : i32
      %dma_start3A_2245 = tpu.memref_slice %dma_start3A_2242[%dma_start3A_2243, %dma_start3A_2244] : memref<800x64xf32, #tpu.memory_space<vmem>> -> memref<80x64xf32, #tpu.memory_space<vmem>>
      %dma_start3A_2246 = arith.constant 0 : i32
      %dma_start3A_2247 = tpu.memref_slice %arg5[%add3A_2237, %dma_start3A_2246] : memref<320x80xi32, #tpu.memory_space<vmem>> -> memref<1x80xi32, #tpu.memory_space<vmem>>
      %dma_start3A_2248 = tpu.memref_squeeze %dma_start3A_2247 : memref<1x80xi32, #tpu.memory_space<vmem>> -> memref<80xi32, #tpu.memory_space<vmem>>
      %dma_start3A_2249 = arith.constant 0 : i32
      %dma_start3A_2250 = arith.constant 0 : i32
      %dma_start3A_2251 = tpu.memref_slice %arg3[%dma_start3A_2249, %dma_start3A_2250] : memref<1000000x64xf32, #tpu.memory_space<hbm>> -> memref<1000000x64xf32, #tpu.memory_space<hbm>>
      tpu.enqueue_indirect_dma source(%dma_start3A_2251 : memref<1000000x64xf32, #tpu.memory_space<hbm>>) target(%dma_start3A_2245 : memref<80x64xf32, #tpu.memory_space<vmem>>) offsets(%dma_start3A_2248 : memref<80xi32, #tpu.memory_space<vmem>>) semaphore(%arg8 : memref<!tpu.dma_semaphore, #tpu.memory_space<semaphore_mem>>)
      %mul3A_2252 = arith.constant 10 : i32
      %mul3A_2253 = arith.muli %add3A_2233, %mul3A_2252 : i32
      %add3A_2254 = arith.constant 1 : i32
      %add3A_2255 = arith.addi %mul3A_2253, %add3A_2254 : i32
      %dma_start3A_2256 = arith.constant 1 : i32
      %dma_start3A_2257 = arith.constant 0 : i32
      %dma_start3A_2258 = arith.constant 0 : i32
      %dma_start3A_2259 = tpu.memref_slice %arg6[%dma_start3A_2256, %dma_start3A_2257, %dma_start3A_2258] : memref<2x800x64xf32, #tpu.memory_space<vmem>> -> memref<1x800x64xf32, #tpu.memory_space<vmem>>
      %dma_start3A_2260 = tpu.memref_squeeze %dma_start3A_2259 : memref<1x800x64xf32, #tpu.memory_space<vmem>> -> memref<800x64xf32, #tpu.memory_space<vmem>>
      %dma_start3A_2261 = arith.constant 80 : i32
      %dma_start3A_2262 = arith.constant 0 : i32
      %dma_start3A_2263 = tpu.memref_slice %dma_start3A_2260[%dma_start3A_2261, %dma_start3A_2262] : memref<800x64xf32, #tpu.memory_space<vmem>> -> memref<80x64xf32, #tpu.memory_space<vmem>>
      %dma_start3A_2264 = arith.constant 0 : i32
      %dma_start3A_2265 = tpu.memref_slice %arg5[%add3A_2255, %dma_start3A_2264] : memref<320x80xi32, #tpu.memory_space<vmem>> -> memref<1x80xi32, #tpu.memory_space<vmem>>
      %dma_start3A_2266 = tpu.memref_squeeze %dma_start3A_2265 : memref<1x80xi32, #tpu.memory_space<vmem>> -> memref<80xi32, #tpu.memory_space<vmem>>
      %dma_start3A_2267 = arith.constant 0 : i32
      %dma_start3A_2268 = arith.constant 0 : i32
      %dma_start3A_2269 = tpu.memref_slice %arg3[%dma_start3A_2267, %dma_start3A_2268] : memref<1000000x64xf32, #tpu.memory_space<hbm>> -> memref<1000000x64xf32, #tpu.memory_space<hbm>>
      tpu.enqueue_indirect_dma source(%dma_start3A_2269 : memref<1000000x64xf32, #tpu.memory_space<hbm>>) target(%dma_start3A_2263 : memref<80x64xf32, #tpu.memory_space<vmem>>) offsets(%dma_start3A_2266 : memref<80xi32, #tpu.memory_space<vmem>>) semaphore(%arg8 : memref<!tpu.dma_semaphore, #tpu.memory_space<semaphore_mem>>)
      %mul3A_2270 = arith.constant 10 : i32
      %mul3A_2271 = arith.muli %add3A_2233, %mul3A_2270 : i32
      %add3A_2272 = arith.constant 2 : i32
      %add3A_2273 = arith.addi %mul3A_2271, %add3A_2272 : i32
      %dma_start3A_2274 = arith.constant 1 : i32
      %dma_start3A_2275 = arith.constant 0 : i32
      %dma_start3A_2276 = arith.constant 0 : i32
      %dma_start3A_2277 = tpu.memref_slice %arg6[%dma_start3A_2274, %dma_start3A_2275, %dma_start3A_2276] : memref<2x800x64xf32, #tpu.memory_space<vmem>> -> memref<1x800x64xf32, #tpu.memory_space<vmem>>
      %dma_start3A_2278 = tpu.memref_squeeze %dma_start3A_2277 : memref<1x800x64xf32, #tpu.memory_space<vmem>> -> memref<800x64xf32, #tpu.memory_space<vmem>>
      %dma_start3A_2279 = arith.constant 160 : i32
      %dma_start3A_2280 = arith.constant 0 : i32
      %dma_start3A_2281 = tpu.memref_slice %dma_start3A_2278[%dma_start3A_2279, %dma_start3A_2280] : memref<800x64xf32, #tpu.memory_space<vmem>> -> memref<80x64xf32, #tpu.memory_space<vmem>>
      %dma_start3A_2282 = arith.constant 0 : i32
      %dma_start3A_2283 = tpu.memref_slice %arg5[%add3A_2273, %dma_start3A_2282] : memref<320x80xi32, #tpu.memory_space<vmem>> -> memref<1x80xi32, #tpu.memory_space<vmem>>
      %dma_start3A_2284 = tpu.memref_squeeze %dma_start3A_2283 : memref<1x80xi32, #tpu.memory_space<vmem>> -> memref<80xi32, #tpu.memory_space<vmem>>
      %dma_start3A_2285 = arith.constant 0 : i32
      %dma_start3A_2286 = arith.constant 0 : i32
      %dma_start3A_2287 = tpu.memref_slice %arg3[%dma_start3A_2285, %dma_start3A_2286] : memref<1000000x64xf32, #tpu.memory_space<hbm>> -> memref<1000000x64xf32, #tpu.memory_space<hbm>>
      tpu.enqueue_indirect_dma source(%dma_start3A_2287 : memref<1000000x64xf32, #tpu.memory_space<hbm>>) target(%dma_start3A_2281 : memref<80x64xf32, #tpu.memory_space<vmem>>) offsets(%dma_start3A_2284 : memref<80xi32, #tpu.memory_space<vmem>>) semaphore(%arg8 : memref<!tpu.dma_semaphore, #tpu.memory_space<semaphore_mem>>)
      %mul3A_2288 = arith.constant 10 : i32
      %mul3A_2289 = arith.muli %add3A_2233, %mul3A_2288 : i32
      %add3A_2290 = arith.constant 3 : i32
      %add3A_2291 = arith.addi %mul3A_2289, %add3A_2290 : i32
      %dma_start3A_2292 = arith.constant 1 : i32
      %dma_start3A_2293 = arith.constant 0 : i32
      %dma_start3A_2294 = arith.constant 0 : i32
      %dma_start3A_2295 = tpu.memref_slice %arg6[%dma_start3A_2292, %dma_start3A_2293, %dma_start3A_2294] : memref<2x800x64xf32, #tpu.memory_space<vmem>> -> memref<1x800x64xf32, #tpu.memory_space<vmem>>
      %dma_start3A_2296 = tpu.memref_squeeze %dma_start3A_2295 : memref<1x800x64xf32, #tpu.memory_space<vmem>> -> memref<800x64xf32, #tpu.memory_space<vmem>>
      %dma_start3A_2297 = arith.constant 240 : i32
      %dma_start3A_2298 = arith.constant 0 : i32
      %dma_start3A_2299 = tpu.memref_slice %dma_start3A_2296[%dma_start3A_2297, %dma_start3A_2298] : memref<800x64xf32, #tpu.memory_space<vmem>> -> memref<80x64xf32, #tpu.memory_space<vmem>>
      %dma_start3A_2300 = arith.constant 0 : i32
      %dma_start3A_2301 = tpu.memref_slice %arg5[%add3A_2291, %dma_start3A_2300] : memref<320x80xi32, #tpu.memory_space<vmem>> -> memref<1x80xi32, #tpu.memory_space<vmem>>
      %dma_start3A_2302 = tpu.memref_squeeze %dma_start3A_2301 : memref<1x80xi32, #tpu.memory_space<vmem>> -> memref<80xi32, #tpu.memory_space<vmem>>
      %dma_start3A_2303 = arith.constant 0 : i32
      %dma_start3A_2304 = arith.constant 0 : i32
      %dma_start3A_2305 = tpu.memref_slice %arg3[%dma_start3A_2303, %dma_start3A_2304] : memref<1000000x64xf32, #tpu.memory_space<hbm>> -> memref<1000000x64xf32, #tpu.memory_space<hbm>>
      tpu.enqueue_indirect_dma source(%dma_start3A_2305 : memref<1000000x64xf32, #tpu.memory_space<hbm>>) target(%dma_start3A_2299 : memref<80x64xf32, #tpu.memory_space<vmem>>) offsets(%dma_start3A_2302 : memref<80xi32, #tpu.memory_space<vmem>>) semaphore(%arg8 : memref<!tpu.dma_semaphore, #tpu.memory_space<semaphore_mem>>)
      %mul3A_2306 = arith.constant 10 : i32
      %mul3A_2307 = arith.muli %add3A_2233, %mul3A_2306 : i32
      %add3A_2308 = arith.constant 4 : i32
      %add3A_2309 = arith.addi %mul3A_2307, %add3A_2308 : i32
      %dma_start3A_2310 = arith.constant 1 : i32
      %dma_start3A_2311 = arith.constant 0 : i32
      %dma_start3A_2312 = arith.constant 0 : i32
      %dma_start3A_2313 = tpu.memref_slice %arg6[%dma_start3A_2310, %dma_start3A_2311, %dma_start3A_2312] : memref<2x800x64xf32, #tpu.memory_space<vmem>> -> memref<1x800x64xf32, #tpu.memory_space<vmem>>
      %dma_start3A_2314 = tpu.memref_squeeze %dma_start3A_2313 : memref<1x800x64xf32, #tpu.memory_space<vmem>> -> memref<800x64xf32, #tpu.memory_space<vmem>>
      %dma_start3A_2315 = arith.constant 320 : i32
      %dma_start3A_2316 = arith.constant 0 : i32
      %dma_start3A_2317 = tpu.memref_slice %dma_start3A_2314[%dma_start3A_2315, %dma_start3A_2316] : memref<800x64xf32, #tpu.memory_space<vmem>> -> memref<80x64xf32, #tpu.memory_space<vmem>>
      %dma_start3A_2318 = arith.constant 0 : i32
      %dma_start3A_2319 = tpu.memref_slice %arg5[%add3A_2309, %dma_start3A_2318] : memref<320x80xi32, #tpu.memory_space<vmem>> -> memref<1x80xi32, #tpu.memory_space<vmem>>
      %dma_start3A_2320 = tpu.memref_squeeze %dma_start3A_2319 : memref<1x80xi32, #tpu.memory_space<vmem>> -> memref<80xi32, #tpu.memory_space<vmem>>
      %dma_start3A_2321 = arith.constant 0 : i32
      %dma_start3A_2322 = arith.constant 0 : i32
      %dma_start3A_2323 = tpu.memref_slice %arg3[%dma_start3A_2321, %dma_start3A_2322] : memref<1000000x64xf32, #tpu.memory_space<hbm>> -> memref<1000000x64xf32, #tpu.memory_space<hbm>>
      tpu.enqueue_indirect_dma source(%dma_start3A_2323 : memref<1000000x64xf32, #tpu.memory_space<hbm>>) target(%dma_start3A_2317 : memref<80x64xf32, #tpu.memory_space<vmem>>) offsets(%dma_start3A_2320 : memref<80xi32, #tpu.memory_space<vmem>>) semaphore(%arg8 : memref<!tpu.dma_semaphore, #tpu.memory_space<semaphore_mem>>)
      %mul3A_2324 = arith.constant 10 : i32
      %mul3A_2325 = arith.muli %add3A_2233, %mul3A_2324 : i32
      %add3A_2326 = arith.constant 5 : i32
      %add3A_2327 = arith.addi %mul3A_2325, %add3A_2326 : i32
      %dma_start3A_2328 = arith.constant 1 : i32
      %dma_start3A_2329 = arith.constant 0 : i32
      %dma_start3A_2330 = arith.constant 0 : i32
      %dma_start3A_2331 = tpu.memref_slice %arg6[%dma_start3A_2328, %dma_start3A_2329, %dma_start3A_2330] : memref<2x800x64xf32, #tpu.memory_space<vmem>> -> memref<1x800x64xf32, #tpu.memory_space<vmem>>
      %dma_start3A_2332 = tpu.memref_squeeze %dma_start3A_2331 : memref<1x800x64xf32, #tpu.memory_space<vmem>> -> memref<800x64xf32, #tpu.memory_space<vmem>>
      %dma_start3A_2333 = arith.constant 400 : i32
      %dma_start3A_2334 = arith.constant 0 : i32
      %dma_start3A_2335 = tpu.memref_slice %dma_start3A_2332[%dma_start3A_2333, %dma_start3A_2334] : memref<800x64xf32, #tpu.memory_space<vmem>> -> memref<80x64xf32, #tpu.memory_space<vmem>>
      %dma_start3A_2336 = arith.constant 0 : i32
      %dma_start3A_2337 = tpu.memref_slice %arg5[%add3A_2327, %dma_start3A_2336] : memref<320x80xi32, #tpu.memory_space<vmem>> -> memref<1x80xi32, #tpu.memory_space<vmem>>
      %dma_start3A_2338 = tpu.memref_squeeze %dma_start3A_2337 : memref<1x80xi32, #tpu.memory_space<vmem>> -> memref<80xi32, #tpu.memory_space<vmem>>
      %dma_start3A_2339 = arith.constant 0 : i32
      %dma_start3A_2340 = arith.constant 0 : i32
      %dma_start3A_2341 = tpu.memref_slice %arg3[%dma_start3A_2339, %dma_start3A_2340] : memref<1000000x64xf32, #tpu.memory_space<hbm>> -> memref<1000000x64xf32, #tpu.memory_space<hbm>>
      tpu.enqueue_indirect_dma source(%dma_start3A_2341 : memref<1000000x64xf32, #tpu.memory_space<hbm>>) target(%dma_start3A_2335 : memref<80x64xf32, #tpu.memory_space<vmem>>) offsets(%dma_start3A_2338 : memref<80xi32, #tpu.memory_space<vmem>>) semaphore(%arg8 : memref<!tpu.dma_semaphore, #tpu.memory_space<semaphore_mem>>)
      %mul3A_2342 = arith.constant 10 : i32
      %mul3A_2343 = arith.muli %add3A_2233, %mul3A_2342 : i32
      %add3A_2344 = arith.constant 6 : i32
      %add3A_2345 = arith.addi %mul3A_2343, %add3A_2344 : i32
      %dma_start3A_2346 = arith.constant 1 : i32
      %dma_start3A_2347 = arith.constant 0 : i32
      %dma_start3A_2348 = arith.constant 0 : i32
      %dma_start3A_2349 = tpu.memref_slice %arg6[%dma_start3A_2346, %dma_start3A_2347, %dma_start3A_2348] : memref<2x800x64xf32, #tpu.memory_space<vmem>> -> memref<1x800x64xf32, #tpu.memory_space<vmem>>
      %dma_start3A_2350 = tpu.memref_squeeze %dma_start3A_2349 : memref<1x800x64xf32, #tpu.memory_space<vmem>> -> memref<800x64xf32, #tpu.memory_space<vmem>>
      %dma_start3A_2351 = arith.constant 480 : i32
      %dma_start3A_2352 = arith.constant 0 : i32
      %dma_start3A_2353 = tpu.memref_slice %dma_start3A_2350[%dma_start3A_2351, %dma_start3A_2352] : memref<800x64xf32, #tpu.memory_space<vmem>> -> memref<80x64xf32, #tpu.memory_space<vmem>>
      %dma_start3A_2354 = arith.constant 0 : i32
      %dma_start3A_2355 = tpu.memref_slice %arg5[%add3A_2345, %dma_start3A_2354] : memref<320x80xi32, #tpu.memory_space<vmem>> -> memref<1x80xi32, #tpu.memory_space<vmem>>
      %dma_start3A_2356 = tpu.memref_squeeze %dma_start3A_2355 : memref<1x80xi32, #tpu.memory_space<vmem>> -> memref<80xi32, #tpu.memory_space<vmem>>
      %dma_start3A_2357 = arith.constant 0 : i32
      %dma_start3A_2358 = arith.constant 0 : i32
      %dma_start3A_2359 = tpu.memref_slice %arg3[%dma_start3A_2357, %dma_start3A_2358] : memref<1000000x64xf32, #tpu.memory_space<hbm>> -> memref<1000000x64xf32, #tpu.memory_space<hbm>>
      tpu.enqueue_indirect_dma source(%dma_start3A_2359 : memref<1000000x64xf32, #tpu.memory_space<hbm>>) target(%dma_start3A_2353 : memref<80x64xf32, #tpu.memory_space<vmem>>) offsets(%dma_start3A_2356 : memref<80xi32, #tpu.memory_space<vmem>>) semaphore(%arg8 : memref<!tpu.dma_semaphore, #tpu.memory_space<semaphore_mem>>)
      %mul3A_2360 = arith.constant 10 : i32
      %mul3A_2361 = arith.muli %add3A_2233, %mul3A_2360 : i32
      %add3A_2362 = arith.constant 7 : i32
      %add3A_2363 = arith.addi %mul3A_2361, %add3A_2362 : i32
      %dma_start3A_2364 = arith.constant 1 : i32
      %dma_start3A_2365 = arith.constant 0 : i32
      %dma_start3A_2366 = arith.constant 0 : i32
      %dma_start3A_2367 = tpu.memref_slice %arg6[%dma_start3A_2364, %dma_start3A_2365, %dma_start3A_2366] : memref<2x800x64xf32, #tpu.memory_space<vmem>> -> memref<1x800x64xf32, #tpu.memory_space<vmem>>
      %dma_start3A_2368 = tpu.memref_squeeze %dma_start3A_2367 : memref<1x800x64xf32, #tpu.memory_space<vmem>> -> memref<800x64xf32, #tpu.memory_space<vmem>>
      %dma_start3A_2369 = arith.constant 560 : i32
      %dma_start3A_2370 = arith.constant 0 : i32
      %dma_start3A_2371 = tpu.memref_slice %dma_start3A_2368[%dma_start3A_2369, %dma_start3A_2370] : memref<800x64xf32, #tpu.memory_space<vmem>> -> memref<80x64xf32, #tpu.memory_space<vmem>>
      %dma_start3A_2372 = arith.constant 0 : i32
      %dma_start3A_2373 = tpu.memref_slice %arg5[%add3A_2363, %dma_start3A_2372] : memref<320x80xi32, #tpu.memory_space<vmem>> -> memref<1x80xi32, #tpu.memory_space<vmem>>
      %dma_start3A_2374 = tpu.memref_squeeze %dma_start3A_2373 : memref<1x80xi32, #tpu.memory_space<vmem>> -> memref<80xi32, #tpu.memory_space<vmem>>
      %dma_start3A_2375 = arith.constant 0 : i32
      %dma_start3A_2376 = arith.constant 0 : i32
      %dma_start3A_2377 = tpu.memref_slice %arg3[%dma_start3A_2375, %dma_start3A_2376] : memref<1000000x64xf32, #tpu.memory_space<hbm>> -> memref<1000000x64xf32, #tpu.memory_space<hbm>>
      tpu.enqueue_indirect_dma source(%dma_start3A_2377 : memref<1000000x64xf32, #tpu.memory_space<hbm>>) target(%dma_start3A_2371 : memref<80x64xf32, #tpu.memory_space<vmem>>) offsets(%dma_start3A_2374 : memref<80xi32, #tpu.memory_space<vmem>>) semaphore(%arg8 : memref<!tpu.dma_semaphore, #tpu.memory_space<semaphore_mem>>)
      %mul3A_2378 = arith.constant 10 : i32
      %mul3A_2379 = arith.muli %add3A_2233, %mul3A_2378 : i32
      %add3A_2380 = arith.constant 8 : i32
      %add3A_2381 = arith.addi %mul3A_2379, %add3A_2380 : i32
      %dma_start3A_2382 = arith.constant 1 : i32
      %dma_start3A_2383 = arith.constant 0 : i32
      %dma_start3A_2384 = arith.constant 0 : i32
      %dma_start3A_2385 = tpu.memref_slice %arg6[%dma_start3A_2382, %dma_start3A_2383, %dma_start3A_2384] : memref<2x800x64xf32, #tpu.memory_space<vmem>> -> memref<1x800x64xf32, #tpu.memory_space<vmem>>
      %dma_start3A_2386 = tpu.memref_squeeze %dma_start3A_2385 : memref<1x800x64xf32, #tpu.memory_space<vmem>> -> memref<800x64xf32, #tpu.memory_space<vmem>>
      %dma_start3A_2387 = arith.constant 640 : i32
      %dma_start3A_2388 = arith.constant 0 : i32
      %dma_start3A_2389 = tpu.memref_slice %dma_start3A_2386[%dma_start3A_2387, %dma_start3A_2388] : memref<800x64xf32, #tpu.memory_space<vmem>> -> memref<80x64xf32, #tpu.memory_space<vmem>>
      %dma_start3A_2390 = arith.constant 0 : i32
      %dma_start3A_2391 = tpu.memref_slice %arg5[%add3A_2381, %dma_start3A_2390] : memref<320x80xi32, #tpu.memory_space<vmem>> -> memref<1x80xi32, #tpu.memory_space<vmem>>
      %dma_start3A_2392 = tpu.memref_squeeze %dma_start3A_2391 : memref<1x80xi32, #tpu.memory_space<vmem>> -> memref<80xi32, #tpu.memory_space<vmem>>
      %dma_start3A_2393 = arith.constant 0 : i32
      %dma_start3A_2394 = arith.constant 0 : i32
      %dma_start3A_2395 = tpu.memref_slice %arg3[%dma_start3A_2393, %dma_start3A_2394] : memref<1000000x64xf32, #tpu.memory_space<hbm>> -> memref<1000000x64xf32, #tpu.memory_space<hbm>>
      tpu.enqueue_indirect_dma source(%dma_start3A_2395 : memref<1000000x64xf32, #tpu.memory_space<hbm>>) target(%dma_start3A_2389 : memref<80x64xf32, #tpu.memory_space<vmem>>) offsets(%dma_start3A_2392 : memref<80xi32, #tpu.memory_space<vmem>>) semaphore(%arg8 : memref<!tpu.dma_semaphore, #tpu.memory_space<semaphore_mem>>)
      %mul3A_2396 = arith.constant 10 : i32
      %mul3A_2397 = arith.muli %add3A_2233, %mul3A_2396 : i32
      %add3A_2398 = arith.constant 9 : i32
      %add3A_2399 = arith.addi %mul3A_2397, %add3A_2398 : i32
      %dma_start3A_2400 = arith.constant 1 : i32
      %dma_start3A_2401 = arith.constant 0 : i32
      %dma_start3A_2402 = arith.constant 0 : i32
      %dma_start3A_2403 = tpu.memref_slice %arg6[%dma_start3A_2400, %dma_start3A_2401, %dma_start3A_2402] : memref<2x800x64xf32, #tpu.memory_space<vmem>> -> memref<1x800x64xf32, #tpu.memory_space<vmem>>
      %dma_start3A_2404 = tpu.memref_squeeze %dma_start3A_2403 : memref<1x800x64xf32, #tpu.memory_space<vmem>> -> memref<800x64xf32, #tpu.memory_space<vmem>>
      %dma_start3A_2405 = arith.constant 720 : i32
      %dma_start3A_2406 = arith.constant 0 : i32
      %dma_start3A_2407 = tpu.memref_slice %dma_start3A_2404[%dma_start3A_2405, %dma_start3A_2406] : memref<800x64xf32, #tpu.memory_space<vmem>> -> memref<80x64xf32, #tpu.memory_space<vmem>>
      %dma_start3A_2408 = arith.constant 0 : i32
      %dma_start3A_2409 = tpu.memref_slice %arg5[%add3A_2399, %dma_start3A_2408] : memref<320x80xi32, #tpu.memory_space<vmem>> -> memref<1x80xi32, #tpu.memory_space<vmem>>
      %dma_start3A_2410 = tpu.memref_squeeze %dma_start3A_2409 : memref<1x80xi32, #tpu.memory_space<vmem>> -> memref<80xi32, #tpu.memory_space<vmem>>
      %dma_start3A_2411 = arith.constant 0 : i32
      %dma_start3A_2412 = arith.constant 0 : i32
      %dma_start3A_2413 = tpu.memref_slice %arg3[%dma_start3A_2411, %dma_start3A_2412] : memref<1000000x64xf32, #tpu.memory_space<hbm>> -> memref<1000000x64xf32, #tpu.memory_space<hbm>>
      tpu.enqueue_indirect_dma source(%dma_start3A_2413 : memref<1000000x64xf32, #tpu.memory_space<hbm>>) target(%dma_start3A_2407 : memref<80x64xf32, #tpu.memory_space<vmem>>) offsets(%dma_start3A_2410 : memref<80xi32, #tpu.memory_space<vmem>>) semaphore(%arg8 : memref<!tpu.dma_semaphore, #tpu.memory_space<semaphore_mem>>)
    }
    %scan3A_587 = arith.constant 15 : i32
    %dma_wait3A_588 = arith.constant 310 : i32
    %dma_wait3A_589 = arith.constant 1 : i32
    %dma_wait3A_590 = arith.constant 0 : i32
    %dma_wait3A_591 = arith.constant 0 : i32
    %dma_wait3A_592 = tpu.memref_slice %arg6[%dma_wait3A_589, %dma_wait3A_590, %dma_wait3A_591] : memref<2x800x64xf32, #tpu.memory_space<vmem>> -> memref<1x800x64xf32, #tpu.memory_space<vmem>>
    %dma_wait3A_593 = tpu.memref_squeeze %dma_wait3A_592 : memref<1x800x64xf32, #tpu.memory_space<vmem>> -> memref<800x64xf32, #tpu.memory_space<vmem>>
    %dma_wait3A_594 = arith.constant 0 : i32
    %dma_wait3A_595 = arith.constant 0 : i32
    %dma_wait3A_596 = tpu.memref_slice %dma_wait3A_593[%dma_wait3A_594, %dma_wait3A_595] : memref<800x64xf32, #tpu.memory_space<vmem>> -> memref<80x64xf32, #tpu.memory_space<vmem>>
    %dma_wait3A_597 = arith.constant 0 : i32
    %dma_wait3A_598 = tpu.memref_slice %arg5[%dma_wait3A_588, %dma_wait3A_597] : memref<320x80xi32, #tpu.memory_space<vmem>> -> memref<1x80xi32, #tpu.memory_space<vmem>>
    %dma_wait3A_599 = tpu.memref_squeeze %dma_wait3A_598 : memref<1x80xi32, #tpu.memory_space<vmem>> -> memref<80xi32, #tpu.memory_space<vmem>>
    %dma_wait3A_600 = arith.constant 0 : i32
    %dma_wait3A_601 = arith.constant 0 : i32
    %dma_wait3A_602 = tpu.memref_slice %arg3[%dma_wait3A_600, %dma_wait3A_601] : memref<1000000x64xf32, #tpu.memory_space<hbm>> -> memref<1000000x64xf32, #tpu.memory_space<hbm>>
    tpu.wait_indirect_dma semaphore(%arg8 : memref<!tpu.dma_semaphore, #tpu.memory_space<semaphore_mem>>) src(%dma_wait3A_602 : memref<1000000x64xf32, #tpu.memory_space<hbm>>) dst(%dma_wait3A_596 : memref<80x64xf32, #tpu.memory_space<vmem>>)
    %dma_wait3A_603 = arith.constant 311 : i32
    %dma_wait3A_604 = arith.constant 1 : i32
    %dma_wait3A_605 = arith.constant 0 : i32
    %dma_wait3A_606 = arith.constant 0 : i32
    %dma_wait3A_607 = tpu.memref_slice %arg6[%dma_wait3A_604, %dma_wait3A_605, %dma_wait3A_606] : memref<2x800x64xf32, #tpu.memory_space<vmem>> -> memref<1x800x64xf32, #tpu.memory_space<vmem>>
    %dma_wait3A_608 = tpu.memref_squeeze %dma_wait3A_607 : memref<1x800x64xf32, #tpu.memory_space<vmem>> -> memref<800x64xf32, #tpu.memory_space<vmem>>
    %dma_wait3A_609 = arith.constant 80 : i32
    %dma_wait3A_610 = arith.constant 0 : i32
    %dma_wait3A_611 = tpu.memref_slice %dma_wait3A_608[%dma_wait3A_609, %dma_wait3A_610] : memref<800x64xf32, #tpu.memory_space<vmem>> -> memref<80x64xf32, #tpu.memory_space<vmem>>
    %dma_wait3A_612 = arith.constant 0 : i32
    %dma_wait3A_613 = tpu.memref_slice %arg5[%dma_wait3A_603, %dma_wait3A_612] : memref<320x80xi32, #tpu.memory_space<vmem>> -> memref<1x80xi32, #tpu.memory_space<vmem>>
    %dma_wait3A_614 = tpu.memref_squeeze %dma_wait3A_613 : memref<1x80xi32, #tpu.memory_space<vmem>> -> memref<80xi32, #tpu.memory_space<vmem>>
    %dma_wait3A_615 = arith.constant 0 : i32
    %dma_wait3A_616 = arith.constant 0 : i32
    %dma_wait3A_617 = tpu.memref_slice %arg3[%dma_wait3A_615, %dma_wait3A_616] : memref<1000000x64xf32, #tpu.memory_space<hbm>> -> memref<1000000x64xf32, #tpu.memory_space<hbm>>
    tpu.wait_indirect_dma semaphore(%arg8 : memref<!tpu.dma_semaphore, #tpu.memory_space<semaphore_mem>>) src(%dma_wait3A_617 : memref<1000000x64xf32, #tpu.memory_space<hbm>>) dst(%dma_wait3A_611 : memref<80x64xf32, #tpu.memory_space<vmem>>)
    %dma_wait3A_618 = arith.constant 312 : i32
    %dma_wait3A_619 = arith.constant 1 : i32
    %dma_wait3A_620 = arith.constant 0 : i32
    %dma_wait3A_621 = arith.constant 0 : i32
    %dma_wait3A_622 = tpu.memref_slice %arg6[%dma_wait3A_619, %dma_wait3A_620, %dma_wait3A_621] : memref<2x800x64xf32, #tpu.memory_space<vmem>> -> memref<1x800x64xf32, #tpu.memory_space<vmem>>
    %dma_wait3A_623 = tpu.memref_squeeze %dma_wait3A_622 : memref<1x800x64xf32, #tpu.memory_space<vmem>> -> memref<800x64xf32, #tpu.memory_space<vmem>>
    %dma_wait3A_624 = arith.constant 160 : i32
    %dma_wait3A_625 = arith.constant 0 : i32
    %dma_wait3A_626 = tpu.memref_slice %dma_wait3A_623[%dma_wait3A_624, %dma_wait3A_625] : memref<800x64xf32, #tpu.memory_space<vmem>> -> memref<80x64xf32, #tpu.memory_space<vmem>>
    %dma_wait3A_627 = arith.constant 0 : i32
    %dma_wait3A_628 = tpu.memref_slice %arg5[%dma_wait3A_618, %dma_wait3A_627] : memref<320x80xi32, #tpu.memory_space<vmem>> -> memref<1x80xi32, #tpu.memory_space<vmem>>
    %dma_wait3A_629 = tpu.memref_squeeze %dma_wait3A_628 : memref<1x80xi32, #tpu.memory_space<vmem>> -> memref<80xi32, #tpu.memory_space<vmem>>
    %dma_wait3A_630 = arith.constant 0 : i32
    %dma_wait3A_631 = arith.constant 0 : i32
    %dma_wait3A_632 = tpu.memref_slice %arg3[%dma_wait3A_630, %dma_wait3A_631] : memref<1000000x64xf32, #tpu.memory_space<hbm>> -> memref<1000000x64xf32, #tpu.memory_space<hbm>>
    tpu.wait_indirect_dma semaphore(%arg8 : memref<!tpu.dma_semaphore, #tpu.memory_space<semaphore_mem>>) src(%dma_wait3A_632 : memref<1000000x64xf32, #tpu.memory_space<hbm>>) dst(%dma_wait3A_626 : memref<80x64xf32, #tpu.memory_space<vmem>>)
    %dma_wait3A_633 = arith.constant 313 : i32
    %dma_wait3A_634 = arith.constant 1 : i32
    %dma_wait3A_635 = arith.constant 0 : i32
    %dma_wait3A_636 = arith.constant 0 : i32
    %dma_wait3A_637 = tpu.memref_slice %arg6[%dma_wait3A_634, %dma_wait3A_635, %dma_wait3A_636] : memref<2x800x64xf32, #tpu.memory_space<vmem>> -> memref<1x800x64xf32, #tpu.memory_space<vmem>>
    %dma_wait3A_638 = tpu.memref_squeeze %dma_wait3A_637 : memref<1x800x64xf32, #tpu.memory_space<vmem>> -> memref<800x64xf32, #tpu.memory_space<vmem>>
    %dma_wait3A_639 = arith.constant 240 : i32
    %dma_wait3A_640 = arith.constant 0 : i32
    %dma_wait3A_641 = tpu.memref_slice %dma_wait3A_638[%dma_wait3A_639, %dma_wait3A_640] : memref<800x64xf32, #tpu.memory_space<vmem>> -> memref<80x64xf32, #tpu.memory_space<vmem>>
    %dma_wait3A_642 = arith.constant 0 : i32
    %dma_wait3A_643 = tpu.memref_slice %arg5[%dma_wait3A_633, %dma_wait3A_642] : memref<320x80xi32, #tpu.memory_space<vmem>> -> memref<1x80xi32, #tpu.memory_space<vmem>>
    %dma_wait3A_644 = tpu.memref_squeeze %dma_wait3A_643 : memref<1x80xi32, #tpu.memory_space<vmem>> -> memref<80xi32, #tpu.memory_space<vmem>>
    %dma_wait3A_645 = arith.constant 0 : i32
    %dma_wait3A_646 = arith.constant 0 : i32
    %dma_wait3A_647 = tpu.memref_slice %arg3[%dma_wait3A_645, %dma_wait3A_646] : memref<1000000x64xf32, #tpu.memory_space<hbm>> -> memref<1000000x64xf32, #tpu.memory_space<hbm>>
    tpu.wait_indirect_dma semaphore(%arg8 : memref<!tpu.dma_semaphore, #tpu.memory_space<semaphore_mem>>) src(%dma_wait3A_647 : memref<1000000x64xf32, #tpu.memory_space<hbm>>) dst(%dma_wait3A_641 : memref<80x64xf32, #tpu.memory_space<vmem>>)
    %dma_wait3A_648 = arith.constant 314 : i32
    %dma_wait3A_649 = arith.constant 1 : i32
    %dma_wait3A_650 = arith.constant 0 : i32
    %dma_wait3A_651 = arith.constant 0 : i32
    %dma_wait3A_652 = tpu.memref_slice %arg6[%dma_wait3A_649, %dma_wait3A_650, %dma_wait3A_651] : memref<2x800x64xf32, #tpu.memory_space<vmem>> -> memref<1x800x64xf32, #tpu.memory_space<vmem>>
    %dma_wait3A_653 = tpu.memref_squeeze %dma_wait3A_652 : memref<1x800x64xf32, #tpu.memory_space<vmem>> -> memref<800x64xf32, #tpu.memory_space<vmem>>
    %dma_wait3A_654 = arith.constant 320 : i32
    %dma_wait3A_655 = arith.constant 0 : i32
    %dma_wait3A_656 = tpu.memref_slice %dma_wait3A_653[%dma_wait3A_654, %dma_wait3A_655] : memref<800x64xf32, #tpu.memory_space<vmem>> -> memref<80x64xf32, #tpu.memory_space<vmem>>
    %dma_wait3A_657 = arith.constant 0 : i32
    %dma_wait3A_658 = tpu.memref_slice %arg5[%dma_wait3A_648, %dma_wait3A_657] : memref<320x80xi32, #tpu.memory_space<vmem>> -> memref<1x80xi32, #tpu.memory_space<vmem>>
    %dma_wait3A_659 = tpu.memref_squeeze %dma_wait3A_658 : memref<1x80xi32, #tpu.memory_space<vmem>> -> memref<80xi32, #tpu.memory_space<vmem>>
    %dma_wait3A_660 = arith.constant 0 : i32
    %dma_wait3A_661 = arith.constant 0 : i32
    %dma_wait3A_662 = tpu.memref_slice %arg3[%dma_wait3A_660, %dma_wait3A_661] : memref<1000000x64xf32, #tpu.memory_space<hbm>> -> memref<1000000x64xf32, #tpu.memory_space<hbm>>
    tpu.wait_indirect_dma semaphore(%arg8 : memref<!tpu.dma_semaphore, #tpu.memory_space<semaphore_mem>>) src(%dma_wait3A_662 : memref<1000000x64xf32, #tpu.memory_space<hbm>>) dst(%dma_wait3A_656 : memref<80x64xf32, #tpu.memory_space<vmem>>)
    %dma_wait3A_663 = arith.constant 315 : i32
    %dma_wait3A_664 = arith.constant 1 : i32
    %dma_wait3A_665 = arith.constant 0 : i32
    %dma_wait3A_666 = arith.constant 0 : i32
    %dma_wait3A_667 = tpu.memref_slice %arg6[%dma_wait3A_664, %dma_wait3A_665, %dma_wait3A_666] : memref<2x800x64xf32, #tpu.memory_space<vmem>> -> memref<1x800x64xf32, #tpu.memory_space<vmem>>
    %dma_wait3A_668 = tpu.memref_squeeze %dma_wait3A_667 : memref<1x800x64xf32, #tpu.memory_space<vmem>> -> memref<800x64xf32, #tpu.memory_space<vmem>>
    %dma_wait3A_669 = arith.constant 400 : i32
    %dma_wait3A_670 = arith.constant 0 : i32
    %dma_wait3A_671 = tpu.memref_slice %dma_wait3A_668[%dma_wait3A_669, %dma_wait3A_670] : memref<800x64xf32, #tpu.memory_space<vmem>> -> memref<80x64xf32, #tpu.memory_space<vmem>>
    %dma_wait3A_672 = arith.constant 0 : i32
    %dma_wait3A_673 = tpu.memref_slice %arg5[%dma_wait3A_663, %dma_wait3A_672] : memref<320x80xi32, #tpu.memory_space<vmem>> -> memref<1x80xi32, #tpu.memory_space<vmem>>
    %dma_wait3A_674 = tpu.memref_squeeze %dma_wait3A_673 : memref<1x80xi32, #tpu.memory_space<vmem>> -> memref<80xi32, #tpu.memory_space<vmem>>
    %dma_wait3A_675 = arith.constant 0 : i32
    %dma_wait3A_676 = arith.constant 0 : i32
    %dma_wait3A_677 = tpu.memref_slice %arg3[%dma_wait3A_675, %dma_wait3A_676] : memref<1000000x64xf32, #tpu.memory_space<hbm>> -> memref<1000000x64xf32, #tpu.memory_space<hbm>>
    tpu.wait_indirect_dma semaphore(%arg8 : memref<!tpu.dma_semaphore, #tpu.memory_space<semaphore_mem>>) src(%dma_wait3A_677 : memref<1000000x64xf32, #tpu.memory_space<hbm>>) dst(%dma_wait3A_671 : memref<80x64xf32, #tpu.memory_space<vmem>>)
    %dma_wait3A_678 = arith.constant 316 : i32
    %dma_wait3A_679 = arith.constant 1 : i32
    %dma_wait3A_680 = arith.constant 0 : i32
    %dma_wait3A_681 = arith.constant 0 : i32
    %dma_wait3A_682 = tpu.memref_slice %arg6[%dma_wait3A_679, %dma_wait3A_680, %dma_wait3A_681] : memref<2x800x64xf32, #tpu.memory_space<vmem>> -> memref<1x800x64xf32, #tpu.memory_space<vmem>>
    %dma_wait3A_683 = tpu.memref_squeeze %dma_wait3A_682 : memref<1x800x64xf32, #tpu.memory_space<vmem>> -> memref<800x64xf32, #tpu.memory_space<vmem>>
    %dma_wait3A_684 = arith.constant 480 : i32
    %dma_wait3A_685 = arith.constant 0 : i32
    %dma_wait3A_686 = tpu.memref_slice %dma_wait3A_683[%dma_wait3A_684, %dma_wait3A_685] : memref<800x64xf32, #tpu.memory_space<vmem>> -> memref<80x64xf32, #tpu.memory_space<vmem>>
    %dma_wait3A_687 = arith.constant 0 : i32
    %dma_wait3A_688 = tpu.memref_slice %arg5[%dma_wait3A_678, %dma_wait3A_687] : memref<320x80xi32, #tpu.memory_space<vmem>> -> memref<1x80xi32, #tpu.memory_space<vmem>>
    %dma_wait3A_689 = tpu.memref_squeeze %dma_wait3A_688 : memref<1x80xi32, #tpu.memory_space<vmem>> -> memref<80xi32, #tpu.memory_space<vmem>>
    %dma_wait3A_690 = arith.constant 0 : i32
    %dma_wait3A_691 = arith.constant 0 : i32
    %dma_wait3A_692 = tpu.memref_slice %arg3[%dma_wait3A_690, %dma_wait3A_691] : memref<1000000x64xf32, #tpu.memory_space<hbm>> -> memref<1000000x64xf32, #tpu.memory_space<hbm>>
    tpu.wait_indirect_dma semaphore(%arg8 : memref<!tpu.dma_semaphore, #tpu.memory_space<semaphore_mem>>) src(%dma_wait3A_692 : memref<1000000x64xf32, #tpu.memory_space<hbm>>) dst(%dma_wait3A_686 : memref<80x64xf32, #tpu.memory_space<vmem>>)
    %dma_wait3A_693 = arith.constant 317 : i32
    %dma_wait3A_694 = arith.constant 1 : i32
    %dma_wait3A_695 = arith.constant 0 : i32
    %dma_wait3A_696 = arith.constant 0 : i32
    %dma_wait3A_697 = tpu.memref_slice %arg6[%dma_wait3A_694, %dma_wait3A_695, %dma_wait3A_696] : memref<2x800x64xf32, #tpu.memory_space<vmem>> -> memref<1x800x64xf32, #tpu.memory_space<vmem>>
    %dma_wait3A_698 = tpu.memref_squeeze %dma_wait3A_697 : memref<1x800x64xf32, #tpu.memory_space<vmem>> -> memref<800x64xf32, #tpu.memory_space<vmem>>
    %dma_wait3A_699 = arith.constant 560 : i32
    %dma_wait3A_700 = arith.constant 0 : i32
    %dma_wait3A_701 = tpu.memref_slice %dma_wait3A_698[%dma_wait3A_699, %dma_wait3A_700] : memref<800x64xf32, #tpu.memory_space<vmem>> -> memref<80x64xf32, #tpu.memory_space<vmem>>
    %dma_wait3A_702 = arith.constant 0 : i32
    %dma_wait3A_703 = tpu.memref_slice %arg5[%dma_wait3A_693, %dma_wait3A_702] : memref<320x80xi32, #tpu.memory_space<vmem>> -> memref<1x80xi32, #tpu.memory_space<vmem>>
    %dma_wait3A_704 = tpu.memref_squeeze %dma_wait3A_703 : memref<1x80xi32, #tpu.memory_space<vmem>> -> memref<80xi32, #tpu.memory_space<vmem>>
    %dma_wait3A_705 = arith.constant 0 : i32
    %dma_wait3A_706 = arith.constant 0 : i32
    %dma_wait3A_707 = tpu.memref_slice %arg3[%dma_wait3A_705, %dma_wait3A_706] : memref<1000000x64xf32, #tpu.memory_space<hbm>> -> memref<1000000x64xf32, #tpu.memory_space<hbm>>
    tpu.wait_indirect_dma semaphore(%arg8 : memref<!tpu.dma_semaphore, #tpu.memory_space<semaphore_mem>>) src(%dma_wait3A_707 : memref<1000000x64xf32, #tpu.memory_space<hbm>>) dst(%dma_wait3A_701 : memref<80x64xf32, #tpu.memory_space<vmem>>)
    %dma_wait3A_708 = arith.constant 318 : i32
    %dma_wait3A_709 = arith.constant 1 : i32
    %dma_wait3A_710 = arith.constant 0 : i32
    %dma_wait3A_711 = arith.constant 0 : i32
    %dma_wait3A_712 = tpu.memref_slice %arg6[%dma_wait3A_709, %dma_wait3A_710, %dma_wait3A_711] : memref<2x800x64xf32, #tpu.memory_space<vmem>> -> memref<1x800x64xf32, #tpu.memory_space<vmem>>
    %dma_wait3A_713 = tpu.memref_squeeze %dma_wait3A_712 : memref<1x800x64xf32, #tpu.memory_space<vmem>> -> memref<800x64xf32, #tpu.memory_space<vmem>>
    %dma_wait3A_714 = arith.constant 640 : i32
    %dma_wait3A_715 = arith.constant 0 : i32
    %dma_wait3A_716 = tpu.memref_slice %dma_wait3A_713[%dma_wait3A_714, %dma_wait3A_715] : memref<800x64xf32, #tpu.memory_space<vmem>> -> memref<80x64xf32, #tpu.memory_space<vmem>>
    %dma_wait3A_717 = arith.constant 0 : i32
    %dma_wait3A_718 = tpu.memref_slice %arg5[%dma_wait3A_708, %dma_wait3A_717] : memref<320x80xi32, #tpu.memory_space<vmem>> -> memref<1x80xi32, #tpu.memory_space<vmem>>
    %dma_wait3A_719 = tpu.memref_squeeze %dma_wait3A_718 : memref<1x80xi32, #tpu.memory_space<vmem>> -> memref<80xi32, #tpu.memory_space<vmem>>
    %dma_wait3A_720 = arith.constant 0 : i32
    %dma_wait3A_721 = arith.constant 0 : i32
    %dma_wait3A_722 = tpu.memref_slice %arg3[%dma_wait3A_720, %dma_wait3A_721] : memref<1000000x64xf32, #tpu.memory_space<hbm>> -> memref<1000000x64xf32, #tpu.memory_space<hbm>>
    tpu.wait_indirect_dma semaphore(%arg8 : memref<!tpu.dma_semaphore, #tpu.memory_space<semaphore_mem>>) src(%dma_wait3A_722 : memref<1000000x64xf32, #tpu.memory_space<hbm>>) dst(%dma_wait3A_716 : memref<80x64xf32, #tpu.memory_space<vmem>>)
    %dma_wait3A_723 = arith.constant 319 : i32
    %dma_wait3A_724 = arith.constant 1 : i32
    %dma_wait3A_725 = arith.constant 0 : i32
    %dma_wait3A_726 = arith.constant 0 : i32
    %dma_wait3A_727 = tpu.memref_slice %arg6[%dma_wait3A_724, %dma_wait3A_725, %dma_wait3A_726] : memref<2x800x64xf32, #tpu.memory_space<vmem>> -> memref<1x800x64xf32, #tpu.memory_space<vmem>>
    %dma_wait3A_728 = tpu.memref_squeeze %dma_wait3A_727 : memref<1x800x64xf32, #tpu.memory_space<vmem>> -> memref<800x64xf32, #tpu.memory_space<vmem>>
    %dma_wait3A_729 = arith.constant 720 : i32
    %dma_wait3A_730 = arith.constant 0 : i32
    %dma_wait3A_731 = tpu.memref_slice %dma_wait3A_728[%dma_wait3A_729, %dma_wait3A_730] : memref<800x64xf32, #tpu.memory_space<vmem>> -> memref<80x64xf32, #tpu.memory_space<vmem>>
    %dma_wait3A_732 = arith.constant 0 : i32
    %dma_wait3A_733 = tpu.memref_slice %arg5[%dma_wait3A_723, %dma_wait3A_732] : memref<320x80xi32, #tpu.memory_space<vmem>> -> memref<1x80xi32, #tpu.memory_space<vmem>>
    %dma_wait3A_734 = tpu.memref_squeeze %dma_wait3A_733 : memref<1x80xi32, #tpu.memory_space<vmem>> -> memref<80xi32, #tpu.memory_space<vmem>>
    %dma_wait3A_735 = arith.constant 0 : i32
    %dma_wait3A_736 = arith.constant 0 : i32
    %dma_wait3A_737 = tpu.memref_slice %arg3[%dma_wait3A_735, %dma_wait3A_736] : memref<1000000x64xf32, #tpu.memory_space<hbm>> -> memref<1000000x64xf32, #tpu.memory_space<hbm>>
    tpu.wait_indirect_dma semaphore(%arg8 : memref<!tpu.dma_semaphore, #tpu.memory_space<semaphore_mem>>) src(%dma_wait3A_737 : memref<1000000x64xf32, #tpu.memory_space<hbm>>) dst(%dma_wait3A_731 : memref<80x64xf32, #tpu.memory_space<vmem>>)
    %add3A_738 = arith.constant 124 : i32
    %add3A_739 = arith.addi %mul3A_2, %add3A_738 : i32
    %add3A_740 = arith.constant 0 : i32
    %add3A_741 = arith.addi %add3A_739, %add3A_740 : i32
    %dma_start3A_742 = arith.constant 1 : i32
    %dma_start3A_743 = arith.constant 0 : i32
    %dma_start3A_744 = arith.constant 0 : i32
    %dma_start3A_745 = tpu.memref_slice %arg6[%dma_start3A_742, %dma_start3A_743, %dma_start3A_744] : memref<2x800x64xf32, #tpu.memory_space<vmem>> -> memref<1x800x64xf32, #tpu.memory_space<vmem>>
    %dma_start3A_746 = tpu.memref_squeeze %dma_start3A_745 : memref<1x800x64xf32, #tpu.memory_space<vmem>> -> memref<800x64xf32, #tpu.memory_space<vmem>>
    %dma_start3A_747 = arith.constant 0 : i32
    %dma_start3A_748 = arith.constant 0 : i32
    %dma_start3A_749 = tpu.memref_slice %dma_start3A_746[%dma_start3A_747, %dma_start3A_748] : memref<800x64xf32, #tpu.memory_space<vmem>> -> memref<200x64xf32, #tpu.memory_space<vmem>>
    %dma_start3A_750 = arith.constant 0 : i32
    %dma_start3A_751 = arith.constant 0 : i32
    %dma_start3A_752 = tpu.memref_slice %arg4[%add3A_741, %dma_start3A_750, %dma_start3A_751] : memref<4096x200x128xf32, #tpu.memory_space<hbm>> -> memref<1x200x128xf32, #tpu.memory_space<hbm>>
    %dma_start3A_753 = tpu.memref_squeeze %dma_start3A_752 : memref<1x200x128xf32, #tpu.memory_space<hbm>> -> memref<200x128xf32, #tpu.memory_space<hbm>>
    %dma_start3A_754 = arith.constant 0 : i32
    %dma_start3A_755 = arith.constant 0 : i32
    %dma_start3A_756 = tpu.memref_slice %dma_start3A_753[%dma_start3A_754, %dma_start3A_755] : memref<200x128xf32, #tpu.memory_space<hbm>> -> memref<200x64xf32, #tpu.memory_space<hbm>>
    %dma_start3A_757 = arith.constant 0 : i32
    %dma_start3A_758 = arith.constant 0 : i32
    %dma_start3A_759 = tpu.memref_slice %arg4[%add3A_741, %dma_start3A_757, %dma_start3A_758] : memref<4096x200x128xf32, #tpu.memory_space<hbm>> -> memref<1x200x128xf32, #tpu.memory_space<hbm>>
    %dma_start3A_760 = tpu.memref_squeeze %dma_start3A_759 : memref<1x200x128xf32, #tpu.memory_space<hbm>> -> memref<200x128xf32, #tpu.memory_space<hbm>>
    %dma_start3A_761 = arith.constant 0 : i32
    %dma_start3A_762 = arith.constant 0 : i32
    %dma_start3A_763 = tpu.memref_slice %dma_start3A_760[%dma_start3A_761, %dma_start3A_762] : memref<200x128xf32, #tpu.memory_space<hbm>> -> memref<200x64xf32, #tpu.memory_space<hbm>>
    %dma_start3A_764 = arith.constant 0 : i32
    %dma_start3A_765 = arith.constant 0 : i32
    %dma_start3A_766 = tpu.memref_slice %arg6[%dma_start3A_742, %dma_start3A_764, %dma_start3A_765] : memref<2x800x64xf32, #tpu.memory_space<vmem>> -> memref<1x800x64xf32, #tpu.memory_space<vmem>>
    %dma_start3A_767 = tpu.memref_squeeze %dma_start3A_766 : memref<1x800x64xf32, #tpu.memory_space<vmem>> -> memref<800x64xf32, #tpu.memory_space<vmem>>
    %dma_start3A_768 = arith.constant 0 : i32
    %dma_start3A_769 = arith.constant 0 : i32
    %dma_start3A_770 = tpu.memref_slice %dma_start3A_767[%dma_start3A_768, %dma_start3A_769] : memref<800x64xf32, #tpu.memory_space<vmem>> -> memref<200x64xf32, #tpu.memory_space<vmem>>
    tpu.enqueue_dma source(%dma_start3A_770 : memref<200x64xf32, #tpu.memory_space<vmem>>) target(%dma_start3A_763 : memref<200x64xf32, #tpu.memory_space<hbm>>) target_semaphore(%arg10 : memref<!tpu.dma_semaphore, #tpu.memory_space<semaphore_mem>>)
    %add3A_771 = arith.constant 124 : i32
    %add3A_772 = arith.addi %mul3A_2, %add3A_771 : i32
    %add3A_773 = arith.constant 1 : i32
    %add3A_774 = arith.addi %add3A_772, %add3A_773 : i32
    %dma_start3A_775 = arith.constant 1 : i32
    %dma_start3A_776 = arith.constant 0 : i32
    %dma_start3A_777 = arith.constant 0 : i32
    %dma_start3A_778 = tpu.memref_slice %arg6[%dma_start3A_775, %dma_start3A_776, %dma_start3A_777] : memref<2x800x64xf32, #tpu.memory_space<vmem>> -> memref<1x800x64xf32, #tpu.memory_space<vmem>>
    %dma_start3A_779 = tpu.memref_squeeze %dma_start3A_778 : memref<1x800x64xf32, #tpu.memory_space<vmem>> -> memref<800x64xf32, #tpu.memory_space<vmem>>
    %dma_start3A_780 = arith.constant 200 : i32
    %dma_start3A_781 = arith.constant 0 : i32
    %dma_start3A_782 = tpu.memref_slice %dma_start3A_779[%dma_start3A_780, %dma_start3A_781] : memref<800x64xf32, #tpu.memory_space<vmem>> -> memref<200x64xf32, #tpu.memory_space<vmem>>
    %dma_start3A_783 = arith.constant 0 : i32
    %dma_start3A_784 = arith.constant 0 : i32
    %dma_start3A_785 = tpu.memref_slice %arg4[%add3A_774, %dma_start3A_783, %dma_start3A_784] : memref<4096x200x128xf32, #tpu.memory_space<hbm>> -> memref<1x200x128xf32, #tpu.memory_space<hbm>>
    %dma_start3A_786 = tpu.memref_squeeze %dma_start3A_785 : memref<1x200x128xf32, #tpu.memory_space<hbm>> -> memref<200x128xf32, #tpu.memory_space<hbm>>
    %dma_start3A_787 = arith.constant 0 : i32
    %dma_start3A_788 = arith.constant 0 : i32
    %dma_start3A_789 = tpu.memref_slice %dma_start3A_786[%dma_start3A_787, %dma_start3A_788] : memref<200x128xf32, #tpu.memory_space<hbm>> -> memref<200x64xf32, #tpu.memory_space<hbm>>
    %dma_start3A_790 = arith.constant 0 : i32
    %dma_start3A_791 = arith.constant 0 : i32
    %dma_start3A_792 = tpu.memref_slice %arg4[%add3A_774, %dma_start3A_790, %dma_start3A_791] : memref<4096x200x128xf32, #tpu.memory_space<hbm>> -> memref<1x200x128xf32, #tpu.memory_space<hbm>>
    %dma_start3A_793 = tpu.memref_squeeze %dma_start3A_792 : memref<1x200x128xf32, #tpu.memory_space<hbm>> -> memref<200x128xf32, #tpu.memory_space<hbm>>
    %dma_start3A_794 = arith.constant 0 : i32
    %dma_start3A_795 = arith.constant 0 : i32
    %dma_start3A_796 = tpu.memref_slice %dma_start3A_793[%dma_start3A_794, %dma_start3A_795] : memref<200x128xf32, #tpu.memory_space<hbm>> -> memref<200x64xf32, #tpu.memory_space<hbm>>
    %dma_start3A_797 = arith.constant 0 : i32
    %dma_start3A_798 = arith.constant 0 : i32
    %dma_start3A_799 = tpu.memref_slice %arg6[%dma_start3A_775, %dma_start3A_797, %dma_start3A_798] : memref<2x800x64xf32, #tpu.memory_space<vmem>> -> memref<1x800x64xf32, #tpu.memory_space<vmem>>
    %dma_start3A_800 = tpu.memref_squeeze %dma_start3A_799 : memref<1x800x64xf32, #tpu.memory_space<vmem>> -> memref<800x64xf32, #tpu.memory_space<vmem>>
    %dma_start3A_801 = arith.constant 200 : i32
    %dma_start3A_802 = arith.constant 0 : i32
    %dma_start3A_803 = tpu.memref_slice %dma_start3A_800[%dma_start3A_801, %dma_start3A_802] : memref<800x64xf32, #tpu.memory_space<vmem>> -> memref<200x64xf32, #tpu.memory_space<vmem>>
    tpu.enqueue_dma source(%dma_start3A_803 : memref<200x64xf32, #tpu.memory_space<vmem>>) target(%dma_start3A_796 : memref<200x64xf32, #tpu.memory_space<hbm>>) target_semaphore(%arg10 : memref<!tpu.dma_semaphore, #tpu.memory_space<semaphore_mem>>)
    %add3A_804 = arith.constant 124 : i32
    %add3A_805 = arith.addi %mul3A_2, %add3A_804 : i32
    %add3A_806 = arith.constant 2 : i32
    %add3A_807 = arith.addi %add3A_805, %add3A_806 : i32
    %dma_start3A_808 = arith.constant 1 : i32
    %dma_start3A_809 = arith.constant 0 : i32
    %dma_start3A_810 = arith.constant 0 : i32
    %dma_start3A_811 = tpu.memref_slice %arg6[%dma_start3A_808, %dma_start3A_809, %dma_start3A_810] : memref<2x800x64xf32, #tpu.memory_space<vmem>> -> memref<1x800x64xf32, #tpu.memory_space<vmem>>
    %dma_start3A_812 = tpu.memref_squeeze %dma_start3A_811 : memref<1x800x64xf32, #tpu.memory_space<vmem>> -> memref<800x64xf32, #tpu.memory_space<vmem>>
    %dma_start3A_813 = arith.constant 400 : i32
    %dma_start3A_814 = arith.constant 0 : i32
    %dma_start3A_815 = tpu.memref_slice %dma_start3A_812[%dma_start3A_813, %dma_start3A_814] : memref<800x64xf32, #tpu.memory_space<vmem>> -> memref<200x64xf32, #tpu.memory_space<vmem>>
    %dma_start3A_816 = arith.constant 0 : i32
    %dma_start3A_817 = arith.constant 0 : i32
    %dma_start3A_818 = tpu.memref_slice %arg4[%add3A_807, %dma_start3A_816, %dma_start3A_817] : memref<4096x200x128xf32, #tpu.memory_space<hbm>> -> memref<1x200x128xf32, #tpu.memory_space<hbm>>
    %dma_start3A_819 = tpu.memref_squeeze %dma_start3A_818 : memref<1x200x128xf32, #tpu.memory_space<hbm>> -> memref<200x128xf32, #tpu.memory_space<hbm>>
    %dma_start3A_820 = arith.constant 0 : i32
    %dma_start3A_821 = arith.constant 0 : i32
    %dma_start3A_822 = tpu.memref_slice %dma_start3A_819[%dma_start3A_820, %dma_start3A_821] : memref<200x128xf32, #tpu.memory_space<hbm>> -> memref<200x64xf32, #tpu.memory_space<hbm>>
    %dma_start3A_823 = arith.constant 0 : i32
    %dma_start3A_824 = arith.constant 0 : i32
    %dma_start3A_825 = tpu.memref_slice %arg4[%add3A_807, %dma_start3A_823, %dma_start3A_824] : memref<4096x200x128xf32, #tpu.memory_space<hbm>> -> memref<1x200x128xf32, #tpu.memory_space<hbm>>
    %dma_start3A_826 = tpu.memref_squeeze %dma_start3A_825 : memref<1x200x128xf32, #tpu.memory_space<hbm>> -> memref<200x128xf32, #tpu.memory_space<hbm>>
    %dma_start3A_827 = arith.constant 0 : i32
    %dma_start3A_828 = arith.constant 0 : i32
    %dma_start3A_829 = tpu.memref_slice %dma_start3A_826[%dma_start3A_827, %dma_start3A_828] : memref<200x128xf32, #tpu.memory_space<hbm>> -> memref<200x64xf32, #tpu.memory_space<hbm>>
    %dma_start3A_830 = arith.constant 0 : i32
    %dma_start3A_831 = arith.constant 0 : i32
    %dma_start3A_832 = tpu.memref_slice %arg6[%dma_start3A_808, %dma_start3A_830, %dma_start3A_831] : memref<2x800x64xf32, #tpu.memory_space<vmem>> -> memref<1x800x64xf32, #tpu.memory_space<vmem>>
    %dma_start3A_833 = tpu.memref_squeeze %dma_start3A_832 : memref<1x800x64xf32, #tpu.memory_space<vmem>> -> memref<800x64xf32, #tpu.memory_space<vmem>>
    %dma_start3A_834 = arith.constant 400 : i32
    %dma_start3A_835 = arith.constant 0 : i32
    %dma_start3A_836 = tpu.memref_slice %dma_start3A_833[%dma_start3A_834, %dma_start3A_835] : memref<800x64xf32, #tpu.memory_space<vmem>> -> memref<200x64xf32, #tpu.memory_space<vmem>>
    tpu.enqueue_dma source(%dma_start3A_836 : memref<200x64xf32, #tpu.memory_space<vmem>>) target(%dma_start3A_829 : memref<200x64xf32, #tpu.memory_space<hbm>>) target_semaphore(%arg10 : memref<!tpu.dma_semaphore, #tpu.memory_space<semaphore_mem>>)
    %add3A_837 = arith.constant 124 : i32
    %add3A_838 = arith.addi %mul3A_2, %add3A_837 : i32
    %add3A_839 = arith.constant 3 : i32
    %add3A_840 = arith.addi %add3A_838, %add3A_839 : i32
    %dma_start3A_841 = arith.constant 1 : i32
    %dma_start3A_842 = arith.constant 0 : i32
    %dma_start3A_843 = arith.constant 0 : i32
    %dma_start3A_844 = tpu.memref_slice %arg6[%dma_start3A_841, %dma_start3A_842, %dma_start3A_843] : memref<2x800x64xf32, #tpu.memory_space<vmem>> -> memref<1x800x64xf32, #tpu.memory_space<vmem>>
    %dma_start3A_845 = tpu.memref_squeeze %dma_start3A_844 : memref<1x800x64xf32, #tpu.memory_space<vmem>> -> memref<800x64xf32, #tpu.memory_space<vmem>>
    %dma_start3A_846 = arith.constant 600 : i32
    %dma_start3A_847 = arith.constant 0 : i32
    %dma_start3A_848 = tpu.memref_slice %dma_start3A_845[%dma_start3A_846, %dma_start3A_847] : memref<800x64xf32, #tpu.memory_space<vmem>> -> memref<200x64xf32, #tpu.memory_space<vmem>>
    %dma_start3A_849 = arith.constant 0 : i32
    %dma_start3A_850 = arith.constant 0 : i32
    %dma_start3A_851 = tpu.memref_slice %arg4[%add3A_840, %dma_start3A_849, %dma_start3A_850] : memref<4096x200x128xf32, #tpu.memory_space<hbm>> -> memref<1x200x128xf32, #tpu.memory_space<hbm>>
    %dma_start3A_852 = tpu.memref_squeeze %dma_start3A_851 : memref<1x200x128xf32, #tpu.memory_space<hbm>> -> memref<200x128xf32, #tpu.memory_space<hbm>>
    %dma_start3A_853 = arith.constant 0 : i32
    %dma_start3A_854 = arith.constant 0 : i32
    %dma_start3A_855 = tpu.memref_slice %dma_start3A_852[%dma_start3A_853, %dma_start3A_854] : memref<200x128xf32, #tpu.memory_space<hbm>> -> memref<200x64xf32, #tpu.memory_space<hbm>>
    %dma_start3A_856 = arith.constant 0 : i32
    %dma_start3A_857 = arith.constant 0 : i32
    %dma_start3A_858 = tpu.memref_slice %arg4[%add3A_840, %dma_start3A_856, %dma_start3A_857] : memref<4096x200x128xf32, #tpu.memory_space<hbm>> -> memref<1x200x128xf32, #tpu.memory_space<hbm>>
    %dma_start3A_859 = tpu.memref_squeeze %dma_start3A_858 : memref<1x200x128xf32, #tpu.memory_space<hbm>> -> memref<200x128xf32, #tpu.memory_space<hbm>>
    %dma_start3A_860 = arith.constant 0 : i32
    %dma_start3A_861 = arith.constant 0 : i32
    %dma_start3A_862 = tpu.memref_slice %dma_start3A_859[%dma_start3A_860, %dma_start3A_861] : memref<200x128xf32, #tpu.memory_space<hbm>> -> memref<200x64xf32, #tpu.memory_space<hbm>>
    %dma_start3A_863 = arith.constant 0 : i32
    %dma_start3A_864 = arith.constant 0 : i32
    %dma_start3A_865 = tpu.memref_slice %arg6[%dma_start3A_841, %dma_start3A_863, %dma_start3A_864] : memref<2x800x64xf32, #tpu.memory_space<vmem>> -> memref<1x800x64xf32, #tpu.memory_space<vmem>>
    %dma_start3A_866 = tpu.memref_squeeze %dma_start3A_865 : memref<1x800x64xf32, #tpu.memory_space<vmem>> -> memref<800x64xf32, #tpu.memory_space<vmem>>
    %dma_start3A_867 = arith.constant 600 : i32
    %dma_start3A_868 = arith.constant 0 : i32
    %dma_start3A_869 = tpu.memref_slice %dma_start3A_866[%dma_start3A_867, %dma_start3A_868] : memref<800x64xf32, #tpu.memory_space<vmem>> -> memref<200x64xf32, #tpu.memory_space<vmem>>
    tpu.enqueue_dma source(%dma_start3A_869 : memref<200x64xf32, #tpu.memory_space<vmem>>) target(%dma_start3A_862 : memref<200x64xf32, #tpu.memory_space<hbm>>) target_semaphore(%arg10 : memref<!tpu.dma_semaphore, #tpu.memory_space<semaphore_mem>>)
    %add3A_870 = arith.constant 120 : i32
    %add3A_871 = arith.addi %mul3A_2, %add3A_870 : i32
    %add3A_872 = arith.constant 0 : i32
    %add3A_873 = arith.addi %add3A_871, %add3A_872 : i32
    %dma_wait3A_874 = arith.constant 0 : i32
    %dma_wait3A_875 = arith.constant 0 : i32
    %dma_wait3A_876 = arith.constant 0 : i32
    %dma_wait3A_877 = tpu.memref_slice %arg6[%dma_wait3A_874, %dma_wait3A_875, %dma_wait3A_876] : memref<2x800x64xf32, #tpu.memory_space<vmem>> -> memref<1x800x64xf32, #tpu.memory_space<vmem>>
    %dma_wait3A_878 = tpu.memref_squeeze %dma_wait3A_877 : memref<1x800x64xf32, #tpu.memory_space<vmem>> -> memref<800x64xf32, #tpu.memory_space<vmem>>
    %dma_wait3A_879 = arith.constant 0 : i32
    %dma_wait3A_880 = arith.constant 0 : i32
    %dma_wait3A_881 = tpu.memref_slice %dma_wait3A_878[%dma_wait3A_879, %dma_wait3A_880] : memref<800x64xf32, #tpu.memory_space<vmem>> -> memref<200x64xf32, #tpu.memory_space<vmem>>
    %dma_wait3A_882 = arith.constant 0 : i32
    %dma_wait3A_883 = arith.constant 0 : i32
    %dma_wait3A_884 = tpu.memref_slice %arg4[%add3A_873, %dma_wait3A_882, %dma_wait3A_883] : memref<4096x200x128xf32, #tpu.memory_space<hbm>> -> memref<1x200x128xf32, #tpu.memory_space<hbm>>
    %dma_wait3A_885 = tpu.memref_squeeze %dma_wait3A_884 : memref<1x200x128xf32, #tpu.memory_space<hbm>> -> memref<200x128xf32, #tpu.memory_space<hbm>>
    %dma_wait3A_886 = arith.constant 0 : i32
    %dma_wait3A_887 = arith.constant 0 : i32
    %dma_wait3A_888 = tpu.memref_slice %dma_wait3A_885[%dma_wait3A_886, %dma_wait3A_887] : memref<200x128xf32, #tpu.memory_space<hbm>> -> memref<200x64xf32, #tpu.memory_space<hbm>>
    %dma_wait3A_889 = arith.constant 0 : i32
    %dma_wait3A_890 = arith.constant 0 : i32
    %dma_wait3A_891 = tpu.memref_slice %arg4[%add3A_873, %dma_wait3A_889, %dma_wait3A_890] : memref<4096x200x128xf32, #tpu.memory_space<hbm>> -> memref<1x200x128xf32, #tpu.memory_space<hbm>>
    %dma_wait3A_892 = tpu.memref_squeeze %dma_wait3A_891 : memref<1x200x128xf32, #tpu.memory_space<hbm>> -> memref<200x128xf32, #tpu.memory_space<hbm>>
    %dma_wait3A_893 = arith.constant 0 : i32
    %dma_wait3A_894 = arith.constant 0 : i32
    %dma_wait3A_895 = tpu.memref_slice %dma_wait3A_892[%dma_wait3A_893, %dma_wait3A_894] : memref<200x128xf32, #tpu.memory_space<hbm>> -> memref<200x64xf32, #tpu.memory_space<hbm>>
    %dma_wait3A_896 = arith.constant 0 : i32
    %dma_wait3A_897 = arith.constant 0 : i32
    %dma_wait3A_898 = tpu.memref_slice %arg6[%dma_wait3A_874, %dma_wait3A_896, %dma_wait3A_897] : memref<2x800x64xf32, #tpu.memory_space<vmem>> -> memref<1x800x64xf32, #tpu.memory_space<vmem>>
    %dma_wait3A_899 = tpu.memref_squeeze %dma_wait3A_898 : memref<1x800x64xf32, #tpu.memory_space<vmem>> -> memref<800x64xf32, #tpu.memory_space<vmem>>
    %dma_wait3A_900 = arith.constant 0 : i32
    %dma_wait3A_901 = arith.constant 0 : i32
    %dma_wait3A_902 = tpu.memref_slice %dma_wait3A_899[%dma_wait3A_900, %dma_wait3A_901] : memref<800x64xf32, #tpu.memory_space<vmem>> -> memref<200x64xf32, #tpu.memory_space<vmem>>
    tpu.wait_dma2 semaphore(%arg9 : memref<!tpu.dma_semaphore, #tpu.memory_space<semaphore_mem>>) src(%dma_wait3A_902 : memref<200x64xf32, #tpu.memory_space<vmem>>) dst(%dma_wait3A_895 : memref<200x64xf32, #tpu.memory_space<hbm>>)
    %add3A_903 = arith.constant 120 : i32
    %add3A_904 = arith.addi %mul3A_2, %add3A_903 : i32
    %add3A_905 = arith.constant 1 : i32
    %add3A_906 = arith.addi %add3A_904, %add3A_905 : i32
    %dma_wait3A_907 = arith.constant 0 : i32
    %dma_wait3A_908 = arith.constant 0 : i32
    %dma_wait3A_909 = arith.constant 0 : i32
    %dma_wait3A_910 = tpu.memref_slice %arg6[%dma_wait3A_907, %dma_wait3A_908, %dma_wait3A_909] : memref<2x800x64xf32, #tpu.memory_space<vmem>> -> memref<1x800x64xf32, #tpu.memory_space<vmem>>
    %dma_wait3A_911 = tpu.memref_squeeze %dma_wait3A_910 : memref<1x800x64xf32, #tpu.memory_space<vmem>> -> memref<800x64xf32, #tpu.memory_space<vmem>>
    %dma_wait3A_912 = arith.constant 200 : i32
    %dma_wait3A_913 = arith.constant 0 : i32
    %dma_wait3A_914 = tpu.memref_slice %dma_wait3A_911[%dma_wait3A_912, %dma_wait3A_913] : memref<800x64xf32, #tpu.memory_space<vmem>> -> memref<200x64xf32, #tpu.memory_space<vmem>>
    %dma_wait3A_915 = arith.constant 0 : i32
    %dma_wait3A_916 = arith.constant 0 : i32
    %dma_wait3A_917 = tpu.memref_slice %arg4[%add3A_906, %dma_wait3A_915, %dma_wait3A_916] : memref<4096x200x128xf32, #tpu.memory_space<hbm>> -> memref<1x200x128xf32, #tpu.memory_space<hbm>>
    %dma_wait3A_918 = tpu.memref_squeeze %dma_wait3A_917 : memref<1x200x128xf32, #tpu.memory_space<hbm>> -> memref<200x128xf32, #tpu.memory_space<hbm>>
    %dma_wait3A_919 = arith.constant 0 : i32
    %dma_wait3A_920 = arith.constant 0 : i32
    %dma_wait3A_921 = tpu.memref_slice %dma_wait3A_918[%dma_wait3A_919, %dma_wait3A_920] : memref<200x128xf32, #tpu.memory_space<hbm>> -> memref<200x64xf32, #tpu.memory_space<hbm>>
    %dma_wait3A_922 = arith.constant 0 : i32
    %dma_wait3A_923 = arith.constant 0 : i32
    %dma_wait3A_924 = tpu.memref_slice %arg4[%add3A_906, %dma_wait3A_922, %dma_wait3A_923] : memref<4096x200x128xf32, #tpu.memory_space<hbm>> -> memref<1x200x128xf32, #tpu.memory_space<hbm>>
    %dma_wait3A_925 = tpu.memref_squeeze %dma_wait3A_924 : memref<1x200x128xf32, #tpu.memory_space<hbm>> -> memref<200x128xf32, #tpu.memory_space<hbm>>
    %dma_wait3A_926 = arith.constant 0 : i32
    %dma_wait3A_927 = arith.constant 0 : i32
    %dma_wait3A_928 = tpu.memref_slice %dma_wait3A_925[%dma_wait3A_926, %dma_wait3A_927] : memref<200x128xf32, #tpu.memory_space<hbm>> -> memref<200x64xf32, #tpu.memory_space<hbm>>
    %dma_wait3A_929 = arith.constant 0 : i32
    %dma_wait3A_930 = arith.constant 0 : i32
    %dma_wait3A_931 = tpu.memref_slice %arg6[%dma_wait3A_907, %dma_wait3A_929, %dma_wait3A_930] : memref<2x800x64xf32, #tpu.memory_space<vmem>> -> memref<1x800x64xf32, #tpu.memory_space<vmem>>
    %dma_wait3A_932 = tpu.memref_squeeze %dma_wait3A_931 : memref<1x800x64xf32, #tpu.memory_space<vmem>> -> memref<800x64xf32, #tpu.memory_space<vmem>>
    %dma_wait3A_933 = arith.constant 200 : i32
    %dma_wait3A_934 = arith.constant 0 : i32
    %dma_wait3A_935 = tpu.memref_slice %dma_wait3A_932[%dma_wait3A_933, %dma_wait3A_934] : memref<800x64xf32, #tpu.memory_space<vmem>> -> memref<200x64xf32, #tpu.memory_space<vmem>>
    tpu.wait_dma2 semaphore(%arg9 : memref<!tpu.dma_semaphore, #tpu.memory_space<semaphore_mem>>) src(%dma_wait3A_935 : memref<200x64xf32, #tpu.memory_space<vmem>>) dst(%dma_wait3A_928 : memref<200x64xf32, #tpu.memory_space<hbm>>)
    %add3A_936 = arith.constant 120 : i32
    %add3A_937 = arith.addi %mul3A_2, %add3A_936 : i32
    %add3A_938 = arith.constant 2 : i32
    %add3A_939 = arith.addi %add3A_937, %add3A_938 : i32
    %dma_wait3A_940 = arith.constant 0 : i32
    %dma_wait3A_941 = arith.constant 0 : i32
    %dma_wait3A_942 = arith.constant 0 : i32
    %dma_wait3A_943 = tpu.memref_slice %arg6[%dma_wait3A_940, %dma_wait3A_941, %dma_wait3A_942] : memref<2x800x64xf32, #tpu.memory_space<vmem>> -> memref<1x800x64xf32, #tpu.memory_space<vmem>>
    %dma_wait3A_944 = tpu.memref_squeeze %dma_wait3A_943 : memref<1x800x64xf32, #tpu.memory_space<vmem>> -> memref<800x64xf32, #tpu.memory_space<vmem>>
    %dma_wait3A_945 = arith.constant 400 : i32
    %dma_wait3A_946 = arith.constant 0 : i32
    %dma_wait3A_947 = tpu.memref_slice %dma_wait3A_944[%dma_wait3A_945, %dma_wait3A_946] : memref<800x64xf32, #tpu.memory_space<vmem>> -> memref<200x64xf32, #tpu.memory_space<vmem>>
    %dma_wait3A_948 = arith.constant 0 : i32
    %dma_wait3A_949 = arith.constant 0 : i32
    %dma_wait3A_950 = tpu.memref_slice %arg4[%add3A_939, %dma_wait3A_948, %dma_wait3A_949] : memref<4096x200x128xf32, #tpu.memory_space<hbm>> -> memref<1x200x128xf32, #tpu.memory_space<hbm>>
    %dma_wait3A_951 = tpu.memref_squeeze %dma_wait3A_950 : memref<1x200x128xf32, #tpu.memory_space<hbm>> -> memref<200x128xf32, #tpu.memory_space<hbm>>
    %dma_wait3A_952 = arith.constant 0 : i32
    %dma_wait3A_953 = arith.constant 0 : i32
    %dma_wait3A_954 = tpu.memref_slice %dma_wait3A_951[%dma_wait3A_952, %dma_wait3A_953] : memref<200x128xf32, #tpu.memory_space<hbm>> -> memref<200x64xf32, #tpu.memory_space<hbm>>
    %dma_wait3A_955 = arith.constant 0 : i32
    %dma_wait3A_956 = arith.constant 0 : i32
    %dma_wait3A_957 = tpu.memref_slice %arg4[%add3A_939, %dma_wait3A_955, %dma_wait3A_956] : memref<4096x200x128xf32, #tpu.memory_space<hbm>> -> memref<1x200x128xf32, #tpu.memory_space<hbm>>
    %dma_wait3A_958 = tpu.memref_squeeze %dma_wait3A_957 : memref<1x200x128xf32, #tpu.memory_space<hbm>> -> memref<200x128xf32, #tpu.memory_space<hbm>>
    %dma_wait3A_959 = arith.constant 0 : i32
    %dma_wait3A_960 = arith.constant 0 : i32
    %dma_wait3A_961 = tpu.memref_slice %dma_wait3A_958[%dma_wait3A_959, %dma_wait3A_960] : memref<200x128xf32, #tpu.memory_space<hbm>> -> memref<200x64xf32, #tpu.memory_space<hbm>>
    %dma_wait3A_962 = arith.constant 0 : i32
    %dma_wait3A_963 = arith.constant 0 : i32
    %dma_wait3A_964 = tpu.memref_slice %arg6[%dma_wait3A_940, %dma_wait3A_962, %dma_wait3A_963] : memref<2x800x64xf32, #tpu.memory_space<vmem>> -> memref<1x800x64xf32, #tpu.memory_space<vmem>>
    %dma_wait3A_965 = tpu.memref_squeeze %dma_wait3A_964 : memref<1x800x64xf32, #tpu.memory_space<vmem>> -> memref<800x64xf32, #tpu.memory_space<vmem>>
    %dma_wait3A_966 = arith.constant 400 : i32
    %dma_wait3A_967 = arith.constant 0 : i32
    %dma_wait3A_968 = tpu.memref_slice %dma_wait3A_965[%dma_wait3A_966, %dma_wait3A_967] : memref<800x64xf32, #tpu.memory_space<vmem>> -> memref<200x64xf32, #tpu.memory_space<vmem>>
    tpu.wait_dma2 semaphore(%arg9 : memref<!tpu.dma_semaphore, #tpu.memory_space<semaphore_mem>>) src(%dma_wait3A_968 : memref<200x64xf32, #tpu.memory_space<vmem>>) dst(%dma_wait3A_961 : memref<200x64xf32, #tpu.memory_space<hbm>>)
    %add3A_969 = arith.constant 120 : i32
    %add3A_970 = arith.addi %mul3A_2, %add3A_969 : i32
    %add3A_971 = arith.constant 3 : i32
    %add3A_972 = arith.addi %add3A_970, %add3A_971 : i32
    %dma_wait3A_973 = arith.constant 0 : i32
    %dma_wait3A_974 = arith.constant 0 : i32
    %dma_wait3A_975 = arith.constant 0 : i32
    %dma_wait3A_976 = tpu.memref_slice %arg6[%dma_wait3A_973, %dma_wait3A_974, %dma_wait3A_975] : memref<2x800x64xf32, #tpu.memory_space<vmem>> -> memref<1x800x64xf32, #tpu.memory_space<vmem>>
    %dma_wait3A_977 = tpu.memref_squeeze %dma_wait3A_976 : memref<1x800x64xf32, #tpu.memory_space<vmem>> -> memref<800x64xf32, #tpu.memory_space<vmem>>
    %dma_wait3A_978 = arith.constant 600 : i32
    %dma_wait3A_979 = arith.constant 0 : i32
    %dma_wait3A_980 = tpu.memref_slice %dma_wait3A_977[%dma_wait3A_978, %dma_wait3A_979] : memref<800x64xf32, #tpu.memory_space<vmem>> -> memref<200x64xf32, #tpu.memory_space<vmem>>
    %dma_wait3A_981 = arith.constant 0 : i32
    %dma_wait3A_982 = arith.constant 0 : i32
    %dma_wait3A_983 = tpu.memref_slice %arg4[%add3A_972, %dma_wait3A_981, %dma_wait3A_982] : memref<4096x200x128xf32, #tpu.memory_space<hbm>> -> memref<1x200x128xf32, #tpu.memory_space<hbm>>
    %dma_wait3A_984 = tpu.memref_squeeze %dma_wait3A_983 : memref<1x200x128xf32, #tpu.memory_space<hbm>> -> memref<200x128xf32, #tpu.memory_space<hbm>>
    %dma_wait3A_985 = arith.constant 0 : i32
    %dma_wait3A_986 = arith.constant 0 : i32
    %dma_wait3A_987 = tpu.memref_slice %dma_wait3A_984[%dma_wait3A_985, %dma_wait3A_986] : memref<200x128xf32, #tpu.memory_space<hbm>> -> memref<200x64xf32, #tpu.memory_space<hbm>>
    %dma_wait3A_988 = arith.constant 0 : i32
    %dma_wait3A_989 = arith.constant 0 : i32
    %dma_wait3A_990 = tpu.memref_slice %arg4[%add3A_972, %dma_wait3A_988, %dma_wait3A_989] : memref<4096x200x128xf32, #tpu.memory_space<hbm>> -> memref<1x200x128xf32, #tpu.memory_space<hbm>>
    %dma_wait3A_991 = tpu.memref_squeeze %dma_wait3A_990 : memref<1x200x128xf32, #tpu.memory_space<hbm>> -> memref<200x128xf32, #tpu.memory_space<hbm>>
    %dma_wait3A_992 = arith.constant 0 : i32
    %dma_wait3A_993 = arith.constant 0 : i32
    %dma_wait3A_994 = tpu.memref_slice %dma_wait3A_991[%dma_wait3A_992, %dma_wait3A_993] : memref<200x128xf32, #tpu.memory_space<hbm>> -> memref<200x64xf32, #tpu.memory_space<hbm>>
    %dma_wait3A_995 = arith.constant 0 : i32
    %dma_wait3A_996 = arith.constant 0 : i32
    %dma_wait3A_997 = tpu.memref_slice %arg6[%dma_wait3A_973, %dma_wait3A_995, %dma_wait3A_996] : memref<2x800x64xf32, #tpu.memory_space<vmem>> -> memref<1x800x64xf32, #tpu.memory_space<vmem>>
    %dma_wait3A_998 = tpu.memref_squeeze %dma_wait3A_997 : memref<1x800x64xf32, #tpu.memory_space<vmem>> -> memref<800x64xf32, #tpu.memory_space<vmem>>
    %dma_wait3A_999 = arith.constant 600 : i32
    %dma_wait3A_1000 = arith.constant 0 : i32
    %dma_wait3A_1001 = tpu.memref_slice %dma_wait3A_998[%dma_wait3A_999, %dma_wait3A_1000] : memref<800x64xf32, #tpu.memory_space<vmem>> -> memref<200x64xf32, #tpu.memory_space<vmem>>
    tpu.wait_dma2 semaphore(%arg9 : memref<!tpu.dma_semaphore, #tpu.memory_space<semaphore_mem>>) src(%dma_wait3A_1001 : memref<200x64xf32, #tpu.memory_space<vmem>>) dst(%dma_wait3A_994 : memref<200x64xf32, #tpu.memory_space<hbm>>)
    %add3A_1002 = arith.constant 124 : i32
    %add3A_1003 = arith.addi %mul3A_2, %add3A_1002 : i32
    %add3A_1004 = arith.constant 0 : i32
    %add3A_1005 = arith.addi %add3A_1003, %add3A_1004 : i32
    %dma_wait3A_1006 = arith.constant 1 : i32
    %dma_wait3A_1007 = arith.constant 0 : i32
    %dma_wait3A_1008 = arith.constant 0 : i32
    %dma_wait3A_1009 = tpu.memref_slice %arg6[%dma_wait3A_1006, %dma_wait3A_1007, %dma_wait3A_1008] : memref<2x800x64xf32, #tpu.memory_space<vmem>> -> memref<1x800x64xf32, #tpu.memory_space<vmem>>
    %dma_wait3A_1010 = tpu.memref_squeeze %dma_wait3A_1009 : memref<1x800x64xf32, #tpu.memory_space<vmem>> -> memref<800x64xf32, #tpu.memory_space<vmem>>
    %dma_wait3A_1011 = arith.constant 0 : i32
    %dma_wait3A_1012 = arith.constant 0 : i32
    %dma_wait3A_1013 = tpu.memref_slice %dma_wait3A_1010[%dma_wait3A_1011, %dma_wait3A_1012] : memref<800x64xf32, #tpu.memory_space<vmem>> -> memref<200x64xf32, #tpu.memory_space<vmem>>
    %dma_wait3A_1014 = arith.constant 0 : i32
    %dma_wait3A_1015 = arith.constant 0 : i32
    %dma_wait3A_1016 = tpu.memref_slice %arg4[%add3A_1005, %dma_wait3A_1014, %dma_wait3A_1015] : memref<4096x200x128xf32, #tpu.memory_space<hbm>> -> memref<1x200x128xf32, #tpu.memory_space<hbm>>
    %dma_wait3A_1017 = tpu.memref_squeeze %dma_wait3A_1016 : memref<1x200x128xf32, #tpu.memory_space<hbm>> -> memref<200x128xf32, #tpu.memory_space<hbm>>
    %dma_wait3A_1018 = arith.constant 0 : i32
    %dma_wait3A_1019 = arith.constant 0 : i32
    %dma_wait3A_1020 = tpu.memref_slice %dma_wait3A_1017[%dma_wait3A_1018, %dma_wait3A_1019] : memref<200x128xf32, #tpu.memory_space<hbm>> -> memref<200x64xf32, #tpu.memory_space<hbm>>
    %dma_wait3A_1021 = arith.constant 0 : i32
    %dma_wait3A_1022 = arith.constant 0 : i32
    %dma_wait3A_1023 = tpu.memref_slice %arg4[%add3A_1005, %dma_wait3A_1021, %dma_wait3A_1022] : memref<4096x200x128xf32, #tpu.memory_space<hbm>> -> memref<1x200x128xf32, #tpu.memory_space<hbm>>
    %dma_wait3A_1024 = tpu.memref_squeeze %dma_wait3A_1023 : memref<1x200x128xf32, #tpu.memory_space<hbm>> -> memref<200x128xf32, #tpu.memory_space<hbm>>
    %dma_wait3A_1025 = arith.constant 0 : i32
    %dma_wait3A_1026 = arith.constant 0 : i32
    %dma_wait3A_1027 = tpu.memref_slice %dma_wait3A_1024[%dma_wait3A_1025, %dma_wait3A_1026] : memref<200x128xf32, #tpu.memory_space<hbm>> -> memref<200x64xf32, #tpu.memory_space<hbm>>
    %dma_wait3A_1028 = arith.constant 0 : i32
    %dma_wait3A_1029 = arith.constant 0 : i32
    %dma_wait3A_1030 = tpu.memref_slice %arg6[%dma_wait3A_1006, %dma_wait3A_1028, %dma_wait3A_1029] : memref<2x800x64xf32, #tpu.memory_space<vmem>> -> memref<1x800x64xf32, #tpu.memory_space<vmem>>
    %dma_wait3A_1031 = tpu.memref_squeeze %dma_wait3A_1030 : memref<1x800x64xf32, #tpu.memory_space<vmem>> -> memref<800x64xf32, #tpu.memory_space<vmem>>
    %dma_wait3A_1032 = arith.constant 0 : i32
    %dma_wait3A_1033 = arith.constant 0 : i32
    %dma_wait3A_1034 = tpu.memref_slice %dma_wait3A_1031[%dma_wait3A_1032, %dma_wait3A_1033] : memref<800x64xf32, #tpu.memory_space<vmem>> -> memref<200x64xf32, #tpu.memory_space<vmem>>
    tpu.wait_dma2 semaphore(%arg10 : memref<!tpu.dma_semaphore, #tpu.memory_space<semaphore_mem>>) src(%dma_wait3A_1034 : memref<200x64xf32, #tpu.memory_space<vmem>>) dst(%dma_wait3A_1027 : memref<200x64xf32, #tpu.memory_space<hbm>>)
    %add3A_1035 = arith.constant 124 : i32
    %add3A_1036 = arith.addi %mul3A_2, %add3A_1035 : i32
    %add3A_1037 = arith.constant 1 : i32
    %add3A_1038 = arith.addi %add3A_1036, %add3A_1037 : i32
    %dma_wait3A_1039 = arith.constant 1 : i32
    %dma_wait3A_1040 = arith.constant 0 : i32
    %dma_wait3A_1041 = arith.constant 0 : i32
    %dma_wait3A_1042 = tpu.memref_slice %arg6[%dma_wait3A_1039, %dma_wait3A_1040, %dma_wait3A_1041] : memref<2x800x64xf32, #tpu.memory_space<vmem>> -> memref<1x800x64xf32, #tpu.memory_space<vmem>>
    %dma_wait3A_1043 = tpu.memref_squeeze %dma_wait3A_1042 : memref<1x800x64xf32, #tpu.memory_space<vmem>> -> memref<800x64xf32, #tpu.memory_space<vmem>>
    %dma_wait3A_1044 = arith.constant 200 : i32
    %dma_wait3A_1045 = arith.constant 0 : i32
    %dma_wait3A_1046 = tpu.memref_slice %dma_wait3A_1043[%dma_wait3A_1044, %dma_wait3A_1045] : memref<800x64xf32, #tpu.memory_space<vmem>> -> memref<200x64xf32, #tpu.memory_space<vmem>>
    %dma_wait3A_1047 = arith.constant 0 : i32
    %dma_wait3A_1048 = arith.constant 0 : i32
    %dma_wait3A_1049 = tpu.memref_slice %arg4[%add3A_1038, %dma_wait3A_1047, %dma_wait3A_1048] : memref<4096x200x128xf32, #tpu.memory_space<hbm>> -> memref<1x200x128xf32, #tpu.memory_space<hbm>>
    %dma_wait3A_1050 = tpu.memref_squeeze %dma_wait3A_1049 : memref<1x200x128xf32, #tpu.memory_space<hbm>> -> memref<200x128xf32, #tpu.memory_space<hbm>>
    %dma_wait3A_1051 = arith.constant 0 : i32
    %dma_wait3A_1052 = arith.constant 0 : i32
    %dma_wait3A_1053 = tpu.memref_slice %dma_wait3A_1050[%dma_wait3A_1051, %dma_wait3A_1052] : memref<200x128xf32, #tpu.memory_space<hbm>> -> memref<200x64xf32, #tpu.memory_space<hbm>>
    %dma_wait3A_1054 = arith.constant 0 : i32
    %dma_wait3A_1055 = arith.constant 0 : i32
    %dma_wait3A_1056 = tpu.memref_slice %arg4[%add3A_1038, %dma_wait3A_1054, %dma_wait3A_1055] : memref<4096x200x128xf32, #tpu.memory_space<hbm>> -> memref<1x200x128xf32, #tpu.memory_space<hbm>>
    %dma_wait3A_1057 = tpu.memref_squeeze %dma_wait3A_1056 : memref<1x200x128xf32, #tpu.memory_space<hbm>> -> memref<200x128xf32, #tpu.memory_space<hbm>>
    %dma_wait3A_1058 = arith.constant 0 : i32
    %dma_wait3A_1059 = arith.constant 0 : i32
    %dma_wait3A_1060 = tpu.memref_slice %dma_wait3A_1057[%dma_wait3A_1058, %dma_wait3A_1059] : memref<200x128xf32, #tpu.memory_space<hbm>> -> memref<200x64xf32, #tpu.memory_space<hbm>>
    %dma_wait3A_1061 = arith.constant 0 : i32
    %dma_wait3A_1062 = arith.constant 0 : i32
    %dma_wait3A_1063 = tpu.memref_slice %arg6[%dma_wait3A_1039, %dma_wait3A_1061, %dma_wait3A_1062] : memref<2x800x64xf32, #tpu.memory_space<vmem>> -> memref<1x800x64xf32, #tpu.memory_space<vmem>>
    %dma_wait3A_1064 = tpu.memref_squeeze %dma_wait3A_1063 : memref<1x800x64xf32, #tpu.memory_space<vmem>> -> memref<800x64xf32, #tpu.memory_space<vmem>>
    %dma_wait3A_1065 = arith.constant 200 : i32
    %dma_wait3A_1066 = arith.constant 0 : i32
    %dma_wait3A_1067 = tpu.memref_slice %dma_wait3A_1064[%dma_wait3A_1065, %dma_wait3A_1066] : memref<800x64xf32, #tpu.memory_space<vmem>> -> memref<200x64xf32, #tpu.memory_space<vmem>>
    tpu.wait_dma2 semaphore(%arg10 : memref<!tpu.dma_semaphore, #tpu.memory_space<semaphore_mem>>) src(%dma_wait3A_1067 : memref<200x64xf32, #tpu.memory_space<vmem>>) dst(%dma_wait3A_1060 : memref<200x64xf32, #tpu.memory_space<hbm>>)
    %add3A_1068 = arith.constant 124 : i32
    %add3A_1069 = arith.addi %mul3A_2, %add3A_1068 : i32
    %add3A_1070 = arith.constant 2 : i32
    %add3A_1071 = arith.addi %add3A_1069, %add3A_1070 : i32
    %dma_wait3A_1072 = arith.constant 1 : i32
    %dma_wait3A_1073 = arith.constant 0 : i32
    %dma_wait3A_1074 = arith.constant 0 : i32
    %dma_wait3A_1075 = tpu.memref_slice %arg6[%dma_wait3A_1072, %dma_wait3A_1073, %dma_wait3A_1074] : memref<2x800x64xf32, #tpu.memory_space<vmem>> -> memref<1x800x64xf32, #tpu.memory_space<vmem>>
    %dma_wait3A_1076 = tpu.memref_squeeze %dma_wait3A_1075 : memref<1x800x64xf32, #tpu.memory_space<vmem>> -> memref<800x64xf32, #tpu.memory_space<vmem>>
    %dma_wait3A_1077 = arith.constant 400 : i32
    %dma_wait3A_1078 = arith.constant 0 : i32
    %dma_wait3A_1079 = tpu.memref_slice %dma_wait3A_1076[%dma_wait3A_1077, %dma_wait3A_1078] : memref<800x64xf32, #tpu.memory_space<vmem>> -> memref<200x64xf32, #tpu.memory_space<vmem>>
    %dma_wait3A_1080 = arith.constant 0 : i32
    %dma_wait3A_1081 = arith.constant 0 : i32
    %dma_wait3A_1082 = tpu.memref_slice %arg4[%add3A_1071, %dma_wait3A_1080, %dma_wait3A_1081] : memref<4096x200x128xf32, #tpu.memory_space<hbm>> -> memref<1x200x128xf32, #tpu.memory_space<hbm>>
    %dma_wait3A_1083 = tpu.memref_squeeze %dma_wait3A_1082 : memref<1x200x128xf32, #tpu.memory_space<hbm>> -> memref<200x128xf32, #tpu.memory_space<hbm>>
    %dma_wait3A_1084 = arith.constant 0 : i32
    %dma_wait3A_1085 = arith.constant 0 : i32
    %dma_wait3A_1086 = tpu.memref_slice %dma_wait3A_1083[%dma_wait3A_1084, %dma_wait3A_1085] : memref<200x128xf32, #tpu.memory_space<hbm>> -> memref<200x64xf32, #tpu.memory_space<hbm>>
    %dma_wait3A_1087 = arith.constant 0 : i32
    %dma_wait3A_1088 = arith.constant 0 : i32
    %dma_wait3A_1089 = tpu.memref_slice %arg4[%add3A_1071, %dma_wait3A_1087, %dma_wait3A_1088] : memref<4096x200x128xf32, #tpu.memory_space<hbm>> -> memref<1x200x128xf32, #tpu.memory_space<hbm>>
    %dma_wait3A_1090 = tpu.memref_squeeze %dma_wait3A_1089 : memref<1x200x128xf32, #tpu.memory_space<hbm>> -> memref<200x128xf32, #tpu.memory_space<hbm>>
    %dma_wait3A_1091 = arith.constant 0 : i32
    %dma_wait3A_1092 = arith.constant 0 : i32
    %dma_wait3A_1093 = tpu.memref_slice %dma_wait3A_1090[%dma_wait3A_1091, %dma_wait3A_1092] : memref<200x128xf32, #tpu.memory_space<hbm>> -> memref<200x64xf32, #tpu.memory_space<hbm>>
    %dma_wait3A_1094 = arith.constant 0 : i32
    %dma_wait3A_1095 = arith.constant 0 : i32
    %dma_wait3A_1096 = tpu.memref_slice %arg6[%dma_wait3A_1072, %dma_wait3A_1094, %dma_wait3A_1095] : memref<2x800x64xf32, #tpu.memory_space<vmem>> -> memref<1x800x64xf32, #tpu.memory_space<vmem>>
    %dma_wait3A_1097 = tpu.memref_squeeze %dma_wait3A_1096 : memref<1x800x64xf32, #tpu.memory_space<vmem>> -> memref<800x64xf32, #tpu.memory_space<vmem>>
    %dma_wait3A_1098 = arith.constant 400 : i32
    %dma_wait3A_1099 = arith.constant 0 : i32
    %dma_wait3A_1100 = tpu.memref_slice %dma_wait3A_1097[%dma_wait3A_1098, %dma_wait3A_1099] : memref<800x64xf32, #tpu.memory_space<vmem>> -> memref<200x64xf32, #tpu.memory_space<vmem>>
    tpu.wait_dma2 semaphore(%arg10 : memref<!tpu.dma_semaphore, #tpu.memory_space<semaphore_mem>>) src(%dma_wait3A_1100 : memref<200x64xf32, #tpu.memory_space<vmem>>) dst(%dma_wait3A_1093 : memref<200x64xf32, #tpu.memory_space<hbm>>)
    %add3A_1101 = arith.constant 124 : i32
    %add3A_1102 = arith.addi %mul3A_2, %add3A_1101 : i32
    %add3A_1103 = arith.constant 3 : i32
    %add3A_1104 = arith.addi %add3A_1102, %add3A_1103 : i32
    %dma_wait3A_1105 = arith.constant 1 : i32
    %dma_wait3A_1106 = arith.constant 0 : i32
    %dma_wait3A_1107 = arith.constant 0 : i32
    %dma_wait3A_1108 = tpu.memref_slice %arg6[%dma_wait3A_1105, %dma_wait3A_1106, %dma_wait3A_1107] : memref<2x800x64xf32, #tpu.memory_space<vmem>> -> memref<1x800x64xf32, #tpu.memory_space<vmem>>
    %dma_wait3A_1109 = tpu.memref_squeeze %dma_wait3A_1108 : memref<1x800x64xf32, #tpu.memory_space<vmem>> -> memref<800x64xf32, #tpu.memory_space<vmem>>
    %dma_wait3A_1110 = arith.constant 600 : i32
    %dma_wait3A_1111 = arith.constant 0 : i32
    %dma_wait3A_1112 = tpu.memref_slice %dma_wait3A_1109[%dma_wait3A_1110, %dma_wait3A_1111] : memref<800x64xf32, #tpu.memory_space<vmem>> -> memref<200x64xf32, #tpu.memory_space<vmem>>
    %dma_wait3A_1113 = arith.constant 0 : i32
    %dma_wait3A_1114 = arith.constant 0 : i32
    %dma_wait3A_1115 = tpu.memref_slice %arg4[%add3A_1104, %dma_wait3A_1113, %dma_wait3A_1114] : memref<4096x200x128xf32, #tpu.memory_space<hbm>> -> memref<1x200x128xf32, #tpu.memory_space<hbm>>
    %dma_wait3A_1116 = tpu.memref_squeeze %dma_wait3A_1115 : memref<1x200x128xf32, #tpu.memory_space<hbm>> -> memref<200x128xf32, #tpu.memory_space<hbm>>
    %dma_wait3A_1117 = arith.constant 0 : i32
    %dma_wait3A_1118 = arith.constant 0 : i32
    %dma_wait3A_1119 = tpu.memref_slice %dma_wait3A_1116[%dma_wait3A_1117, %dma_wait3A_1118] : memref<200x128xf32, #tpu.memory_space<hbm>> -> memref<200x64xf32, #tpu.memory_space<hbm>>
    %dma_wait3A_1120 = arith.constant 0 : i32
    %dma_wait3A_1121 = arith.constant 0 : i32
    %dma_wait3A_1122 = tpu.memref_slice %arg4[%add3A_1104, %dma_wait3A_1120, %dma_wait3A_1121] : memref<4096x200x128xf32, #tpu.memory_space<hbm>> -> memref<1x200x128xf32, #tpu.memory_space<hbm>>
    %dma_wait3A_1123 = tpu.memref_squeeze %dma_wait3A_1122 : memref<1x200x128xf32, #tpu.memory_space<hbm>> -> memref<200x128xf32, #tpu.memory_space<hbm>>
    %dma_wait3A_1124 = arith.constant 0 : i32
    %dma_wait3A_1125 = arith.constant 0 : i32
    %dma_wait3A_1126 = tpu.memref_slice %dma_wait3A_1123[%dma_wait3A_1124, %dma_wait3A_1125] : memref<200x128xf32, #tpu.memory_space<hbm>> -> memref<200x64xf32, #tpu.memory_space<hbm>>
    %dma_wait3A_1127 = arith.constant 0 : i32
    %dma_wait3A_1128 = arith.constant 0 : i32
    %dma_wait3A_1129 = tpu.memref_slice %arg6[%dma_wait3A_1105, %dma_wait3A_1127, %dma_wait3A_1128] : memref<2x800x64xf32, #tpu.memory_space<vmem>> -> memref<1x800x64xf32, #tpu.memory_space<vmem>>
    %dma_wait3A_1130 = tpu.memref_squeeze %dma_wait3A_1129 : memref<1x800x64xf32, #tpu.memory_space<vmem>> -> memref<800x64xf32, #tpu.memory_space<vmem>>
    %dma_wait3A_1131 = arith.constant 600 : i32
    %dma_wait3A_1132 = arith.constant 0 : i32
    %dma_wait3A_1133 = tpu.memref_slice %dma_wait3A_1130[%dma_wait3A_1131, %dma_wait3A_1132] : memref<800x64xf32, #tpu.memory_space<vmem>> -> memref<200x64xf32, #tpu.memory_space<vmem>>
    tpu.wait_dma2 semaphore(%arg10 : memref<!tpu.dma_semaphore, #tpu.memory_space<semaphore_mem>>) src(%dma_wait3A_1133 : memref<200x64xf32, #tpu.memory_space<vmem>>) dst(%dma_wait3A_1126 : memref<200x64xf32, #tpu.memory_space<hbm>>)
    return
  }
}

</mosaic_0001>

<sc_bundles>
// kernel: kernel.3.cloned.1.call-start
scs
__scs_entry_jumppad:
0x0: {  	(pc) =	sbr.rel $0x88, $3  }
0x1: {  	(tag) =	ssettag $0x0;
	lr =	simm.s32 $0x1  }
0x2: {  	[smem:$0x3F9F] =	sst lr;
	_ =	strace $0xD0000000  }
0x3: {  	_ = 	snop  }
0x4: {  	_ = 	snop  }
0x5: {  	_ = 	snop  }
0x6: {  	_ = 	snop  }
0x7: {  	_ = 	snop  }
__scs_overlays_trampoline_lowered:
0x8: {  	[smem:$0x3FAE] =	sst s0  }
0x9: {  	[smem:$0x3FAF] =	sst s1  }
0xa: {  	[smem:$0x3FB0] =	sst s2  }
0xb: {  	[smem:$0x3FB1] =	sst s3  }
0xc: {  	[smem:$0x3FB2] =	sst s4  }
0xd: {  	[smem:$0x3FB3] =	sst s5  }
0xe: {  	[smem:$0x3FB4] =	sst s6  }
0xf: {  	[smem:$0x3FB5] =	sst s7  }
0x10: {  	[smem:$0x3FB6] =	sst s8  }
0x11: {  	[smem:$0x3FB7] =	sst s9;
	s0 =	simm.s32 @!p0 $0x0  }
0x12: {  	s1 =	sld [smem:$0x3F9D];
	s0 =	simm.s32 @p0 $0x1  }
0x13: {  	[smem:$0x3FB8] =	sst s0;
	s0 =	simm.s32 @!p1 $0x0  }
0x14: {  	s2 =	sld [smem:$0x3F9C];
	s0 =	simm.s32 @p1 $0x1  }
0x15: {  	[smem:$0x3FB9] =	sst s0;
	s0 =	simm.s32 @!p2 $0x0  }
0x16: {  	s3 =	sld [smem:$0x3FDB];
	s0 =	simm.s32 @p2 $0x1  }
0x17: {  	s4 =	simm.s32 $0x1BF5;
	[smem:$0x3FBB] =	sst s0  }
0x18: {  	s0 =	sld [smem:$0x3F9E];
	_ =	swait.ge [sflag:s4], $0x0  }
0x19: {  	s7 =	sld [smem:$0x3F9F]  }
0x1a: {  	s8 =	sadd.s32 $0xFFFFE003, lr  }
0x1b: {  	s9 =	sadd.s32 $0xFFFFFEF7, lr;
	s5 =	simm.s32 $0xFFFFFFFF;
	p2 =	slt.u32 s8, $0xFFFFF086  }
0x1c: {  	p1 =	slt.u32 s9, $0xF7A;
	s5 =	simm.s32 @!p2 $0x0  }
0x1d: {  	s5 =	simm.s32 @p1 $0x1;
	p0 =	seq.s32 s7, s2  }
0x1e: {  	s7 =	smul.u32 @!p0 $0xF7A, s2;
	p2 =	seq.s32 @!p0 s5, $0x0  }
0x1f: {  	s9 =	smul.u32 $0xF7A, s1;
	s8 =	simm.s32 @!p0 $0x1BF5;
	p2 =	por !p2, p0  }
0x20: {  	[sflag:s8] =	ssyncset.s32 @!p0 $0xFFFFF086;
	s6 =	sadd.s32 @!p0 s3, s7;
	s7 =	simm.s32 @!p0 $0x108  }
0x21: {  	s3 =	sadd.s32 s3, s9;
	s6 =	sadd.s32 @!p0 $0x88, s6;
	s7 =	simm.s32 @p2 $0x1082  }
0x22: {  	[simem:s7], [sflag:s8] =	dma.local @!p0 [hbm:s6], $0xF7A  }
0x23: {  	s9 =	sor.u32 $0xD0000000, s2;
	s6 =	simm.s32 $0x108;
	_ =	swait.ge @!p0 [sflag:s8], $0x0  }
0x24: {  	s3 =	sadd.s32 $0x88, s3;
	s6 =	simm.s32 @!p1 $0x1082;
	[sflag:s4] =	ssyncset.s32 $0xFFFFF086  }
0x25: {  	[simem:s6], [sflag:s4] =	dma.local [hbm:s3], $0xF7A  }
0x26: {  	[smem:$0x3F9F] =	sst s1;
	(tag) =	ssettag s2;
	_ =	strace s9  }
0x27: {  	s1 =	sld [smem:$0x3FAF]  }
0x28: {  	s2 =	sld [smem:$0x3FB0]  }
0x29: {  	s4 =	sld [smem:$0x3FB2]  }
0x2a: {  	p0 =	seq.s32 s5, $0x0;
	s5 =	sld [smem:$0x3FB3]  }
0x2b: {  	s6 =	sld [smem:$0x3FB4]  }
0x2c: {  	s7 =	sld [smem:$0x3FB5]  }
0x2d: {  	s3 =	simm.s32 $0x108;
	s8 =	sld [smem:$0x3FB6]  }
0x2e: {  	s3 =	simm.s32 @!p0 $0x1082;
	s9 =	sld [smem:$0x3FB7]  }
0x2f: {  	lr =	sadd.s32 s0, s3;
	s0 =	sld [smem:$0x3FAE]  }
0x30: {  	s3 =	sld [smem:$0x3FB1]  }
0x31: {  	[smem:$0x3FBA] =	sst s10  }
0x32: {  	s10 =	sld [smem:$0x3FB8];
	_ =	sdelay $0x3  }
0x33: {  	p0 =	seq.s32 s10, $0x1;
	s10 =	sld [smem:$0x3FBA];
	_ =	sdelay $0x3  }
0x34: {  	[smem:$0x3FBA] =	sst s10  }
0x35: {  	s10 =	sld [smem:$0x3FB9];
	_ =	sdelay $0x3  }
0x36: {  	p1 =	seq.s32 s10, $0x1;
	s10 =	sld [smem:$0x3FBA];
	_ =	sdelay $0x3  }
0x37: {  	[smem:$0x3FBA] =	sst s10  }
0x38: {  	s10 =	sld [smem:$0x3FBB]  }
0x39: {  	_ = 	snop;
	(pc) =	sbr.ind lr, $3  }
0x3a: {  	_ = 	snop  }
0x3b: {  	_ = 	snop  }
0x3c: {  	p2 =	seq.s32 s10, $0x1;
	s10 =	sld [smem:$0x3FBA]  }
0x3d: {  	_ =	shalt  }
0x3e: {  	_ =	shalt  }
0x3f: {  	_ =	shalt  }
0x40: {  	_ =	shalt  }
0x41: {  	_ =	shalt  }
0x42: {  	_ =	shalt  }
0x43: {  	_ =	shalt  }
0x44: {  	_ =	shalt  }
0x45: {  	_ =	shalt  }
0x46: {  	_ =	shalt  }
0x47: {  	_ =	shalt  }
0x48: {  	_ =	shalt  }
0x49: {  	_ =	shalt  }
0x4a: {  	_ =	shalt  }
0x4b: {  	_ =	shalt  }
0x4c: {  	_ =	shalt  }
0x4d: {  	_ =	shalt  }
0x4e: {  	_ =	shalt  }
0x4f: {  	_ =	shalt  }
0x50: {  	_ =	shalt  }
0x51: {  	_ =	shalt  }
0x52: {  	_ =	shalt  }
0x53: {  	_ =	shalt  }
0x54: {  	_ =	shalt  }
0x55: {  	_ =	shalt  }
0x56: {  	_ =	shalt  }
0x57: {  	_ =	shalt  }
0x58: {  	_ =	shalt  }
0x59: {  	_ =	shalt  }
0x5a: {  	_ =	shalt  }
0x5b: {  	_ =	shalt  }
0x5c: {  	_ =	shalt  }
0x5d: {  	_ =	shalt  }
0x5e: {  	_ =	shalt  }
0x5f: {  	_ =	shalt  }
0x60: {  	_ =	shalt  }
0x61: {  	_ =	shalt  }
0x62: {  	_ =	shalt  }
0x63: {  	_ =	shalt  }
0x64: {  	_ =	shalt  }
0x65: {  	_ =	shalt  }
0x66: {  	_ =	shalt  }
0x67: {  	_ =	shalt  }
0x68: {  	_ =	shalt  }
0x69: {  	_ =	shalt  }
0x6a: {  	_ =	shalt  }
0x6b: {  	_ =	shalt  }
0x6c: {  	_ =	shalt  }
0x6d: {  	_ =	shalt  }
0x6e: {  	_ =	shalt  }
0x6f: {  	_ =	shalt  }
0x70: {  	_ =	shalt  }
0x71: {  	_ =	shalt  }
0x72: {  	_ =	shalt  }
0x73: {  	_ =	shalt  }
0x74: {  	_ =	shalt  }
0x75: {  	_ =	shalt  }
0x76: {  	_ =	shalt  }
0x77: {  	_ =	shalt  }
0x78: {  	_ =	shalt  }
0x79: {  	_ =	shalt  }
0x7a: {  	_ =	shalt  }
0x7b: {  	_ =	shalt  }
0x7c: {  	_ =	shalt  }
0x7d: {  	_ =	shalt  }
0x7e: {  	_ =	shalt  }
0x7f: {  	_ =	shalt  }
0x80: {  	_ =	shalt  }
0x81: {  	_ =	shalt  }
0x82: {  	_ =	shalt  }
0x83: {  	_ =	shalt  }
0x84: {  	_ =	shalt  }
0x85: {  	_ =	shalt  }
0x86: {  	_ =	shalt  }
0x87: {  	_ =	shalt  }
.Lfunc_end0:
.L_simem_size_0:
called_computation.1_lowered:
.L_overlay_start_0:
0x88: {  	s2 =	sld [smem:$0x3FD9]  }
0x89: {  	s3 =	sld [smem:$0x3FFE];
	_ =	sdelay $0x1  }
0x8a: {  	s1 =	srdreg.scid  }
0x8b: {  	s0 =	sand.u32 $0x1, s1  }
0x8c: {  	s17 =	sshll.u32 s0, $0xA;
	s2 =	sadd.s32 s3, s2  }
0x8d: {  	s2 =	sadd.s32 s2, s17  }
0x8e: {  	[smem:$0x3FC6] =	sst s2  }
0x8f: {  	_ = 	snop  }
0x90: {  	s2 =	sld [smem:$0x3FD0];
	(tm) =	ssettm $0x1  }
0x91: {  	s18 =	sld [smem:$0x3FFB];
	_ =	sdelay $0x3  }
0x92: {  	_ =	strace s18  }
0x93: {  	s3 =	sld [smem:$0x3FFC];
	_ =	sdelay $0x3  }
0x94: {  	_ =	strace s3  }
0x95: {  	s3 =	sld [smem:$0x3FFD];
	_ =	sdelay $0x3  }
0x96: {  	_ =	strace s3  }
0x97: {  	_ =	strace $0x8FFFFFFF  }
0x98: {  	s19 =	sld [smem:$0x3FDB];
	_ =	sdelay $0x1  }
0x99: {  	s4 =	simm.s32 $_scs_section_size  }
0x9a: {  	s5 =	simm.s32 $_size__tile_overlayer_lowered;
	s6 =	simm.s32 $_tile_overlayer_lowered  }
0x9b: {  	s22 =	simm.s32 $0x1BFF;
	s21 =	sshll.u32 s6, $0x1;
	s3 =	sadd.s32 s4, s19  }
0x9c: {  	s7 =	simm.s32 $0x0;
	s20 =	sshll.u32 s5, $0x1;
	s5 =	sadd.s32 s21, s3  }
0x9d: {  	[timem:s7], [sflag:s22] =	dma.local [hbm:s5], s20  }
0x9e: {  	_ =	swait.ge [sflag:s22], s20  }
0x9f: {  	s4 =	ssub.s32 $0x0, s20;
	[sflag:s22] =	ssyncset.done $0x0  }
0xa0: {  	[sflag:s22] =	ssyncadd.s32 s4;
	_ =	sdelay $0x1  }
0xa1: {  	s23 =	simm.s32 $0x1B8B  }
0xa2: {  	_ =	swait.ge [sflag:s23], $0x1  }
0xa3: {  	[sflag:s23] =	ssyncset.done $0x0  }
0xa4: {  	s25 =	simm.s32 $0x1B8E;
	s24 =	sld [smem:$0x3FFE];
	[sflag:s23] =	ssyncadd.s32 $0xFFFFFFFF  }
0xa5: {  	s26 =	simm.s32 $execute0_lowered;
	[smem:$0x3FD2] =	sst s25  }
0xa6: {  	s5 =	sshll.u32 s26, $0x1;
	_ =	strace $0x80000046;
	[dreg:$0x1] =	wrdreg $0xFFFFFFFF  }
0xa7: {  	s28 =	simm.s32 $_size_execute0_lowered;
	s3 =	sadd.s32 s3, s5;
	[dreg:$0x0] =	wrdreg $0x0  }
0xa8: {  	s5 =	sshll.u32 s28, $0x1;
	[dreg:$0x2] =	wrdreg s3  }
0xa9: {  	[dreg:$0x3] =	wrdreg s5  }
0xaa: {  	[dreg:$0x4] =	wrdreg $0xC0  }
0xab: {  	_ =	task [dreg:s7], $0x5FFFF  }
0xac: {  	[dreg:$0x1] =	wrdreg $0xFFFFFFFF  }
0xad: {  	[dreg:$0x0] =	wrdreg $0x60  }
0xae: {  	[dreg:$0x2] =	wrdreg s2  }
0xaf: {  	[dreg:$0x3] =	wrdreg s24  }
0xb0: {  	[dreg:$0x4] =	wrdreg $0x9  }
0xb1: {  	_ =	task.clear_ibuf [dreg:s7], $0x5FFFF;
	_ =	strace $0x90000046  }
0xb2: {  	s29 =	simm.s32 $0x9;
	_ =	strace $0x80000048  }
0xb3: {  	_ =	swait.ge [sflag:s29], $0x1  }
0xb4: {  	[sflag:s29] =	ssyncadd.s32 $0xFFFFFFFF  }
0xb5: {  	_ =	strace $0x90000048  }
0xb6: {  	_ =	sfence  }
0xb7: {  	s30 =	sld [smem:$0x0];
	_ =	sdelay $0x2  }
0xb8: {  	s31 =	sshll.u32 s1, $0xD;
	s1 =	sshrl.u32 s1, $0x2  }
0xb9: {  	s3 =	sand.u32 $0x4000, s31;
	s1 =	sadd.s32 s1, s30  }
0xba: {  	s0 =	sor.u32 s3, s0;
	s1 =	sshll.u32 s1, $0x11  }
0xbb: {  	s0 =	sor.u32 s1, s0  }
0xbc: {  	s0 =	sadd.s32 $0x8F2B, s0  }
0xbd: {  	[sflag:s0] =	ssyncadd.remote.s32 $0x1  }
0xbe: {  	_ =	sfence.sel $0xFFFF  }
0xbf: {  	[dreg:$0x0] =	wrdreg $0xFFFFFFFF;
	(pc) =	sbr.abs _section_cstart, $3  }
0xc0: {  	[dreg:$0x1] =	wrdreg $0xFFFFFFFF  }
0xc1: {  	_ =	task.clear_ibuf [dreg:s7], $0x2FFFF;
	_ =	strace $0x9FFFFFFF  }
0xc2: {  	(tm) =	ssettm $0x7FFFFFFF  }
0xc3: {  	_ =	shalt  }
tec
execute0_lowered:
.L_overlay_start_1:
0x0: {  	(tag) =	ssettag $0x1  }
0x1: {  	s0 =	rddreg [dreg:$0x0];
	s1 =	srdreg.scid  }
0x2: {  	s9 =	stileid.u32;
	s2 =	rddreg [dreg:$0x1]  }
0x3: {  	s5 =	simm.s32 $0x0;
	s31 =	simm.s32 $0x7800;
	s28 =	simm.s32 $0x80  }
0x4: {  	s29 =	simm.s32 $0xFA00;
	s30 =	simm.s32 $0x1A400;
	s25 =	smul.u32 $0xC8000, s9  }
0x5: {  	s1 =	sand.u32 $0x1, s1;
	s3 =	sshll.u32 s9, $0x1;
	s26 =	smul.u32 $0x640000, s9  }
0x6: {  	[smem:$0x7FF] =	sst s5;
	s10 =	sadd.s32 $0xA00, s2;
	s9 =	smul.u32 $0x320000, s1  }
0x7: {  	s4 =	sor.u32 s1, s3;
	s6 =	ssub.s32 $0x2, s1;
	s1 =	smul.u32 $0x64000, s1  }
0x8: {  	s5 =	simm.s32 $0xDC00;
	_ =	strace $0x80000047;
	s24 =	smul.u32 $0xC80, s4  }
0x9: {  	s3 =	sadd.s32 $0xF42E00, s2;
	s7 =	smul.u32 $0x64000, s4;
	s8 =	sshrl.u32 s6, $0x1  }
0xa: {  	[dreg:$0xa] =	wrdreg s10;
	s4 =	smul.u32 $0x320000, s4;
	s2 =	ssub.s32 s6, s8  }
0xb: {  	s1 =	sadd.s32 s1, s25;
	s6 =	simm.s32 $0x0;
	s0 =	sadd.s32 s0, s24  }
0xc: {  	s7 =	sadd.s32 s10, s7;
	s4 =	sshrl.u32 s4, $0x3;
	[dreg:$0x3] =	wrdreg s1  }
0xd: {  	s1 =	simm.s32 $0xA000;
	[dreg:$0xb] =	wrdreg s0;
	s8 =	sadd.s32 $0xC80, s7  }
0xe: {  	s11 =	sadd.s32 $0x1900, s7;
	s4 =	sadd.s32 s10, s4;
	[dreg:$0xc] =	wrdreg s7  }
0xf: {  	s7 =	sadd.s32 $0x2580, s7;
	s0 =	sadd.s32 s9, s26;
	[dreg:$0xd] =	wrdreg s8  }
0x10: {  	s26 =	smax.u32 s2, $0x1;
	s2 =	simm.s32 $0xB400;
	[dreg:$0xe] =	wrdreg s11  }
0x11: {  	s10 =	simm.s32 $0x11800;
	s9 =	simm.s32 $0x19000;
	[dreg:$0xf] =	wrdreg s7  }
0x12: {  	s12 =	sadd.s32 $0x60E00, s4;
	s13 =	sadd.s32 $0x61A80, s4;
	s14 =	sadd.s32 $0x2BC00, s0  }
0x13: {  	s16 =	sadd.s32 $0x25800, s0;
	s18 =	sor.u32 $0x1F400, s0;
	s20 =	sadd.s32 $0x44C00, s0  }
0x14: {  	s22 =	sadd.s32 $0x3E800, s0;
	s0 =	sadd.s32 $0x38400, s0;
	s24 =	sadd.s32 $0x62700, s4  }
0x15: {  	s25 =	sadd.s32 $0x63380, s4;
	[dreg:$0x14] =	wrdreg s26;
	s26 =	simm.s32 $0xC800  }
0x16: {  	s7 =	simm.s32 $0xF000;
	s8 =	simm.s32 $0x10400;
	[dreg:$0x10] =	wrdreg s12  }
0x17: {  	s11 =	simm.s32 $0x9600;
	s4 =	simm.s32 $0x3;
	[dreg:$0x11] =	wrdreg s13  }
0x18: {  	s15 =	sshrl.u32 s14, $0x3;
	s17 =	sshrl.u32 s16, $0x3;
	[dreg:$0x12] =	wrdreg s24  }
0x19: {  	s19 =	sshrl.u32 s18, $0x3;
	s21 =	sshrl.u32 s20, $0x3;
	[dreg:$0x13] =	wrdreg s25  }
0x1a: {  	s23 =	sshrl.u32 s22, $0x3;
	s0 =	sshrl.u32 s0, $0x3;
	[dreg:$0x4] =	wrdreg s15  }
0x1b: {  	s16 =	simm.s32 $0x50;
	s25 =	simm.s32 $0x40;
	[dreg:$0x5] =	wrdreg s17  }
0x1c: {  	s12 =	simm.s32 $0x14000;
	s13 =	simm.s32 $0x15400;
	[dreg:$0x6] =	wrdreg s19  }
0x1d: {  	s22 =	simm.s32 $0x1B800;
	s24 =	simm.s32 $0x1CC00;
	[dreg:$0x7] =	wrdreg s21  }
0x1e: {  	s14 =	simm.s32 $0x2;
	s18 =	simm.s32 $0x4;
	[dreg:$0x8] =	wrdreg s23  }
0x1f: {  	[dreg:$0x9] =	wrdreg s0;
	s17 =	simm.s32 $0x6400;
	s21 =	simm.s32 $0x8C00  }
0x20: {  	s23 =	simm.s32 $0x1;
	s19 =	simm.s32 $0x12C00;
	s15 =	simm.s32 $0x17C00  }
.LBB2_1:
0x21: {  	s0 =	simm.s32 $0x0;
	s20 =	rddreg [dreg:$0xb]  }
0x22: {  	[tilespmem:s0], [sflag:$0x5] =	stream.linear.gather [hbm4b:s20+s0], $0x6400, $0x38;
	[tilespmem:$0x1F400] =	vst v63  }
0x23: {  	[dreg:$0x15] =	wrdreg s6;
	s20 =	simm.s32 $0x5  }
0x24: {  	_ =	swait.ge [sflag:s20], $0x6400  }
0x25: {  	[sflag:s20] =	ssyncset.done $0x0  }
0x26: {  	[sflag:s20] =	ssyncadd.s32 $0xFFFF9C00  }
0x27: {  	[tilespmem:s17], [sflag:$0x1] =	stream.indirect.gather [hbm4b:s3+s16], $0x40, s0, s16, $0xb8;
	[tilespmem:$0x1F400] =	vst v63  }
0x28: {  	_ = 	snop  }
0x29: {  	[tilespmem:s31], [sflag:$0x1] =	stream.indirect.gather [hbm4b:s3+s16], $0x40, s16, s16, $0xb8;
	[tilespmem:$0x1F400] =	vst v63  }
0x2a: {  	s20 =	simm.s32 $0xA0  }
0x2b: {  	[tilespmem:s21], [sflag:$0x1] =	stream.indirect.gather [hbm4b:s3+s16], $0x40, s20, s16, $0xb8;
	[tilespmem:$0x1F400] =	vst v63  }
0x2c: {  	s20 =	simm.s32 $0xF0  }
0x2d: {  	[tilespmem:s1], [sflag:$0x1] =	stream.indirect.gather [hbm4b:s3+s16], $0x40, s20, s16, $0xb8;
	[tilespmem:$0x1F400] =	vst v63  }
0x2e: {  	s20 =	simm.s32 $0x140  }
0x2f: {  	[tilespmem:s2], [sflag:$0x1] =	stream.indirect.gather [hbm4b:s3+s16], $0x40, s20, s16, $0xb8;
	[tilespmem:$0x1F400] =	vst v63  }
0x30: {  	s20 =	simm.s32 $0x190  }
0x31: {  	[tilespmem:s26], [sflag:$0x1] =	stream.indirect.gather [hbm4b:s3+s16], $0x40, s20, s16, $0xb8;
	[tilespmem:$0x1F400] =	vst v63  }
0x32: {  	s20 =	simm.s32 $0x1E0  }
0x33: {  	[tilespmem:s5], [sflag:$0x1] =	stream.indirect.gather [hbm4b:s3+s16], $0x40, s20, s16, $0xb8;
	[tilespmem:$0x1F400] =	vst v63  }
0x34: {  	s20 =	simm.s32 $0x230  }
0x35: {  	[tilespmem:s7], [sflag:$0x1] =	stream.indirect.gather [hbm4b:s3+s16], $0x40, s20, s16, $0xb8;
	[tilespmem:$0x1F400] =	vst v63  }
0x36: {  	s20 =	simm.s32 $0x280  }
0x37: {  	[tilespmem:s8], [sflag:$0x1] =	stream.indirect.gather [hbm4b:s3+s16], $0x40, s20, s16, $0xb8;
	[tilespmem:$0x1F400] =	vst v63  }
0x38: {  	s20 =	simm.s32 $0x2D0  }
0x39: {  	[tilespmem:s10], [sflag:$0x1] =	stream.indirect.gather [hbm4b:s3+s16], $0x40, s20, s16, $0xb8;
	[tilespmem:$0x1F400] =	vst v63  }
0x3a: {  	_ =	swait.ge [sflag:s23], $0x1400  }
0x3b: {  	[sflag:s23] =	ssyncset.done $0x0  }
0x3c: {  	[sflag:s23] =	ssyncadd.s32 $0xFFFFEC00  }
0x3d: {  	_ =	swait.ge [sflag:s23], $0x1400  }
0x3e: {  	[sflag:s23] =	ssyncset.done $0x0  }
0x3f: {  	[sflag:s23] =	ssyncadd.s32 $0xFFFFEC00  }
0x40: {  	_ =	swait.ge [sflag:s23], $0x1400  }
0x41: {  	[sflag:s23] =	ssyncset.done $0x0  }
0x42: {  	[sflag:s23] =	ssyncadd.s32 $0xFFFFEC00  }
0x43: {  	_ =	swait.ge [sflag:s23], $0x1400  }
0x44: {  	[sflag:s23] =	ssyncset.done $0x0  }
0x45: {  	[sflag:s23] =	ssyncadd.s32 $0xFFFFEC00  }
0x46: {  	_ =	swait.ge [sflag:s23], $0x1400  }
0x47: {  	[sflag:s23] =	ssyncset.done $0x0  }
0x48: {  	[sflag:s23] =	ssyncadd.s32 $0xFFFFEC00  }
0x49: {  	_ =	swait.ge [sflag:s23], $0x1400  }
0x4a: {  	[sflag:s23] =	ssyncset.done $0x0  }
0x4b: {  	[sflag:s23] =	ssyncadd.s32 $0xFFFFEC00  }
0x4c: {  	_ =	swait.ge [sflag:s23], $0x1400  }
0x4d: {  	[sflag:s23] =	ssyncset.done $0x0  }
0x4e: {  	[sflag:s23] =	ssyncadd.s32 $0xFFFFEC00  }
0x4f: {  	_ =	swait.ge [sflag:s23], $0x1400  }
0x50: {  	[sflag:s23] =	ssyncset.done $0x0  }
0x51: {  	[sflag:s23] =	ssyncadd.s32 $0xFFFFEC00  }
0x52: {  	_ =	swait.ge [sflag:s23], $0x1400  }
0x53: {  	[sflag:s23] =	ssyncset.done $0x0  }
0x54: {  	[sflag:s23] =	ssyncadd.s32 $0xFFFFEC00  }
0x55: {  	_ =	swait.ge [sflag:s23], $0x1400  }
0x56: {  	[sflag:s23] =	ssyncset.done $0x0  }
0x57: {  	s20 =	rddreg [dreg:$0xc];
	[sflag:s23] =	ssyncadd.s32 $0xFFFFEC00  }
0x58: {  	[hbm4b:s20+s25] =	stream.strided.scatter [tilespmem:s17], [sflag:$0x3], $0x3200, s28, s25, $0x38;
	[tilespmem:$0x1F400] =	vst v63  }
0x59: {  	s20 =	rddreg [dreg:$0xd]  }
0x5a: {  	[hbm4b:s20+s25] =	stream.strided.scatter [tilespmem:s11], [sflag:$0x3], $0x3200, s28, s25, $0x38;
	[tilespmem:$0x1F400] =	vst v63  }
0x5b: {  	s20 =	rddreg [dreg:$0xe]  }
0x5c: {  	[hbm4b:s20+s25] =	stream.strided.scatter [tilespmem:s26], [sflag:$0x3], $0x3200, s28, s25, $0x38;
	[tilespmem:$0x1F400] =	vst v63  }
0x5d: {  	s20 =	rddreg [dreg:$0xf]  }
0x5e: {  	[hbm4b:s20+s25] =	stream.strided.scatter [tilespmem:s29], [sflag:$0x3], $0x3200, s28, s25, $0x38;
	[tilespmem:$0x1F400] =	vst v63  }
0x5f: {  	s20 =	simm.s32 $0x320  }
0x60: {  	[tilespmem:s19], [sflag:$0x2] =	stream.indirect.gather [hbm4b:s3+s16], $0x40, s20, s16, $0xb8;
	[tilespmem:$0x1F400] =	vst v63  }
0x61: {  	s20 =	simm.s32 $0x370  }
0x62: {  	[tilespmem:s12], [sflag:$0x2] =	stream.indirect.gather [hbm4b:s3+s16], $0x40, s20, s16, $0xb8;
	[tilespmem:$0x1F400] =	vst v63  }
0x63: {  	s20 =	simm.s32 $0x3C0  }
0x64: {  	[tilespmem:s13], [sflag:$0x2] =	stream.indirect.gather [hbm4b:s3+s16], $0x40, s20, s16, $0xb8;
	[tilespmem:$0x1F400] =	vst v63  }
0x65: {  	s6 =	simm.s32 $0x16800;
	s20 =	simm.s32 $0x410  }
0x66: {  	[tilespmem:s6], [sflag:$0x2] =	stream.indirect.gather [hbm4b:s3+s16], $0x40, s20, s16, $0xb8;
	[tilespmem:$0x1F400] =	vst v63  }
0x67: {  	s6 =	simm.s32 $0x460  }
0x68: {  	[tilespmem:s15], [sflag:$0x2] =	stream.indirect.gather [hbm4b:s3+s16], $0x40, s6, s16, $0xb8;
	[tilespmem:$0x1F400] =	vst v63  }
0x69: {  	s20 =	simm.s32 $0x4B0  }
0x6a: {  	[tilespmem:s9], [sflag:$0x2] =	stream.indirect.gather [hbm4b:s3+s16], $0x40, s20, s16, $0xb8;
	[tilespmem:$0x1F400] =	vst v63  }
0x6b: {  	s6 =	simm.s32 $0x500  }
0x6c: {  	[tilespmem:s30], [sflag:$0x2] =	stream.indirect.gather [hbm4b:s3+s16], $0x40, s6, s16, $0xb8;
	[tilespmem:$0x1F400] =	vst v63  }
0x6d: {  	s20 =	simm.s32 $0x550  }
0x6e: {  	[tilespmem:s22], [sflag:$0x2] =	stream.indirect.gather [hbm4b:s3+s16], $0x40, s20, s16, $0xb8;
	[tilespmem:$0x1F400] =	vst v63  }
0x6f: {  	s6 =	simm.s32 $0x5A0  }
0x70: {  	[tilespmem:s24], [sflag:$0x2] =	stream.indirect.gather [hbm4b:s3+s16], $0x40, s6, s16, $0xb8;
	[tilespmem:$0x1F400] =	vst v63  }
0x71: {  	s20 =	simm.s32 $0x1E000;
	s22 =	simm.s32 $0x5F0  }
0x72: {  	[tilespmem:s20], [sflag:$0x2] =	stream.indirect.gather [hbm4b:s3+s16], $0x40, s22, s16, $0xb8;
	[tilespmem:$0x1F400] =	vst v63  }
0x73: {  	_ =	swait.ge [sflag:s14], $0x1400  }
0x74: {  	[sflag:s14] =	ssyncset.done $0x0  }
0x75: {  	[sflag:s14] =	ssyncadd.s32 $0xFFFFEC00  }
0x76: {  	_ =	swait.ge [sflag:s14], $0x1400  }
0x77: {  	[sflag:s14] =	ssyncset.done $0x0  }
0x78: {  	[sflag:s14] =	ssyncadd.s32 $0xFFFFEC00  }
0x79: {  	_ =	swait.ge [sflag:s14], $0x1400  }
0x7a: {  	[sflag:s14] =	ssyncset.done $0x0  }
0x7b: {  	[sflag:s14] =	ssyncadd.s32 $0xFFFFEC00  }
0x7c: {  	_ =	swait.ge [sflag:s14], $0x1400  }
0x7d: {  	[sflag:s14] =	ssyncset.done $0x0  }
0x7e: {  	[sflag:s14] =	ssyncadd.s32 $0xFFFFEC00  }
0x7f: {  	_ =	swait.ge [sflag:s14], $0x1400  }
0x80: {  	[sflag:s14] =	ssyncset.done $0x0  }
0x81: {  	[sflag:s14] =	ssyncadd.s32 $0xFFFFEC00  }
0x82: {  	_ =	swait.ge [sflag:s14], $0x1400  }
0x83: {  	[sflag:s14] =	ssyncset.done $0x0  }
0x84: {  	[sflag:s14] =	ssyncadd.s32 $0xFFFFEC00  }
0x85: {  	_ =	swait.ge [sflag:s14], $0x1400  }
0x86: {  	[sflag:s14] =	ssyncset.done $0x0  }
0x87: {  	[sflag:s14] =	ssyncadd.s32 $0xFFFFEC00  }
0x88: {  	_ =	swait.ge [sflag:s14], $0x1400  }
0x89: {  	[sflag:s14] =	ssyncset.done $0x0  }
0x8a: {  	[sflag:s14] =	ssyncadd.s32 $0xFFFFEC00  }
0x8b: {  	_ =	swait.ge [sflag:s14], $0x1400  }
0x8c: {  	[sflag:s14] =	ssyncset.done $0x0  }
0x8d: {  	[sflag:s14] =	ssyncadd.s32 $0xFFFFEC00  }
0x8e: {  	_ =	swait.ge [sflag:s14], $0x1400  }
0x8f: {  	s24 =	rddreg [dreg:$0x3]  }
0x90: {  	s0 =	rddreg [dreg:$0xa]  }
0x91: {  	[sflag:s14] =	ssyncset.done $0x0;
	s20 =	sadd.s32 s0, s24  }
0x92: {  	s22 =	rddreg [dreg:$0x6];
	[sflag:s14] =	ssyncadd.s32 $0xFFFFEC00;
	s6 =	sadd.s32 $0x3200, s20  }
0x93: {  	[hbm4b:s6+s25] =	stream.strided.scatter [tilespmem:s19], [sflag:$0x4], $0x3200, s28, s25, $0x38;
	[tilespmem:$0x1F400] =	vst v63  }
0x94: {  	s24 =	rddreg [dreg:$0x5];
	s22 =	sadd.s32 s0, s22;
	s6 =	simm.s32 $0x15E00  }
0x95: {  	[hbm4b:s22+s25] =	stream.strided.scatter [tilespmem:s6], [sflag:$0x4], $0x3200, s28, s25, $0x38;
	[tilespmem:$0x1F400] =	vst v63  }
0x96: {  	s24 =	sadd.s32 s0, s24;
	s6 =	rddreg [dreg:$0x4]  }
0x97: {  	[hbm4b:s24+s25] =	stream.strided.scatter [tilespmem:s9], [sflag:$0x4], $0x3200, s28, s25, $0x38;
	[tilespmem:$0x1F400] =	vst v63  }
0x98: {  	s22 =	sadd.s32 s0, s6;
	s24 =	simm.s32 $0x1C200  }
0x99: {  	[hbm4b:s22+s25] =	stream.strided.scatter [tilespmem:s24], [sflag:$0x4], $0x3200, s28, s25, $0x38;
	[tilespmem:$0x1F400] =	vst v63  }
0x9a: {  	_ =	swait.ge [sflag:s4], $0x3200  }
0x9b: {  	[sflag:s4] =	ssyncset.done $0x0  }
0x9c: {  	[sflag:s4] =	ssyncadd.s32 $0xFFFFCE00  }
0x9d: {  	_ =	swait.ge [sflag:s4], $0x3200  }
0x9e: {  	[sflag:s4] =	ssyncset.done $0x0  }
0x9f: {  	[sflag:s4] =	ssyncadd.s32 $0xFFFFCE00  }
0xa0: {  	_ =	swait.ge [sflag:s4], $0x3200  }
0xa1: {  	[sflag:s4] =	ssyncset.done $0x0  }
0xa2: {  	[sflag:s4] =	ssyncadd.s32 $0xFFFFCE00  }
0xa3: {  	_ =	swait.ge [sflag:s4], $0x3200  }
0xa4: {  	[sflag:s4] =	ssyncset.done $0x0  }
0xa5: {  	s6 =	simm.s32 $0x640;
	[sflag:s4] =	ssyncadd.s32 $0xFFFFCE00  }
0xa6: {  	[tilespmem:s17], [sflag:$0x1] =	stream.indirect.gather [hbm4b:s3+s16], $0x40, s6, s16, $0xb8;
	[tilespmem:$0x1F400] =	vst v63  }
0xa7: {  	s24 =	simm.s32 $0x690  }
0xa8: {  	[tilespmem:s31], [sflag:$0x1] =	stream.indirect.gather [hbm4b:s3+s16], $0x40, s24, s16, $0xb8;
	[tilespmem:$0x1F400] =	vst v63  }
0xa9: {  	s6 =	simm.s32 $0x6E0  }
0xaa: {  	[tilespmem:s21], [sflag:$0x1] =	stream.indirect.gather [hbm4b:s3+s16], $0x40, s6, s16, $0xb8;
	[tilespmem:$0x1F400] =	vst v63  }
0xab: {  	s24 =	simm.s32 $0x730  }
0xac: {  	[tilespmem:s1], [sflag:$0x1] =	stream.indirect.gather [hbm4b:s3+s16], $0x40, s24, s16, $0xb8;
	[tilespmem:$0x1F400] =	vst v63  }
0xad: {  	s31 =	simm.s32 $0x780  }
0xae: {  	[tilespmem:s2], [sflag:$0x1] =	stream.indirect.gather [hbm4b:s3+s16], $0x40, s31, s16, $0xb8;
	[tilespmem:$0x1F400] =	vst v63  }
0xaf: {  	s1 =	simm.s32 $0x7D0  }
0xb0: {  	[tilespmem:s26], [sflag:$0x1] =	stream.indirect.gather [hbm4b:s3+s16], $0x40, s1, s16, $0xb8;
	[tilespmem:$0x1F400] =	vst v63  }
0xb1: {  	s2 =	simm.s32 $0x820  }
0xb2: {  	[tilespmem:s5], [sflag:$0x1] =	stream.indirect.gather [hbm4b:s3+s16], $0x40, s2, s16, $0xb8;
	[tilespmem:$0x1F400] =	vst v63  }
0xb3: {  	s6 =	simm.s32 $0x870  }
0xb4: {  	[tilespmem:s7], [sflag:$0x1] =	stream.indirect.gather [hbm4b:s3+s16], $0x40, s6, s16, $0xb8;
	[tilespmem:$0x1F400] =	vst v63  }
0xb5: {  	s7 =	simm.s32 $0x8C0  }
0xb6: {  	[tilespmem:s8], [sflag:$0x1] =	stream.indirect.gather [hbm4b:s3+s16], $0x40, s7, s16, $0xb8;
	[tilespmem:$0x1F400] =	vst v63  }
0xb7: {  	s21 =	simm.s32 $0x910  }
0xb8: {  	[tilespmem:s10], [sflag:$0x1] =	stream.indirect.gather [hbm4b:s3+s16], $0x40, s21, s16, $0xb8;
	[tilespmem:$0x1F400] =	vst v63  }
0xb9: {  	_ =	swait.ge [sflag:s23], $0x1400  }
0xba: {  	[sflag:s23] =	ssyncset.done $0x0  }
0xbb: {  	[sflag:s23] =	ssyncadd.s32 $0xFFFFEC00  }
0xbc: {  	_ =	swait.ge [sflag:s23], $0x1400  }
0xbd: {  	[sflag:s23] =	ssyncset.done $0x0  }
0xbe: {  	[sflag:s23] =	ssyncadd.s32 $0xFFFFEC00  }
0xbf: {  	_ =	swait.ge [sflag:s23], $0x1400  }
0xc0: {  	[sflag:s23] =	ssyncset.done $0x0  }
0xc1: {  	[sflag:s23] =	ssyncadd.s32 $0xFFFFEC00  }
0xc2: {  	_ =	swait.ge [sflag:s23], $0x1400  }
0xc3: {  	[sflag:s23] =	ssyncset.done $0x0  }
0xc4: {  	[sflag:s23] =	ssyncadd.s32 $0xFFFFEC00  }
0xc5: {  	_ =	swait.ge [sflag:s23], $0x1400  }
0xc6: {  	[sflag:s23] =	ssyncset.done $0x0  }
0xc7: {  	[sflag:s23] =	ssyncadd.s32 $0xFFFFEC00  }
0xc8: {  	_ =	swait.ge [sflag:s23], $0x1400  }
0xc9: {  	[sflag:s23] =	ssyncset.done $0x0  }
0xca: {  	[sflag:s23] =	ssyncadd.s32 $0xFFFFEC00  }
0xcb: {  	_ =	swait.ge [sflag:s23], $0x1400  }
0xcc: {  	[sflag:s23] =	ssyncset.done $0x0  }
0xcd: {  	[sflag:s23] =	ssyncadd.s32 $0xFFFFEC00  }
0xce: {  	_ =	swait.ge [sflag:s23], $0x1400  }
0xcf: {  	[sflag:s23] =	ssyncset.done $0x0  }
0xd0: {  	[sflag:s23] =	ssyncadd.s32 $0xFFFFEC00  }
0xd1: {  	_ =	swait.ge [sflag:s23], $0x1400  }
0xd2: {  	[sflag:s23] =	ssyncset.done $0x0  }
0xd3: {  	[sflag:s23] =	ssyncadd.s32 $0xFFFFEC00  }
0xd4: {  	_ =	swait.ge [sflag:s23], $0x1400  }
0xd5: {  	[sflag:s23] =	ssyncset.done $0x0  }
0xd6: {  	s20 =	sadd.s32 $0x6400, s20;
	s24 =	rddreg [dreg:$0x9];
	[sflag:s23] =	ssyncadd.s32 $0xFFFFEC00  }
0xd7: {  	[hbm4b:s20+s25] =	stream.strided.scatter [tilespmem:s17], [sflag:$0x3], $0x3200, s28, s25, $0x38;
	[tilespmem:$0x1F400] =	vst v63  }
0xd8: {  	s31 =	rddreg [dreg:$0x8];
	s1 =	sadd.s32 s0, s24  }
0xd9: {  	[hbm4b:s1+s25] =	stream.strided.scatter [tilespmem:s11], [sflag:$0x3], $0x3200, s28, s25, $0x38;
	[tilespmem:$0x1F400] =	vst v63  }
0xda: {  	s2 =	rddreg [dreg:$0x7];
	s5 =	sadd.s32 s0, s31  }
0xdb: {  	[hbm4b:s5+s25] =	stream.strided.scatter [tilespmem:s26], [sflag:$0x3], $0x3200, s28, s25, $0x38;
	[tilespmem:$0x1F400] =	vst v63  }
0xdc: {  	s6 =	sadd.s32 s0, s2  }
0xdd: {  	[hbm4b:s6+s25] =	stream.strided.scatter [tilespmem:s29], [sflag:$0x3], $0x3200, s28, s25, $0x38;
	[tilespmem:$0x1F400] =	vst v63  }
0xde: {  	_ =	swait.ge [sflag:s18], $0x3200  }
0xdf: {  	[sflag:s18] =	ssyncset.done $0x0  }
0xe0: {  	[sflag:s18] =	ssyncadd.s32 $0xFFFFCE00  }
0xe1: {  	_ =	swait.ge [sflag:s18], $0x3200  }
0xe2: {  	[sflag:s18] =	ssyncset.done $0x0  }
0xe3: {  	[sflag:s18] =	ssyncadd.s32 $0xFFFFCE00  }
0xe4: {  	_ =	swait.ge [sflag:s18], $0x3200  }
0xe5: {  	[sflag:s18] =	ssyncset.done $0x0  }
0xe6: {  	[sflag:s18] =	ssyncadd.s32 $0xFFFFCE00  }
0xe7: {  	_ =	swait.ge [sflag:s18], $0x3200  }
0xe8: {  	[sflag:s18] =	ssyncset.done $0x0  }
0xe9: {  	s22 =	simm.s32 $0xB40;
	s7 =	simm.s32 $0x960;
	[sflag:s18] =	ssyncadd.s32 $0xFFFFCE00  }
0xea: {  	[tilespmem:s19], [sflag:$0x2] =	stream.indirect.gather [hbm4b:s3+s16], $0x40, s7, s16, $0xb8;
	[tilespmem:$0x1F400] =	vst v63  }
0xeb: {  	s8 =	simm.s32 $0x9B0;
	s10 =	simm.s32 $0xA00;
	s21 =	simm.s32 $0xAF0  }
0xec: {  	[tilespmem:s12], [sflag:$0x2] =	stream.indirect.gather [hbm4b:s3+s16], $0x40, s8, s16, $0xb8;
	[tilespmem:$0x1F400] =	vst v63  }
0xed: {  	s24 =	simm.s32 $0xB90;
	s31 =	simm.s32 $0x1CC00;
	s2 =	simm.s32 $0xB400  }
0xee: {  	[tilespmem:s13], [sflag:$0x2] =	stream.indirect.gather [hbm4b:s3+s16], $0x40, s10, s16, $0xb8;
	[tilespmem:$0x1F400] =	vst v63  }
0xef: {  	s20 =	simm.s32 $0x1900;
	s11 =	simm.s32 $0xA50;
	s12 =	simm.s32 $0x16800  }
0xf0: {  	[tilespmem:s12], [sflag:$0x2] =	stream.indirect.gather [hbm4b:s3+s16], $0x40, s11, s16, $0xb8;
	[tilespmem:$0x1F400] =	vst v63  }
0xf1: {  	s1 =	simm.s32 $0xA000;
	s5 =	simm.s32 $0xDC00;
	s13 =	simm.s32 $0xAA0  }
0xf2: {  	[tilespmem:s15], [sflag:$0x2] =	stream.indirect.gather [hbm4b:s3+s16], $0x40, s13, s16, $0xb8;
	[tilespmem:$0x1F400] =	vst v63  }
0xf3: {  	s29 =	simm.s32 $0x1B800;
	s6 =	simm.s32 $0x16800;
	s7 =	simm.s32 $0xF000  }
0xf4: {  	[tilespmem:s9], [sflag:$0x2] =	stream.indirect.gather [hbm4b:s3+s16], $0x40, s21, s16, $0xb8;
	[tilespmem:$0x1F400] =	vst v63  }
0xf5: {  	s8 =	simm.s32 $0x10400;
	s10 =	simm.s32 $0x11800;
	s12 =	simm.s32 $0x1A400  }
0xf6: {  	[tilespmem:s30], [sflag:$0x2] =	stream.indirect.gather [hbm4b:s3+s16], $0x40, s22, s16, $0xb8;
	[tilespmem:$0x1F400] =	vst v63  }
0xf7: {  	s11 =	simm.s32 $0x9600;
	s13 =	simm.s32 $0x15400;
	s15 =	simm.s32 $0x17C00  }
0xf8: {  	[tilespmem:s29], [sflag:$0x2] =	stream.indirect.gather [hbm4b:s3+s16], $0x40, s24, s16, $0xb8;
	[tilespmem:$0x1F400] =	vst v63  }
0xf9: {  	s30 =	simm.s32 $0xBE0;
	s22 =	sadd.s32 $0x6400, s0;
	s24 =	simm.s32 $0xC30  }
0xfa: {  	[tilespmem:s31], [sflag:$0x2] =	stream.indirect.gather [hbm4b:s3+s16], $0x40, s30, s16, $0xb8;
	[tilespmem:$0x1F400] =	vst v63  }
.LBB2_2:
0xfb: {  	s0 =	simm.s32 $0x1E000  }
0xfc: {  	[tilespmem:s0], [sflag:$0x2] =	stream.indirect.gather [hbm4b:s3+s16], $0x40, s24, s16, $0xb8;
	[tilespmem:$0x1F400] =	vst v63  }
0xfd: {  	_ =	swait.ge [sflag:s14], $0x1400  }
0xfe: {  	[sflag:s14] =	ssyncset.done $0x0  }
0xff: {  	[sflag:s14] =	ssyncadd.s32 $0xFFFFEC00  }
0x100: {  	_ =	swait.ge [sflag:s14], $0x1400  }
0x101: {  	[sflag:s14] =	ssyncset.done $0x0  }
0x102: {  	[sflag:s14] =	ssyncadd.s32 $0xFFFFEC00  }
0x103: {  	_ =	swait.ge [sflag:s14], $0x1400  }
0x104: {  	[sflag:s14] =	ssyncset.done $0x0  }
0x105: {  	[sflag:s14] =	ssyncadd.s32 $0xFFFFEC00  }
0x106: {  	_ =	swait.ge [sflag:s14], $0x1400  }
0x107: {  	[sflag:s14] =	ssyncset.done $0x0  }
0x108: {  	[sflag:s14] =	ssyncadd.s32 $0xFFFFEC00  }
0x109: {  	_ =	swait.ge [sflag:s14], $0x1400  }
0x10a: {  	[sflag:s14] =	ssyncset.done $0x0  }
0x10b: {  	[sflag:s14] =	ssyncadd.s32 $0xFFFFEC00  }
0x10c: {  	_ =	swait.ge [sflag:s14], $0x1400  }
0x10d: {  	[sflag:s14] =	ssyncset.done $0x0  }
0x10e: {  	[sflag:s14] =	ssyncadd.s32 $0xFFFFEC00  }
0x10f: {  	_ =	swait.ge [sflag:s14], $0x1400  }
0x110: {  	[sflag:s14] =	ssyncset.done $0x0  }
0x111: {  	[sflag:s14] =	ssyncadd.s32 $0xFFFFEC00  }
0x112: {  	_ =	swait.ge [sflag:s14], $0x1400  }
0x113: {  	[sflag:s14] =	ssyncset.done $0x0  }
0x114: {  	[sflag:s14] =	ssyncadd.s32 $0xFFFFEC00  }
0x115: {  	_ =	swait.ge [sflag:s14], $0x1400  }
0x116: {  	[sflag:s14] =	ssyncset.done $0x0  }
0x117: {  	[sflag:s14] =	ssyncadd.s32 $0xFFFFEC00  }
0x118: {  	_ =	swait.ge [sflag:s14], $0x1400  }
0x119: {  	s29 =	rddreg [dreg:$0x3]  }
0x11a: {  	[sflag:s14] =	ssyncset.done $0x0;
	s29 =	sadd.s32 s22, s29  }
0x11b: {  	s31 =	rddreg [dreg:$0x6];
	[sflag:s14] =	ssyncadd.s32 $0xFFFFEC00;
	s30 =	sadd.s32 $0x3200, s29  }
0x11c: {  	[hbm4b:s30+s25] =	stream.strided.scatter [tilespmem:s19], [sflag:$0x4], $0x3200, s28, s25, $0x38;
	[tilespmem:$0x1F400] =	vst v63  }
0x11d: {  	s21 =	rddreg [dreg:$0x5];
	s0 =	sadd.s32 s22, s31;
	s30 =	simm.s32 $0x15E00  }
0x11e: {  	[hbm4b:s0+s25] =	stream.strided.scatter [tilespmem:s30], [sflag:$0x4], $0x3200, s28, s25, $0x38;
	[tilespmem:$0x1F400] =	vst v63  }
0x11f: {  	s31 =	rddreg [dreg:$0x4];
	s30 =	sadd.s32 s22, s21  }
0x120: {  	[hbm4b:s30+s25] =	stream.strided.scatter [tilespmem:s9], [sflag:$0x4], $0x3200, s28, s25, $0x38;
	[tilespmem:$0x1F400] =	vst v63  }
0x121: {  	s21 =	sadd.s32 s22, s31;
	s30 =	simm.s32 $0x1C200  }
0x122: {  	[hbm4b:s21+s25] =	stream.strided.scatter [tilespmem:s30], [sflag:$0x4], $0x3200, s28, s25, $0x38;
	[tilespmem:$0x1F400] =	vst v63  }
0x123: {  	_ =	swait.ge [sflag:s4], $0x3200  }
0x124: {  	[sflag:s4] =	ssyncset.done $0x0  }
0x125: {  	[sflag:s4] =	ssyncadd.s32 $0xFFFFCE00  }
0x126: {  	_ =	swait.ge [sflag:s4], $0x3200  }
0x127: {  	[sflag:s4] =	ssyncset.done $0x0  }
0x128: {  	[sflag:s4] =	ssyncadd.s32 $0xFFFFCE00  }
0x129: {  	_ =	swait.ge [sflag:s4], $0x3200  }
0x12a: {  	[sflag:s4] =	ssyncset.done $0x0  }
0x12b: {  	[sflag:s4] =	ssyncadd.s32 $0xFFFFCE00  }
0x12c: {  	s24 =	smov.u32 s20;
	_ =	swait.ge [sflag:s4], $0x3200  }
0x12d: {  	s24 =	sshra.s32 s24, $0x2;
	[sflag:s4] =	ssyncset.done $0x0  }
0x12e: {  	s21 =	sadd.s32 $0x640, s24;
	[sflag:s4] =	ssyncadd.s32 $0xFFFFCE00  }
0x12f: {  	[tilespmem:s17], [sflag:$0x1] =	stream.indirect.gather [hbm4b:s3+s16], $0x40, s21, s16, $0xb8;
	[tilespmem:$0x1F400] =	vst v63  }
0x130: {  	s31 =	simm.s32 $0x7800;
	s30 =	sadd.s32 $0x690, s24  }
0x131: {  	[tilespmem:s31], [sflag:$0x1] =	stream.indirect.gather [hbm4b:s3+s16], $0x40, s30, s16, $0xb8;
	[tilespmem:$0x1F400] =	vst v63  }
0x132: {  	s21 =	sadd.s32 $0x6E0, s24;
	s30 =	simm.s32 $0x8C00  }
0x133: {  	[tilespmem:s30], [sflag:$0x1] =	stream.indirect.gather [hbm4b:s3+s16], $0x40, s21, s16, $0xb8;
	[tilespmem:$0x1F400] =	vst v63  }
0x134: {  	s21 =	sadd.s32 $0x730, s24  }
0x135: {  	[tilespmem:s1], [sflag:$0x1] =	stream.indirect.gather [hbm4b:s3+s16], $0x40, s21, s16, $0xb8;
	[tilespmem:$0x1F400] =	vst v63  }
0x136: {  	s30 =	sadd.s32 $0x780, s24  }
0x137: {  	[tilespmem:s2], [sflag:$0x1] =	stream.indirect.gather [hbm4b:s3+s16], $0x40, s30, s16, $0xb8;
	[tilespmem:$0x1F400] =	vst v63  }
0x138: {  	s21 =	sadd.s32 $0x7D0, s24  }
0x139: {  	[tilespmem:s26], [sflag:$0x1] =	stream.indirect.gather [hbm4b:s3+s16], $0x40, s21, s16, $0xb8;
	[tilespmem:$0x1F400] =	vst v63  }
0x13a: {  	s30 =	sadd.s32 $0x820, s24  }
0x13b: {  	[tilespmem:s5], [sflag:$0x1] =	stream.indirect.gather [hbm4b:s3+s16], $0x40, s30, s16, $0xb8;
	[tilespmem:$0x1F400] =	vst v63  }
0x13c: {  	s21 =	sadd.s32 $0x870, s24  }
0x13d: {  	[tilespmem:s7], [sflag:$0x1] =	stream.indirect.gather [hbm4b:s3+s16], $0x40, s21, s16, $0xb8;
	[tilespmem:$0x1F400] =	vst v63  }
0x13e: {  	s30 =	sadd.s32 $0x8C0, s24  }
0x13f: {  	[tilespmem:s8], [sflag:$0x1] =	stream.indirect.gather [hbm4b:s3+s16], $0x40, s30, s16, $0xb8;
	[tilespmem:$0x1F400] =	vst v63  }
0x140: {  	s21 =	sadd.s32 $0x910, s24  }
0x141: {  	[tilespmem:s10], [sflag:$0x1] =	stream.indirect.gather [hbm4b:s3+s16], $0x40, s21, s16, $0xb8;
	[tilespmem:$0x1F400] =	vst v63  }
0x142: {  	_ =	swait.ge [sflag:s23], $0x1400  }
0x143: {  	[sflag:s23] =	ssyncset.done $0x0  }
0x144: {  	[sflag:s23] =	ssyncadd.s32 $0xFFFFEC00  }
0x145: {  	_ =	swait.ge [sflag:s23], $0x1400  }
0x146: {  	[sflag:s23] =	ssyncset.done $0x0  }
0x147: {  	[sflag:s23] =	ssyncadd.s32 $0xFFFFEC00  }
0x148: {  	_ =	swait.ge [sflag:s23], $0x1400  }
0x149: {  	[sflag:s23] =	ssyncset.done $0x0  }
0x14a: {  	[sflag:s23] =	ssyncadd.s32 $0xFFFFEC00  }
0x14b: {  	_ =	swait.ge [sflag:s23], $0x1400  }
0x14c: {  	[sflag:s23] =	ssyncset.done $0x0  }
0x14d: {  	[sflag:s23] =	ssyncadd.s32 $0xFFFFEC00  }
0x14e: {  	_ =	swait.ge [sflag:s23], $0x1400  }
0x14f: {  	[sflag:s23] =	ssyncset.done $0x0  }
0x150: {  	[sflag:s23] =	ssyncadd.s32 $0xFFFFEC00  }
0x151: {  	_ =	swait.ge [sflag:s23], $0x1400  }
0x152: {  	[sflag:s23] =	ssyncset.done $0x0  }
0x153: {  	[sflag:s23] =	ssyncadd.s32 $0xFFFFEC00  }
0x154: {  	_ =	swait.ge [sflag:s23], $0x1400  }
0x155: {  	[sflag:s23] =	ssyncset.done $0x0  }
0x156: {  	[sflag:s23] =	ssyncadd.s32 $0xFFFFEC00  }
0x157: {  	_ =	swait.ge [sflag:s23], $0x1400  }
0x158: {  	[sflag:s23] =	ssyncset.done $0x0  }
0x159: {  	[sflag:s23] =	ssyncadd.s32 $0xFFFFEC00  }
0x15a: {  	_ =	swait.ge [sflag:s23], $0x1400  }
0x15b: {  	[sflag:s23] =	ssyncset.done $0x0  }
0x15c: {  	[sflag:s23] =	ssyncadd.s32 $0xFFFFEC00  }
0x15d: {  	_ =	swait.ge [sflag:s23], $0x1400  }
0x15e: {  	[sflag:s23] =	ssyncset.done $0x0  }
0x15f: {  	s30 =	sadd.s32 $0x6400, s29;
	s0 =	rddreg [dreg:$0x9];
	[sflag:s23] =	ssyncadd.s32 $0xFFFFEC00  }
0x160: {  	[hbm4b:s30+s25] =	stream.strided.scatter [tilespmem:s17], [sflag:$0x3], $0x3200, s28, s25, $0x38;
	[tilespmem:$0x1F400] =	vst v63  }
0x161: {  	s29 =	rddreg [dreg:$0x8];
	s0 =	sadd.s32 s22, s0  }
0x162: {  	[hbm4b:s0+s25] =	stream.strided.scatter [tilespmem:s11], [sflag:$0x3], $0x3200, s28, s25, $0x38;
	[tilespmem:$0x1F400] =	vst v63  }
0x163: {  	s21 =	rddreg [dreg:$0x7];
	s30 =	sadd.s32 s22, s29  }
0x164: {  	[hbm4b:s30+s25] =	stream.strided.scatter [tilespmem:s26], [sflag:$0x3], $0x3200, s28, s25, $0x38;
	[tilespmem:$0x1F400] =	vst v63  }
0x165: {  	s21 =	sadd.s32 s22, s21;
	s29 =	simm.s32 $0xFA00  }
0x166: {  	[hbm4b:s21+s25] =	stream.strided.scatter [tilespmem:s29], [sflag:$0x3], $0x3200, s28, s25, $0x38;
	[tilespmem:$0x1F400] =	vst v63  }
0x167: {  	_ =	swait.ge [sflag:s18], $0x3200  }
0x168: {  	[sflag:s18] =	ssyncset.done $0x0  }
0x169: {  	[sflag:s18] =	ssyncadd.s32 $0xFFFFCE00  }
0x16a: {  	_ =	swait.ge [sflag:s18], $0x3200  }
0x16b: {  	[sflag:s18] =	ssyncset.done $0x0  }
0x16c: {  	[sflag:s18] =	ssyncadd.s32 $0xFFFFCE00  }
0x16d: {  	_ =	swait.ge [sflag:s18], $0x3200  }
0x16e: {  	[sflag:s18] =	ssyncset.done $0x0  }
0x16f: {  	[sflag:s18] =	ssyncadd.s32 $0xFFFFCE00  }
0x170: {  	_ =	swait.ge [sflag:s18], $0x3200  }
0x171: {  	[sflag:s18] =	ssyncset.done $0x0  }
0x172: {  	s30 =	sadd.s32 $0x960, s24;
	[sflag:s18] =	ssyncadd.s32 $0xFFFFCE00  }
0x173: {  	[tilespmem:s19], [sflag:$0x2] =	stream.indirect.gather [hbm4b:s3+s16], $0x40, s30, s16, $0xb8;
	[tilespmem:$0x1F400] =	vst v63  }
0x174: {  	s21 =	sadd.s32 $0x9B0, s24;
	s30 =	simm.s32 $0x14000  }
0x175: {  	[tilespmem:s30], [sflag:$0x2] =	stream.indirect.gather [hbm4b:s3+s16], $0x40, s21, s16, $0xb8;
	[tilespmem:$0x1F400] =	vst v63  }
0x176: {  	s30 =	sadd.s32 $0xA00, s24  }
0x177: {  	[tilespmem:s13], [sflag:$0x2] =	stream.indirect.gather [hbm4b:s3+s16], $0x40, s30, s16, $0xb8;
	[tilespmem:$0x1F400] =	vst v63  }
0x178: {  	s21 =	sadd.s32 $0xA50, s24  }
0x179: {  	[tilespmem:s6], [sflag:$0x2] =	stream.indirect.gather [hbm4b:s3+s16], $0x40, s21, s16, $0xb8;
	[tilespmem:$0x1F400] =	vst v63  }
0x17a: {  	s30 =	sadd.s32 $0xAA0, s24  }
0x17b: {  	[tilespmem:s15], [sflag:$0x2] =	stream.indirect.gather [hbm4b:s3+s16], $0x40, s30, s16, $0xb8;
	[tilespmem:$0x1F400] =	vst v63  }
0x17c: {  	s21 =	sadd.s32 $0xAF0, s24  }
0x17d: {  	[tilespmem:s9], [sflag:$0x2] =	stream.indirect.gather [hbm4b:s3+s16], $0x40, s21, s16, $0xb8;
	[tilespmem:$0x1F400] =	vst v63  }
0x17e: {  	p0 =	sne.s32 s20, $0x15E00;
	s30 =	sadd.s32 $0xB40, s24  }
0x17f: {  	[tilespmem:s12], [sflag:$0x2] =	stream.indirect.gather [hbm4b:s3+s16], $0x40, s30, s16, $0xb8;
	[tilespmem:$0x1F400] =	vst v63  }
.Ltmp0:
0x180: {  	s20 =	sadd.s32 $0x1900, s20;
	(pc) =	sbr.rel @p0 .LBB2_2-.Ltmp0, $4  }
0x181: {  	s22 =	sadd.s32 $0x6400, s22;
	s21 =	sadd.s32 $0xB90, s24;
	s30 =	simm.s32 $0x1B800  }
0x182: {  	[tilespmem:s30], [sflag:$0x2] =	stream.indirect.gather [hbm4b:s3+s16], $0x40, s21, s16, $0xb8;
	[tilespmem:$0x1F400] =	vst v63  }
0x183: {  	s21 =	sadd.s32 $0xBE0, s24;
	s30 =	simm.s32 $0x1CC00;
	s24 =	sadd.s32 $0xC30, s24  }
0x184: {  	[tilespmem:s30], [sflag:$0x2] =	stream.indirect.gather [hbm4b:s3+s16], $0x40, s21, s16, $0xb8;
	[tilespmem:$0x1F400] =	vst v63  }
0x185: {  	s0 =	simm.s32 $0x1E000  }
0x186: {  	[tilespmem:s0], [sflag:$0x2] =	stream.indirect.gather [hbm4b:s3+s16], $0x40, s24, s16, $0xb8;
	[tilespmem:$0x1F400] =	vst v63  }
0x187: {  	_ =	swait.ge [sflag:s14], $0x1400  }
0x188: {  	[sflag:s14] =	ssyncset.done $0x0  }
0x189: {  	[sflag:s14] =	ssyncadd.s32 $0xFFFFEC00  }
0x18a: {  	_ =	swait.ge [sflag:s14], $0x1400  }
0x18b: {  	[sflag:s14] =	ssyncset.done $0x0  }
0x18c: {  	[sflag:s14] =	ssyncadd.s32 $0xFFFFEC00  }
0x18d: {  	_ =	swait.ge [sflag:s14], $0x1400  }
0x18e: {  	[sflag:s14] =	ssyncset.done $0x0  }
0x18f: {  	[sflag:s14] =	ssyncadd.s32 $0xFFFFEC00  }
0x190: {  	_ =	swait.ge [sflag:s14], $0x1400  }
0x191: {  	[sflag:s14] =	ssyncset.done $0x0  }
0x192: {  	[sflag:s14] =	ssyncadd.s32 $0xFFFFEC00  }
0x193: {  	_ =	swait.ge [sflag:s14], $0x1400  }
0x194: {  	[sflag:s14] =	ssyncset.done $0x0  }
0x195: {  	[sflag:s14] =	ssyncadd.s32 $0xFFFFEC00  }
0x196: {  	_ =	swait.ge [sflag:s14], $0x1400  }
0x197: {  	[sflag:s14] =	ssyncset.done $0x0  }
0x198: {  	[sflag:s14] =	ssyncadd.s32 $0xFFFFEC00  }
0x199: {  	_ =	swait.ge [sflag:s14], $0x1400  }
0x19a: {  	[sflag:s14] =	ssyncset.done $0x0  }
0x19b: {  	[sflag:s14] =	ssyncadd.s32 $0xFFFFEC00  }
0x19c: {  	_ =	swait.ge [sflag:s14], $0x1400  }
0x19d: {  	[sflag:s14] =	ssyncset.done $0x0  }
0x19e: {  	[sflag:s14] =	ssyncadd.s32 $0xFFFFEC00  }
0x19f: {  	_ =	swait.ge [sflag:s14], $0x1400  }
0x1a0: {  	[sflag:s14] =	ssyncset.done $0x0  }
0x1a1: {  	[sflag:s14] =	ssyncadd.s32 $0xFFFFEC00  }
0x1a2: {  	_ =	swait.ge [sflag:s14], $0x1400  }
0x1a3: {  	[sflag:s14] =	ssyncset.done $0x0  }
0x1a4: {  	s13 =	rddreg [dreg:$0x10];
	[sflag:s14] =	ssyncadd.s32 $0xFFFFEC00  }
0x1a5: {  	[hbm4b:s13+s25] =	stream.strided.scatter [tilespmem:s19], [sflag:$0x4], $0x3200, s28, s25, $0x38;
	[tilespmem:$0x1F400] =	vst v63  }
0x1a6: {  	s1 =	simm.s32 $0x15E00;
	s15 =	rddreg [dreg:$0x11]  }
0x1a7: {  	[hbm4b:s15+s25] =	stream.strided.scatter [tilespmem:s1], [sflag:$0x4], $0x3200, s28, s25, $0x38;
	[tilespmem:$0x1F400] =	vst v63  }
0x1a8: {  	s20 =	rddreg [dreg:$0x12]  }
0x1a9: {  	[hbm4b:s20+s25] =	stream.strided.scatter [tilespmem:s9], [sflag:$0x4], $0x3200, s28, s25, $0x38;
	[tilespmem:$0x1F400] =	vst v63  }
0x1aa: {  	s22 =	simm.s32 $0x1C200;
	s21 =	rddreg [dreg:$0x13]  }
0x1ab: {  	[hbm4b:s21+s25] =	stream.strided.scatter [tilespmem:s22], [sflag:$0x4], $0x3200, s28, s25, $0x38;
	[tilespmem:$0x1F400] =	vst v63  }
0x1ac: {  	_ =	swait.ge [sflag:s4], $0x3200  }
0x1ad: {  	[sflag:s4] =	ssyncset.done $0x0  }
0x1ae: {  	[sflag:s4] =	ssyncadd.s32 $0xFFFFCE00  }
0x1af: {  	_ =	swait.ge [sflag:s4], $0x3200  }
0x1b0: {  	[sflag:s4] =	ssyncset.done $0x0  }
0x1b1: {  	[sflag:s4] =	ssyncadd.s32 $0xFFFFCE00  }
0x1b2: {  	_ =	swait.ge [sflag:s4], $0x3200  }
0x1b3: {  	[sflag:s4] =	ssyncset.done $0x0  }
0x1b4: {  	[sflag:s4] =	ssyncadd.s32 $0xFFFFCE00  }
0x1b5: {  	_ =	swait.ge [sflag:s4], $0x3200  }
0x1b6: {  	[sflag:s4] =	ssyncset.done $0x0  }
0x1b7: {  	[sflag:s4] =	ssyncadd.s32 $0xFFFFCE00  }
0x1b8: {  	_ =	swait.ge [sflag:s18], $0x3200  }
0x1b9: {  	[sflag:s18] =	ssyncset.done $0x0  }
0x1ba: {  	[sflag:s18] =	ssyncadd.s32 $0xFFFFCE00  }
0x1bb: {  	_ =	swait.ge [sflag:s18], $0x3200  }
0x1bc: {  	[sflag:s18] =	ssyncset.done $0x0  }
0x1bd: {  	[sflag:s18] =	ssyncadd.s32 $0xFFFFCE00  }
0x1be: {  	_ =	swait.ge [sflag:s18], $0x3200  }
0x1bf: {  	[sflag:s18] =	ssyncset.done $0x0  }
0x1c0: {  	[sflag:s18] =	ssyncadd.s32 $0xFFFFCE00  }
0x1c1: {  	_ =	swait.ge [sflag:s18], $0x3200  }
0x1c2: {  	s6 =	rddreg [dreg:$0x15]  }
0x1c3: {  	s24 =	rddreg [dreg:$0x14];
	s6 =	sadd.s32 $0x1, s6  }
0x1c4: {  	s2 =	simm.s32 $0xB400;
	s5 =	simm.s32 $0xDC00;
	p0 =	sne.s32 s6, s24  }
.Ltmp1:
0x1c5: {  	s7 =	simm.s32 $0xF000;
	s8 =	simm.s32 $0x10400;
	(pc) =	sbr.rel @p0 .LBB2_1-.Ltmp1, $4  }
0x1c6: {  	s10 =	simm.s32 $0x11800;
	s11 =	simm.s32 $0x9600;
	s12 =	simm.s32 $0x14000  }
0x1c7: {  	s30 =	simm.s32 $0x1A400;
	s13 =	simm.s32 $0x15400;
	s1 =	simm.s32 $0xA000  }
0x1c8: {  	s15 =	simm.s32 $0x17C00;
	s21 =	simm.s32 $0x8C00;
	[sflag:s18] =	ssyncset.done $0x0  }
0x1c9: {  	s22 =	simm.s32 $0x1B800;
	[sflag:s18] =	ssyncadd.s32 $0xFFFFCE00;
	s24 =	simm.s32 $0x1CC00  }
0x1ca: {  	_ =	sfence.sel $0x180000  }
0x1cb: {  	[bflag:$0x0] =	sbarrier.arrive $0xFFFF  }
0x1cc: {  	_ =	strace $0x90000047  }
0x1cd: {  	s0 =	stileid.u32;
	[bflag:$0x2] =	sbarrier.arrive $0xFFFF  }
0x1ce: {  	p0 =	sne.s32 s0, $0x0;
	s0 =	rddreg [dreg:$0x2]  }
0x1cf: {  	s0 =	sadd.s32 @!p0 $0x100000, s0  }
0x1d0: {  	[sflag:s0] =	ssyncadd.tile.s32 @!p0 $0x1;
	_ =	shalt  }
.Lfunc_end2:
_tile_overlayer_lowered:
.L_overlay_start_2:
0x1d1: {  	(tag) =	ssettag $0x2  }
0x1d2: {  	s0 =	rddreg [dreg:$0x0];
	s2 =	stileid.u32  }
0x1d3: {  	s1 =	rddreg [dreg:$0x1];
	p0 =	sne.s32 s2, $0x0  }
0x1d4: {  	s3 =	rddreg [dreg:$0x2];
	[bflag:$0x3] =	sbarrier.arrive $0xFFFF;
	s2 =	simm.s32 @!p0 $0x1C05  }
0x1d5: {  	[timem:s3], [sflag:s2] =	dma.local @!p0 [hbm:s0], s1  }
0x1d6: {  	s0 =	simm.s32 @!p0 $0x5  }
0x1d7: {  	_ =	swait.ge @!p0 [sflag:s0], s1  }
0x1d8: {  	s1 =	ssub.s32 @!p0 $0x0, s1;
	[sflag:s0] =	ssyncset.done @!p0 $0x0  }
0x1d9: {  	[sflag:s0] =	ssyncadd.s32 @!p0 s1  }
0x1da: {  	[bflag:$0x3] =	sbarrier.arrive $0xFFFF  }
0x1db: {  	_ =	shalt  }

// kernel: sparse-core-data-format-call.cloned.1.call-start
scs
called_computation_lowered:
.L_overlay_start_0:
0x0: {  	s2 =	sld [smem:$0x3FD9]  }
0x1: {  	s3 =	sld [smem:$0x3FFE];
	_ =	sdelay $0x1  }
0x2: {  	s1 =	srdreg.scid  }
0x3: {  	s0 =	sand.u32 $0x1, s1  }
0x4: {  	s18 =	sshll.u32 s0, $0xA;
	s2 =	sadd.s32 s3, s2  }
0x5: {  	s2 =	sadd.s32 s2, s18  }
0x6: {  	[smem:$0x3FC6] =	sst s2  }
0x7: {  	_ = 	snop  }
0x8: {  	s2 =	sld [smem:$0x3FD0];
	(tm) =	ssettm $0x1  }
0x9: {  	s19 =	sld [smem:$0x3FFB];
	_ =	sdelay $0x3  }
0xa: {  	_ =	strace s19  }
0xb: {  	s3 =	sld [smem:$0x3FFC];
	_ =	sdelay $0x3  }
0xc: {  	_ =	strace s3  }
0xd: {  	s3 =	sld [smem:$0x3FFD];
	_ =	sdelay $0x3  }
0xe: {  	_ =	strace s3  }
0xf: {  	_ =	strace $0x8FFFFFFF  }
0x10: {  	s20 =	sld [smem:$0x3FDB];
	_ =	sdelay $0x1  }
0x11: {  	s4 =	simm.s32 $_scs_section_size  }
0x12: {  	s5 =	simm.s32 $_size__tile_overlayer_lowered;
	s6 =	simm.s32 $_tile_overlayer_lowered  }
0x13: {  	s23 =	simm.s32 $0x1BFF;
	s22 =	sshll.u32 s6, $0x1;
	s3 =	sadd.s32 s4, s20  }
0x14: {  	s7 =	simm.s32 $0x0;
	s21 =	sshll.u32 s5, $0x1;
	s5 =	sadd.s32 s22, s3  }
0x15: {  	[timem:s7], [sflag:s23] =	dma.local [hbm:s5], s21  }
0x16: {  	_ =	swait.ge [sflag:s23], s21  }
0x17: {  	s4 =	ssub.s32 $0x0, s21;
	[sflag:s23] =	ssyncset.done $0x0  }
0x18: {  	[sflag:s23] =	ssyncadd.s32 s4;
	_ =	sdelay $0x1  }
0x19: {  	s24 =	simm.s32 $0x1B8B  }
0x1a: {  	_ =	swait.ge [sflag:s24], $0x1  }
0x1b: {  	[sflag:s24] =	ssyncset.done $0x0  }
0x1c: {  	s26 =	simm.s32 $0x1B8E;
	s25 =	sld [smem:$0x3FFE];
	[sflag:s24] =	ssyncadd.s32 $0xFFFFFFFF  }
0x1d: {  	s27 =	simm.s32 $execute0_lowered;
	[smem:$0x3FD2] =	sst s26  }
0x1e: {  	s5 =	sshll.u32 s27, $0x1;
	_ =	strace $0x80000049;
	[dreg:$0x1] =	wrdreg $0xFFFFFFFF  }
0x1f: {  	s28 =	simm.s32 $_size_execute0_lowered;
	s3 =	sadd.s32 s3, s5;
	[dreg:$0x0] =	wrdreg $0x0  }
0x20: {  	s5 =	sshll.u32 s28, $0x1;
	[dreg:$0x2] =	wrdreg s3  }
0x21: {  	[dreg:$0x3] =	wrdreg s5  }
0x22: {  	[dreg:$0x4] =	wrdreg $0xC0  }
0x23: {  	_ =	task [dreg:s7], $0x5FFFF  }
0x24: {  	[dreg:$0x1] =	wrdreg $0xFFFFFFFF  }
0x25: {  	[dreg:$0x0] =	wrdreg $0x60  }
0x26: {  	[dreg:$0x2] =	wrdreg s25  }
0x27: {  	[dreg:$0x3] =	wrdreg s2  }
0x28: {  	[dreg:$0x4] =	wrdreg $0x9  }
0x29: {  	_ =	task.clear_ibuf [dreg:s7], $0x5FFFF;
	_ =	strace $0x90000049  }
0x2a: {  	s29 =	simm.s32 $0x9;
	_ =	strace $0x8000004B  }
0x2b: {  	_ =	swait.ge [sflag:s29], $0x1  }
0x2c: {  	[sflag:s29] =	ssyncadd.s32 $0xFFFFFFFF  }
0x2d: {  	_ =	strace $0x9000004B  }
0x2e: {  	_ =	sfence  }
0x2f: {  	s30 =	sld [smem:$0x0];
	_ =	sdelay $0x2  }
0x30: {  	s31 =	sshll.u32 s1, $0xD;
	s1 =	sshrl.u32 s1, $0x2  }
0x31: {  	s3 =	sand.u32 $0x4000, s31;
	s1 =	sadd.s32 s1, s30  }
0x32: {  	s0 =	sor.u32 s3, s0;
	s1 =	sshll.u32 s1, $0x11  }
0x33: {  	s0 =	sor.u32 s1, s0  }
0x34: {  	s0 =	sadd.s32 $0x8F2B, s0  }
0x35: {  	[sflag:s0] =	ssyncadd.remote.s32 $0x1  }
0x36: {  	_ =	sfence.sel $0xFFFF  }
0x37: {  	[dreg:$0x0] =	wrdreg $0xFFFFFFFF;
	(pc) =	sbr.abs _section_cstart, $3  }
0x38: {  	[dreg:$0x1] =	wrdreg $0xFFFFFFFF  }
0x39: {  	_ =	task.clear_ibuf [dreg:s7], $0x2FFFF;
	_ =	strace $0x9FFFFFFF  }
0x3a: {  	(tm) =	ssettm $0x7FFFFFFF  }
0x3b: {  	_ =	shalt  }
tec
execute0_lowered:
.L_overlay_start_1:
0x0: {  	(tag) =	ssettag $0x1  }
0x1: {  	s0 =	srdreg.scid  }
0x2: {  	s1 =	sshll.u32 s0, $0x4  }
0x3: {  	s0 =	stileid.u32;
	s1 =	sand.u32 $0x10, s1  }
0x4: {  	s1 =	sor.u32 s0, s1  }
0x5: {  	s6 =	rddreg [dreg:$0x0];
	s4 =	simm.s32 $0x1;
	s2 =	sshll.u32 s1, $0x7  }
0x6: {  	s7 =	simm.s32 $0x2;
	s12 =	simm.s32 $0x0;
	s1 =	ssub.s32 $0x1000, s2  }
0x7: {  	s8 =	simm.s32 $0x8000;
	s13 =	simm.s32 $0x0;
	s3 =	sand.u32 $0xF80, s1  }
0x8: {  	s9 =	simm.s32 $0x0;
	s5 =	sshrl.u32 s1, $0xC;
	p0 =	sne.s32 s3, $0x0  }
.Ltmp0:
0x9: {  	s1 =	rddreg [dreg:$0x2];
	s4 =	simm.s32 @!p0 $0x0;
	(pc) =	sbr.rel .LBB1_1-.Ltmp0, $4  }
0xa: {  	s11 =	simm.s32 $0x0;
	s3 =	rddreg [dreg:$0x1];
	s5 =	sadd.s32 s4, s5  }
0xb: {  	_ =	strace $0x8000004A;
	s4 =	simm.s32 $0x1;
	s5 =	smul.u32 $0xC8, s5  }
0xc: {  	s6 =	sadd.s32 $0xA00, s6;
	s10 =	smov.u32 s2;
	[sflag:s4] =	ssyncpa.u1 $0x0  }
0xd: {  	p0 =	por $0x0, $0x0;
	[sflag:s7] =	ssyncpa.u1 $0x0;
	s7 =	sor.u32 $0x1, s5  }
.LBB1_4:
0xe: {  	s16 =	sshll.u32 s13, $0x3;
	s17 =	sand.u32 $0x78, s13  }
0xf: {  	s30 =	sand.u32 $0x7E00, s13;
	s12 =	sshll.u32 s12, $0xF;
	s16 =	sand.u32 $0xC00, s16  }
0x10: {  	[tilespmem:s15+$0x810 ss:$0x81] =	vst.msk $0xffff, v2;
	s31 =	sand.u32 $0x7, s13;
	s16 =	sor.u32 s17, s16;
	s17 =	sadd.s32 s3, s30  }
0x11: {  	[tilespmem:s15+$0x1020 ss:$0x81] =	vst.msk $0xffff, v0;
	s13 =	sshll.u32 s31, $0x12;
	s12 =	sadd.s32 s12, s17;
	s16 =	sshrl.u32 s16, $0x3  }
0x12: {  	[tilespmem:s15+$0x0 ss:$0x81] =	vst.msk $0xffff, v1;
	s13 =	sor.u32 $0x400, s13;
	s12 =	sadd.s32 s16, s12  }
0x13: {  	[hbm4b:s12+s13] =	stream.strided.scatter [tilespmem:s14], [sflag:$0x2], $0x2000, s8, s13, $0x20;
	[tilespmem:$0x8080] =	vst v63  }
.LBB1_5:
0x14: {  	s14 =	sadd.s32 $0x1, s9  }
0x15: {  	s12 =	sadd.s32 $0x1000, s10;
	s16 =	smov.u32 s10;
	p2 =	sgt.s32 s14, $0xC7  }
0x16: {  	s16 =	smov.u32 @p2 s12  }
0x17: {  	s14 =	simm.s32 @p2 $0x0;
	p2 =	sgt.s32 s16, $0xFFF  }
0x18: {  	s16 =	smov.u32 @p2 s2;
	p2 =	sne.s32 s11, s7  }
.Ltmp1:
0x19: {  	p1 =	slt.u32 s11, $0x2;
	(pc) =	sbr.rel @!p2 .LBB1_6-.Ltmp1, $4  }
0x1a: {  	s15 =	simm.s32 @!p1 $0x2  }
0x1b: {  	s13 =	smov.u32 s10;
	p0 =	por !p0, !p0;
	_ =	swait.ge @!p1 [sflag:s15], $0x2000  }
0x1c: {  	s12 =	smov.u32 s9;
	[sflag:s15] =	ssyncset.done @!p1 $0x0;
	s9 =	smov.u32 s14  }
0x1d: {  	s11 =	sadd.s32 $0x1, s11;
	[sflag:s15] =	ssyncadd.s32 @!p1 $0xFFFFE000;
	s10 =	smov.u32 s16  }
.LBB1_1:
0x1e: {  	p1 =	sge.u32 s11, s5  }
0x1f: {  	s14 =	sand.u32 @!p1 $0x1FFFFFF, s9  }
0x20: {  	s15 =	smulhi.u32 @!p1 $0x147AE15, s14;
	_ =	sdelay $0x1  }
0x21: {  	s15 =	smul.u32 @!p1 $0xC8, s15  }
0x22: {  	s16 =	sxor.u32 @!p1 $0xFFFFFFFF, s11;
	s17 =	smul.u32 @!p1 $0xC80, s10  }
0x23: {  	s31 =	sadd.s32 $0xFFFFFFFF, s11;
	s16 =	sshll.u32 @!p1 s16, $0xD;
	s14 =	ssub.s32 @!p1 s14, s15  }
0x24: {  	s15 =	sand.u32 @!p1 $0x2000, s16;
	s16 =	sadd.s32 @!p1 s6, s17;
	s14 =	sshll.u32 @!p1 s14, $0x4  }
0x25: {  	s17 =	simm.s32 @!p1 $0x6400;
	s14 =	sadd.s32 @!p1 s14, s16;
	s16 =	simm.s32 @!p1 $0x40  }
0x26: {  	[tilespmem:s15], [sflag:$0x1] =	stream.strided.gather @!p1 [hbm4b:s14+s16], $0x2000, s17, s16, $0x38;
	[tilespmem:$0x8080] =	vst v63  }
0x27: {  	p1 =	sge.u32 s31, s5  }
.Ltmp2:
0x28: {  	_ = 	snop;
	(pc) =	sbr.rel @p1 .LBB1_5-.Ltmp2, $1  }
0x29: {  	_ =	sdelay $0x3  }
0x2a: {  	s14 =	simm.s32 $0x1  }
0x2b: {  	_ =	swait.ge [sflag:s4], $0x2000;
	s14 =	simm.s32 @!p0 $0x0  }
0x2c: {  	[sflag:s4] =	ssyncset.done $0x0;
	s15 =	sshll.u32 s14, $0xD  }
0x2d: {  	[sflag:s4] =	ssyncadd.s32 $0xFFFFE000;
	s18 =	sor.u32 $0x20, s15  }
0x2e: {  	s14 =	smul.u32 $0x8100, s14;
	v3 =	vld [tilespmem:s18+$0x10]  }
0x2f: {  	s30 =	sand.u32 $0x1, s11;
	v2 =	vld [tilespmem:s18+$0xFFFFFFF0]  }
0x30: {  	s15 =	smul.u32 $0x8100, s30;
	s14 =	sshrl.u32 s14, $0x2;
	v0 =	vld [tilespmem:s18+$0x0]  }
0x31: {  	v1 =	vld [tilespmem:s18+$0xFFFFFFE0];
	s16 =	sor.u32 $0x4000, s14  }
0x32: {  	s31 =	sshrl.u32 s15, $0x2;
	s15 =	sadd.s32 $0x0, s16  }
0x33: {  	s17 =	simm.s32 $0x4;
	s18 =	sadd.s32 $0x40, s18;
	s14 =	sor.u32 $0x4000, s31;
	[tilespmem:s15+$0x1830 ss:$0x81] =	vst.msk $0xffff, v3  }
.LBB1_3:
0x34: {  	v3 =	vld [tilespmem:s18+$0x10];
	p1 =	sne.s32 s17, $0x1FC;
	[tilespmem:s15+$0x810 ss:$0x81] =	vst.msk $0xffff, v2;
	s19 =	smov.u32 s17;
	s17 =	sadd.s32 $0x4, s17  }
.Ltmp3:
0x35: {  	v2 =	vld [tilespmem:s18+$0xFFFFFFF0];
	[tilespmem:s15+$0x1020 ss:$0x81] =	vst.msk $0xffff, v0;
	(pc) =	sbr.rel @p1 .LBB1_3-.Ltmp3, $4  }
0x36: {  	v0 =	vld [tilespmem:s18+$0x0];
	[tilespmem:s15+$0x0 ss:$0x81] =	vst.msk $0xffff, v1  }
0x37: {  	s15 =	sshra.s32 s19, $0x2;
	v1 =	vld [tilespmem:s18+$0xFFFFFFE0]  }
0x38: {  	s15 =	sadd.s32 s15, s16  }
0x39: {  	s18 =	sadd.s32 $0x40, s18;
	[tilespmem:s15+$0x1830 ss:$0x81] =	vst.msk $0xffff, v3  }
.Ltmp4:
0x3a: {  	_ = 	snop;
	(pc) =	sbr.rel .LBB1_4-.Ltmp4, $1  }
0x3b: {  	_ =	sdelay $0x3  }
.LBB1_6:
0x3c: {  	_ =	sfence.sel $0x180000  }
0x3d: {  	s2 =	simm.s32 $0x1;
	[bflag:$0x0] =	sbarrier.arrive $0xFFFF  }
0x3e: {  	s31 =	simm.s32 $0x2;
	[sflag:s2] =	ssyncpa.u1 $0x1  }
0x3f: {  	[sflag:s31] =	ssyncpa.u1 $0x1  }
0x40: {  	p0 =	sne.s32 s0, $0x0;
	_ =	strace $0x9000004A  }
0x41: {  	s0 =	sadd.s32 @!p0 $0x100000, s1;
	[bflag:$0x2] =	sbarrier.arrive $0xFFFF  }
0x42: {  	[sflag:s0] =	ssyncadd.tile.s32 @!p0 $0x1;
	_ =	shalt  }
.Lfunc_end1:
_tile_overlayer_lowered:
.L_overlay_start_2:
0x43: {  	(tag) =	ssettag $0x2  }
0x44: {  	s0 =	rddreg [dreg:$0x0];
	s2 =	stileid.u32  }
0x45: {  	s1 =	rddreg [dreg:$0x1];
	p0 =	sne.s32 s2, $0x0  }
0x46: {  	s3 =	rddreg [dreg:$0x2];
	[bflag:$0x3] =	sbarrier.arrive $0xFFFF;
	s2 =	simm.s32 @!p0 $0x1C01  }
0x47: {  	[timem:s3], [sflag:s2] =	dma.local @!p0 [hbm:s0], s1  }
0x48: {  	s0 =	simm.s32 @!p0 $0x1  }
0x49: {  	_ =	swait.ge @!p0 [sflag:s0], s1  }
0x4a: {  	s1 =	ssub.s32 @!p0 $0x0, s1;
	[sflag:s0] =	ssyncset.done @!p0 $0x0  }
0x4b: {  	[sflag:s0] =	ssyncadd.s32 @!p0 s1  }
0x4c: {  	[bflag:$0x3] =	sbarrier.arrive $0xFFFF  }
0x4d: {  	_ =	shalt  }

</sc_bundles>
